<compile_context>
chip_gen: v7x
topology: tpu7x:2x2x1
jax: 0.10.2.dev20260603
libtpu: 0.0.44.dev20260713+nightly
codegen_flags: <defaults>
</compile_context>

<pallas_src>
import functools

import jax
import jax.numpy as jnp
from jax import lax
from jax.experimental import pallas as pl
from jax.experimental.pallas import tpu as pltpu
from jax.experimental.pallas import tpu_sc as plsc

N = 10000
NPAD = 10240
IN_DIM = 128
HID = 64
HHID = HID // 2
OUT = 16
LANE = 128

NSC = 2
NTILE = 16
NW = NSC * NTILE
CHUNK = 128
E = 320000
ECH = E // CHUNK
EPT_CHUNKS = 80
EPAD = EPT_CHUNKS * CHUNK * NW
NCH = EPAD // CHUNK
PCH = NCH - ECH
CPT = NCH // NTILE
ROWS_PT = NPAD // NTILE
GROWS_PT = N // NTILE
NBUF = 8
DEPTH = 4

BLK = 1000
GRID = N // BLK


def _vsc_mesh():
    return plsc.VectorSubcoreMesh(core_axis_name="c", subcore_axis_name="s")


_SC_PARAMS = pltpu.CompilerParams(use_tc_tiling_on_sc=False)


def _sc_degree(em, dstpad):

    @functools.partial(
        pl.kernel,
        out_type=jax.ShapeDtypeStruct((NPAD, LANE), jnp.float32),
        mesh=_vsc_mesh(),
        scratch_types=[
            pltpu.VMEM((EPT_CHUNKS, CHUNK), jnp.int32),
            pltpu.VMEM((CHUNK, 16), jnp.float32),
            pltpu.VMEM_SHARED((NPAD, 16), jnp.float32),
            pltpu.SemaphoreType.DMA((NBUF,)),
        ],
        compiler_params=_SC_PARAMS,
    )
    def k(em_hbm, pad_hbm, out_hbm, idx_d, ones, acc, sem_s):
        c = lax.axis_index("c")
        s = lax.axis_index("s")
        wid = c * NTILE + s

        @pl.when(wid < NW - 1)
        def _():
            pltpu.sync_copy(em_hbm.at[1, pl.ds(wid * EPT_CHUNKS, EPT_CHUNKS)],
                            idx_d)

        @pl.when(wid == NW - 1)
        def _():
            main = ECH - (NW - 1) * EPT_CHUNKS
            pltpu.sync_copy(em_hbm.at[1, pl.ds((NW - 1) * EPT_CHUNKS, main)],
                            idx_d.at[pl.ds(0, main)])
            pltpu.sync_copy(pad_hbm, idx_d.at[pl.ds(main, PCH)])

        @pl.loop(0, CHUNK)
        def _(i):
            ones[i, :] = jnp.zeros((16,), jnp.float32)

        @pl.loop(0, ROWS_PT // CHUNK)
        def _(r):
            pltpu.sync_copy(ones.at[:], acc.at[pl.ds(s * ROWS_PT + r * CHUNK, CHUNK)])

        @pl.loop(0, CHUNK)
        def _(i):
            ones[i, :] = jnp.ones((16,), jnp.float32)

        plsc.subcore_barrier()

        def start_scatter(slot, ci):
            pltpu.async_copy(ones, acc.at[idx_d.at[ci]], sem_s.at[slot],
                             add=True)

        def wait_scatter(slot, ci):
            pltpu.make_async_copy(ones, acc.at[idx_d.at[ci]],
                                  sem_s.at[slot]).wait()

        @pl.loop(0, EPT_CHUNKS, step=NBUF)
        def _(t):
            for b in range(NBUF):
                ci = t + b

                @pl.when(ci >= NBUF)
                def _():
                    wait_scatter(b, ci)
                start_scatter(b, ci)

        for b in range(NBUF):
            wait_scatter(b, EPT_CHUNKS - NBUF + b)

        plsc.subcore_barrier()
        pltpu.sync_copy(acc.at[pl.ds(s * ROWS_PT, ROWS_PT)],
                        out_hbm.at[pl.ds(s * ROWS_PT, ROWS_PT),
                                   pl.ds(16 * c, 16)])

    return k(em, dstpad)


def _sc_aggregate(g, em, srcpad, dstpad):

    @functools.partial(
        pl.kernel,
        out_type=jax.ShapeDtypeStruct((NPAD, LANE), jnp.float32),
        mesh=_vsc_mesh(),
        scratch_types=[
            pltpu.VMEM((CPT, CHUNK), jnp.int32),
            pltpu.VMEM((CPT, CHUNK), jnp.int32),
            pltpu.VMEM((NBUF, CHUNK, HHID), jnp.float32),
            pltpu.VMEM((16, HHID), jnp.float32),
            pltpu.VMEM((ROWS_PT, 16), jnp.float32),
            pltpu.VMEM_SHARED((NPAD, HHID), jnp.float32),
            pltpu.VMEM_SHARED((N, HHID), jnp.float32),
            pltpu.SemaphoreType.DMA((NBUF,)),
            pltpu.SemaphoreType.DMA((NBUF,)),
        ],
        compiler_params=_SC_PARAMS,
    )
    def k(g_hbm, em_hbm, spad_hbm, dpad_hbm, out_hbm, idx_s, idx_d, rows,
          zbuf, dbuf, acc, gtab, sem_g, sem_s):
        c = lax.axis_index("c")
        s = lax.axis_index("s")
        col = c * HHID

        @pl.when(s < NTILE - 1)
        def _():
            pltpu.sync_copy(em_hbm.at[0, pl.ds(s * CPT, CPT)], idx_s)
            pltpu.sync_copy(em_hbm.at[1, pl.ds(s * CPT, CPT)], idx_d)

        @pl.when(s == NTILE - 1)
        def _():
            main = ECH - (NTILE - 1) * CPT
            base = (NTILE - 1) * CPT
            pltpu.sync_copy(em_hbm.at[0, pl.ds(base, main)],
                            idx_s.at[pl.ds(0, main)])
            pltpu.sync_copy(em_hbm.at[1, pl.ds(base, main)],
                            idx_d.at[pl.ds(0, main)])
            pltpu.sync_copy(spad_hbm, idx_s.at[pl.ds(main, PCH)])
            pltpu.sync_copy(dpad_hbm, idx_d.at[pl.ds(main, PCH)])

        pltpu.sync_copy(g_hbm.at[pl.ds(s * GROWS_PT, GROWS_PT),
                                 pl.ds(col, HHID)],
                        gtab.at[pl.ds(s * GROWS_PT, GROWS_PT)])

        @pl.loop(0, 16)
        def _(i):
            @pl.loop(0, HHID // 16)
            def _(j):
                zbuf[i, pl.ds(j * 16, 16)] = jnp.zeros((16,), jnp.float32)

        @pl.when(s < NTILE - 1)
        def _():
            pltpu.sync_copy(g_hbm.at[pl.ds(s * ROWS_PT, ROWS_PT),
                                     pl.ds(col, HHID)],
                            acc.at[pl.ds(s * ROWS_PT, ROWS_PT)])

        @pl.when(s == NTILE - 1)
        def _():
            last = (NTILE - 1) * ROWS_PT
            pltpu.sync_copy(g_hbm.at[pl.ds(last, N - last), pl.ds(col, HHID)],
                            acc.at[pl.ds(last, N - last)])

            @pl.loop(N, NPAD, step=16)
            def _(r):
                pltpu.sync_copy(zbuf, acc.at[pl.ds(r, 16)])

        @pl.when(jnp.logical_and(c == 0, s < NTILE - 1))
        def _():
            pltpu.sync_copy(g_hbm.at[pl.ds(s * ROWS_PT, ROWS_PT),
                                     pl.ds(HID, 16)], dbuf)
            pltpu.sync_copy(dbuf, out_hbm.at[pl.ds(s * ROWS_PT, ROWS_PT),
                                             pl.ds(HID, 16)])

        @pl.when(jnp.logical_and(c == 0, s == NTILE - 1))
        def _():
            last = (NTILE - 1) * ROWS_PT
            pltpu.sync_copy(g_hbm.at[pl.ds(last, N - last), pl.ds(HID, 16)],
                            dbuf.at[pl.ds(0, N - last)])
            pltpu.sync_copy(dbuf.at[pl.ds(0, N - last)],
                            out_hbm.at[pl.ds(last, N - last), pl.ds(HID, 16)])

        plsc.subcore_barrier()

        def start_gather(slot, ci):
            pltpu.async_copy(gtab.at[idx_s.at[ci]], rows.at[slot],
                             sem_g.at[slot])

        def wait_gather(slot, ci):
            pltpu.make_async_copy(gtab.at[idx_s.at[ci]], rows.at[slot],
                                  sem_g.at[slot]).wait()

        def start_scatter(slot, ci):
            pltpu.async_copy(rows.at[slot], acc.at[idx_d.at[ci]],
                             sem_s.at[slot], add=True)

        def wait_scatter(slot, ci):
            pltpu.make_async_copy(rows.at[slot], acc.at[idx_d.at[ci]],
                                  sem_s.at[slot]).wait()

        for b in range(DEPTH):
            start_gather(b, b)

        @pl.loop(0, CPT, step=NBUF)
        def _(t):
            for b in range(NBUF):
                ci = t + b
                wait_gather(b, ci)
                start_scatter(b, ci)
                cg = ci + DEPTH
                slot_g = (b + DEPTH) % NBUF

                @pl.when(cg < CPT)
                def _():
                    @pl.when(cg >= NBUF)
                    def _():
                        wait_scatter(slot_g, ci)
                    start_gather(slot_g, cg)

        for b in range(NBUF):
            wait_scatter(b, CPT - NBUF + b)

        plsc.subcore_barrier()
        pltpu.sync_copy(acc.at[pl.ds(s * ROWS_PT, ROWS_PT)],
                        out_hbm.at[pl.ds(s * ROWS_PT, ROWS_PT),
                                   pl.ds(col, HHID)])

    return k(g, em, srcpad, dstpad)


_LANE_SPEC = pl.BlockSpec((BLK, LANE), lambda i: (i, 0))


def _tc_matmul_scale(x, w, degp):
    K, M = w.shape

    def body(x_ref, w_ref, d_ref, o_ref):
        deg = d_ref[:, 0:1] + d_ref[:, 16:17] + 1.0
        dis = lax.rsqrt(deg)
        o_ref[:, :M] = jnp.dot(x_ref[...], w_ref[...],
                               preferred_element_type=jnp.float32) * dis
        o_ref[:, M:M + 1] = dis

    return pl.pallas_call(
        body,
        grid=(GRID,),
        in_specs=[pl.BlockSpec((BLK, K), lambda i: (i, 0)),
                  pl.BlockSpec((K, M), lambda i: (0, 0)),
                  _LANE_SPEC],
        out_specs=_LANE_SPEC,
        out_shape=jax.ShapeDtypeStruct((N, LANE), jnp.float32),
    )(x, w, degp)


def _tc_combine_matmul_scale(u, b, w):

    def body(u_ref, b_ref, w_ref, o_ref):
        dis = u_ref[:, HID:HID + 1]
        t = jnp.maximum(dis * u_ref[:, :HID] + b_ref[...], 0.0)
        o_ref[:, :HID] = jnp.dot(t, w_ref[...],
                                 preferred_element_type=jnp.float32) * dis
        o_ref[:, HID:HID + 1] = dis

    return pl.pallas_call(
        body,
        grid=(GRID,),
        in_specs=[_LANE_SPEC,
                  pl.BlockSpec((1, HID), lambda i: (0, 0)),
                  pl.BlockSpec((HID, HID), lambda i: (0, 0))],
        out_specs=_LANE_SPEC,
        out_shape=jax.ShapeDtypeStruct((N, LANE), jnp.float32),
    )(u, b, w)


def _tc_final(u, b, wf, bf):

    def body(u_ref, b_ref, w_ref, bf_ref, o_ref):
        dis = u_ref[:, HID:HID + 1]
        t = jnp.maximum(dis * u_ref[:, :HID] + b_ref[...], 0.0)
        logits = jnp.dot(t, w_ref[...],
                         preferred_element_type=jnp.float32) + bf_ref[...]
        m = jnp.max(logits, axis=1, keepdims=True)
        lse = jnp.log(jnp.sum(jnp.exp(logits - m), axis=1, keepdims=True)) + m
        o_ref[...] = logits - lse

    return pl.pallas_call(
        body,
        grid=(GRID,),
        in_specs=[_LANE_SPEC,
                  pl.BlockSpec((1, HID), lambda i: (0, 0)),
                  pl.BlockSpec((HID, OUT), lambda i: (0, 0)),
                  pl.BlockSpec((1, OUT), lambda i: (0, 0))],
        out_specs=pl.BlockSpec((BLK, OUT), lambda i: (i, 0)),
        out_shape=jax.ShapeDtypeStruct((N, OUT), jnp.float32),
    )(u, b, wf, bf)


def kernel(x, edge_index, W1, b1, W2, b2, Wf, bf):
    em = edge_index.reshape(2, ECH, CHUNK)
    srcpad = jnp.zeros((PCH, CHUNK), jnp.int32)
    dstpad = (N + (jnp.arange(PCH * CHUNK, dtype=jnp.int32) % (NPAD - N))
              ).reshape(PCH, CHUNK)

    degp = _sc_degree(em, dstpad)
    g1 = _tc_matmul_scale(x, W1, degp)

    u1 = _sc_aggregate(g1, em, srcpad, dstpad)
    g2 = _tc_combine_matmul_scale(u1, b1.reshape(1, HID), W2)

    u2 = _sc_aggregate(g2, em, srcpad, dstpad)
    return _tc_final(u2, b2.reshape(1, HID), Wf, bf.reshape(1, OUT))

# --- scband reference (transcript-rebuilt; emitter-appended) ---
"""Pipeline reference for scband-masked-gnnmodel-30313879176001 (READ-ONLY COPY).

The authoritative reference and input builder live on the scoring server;
editing this copy changes nothing except your own understanding.
"""

import jax, jax.numpy as jnp
import numpy as np

N = 10000
E = 320000
IN_DIM = 128
HID = 64
OUT = 16


def _glorot(key, shape):
    fan_in, fan_out = shape[0], shape[1]
    limit = np.sqrt(6.0 / (fan_in + fan_out))
    return jax.random.uniform(key, shape, jnp.float32, -limit, limit)


def setup_inputs(seed: int = 0) -> dict:
    key = jax.random.key(seed)
    ks = jax.random.split(key, 8)
    x = jax.random.normal(ks[0], (N, IN_DIM), jnp.float32)
    edge_index = jax.random.randint(ks[1], (2, E), 0, N, dtype=jnp.int32)
    W1 = _glorot(ks[2], (IN_DIM, HID))
    b1 = jnp.zeros((HID,), jnp.float32)
    W2 = _glorot(ks[3], (HID, HID))
    b2 = jnp.zeros((HID,), jnp.float32)
    Wf = _glorot(ks[4], (HID, OUT))
    bf = jnp.zeros((OUT,), jnp.float32)
    return {"x": x, "edge_index": edge_index, "W1": W1, "b1": b1, "W2": W2, "b2": b2, "Wf": Wf, "bf": bf}


def _gcn_conv(x, edge_index, W, b):
    # PyG GCNConv: add self-loops, symmetric deg^{-1/2} normalization,
    # linear transform, gather-scale-scatter_add, bias.
    n = x.shape[0]
    loop = jnp.arange(n, dtype=edge_index.dtype)
    src = jnp.concatenate([edge_index[0], loop])
    dst = jnp.concatenate([edge_index[1], loop])
    h = x @ W
    deg = jax.ops.segment_sum(jnp.ones_like(dst, dtype=h.dtype), dst, num_segments=n)
    deg_inv_sqrt = jnp.where(deg > 0, jax.lax.rsqrt(jnp.maximum(deg, 1e-12)), 0.0)
    norm = deg_inv_sqrt[src] * deg_inv_sqrt[dst]
    msgs = h[src] * norm[:, None]
    out = jax.ops.segment_sum(msgs, dst, num_segments=n)
    return out + b


def reference(x, edge_index, W1, b1, W2, b2, Wf, bf):
    h = jax.nn.relu(_gcn_conv(x, edge_index, W1, b1))
    h = jax.nn.relu(_gcn_conv(h, edge_index, W2, b2))
    logits = h @ Wf + bf
    return jax.nn.log_softmax(logits, axis=1)

if __name__ == "__main__":
    import jax
    _d = setup_inputs()
    print(jax.jit(kernel)(*tuple(_d.values())))

</pallas_src>

<mosaic_0001>
#map = affine_map<(d0, d1) -> (0, 0, 0)>
#map1 = affine_map<(d0, d1) -> (0, 0)>
module attributes {stable_mosaic.version = 14 : i64} {
  func.func @k(%arg0: i32, %arg1: i32, %arg2: memref<2x2500x128xi32, #tpu.memory_space<hbm>>, %arg3: memref<60x128xi32, #tpu.memory_space<hbm>>, %arg4: memref<10240x128xf32, #tpu.memory_space<hbm>>, %arg5: memref<80x128xi32, #tpu.memory_space<vmem>>, %arg6: memref<128x16xf32, #tpu.memory_space<vmem>>, %arg7: memref<10240x16xf32, #tpu.memory_space<vmem_shared>>, %arg8: memref<8x!tpu.dma_semaphore, #tpu.memory_space<semaphore_mem>>) attributes {dimension_semantics = [#tpu.dimension_semantics<core_parallel>, #tpu.dimension_semantics<subcore_parallel>], iteration_bounds = array<i64: 2, 16>, scalar_prefetch = 0 : i64, scratch_operands = 4 : i64, tpu.core_type = #tpu.core_type<sc_vector_subcore>, window_params = [{transform_indices = #map}, {transform_indices = #map1}, {transform_indices = #map1}]} {
    %mul3A = arith.constant 16 : i32
    %mul3A_0 = arith.muli %arg0, %mul3A : i32
    %add3A = arith.addi %mul3A_0, %arg1 : i32
    %lt3A = arith.constant 31 : i32
    %lt3A_1 = arith.cmpi slt, %add3A, %lt3A : i32
    %convert_element_type3A = arith.extui %lt3A_1 : i1 to i32
    %cond3A = arith.constant 0 : i32
    %cond3A_2 = arith.cmpi ne, %convert_element_type3A, %cond3A : i32
    scf.if %cond3A_2 {
      %mul3A_112 = arith.constant 80 : i32
      %mul3A_113 = arith.muli %add3A, %mul3A_112 : i32
      %run_scoped3A = arith.constant 1 : i32
      "tpu.region"() ({
        %run_scoped3A_114 = tpu.sem_alloc : memref<!tpu.dma_semaphore, #tpu.memory_space<semaphore_mem>>
        %dma_start3A = arith.constant 0 : i32
        %dma_start3A_115 = tpu.memref_slice %arg2[%run_scoped3A, %mul3A_113, %dma_start3A] : memref<2x2500x128xi32, #tpu.memory_space<hbm>> -> memref<1x80x128xi32, #tpu.memory_space<hbm>>
        %dma_start3A_116 = tpu.memref_squeeze %dma_start3A_115 : memref<1x80x128xi32, #tpu.memory_space<hbm>> -> memref<80x128xi32, #tpu.memory_space<hbm>>
        %dma_start3A_117 = arith.constant 0 : i32
        %dma_start3A_118 = tpu.memref_slice %arg2[%run_scoped3A, %mul3A_113, %dma_start3A_117] : memref<2x2500x128xi32, #tpu.memory_space<hbm>> -> memref<1x80x128xi32, #tpu.memory_space<hbm>>
        %dma_start3A_119 = tpu.memref_squeeze %dma_start3A_118 : memref<1x80x128xi32, #tpu.memory_space<hbm>> -> memref<80x128xi32, #tpu.memory_space<hbm>>
        tpu.enqueue_dma source(%dma_start3A_119 : memref<80x128xi32, #tpu.memory_space<hbm>>) target(%arg5 : memref<80x128xi32, #tpu.memory_space<vmem>>) target_semaphore(%run_scoped3A_114 : memref<!tpu.dma_semaphore, #tpu.memory_space<semaphore_mem>>)
        %dma_wait3A_120 = arith.constant 0 : i32
        %dma_wait3A_121 = tpu.memref_slice %arg2[%run_scoped3A, %mul3A_113, %dma_wait3A_120] : memref<2x2500x128xi32, #tpu.memory_space<hbm>> -> memref<1x80x128xi32, #tpu.memory_space<hbm>>
        %dma_wait3A_122 = tpu.memref_squeeze %dma_wait3A_121 : memref<1x80x128xi32, #tpu.memory_space<hbm>> -> memref<80x128xi32, #tpu.memory_space<hbm>>
        %dma_wait3A_123 = arith.constant 0 : i32
        %dma_wait3A_124 = tpu.memref_slice %arg2[%run_scoped3A, %mul3A_113, %dma_wait3A_123] : memref<2x2500x128xi32, #tpu.memory_space<hbm>> -> memref<1x80x128xi32, #tpu.memory_space<hbm>>
        %dma_wait3A_125 = tpu.memref_squeeze %dma_wait3A_124 : memref<1x80x128xi32, #tpu.memory_space<hbm>> -> memref<80x128xi32, #tpu.memory_space<hbm>>
        tpu.wait_dma2 semaphore(%run_scoped3A_114 : memref<!tpu.dma_semaphore, #tpu.memory_space<semaphore_mem>>) src(%dma_wait3A_125 : memref<80x128xi32, #tpu.memory_space<hbm>>) dst(%arg5 : memref<80x128xi32, #tpu.memory_space<vmem>>)
        tpu.yield
      }) : () -> ()
    } else {
    }
    %eq3A = arith.constant 31 : i32
    %eq3A_3 = arith.cmpi eq, %add3A, %eq3A : i32
    %convert_element_type3A_4 = arith.extui %eq3A_3 : i1 to i32
    %cond3A_5 = arith.constant 0 : i32
    %cond3A_6 = arith.cmpi ne, %convert_element_type3A_4, %cond3A_5 : i32
    scf.if %cond3A_6 {
      %run_scoped3A = arith.constant 1 : i32
      "tpu.region"() ({
        %run_scoped3A_112 = tpu.sem_alloc : memref<!tpu.dma_semaphore, #tpu.memory_space<semaphore_mem>>
        %dma_start3A = arith.constant 0 : i32
        %dma_start3A_113 = arith.constant 0 : i32
        %dma_start3A_114 = tpu.memref_slice %arg5[%dma_start3A, %dma_start3A_113] : memref<80x128xi32, #tpu.memory_space<vmem>> -> memref<20x128xi32, #tpu.memory_space<vmem>>
        %dma_start3A_115 = arith.constant 2480 : i32
        %dma_start3A_116 = arith.constant 0 : i32
        %dma_start3A_117 = tpu.memref_slice %arg2[%run_scoped3A, %dma_start3A_115, %dma_start3A_116] : memref<2x2500x128xi32, #tpu.memory_space<hbm>> -> memref<1x20x128xi32, #tpu.memory_space<hbm>>
        %dma_start3A_118 = tpu.memref_squeeze %dma_start3A_117 : memref<1x20x128xi32, #tpu.memory_space<hbm>> -> memref<20x128xi32, #tpu.memory_space<hbm>>
        %dma_start3A_119 = arith.constant 0 : i32
        %dma_start3A_120 = arith.constant 0 : i32
        %dma_start3A_121 = tpu.memref_slice %arg5[%dma_start3A_119, %dma_start3A_120] : memref<80x128xi32, #tpu.memory_space<vmem>> -> memref<20x128xi32, #tpu.memory_space<vmem>>
        %dma_start3A_122 = arith.constant 2480 : i32
        %dma_start3A_123 = arith.constant 0 : i32
        %dma_start3A_124 = tpu.memref_slice %arg2[%run_scoped3A, %dma_start3A_122, %dma_start3A_123] : memref<2x2500x128xi32, #tpu.memory_space<hbm>> -> memref<1x20x128xi32, #tpu.memory_space<hbm>>
        %dma_start3A_125 = tpu.memref_squeeze %dma_start3A_124 : memref<1x20x128xi32, #tpu.memory_space<hbm>> -> memref<20x128xi32, #tpu.memory_space<hbm>>
        tpu.enqueue_dma source(%dma_start3A_125 : memref<20x128xi32, #tpu.memory_space<hbm>>) target(%dma_start3A_121 : memref<20x128xi32, #tpu.memory_space<vmem>>) target_semaphore(%run_scoped3A_112 : memref<!tpu.dma_semaphore, #tpu.memory_space<semaphore_mem>>)
        %dma_wait3A_126 = arith.constant 0 : i32
        %dma_wait3A_127 = arith.constant 0 : i32
        %dma_wait3A_128 = tpu.memref_slice %arg5[%dma_wait3A_126, %dma_wait3A_127] : memref<80x128xi32, #tpu.memory_space<vmem>> -> memref<20x128xi32, #tpu.memory_space<vmem>>
        %dma_wait3A_129 = arith.constant 2480 : i32
        %dma_wait3A_130 = arith.constant 0 : i32
        %dma_wait3A_131 = tpu.memref_slice %arg2[%run_scoped3A, %dma_wait3A_129, %dma_wait3A_130] : memref<2x2500x128xi32, #tpu.memory_space<hbm>> -> memref<1x20x128xi32, #tpu.memory_space<hbm>>
        %dma_wait3A_132 = tpu.memref_squeeze %dma_wait3A_131 : memref<1x20x128xi32, #tpu.memory_space<hbm>> -> memref<20x128xi32, #tpu.memory_space<hbm>>
        %dma_wait3A_133 = arith.constant 0 : i32
        %dma_wait3A_134 = arith.constant 0 : i32
        %dma_wait3A_135 = tpu.memref_slice %arg5[%dma_wait3A_133, %dma_wait3A_134] : memref<80x128xi32, #tpu.memory_space<vmem>> -> memref<20x128xi32, #tpu.memory_space<vmem>>
        %dma_wait3A_136 = arith.constant 2480 : i32
        %dma_wait3A_137 = arith.constant 0 : i32
        %dma_wait3A_138 = tpu.memref_slice %arg2[%run_scoped3A, %dma_wait3A_136, %dma_wait3A_137] : memref<2x2500x128xi32, #tpu.memory_space<hbm>> -> memref<1x20x128xi32, #tpu.memory_space<hbm>>
        %dma_wait3A_139 = tpu.memref_squeeze %dma_wait3A_138 : memref<1x20x128xi32, #tpu.memory_space<hbm>> -> memref<20x128xi32, #tpu.memory_space<hbm>>
        tpu.wait_dma2 semaphore(%run_scoped3A_112 : memref<!tpu.dma_semaphore, #tpu.memory_space<semaphore_mem>>) src(%dma_wait3A_139 : memref<20x128xi32, #tpu.memory_space<hbm>>) dst(%dma_wait3A_135 : memref<20x128xi32, #tpu.memory_space<vmem>>)
        tpu.yield
      }) : () -> ()
      "tpu.region"() ({
        %run_scoped3A_112 = tpu.sem_alloc : memref<!tpu.dma_semaphore, #tpu.memory_space<semaphore_mem>>
        %dma_start3A = arith.constant 20 : i32
        %dma_start3A_113 = arith.constant 0 : i32
        %dma_start3A_114 = tpu.memref_slice %arg5[%dma_start3A, %dma_start3A_113] : memref<80x128xi32, #tpu.memory_space<vmem>> -> memref<60x128xi32, #tpu.memory_space<vmem>>
        %dma_start3A_115 = arith.constant 20 : i32
        %dma_start3A_116 = arith.constant 0 : i32
        %dma_start3A_117 = tpu.memref_slice %arg5[%dma_start3A_115, %dma_start3A_116] : memref<80x128xi32, #tpu.memory_space<vmem>> -> memref<60x128xi32, #tpu.memory_space<vmem>>
        tpu.enqueue_dma source(%arg3 : memref<60x128xi32, #tpu.memory_space<hbm>>) target(%dma_start3A_117 : memref<60x128xi32, #tpu.memory_space<vmem>>) target_semaphore(%run_scoped3A_112 : memref<!tpu.dma_semaphore, #tpu.memory_space<semaphore_mem>>)
        %dma_wait3A_118 = arith.constant 20 : i32
        %dma_wait3A_119 = arith.constant 0 : i32
        %dma_wait3A_120 = tpu.memref_slice %arg5[%dma_wait3A_118, %dma_wait3A_119] : memref<80x128xi32, #tpu.memory_space<vmem>> -> memref<60x128xi32, #tpu.memory_space<vmem>>
        %dma_wait3A_121 = arith.constant 20 : i32
        %dma_wait3A_122 = arith.constant 0 : i32
        %dma_wait3A_123 = tpu.memref_slice %arg5[%dma_wait3A_121, %dma_wait3A_122] : memref<80x128xi32, #tpu.memory_space<vmem>> -> memref<60x128xi32, #tpu.memory_space<vmem>>
        tpu.wait_dma2 semaphore(%run_scoped3A_112 : memref<!tpu.dma_semaphore, #tpu.memory_space<semaphore_mem>>) src(%arg3 : memref<60x128xi32, #tpu.memory_space<hbm>>) dst(%dma_wait3A_123 : memref<60x128xi32, #tpu.memory_space<vmem>>)
        tpu.yield
      }) : () -> ()
    } else {
    }
    %scan3A = arith.constant 0 : i32
    %scan3A_7 = arith.constant 128 : i32
    %scan3A_8 = arith.addi %scan3A, %scan3A_7 : i32
    %scan3A_9 = arith.constant 1 : i32
    scf.for %scan3A_112 = %scan3A to %scan3A_8 step %scan3A_9  : i32 {
      %mul3A_113 = arith.constant 1 : i32
      %mul3A_114 = arith.muli %scan3A_112, %mul3A_113 : i32
      %add3A_115 = arith.constant 0 : i32
      %add3A_116 = arith.addi %add3A_115, %mul3A_114 : i32
      %broadcast_in_dim3A = arith.constant 0.000000e+00 : f32
      %broadcast_in_dim3A_117 = vector.broadcast %broadcast_in_dim3A : f32 to vector<16xf32>
      %swap3A = arith.index_cast %add3A_116 : i32 to index
      %swap3A_118 = arith.constant 0 : index
      %swap3A_119 = tpu.vector_load %arg6[%swap3A, %swap3A_118] {strides = array<i32>} : memref<128x16xf32, #tpu.memory_space<vmem>>, vector<1x16xf32>,
      %swap3A_120 = vector.shape_cast %swap3A_119 : vector<1x16xf32> to vector<16xf32>
      %swap3A_121 = vector.shape_cast %broadcast_in_dim3A_117 : vector<16xf32> to vector<1x16xf32>
      tpu.vector_store %arg6[%swap3A, %swap3A_118], %swap3A_121 {strides = array<i32>} : memref<128x16xf32, #tpu.memory_space<vmem>>, vector<1x16xf32>,
    }
    %scan3A_10 = arith.constant 128 : i32
    %scan3A_11 = arith.constant 0 : i32
    %scan3A_12 = arith.constant 5 : i32
    %scan3A_13 = arith.addi %scan3A_11, %scan3A_12 : i32
    %scan3A_14 = arith.constant 1 : i32
    scf.for %scan3A_112 = %scan3A_11 to %scan3A_13 step %scan3A_14  : i32 {
      %mul3A_113 = arith.constant 1 : i32
      %mul3A_114 = arith.muli %scan3A_112, %mul3A_113 : i32
      %add3A_115 = arith.constant 0 : i32
      %add3A_116 = arith.addi %add3A_115, %mul3A_114 : i32
      %mul3A_117 = arith.constant 640 : i32
      %mul3A_118 = arith.muli %arg1, %mul3A_117 : i32
      %mul3A_119 = arith.constant 128 : i32
      %mul3A_120 = arith.muli %add3A_116, %mul3A_119 : i32
      %add3A_121 = arith.addi %mul3A_118, %mul3A_120 : i32
      "tpu.region"() ({
        %run_scoped3A = tpu.sem_alloc : memref<!tpu.dma_semaphore, #tpu.memory_space<semaphore_mem>>
        %dma_start3A = arith.constant 0 : i32
        %dma_start3A_122 = arith.constant 0 : i32
        %dma_start3A_123 = tpu.memref_slice %arg6[%dma_start3A, %dma_start3A_122] : memref<128x16xf32, #tpu.memory_space<vmem>> -> memref<128x16xf32, #tpu.memory_space<vmem>>
        %dma_start3A_124 = arith.constant 0 : i32
        %dma_start3A_125 = tpu.memref_slice %arg7[%add3A_121, %dma_start3A_124] : memref<10240x16xf32, #tpu.memory_space<vmem_shared>> -> memref<128x16xf32, #tpu.memory_space<vmem_shared>>
        %dma_start3A_126 = arith.constant 0 : i32
        %dma_start3A_127 = tpu.memref_slice %arg7[%add3A_121, %dma_start3A_126] : memref<10240x16xf32, #tpu.memory_space<vmem_shared>> -> memref<128x16xf32, #tpu.memory_space<vmem_shared>>
        %dma_start3A_128 = arith.constant 0 : i32
        %dma_start3A_129 = arith.constant 0 : i32
        %dma_start3A_130 = tpu.memref_slice %arg6[%dma_start3A_128, %dma_start3A_129] : memref<128x16xf32, #tpu.memory_space<vmem>> -> memref<128x16xf32, #tpu.memory_space<vmem>>
        tpu.enqueue_dma source(%dma_start3A_130 : memref<128x16xf32, #tpu.memory_space<vmem>>) target(%dma_start3A_127 : memref<128x16xf32, #tpu.memory_space<vmem_shared>>) target_semaphore(%run_scoped3A : memref<!tpu.dma_semaphore, #tpu.memory_space<semaphore_mem>>)
        %dma_wait3A_131 = arith.constant 0 : i32
        %dma_wait3A_132 = arith.constant 0 : i32
        %dma_wait3A_133 = tpu.memref_slice %arg6[%dma_wait3A_131, %dma_wait3A_132] : memref<128x16xf32, #tpu.memory_space<vmem>> -> memref<128x16xf32, #tpu.memory_space<vmem>>
        %dma_wait3A_134 = arith.constant 0 : i32
        %dma_wait3A_135 = tpu.memref_slice %arg7[%add3A_121, %dma_wait3A_134] : memref<10240x16xf32, #tpu.memory_space<vmem_shared>> -> memref<128x16xf32, #tpu.memory_space<vmem_shared>>
        %dma_wait3A_136 = arith.constant 0 : i32
        %dma_wait3A_137 = tpu.memref_slice %arg7[%add3A_121, %dma_wait3A_136] : memref<10240x16xf32, #tpu.memory_space<vmem_shared>> -> memref<128x16xf32, #tpu.memory_space<vmem_shared>>
        %dma_wait3A_138 = arith.constant 0 : i32
        %dma_wait3A_139 = arith.constant 0 : i32
        %dma_wait3A_140 = tpu.memref_slice %arg6[%dma_wait3A_138, %dma_wait3A_139] : memref<128x16xf32, #tpu.memory_space<vmem>> -> memref<128x16xf32, #tpu.memory_space<vmem>>
        tpu.wait_dma2 semaphore(%run_scoped3A : memref<!tpu.dma_semaphore, #tpu.memory_space<semaphore_mem>>) src(%dma_wait3A_140 : memref<128x16xf32, #tpu.memory_space<vmem>>) dst(%dma_wait3A_137 : memref<128x16xf32, #tpu.memory_space<vmem_shared>>)
        tpu.yield
      }) : () -> ()
    }
    %scan3A_15 = arith.constant 5 : i32
    %scan3A_16 = arith.constant 0 : i32
    %scan3A_17 = arith.constant 128 : i32
    %scan3A_18 = arith.addi %scan3A_16, %scan3A_17 : i32
    %scan3A_19 = arith.constant 1 : i32
    scf.for %scan3A_112 = %scan3A_16 to %scan3A_18 step %scan3A_19  : i32 {
      %mul3A_113 = arith.constant 1 : i32
      %mul3A_114 = arith.muli %scan3A_112, %mul3A_113 : i32
      %add3A_115 = arith.constant 0 : i32
      %add3A_116 = arith.addi %add3A_115, %mul3A_114 : i32
      %broadcast_in_dim3A = arith.constant 1.000000e+00 : f32
      %broadcast_in_dim3A_117 = vector.broadcast %broadcast_in_dim3A : f32 to vector<16xf32>
      %swap3A = arith.index_cast %add3A_116 : i32 to index
      %swap3A_118 = arith.constant 0 : index
      %swap3A_119 = tpu.vector_load %arg6[%swap3A, %swap3A_118] {strides = array<i32>} : memref<128x16xf32, #tpu.memory_space<vmem>>, vector<1x16xf32>,
      %swap3A_120 = vector.shape_cast %swap3A_119 : vector<1x16xf32> to vector<16xf32>
      %swap3A_121 = vector.shape_cast %broadcast_in_dim3A_117 : vector<16xf32> to vector<1x16xf32>
      tpu.vector_store %arg6[%swap3A, %swap3A_118], %swap3A_121 {strides = array<i32>} : memref<128x16xf32, #tpu.memory_space<vmem>>, vector<1x16xf32>,
    }
    %scan3A_20 = arith.constant 128 : i32
    %barrier3A = arith.constant 0 : index
    tpu.barrier barrier_id(%barrier3A)
    %scan3A_21 = arith.constant 0 : i32
    %scan3A_22 = arith.constant 10 : i32
    %scan3A_23 = arith.addi %scan3A_21, %scan3A_22 : i32
    %scan3A_24 = arith.constant 1 : i32
    scf.for %scan3A_112 = %scan3A_21 to %scan3A_23 step %scan3A_24  : i32 {
      %mul3A_113 = arith.constant 8 : i32
      %mul3A_114 = arith.muli %scan3A_112, %mul3A_113 : i32
      %add3A_115 = arith.constant 0 : i32
      %add3A_116 = arith.addi %add3A_115, %mul3A_114 : i32
      %add3A_117 = arith.constant 0 : i32
      %add3A_118 = arith.addi %add3A_116, %add3A_117 : i32
      %ge3A = arith.constant 8 : i32
      %ge3A_119 = arith.cmpi sge, %add3A_118, %ge3A : i32
      %convert_element_type3A_120 = arith.extui %ge3A_119 : i1 to i32
      %cond3A_121 = arith.constant 0 : i32
      %cond3A_122 = arith.cmpi ne, %convert_element_type3A_120, %cond3A_121 : i32
      scf.if %cond3A_122 {
        %dma_wait3A_243 = arith.constant 0 : i32
        %dma_wait3A_244 = arith.constant 0 : i32
        %dma_wait3A_245 = tpu.memref_slice %arg5[%add3A_118, %dma_wait3A_244] : memref<80x128xi32, #tpu.memory_space<vmem>> -> memref<1x128xi32, #tpu.memory_space<vmem>>
        %dma_wait3A_246 = tpu.memref_squeeze %dma_wait3A_245 : memref<1x128xi32, #tpu.memory_space<vmem>> -> memref<128xi32, #tpu.memory_space<vmem>>
        %dma_wait3A_247 = arith.constant 0 : i32
        %dma_wait3A_248 = arith.constant 0 : i32
        %dma_wait3A_249 = tpu.memref_slice %arg7[%dma_wait3A_247, %dma_wait3A_248] : memref<10240x16xf32, #tpu.memory_space<vmem_shared>> -> memref<10240x16xf32, #tpu.memory_space<vmem_shared>>
        %dma_wait3A_250 = tpu.memref_slice %arg8[%dma_wait3A_243] : memref<8x!tpu.dma_semaphore, #tpu.memory_space<semaphore_mem>> -> memref<1x!tpu.dma_semaphore, #tpu.memory_space<semaphore_mem>>
        %dma_wait3A_251 = tpu.memref_squeeze %dma_wait3A_250 : memref<1x!tpu.dma_semaphore, #tpu.memory_space<semaphore_mem>> -> memref<!tpu.dma_semaphore, #tpu.memory_space<semaphore_mem>>
        tpu.wait_indirect_dma semaphore(%dma_wait3A_251 : memref<!tpu.dma_semaphore, #tpu.memory_space<semaphore_mem>>) src(%arg6 : memref<128x16xf32, #tpu.memory_space<vmem>>) dst(%dma_wait3A_249 : memref<10240x16xf32, #tpu.memory_space<vmem_shared>>)
      } else {
      }
      %dma_start3A = arith.constant 0 : i32
      %dma_start3A_123 = arith.constant 0 : i32
      %dma_start3A_124 = tpu.memref_slice %arg5[%add3A_118, %dma_start3A_123] : memref<80x128xi32, #tpu.memory_space<vmem>> -> memref<1x128xi32, #tpu.memory_space<vmem>>
      %dma_start3A_125 = tpu.memref_squeeze %dma_start3A_124 : memref<1x128xi32, #tpu.memory_space<vmem>> -> memref<128xi32, #tpu.memory_space<vmem>>
      %dma_start3A_126 = arith.constant 0 : i32
      %dma_start3A_127 = arith.constant 0 : i32
      %dma_start3A_128 = tpu.memref_slice %arg7[%dma_start3A_126, %dma_start3A_127] : memref<10240x16xf32, #tpu.memory_space<vmem_shared>> -> memref<10240x16xf32, #tpu.memory_space<vmem_shared>>
      %dma_start3A_129 = tpu.memref_slice %arg8[%dma_start3A] : memref<8x!tpu.dma_semaphore, #tpu.memory_space<semaphore_mem>> -> memref<1x!tpu.dma_semaphore, #tpu.memory_space<semaphore_mem>>
      %dma_start3A_130 = tpu.memref_squeeze %dma_start3A_129 : memref<1x!tpu.dma_semaphore, #tpu.memory_space<semaphore_mem>> -> memref<!tpu.dma_semaphore, #tpu.memory_space<semaphore_mem>>
      tpu.enqueue_indirect_dma source(%arg6 : memref<128x16xf32, #tpu.memory_space<vmem>>) target(%dma_start3A_128 : memref<10240x16xf32, #tpu.memory_space<vmem_shared>>) offsets(%dma_start3A_125 : memref<128xi32, #tpu.memory_space<vmem>>) semaphore(%dma_start3A_130 : memref<!tpu.dma_semaphore, #tpu.memory_space<semaphore_mem>>) {add = true}
      %add3A_131 = arith.constant 1 : i32
      %add3A_132 = arith.addi %add3A_116, %add3A_131 : i32
      %ge3A_133 = arith.constant 8 : i32
      %ge3A_134 = arith.cmpi sge, %add3A_132, %ge3A_133 : i32
      %convert_element_type3A_135 = arith.extui %ge3A_134 : i1 to i32
      %cond3A_136 = arith.constant 0 : i32
      %cond3A_137 = arith.cmpi ne, %convert_element_type3A_135, %cond3A_136 : i32
      scf.if %cond3A_137 {
        %dma_wait3A_243 = arith.constant 1 : i32
        %dma_wait3A_244 = arith.constant 0 : i32
        %dma_wait3A_245 = tpu.memref_slice %arg5[%add3A_132, %dma_wait3A_244] : memref<80x128xi32, #tpu.memory_space<vmem>> -> memref<1x128xi32, #tpu.memory_space<vmem>>
        %dma_wait3A_246 = tpu.memref_squeeze %dma_wait3A_245 : memref<1x128xi32, #tpu.memory_space<vmem>> -> memref<128xi32, #tpu.memory_space<vmem>>
        %dma_wait3A_247 = arith.constant 0 : i32
        %dma_wait3A_248 = arith.constant 0 : i32
        %dma_wait3A_249 = tpu.memref_slice %arg7[%dma_wait3A_247, %dma_wait3A_248] : memref<10240x16xf32, #tpu.memory_space<vmem_shared>> -> memref<10240x16xf32, #tpu.memory_space<vmem_shared>>
        %dma_wait3A_250 = tpu.memref_slice %arg8[%dma_wait3A_243] : memref<8x!tpu.dma_semaphore, #tpu.memory_space<semaphore_mem>> -> memref<1x!tpu.dma_semaphore, #tpu.memory_space<semaphore_mem>>
        %dma_wait3A_251 = tpu.memref_squeeze %dma_wait3A_250 : memref<1x!tpu.dma_semaphore, #tpu.memory_space<semaphore_mem>> -> memref<!tpu.dma_semaphore, #tpu.memory_space<semaphore_mem>>
        tpu.wait_indirect_dma semaphore(%dma_wait3A_251 : memref<!tpu.dma_semaphore, #tpu.memory_space<semaphore_mem>>) src(%arg6 : memref<128x16xf32, #tpu.memory_space<vmem>>) dst(%dma_wait3A_249 : memref<10240x16xf32, #tpu.memory_space<vmem_shared>>)
      } else {
      }
      %dma_start3A_138 = arith.constant 1 : i32
      %dma_start3A_139 = arith.constant 0 : i32
      %dma_start3A_140 = tpu.memref_slice %arg5[%add3A_132, %dma_start3A_139] : memref<80x128xi32, #tpu.memory_space<vmem>> -> memref<1x128xi32, #tpu.memory_space<vmem>>
      %dma_start3A_141 = tpu.memref_squeeze %dma_start3A_140 : memref<1x128xi32, #tpu.memory_space<vmem>> -> memref<128xi32, #tpu.memory_space<vmem>>
      %dma_start3A_142 = arith.constant 0 : i32
      %dma_start3A_143 = arith.constant 0 : i32
      %dma_start3A_144 = tpu.memref_slice %arg7[%dma_start3A_142, %dma_start3A_143] : memref<10240x16xf32, #tpu.memory_space<vmem_shared>> -> memref<10240x16xf32, #tpu.memory_space<vmem_shared>>
      %dma_start3A_145 = tpu.memref_slice %arg8[%dma_start3A_138] : memref<8x!tpu.dma_semaphore, #tpu.memory_space<semaphore_mem>> -> memref<1x!tpu.dma_semaphore, #tpu.memory_space<semaphore_mem>>
      %dma_start3A_146 = tpu.memref_squeeze %dma_start3A_145 : memref<1x!tpu.dma_semaphore, #tpu.memory_space<semaphore_mem>> -> memref<!tpu.dma_semaphore, #tpu.memory_space<semaphore_mem>>
      tpu.enqueue_indirect_dma source(%arg6 : memref<128x16xf32, #tpu.memory_space<vmem>>) target(%dma_start3A_144 : memref<10240x16xf32, #tpu.memory_space<vmem_shared>>) offsets(%dma_start3A_141 : memref<128xi32, #tpu.memory_space<vmem>>) semaphore(%dma_start3A_146 : memref<!tpu.dma_semaphore, #tpu.memory_space<semaphore_mem>>) {add = true}
      %add3A_147 = arith.constant 2 : i32
      %add3A_148 = arith.addi %add3A_116, %add3A_147 : i32
      %ge3A_149 = arith.constant 8 : i32
      %ge3A_150 = arith.cmpi sge, %add3A_148, %ge3A_149 : i32
      %convert_element_type3A_151 = arith.extui %ge3A_150 : i1 to i32
      %cond3A_152 = arith.constant 0 : i32
      %cond3A_153 = arith.cmpi ne, %convert_element_type3A_151, %cond3A_152 : i32
      scf.if %cond3A_153 {
        %dma_wait3A_243 = arith.constant 2 : i32
        %dma_wait3A_244 = arith.constant 0 : i32
        %dma_wait3A_245 = tpu.memref_slice %arg5[%add3A_148, %dma_wait3A_244] : memref<80x128xi32, #tpu.memory_space<vmem>> -> memref<1x128xi32, #tpu.memory_space<vmem>>
        %dma_wait3A_246 = tpu.memref_squeeze %dma_wait3A_245 : memref<1x128xi32, #tpu.memory_space<vmem>> -> memref<128xi32, #tpu.memory_space<vmem>>
        %dma_wait3A_247 = arith.constant 0 : i32
        %dma_wait3A_248 = arith.constant 0 : i32
        %dma_wait3A_249 = tpu.memref_slice %arg7[%dma_wait3A_247, %dma_wait3A_248] : memref<10240x16xf32, #tpu.memory_space<vmem_shared>> -> memref<10240x16xf32, #tpu.memory_space<vmem_shared>>
        %dma_wait3A_250 = tpu.memref_slice %arg8[%dma_wait3A_243] : memref<8x!tpu.dma_semaphore, #tpu.memory_space<semaphore_mem>> -> memref<1x!tpu.dma_semaphore, #tpu.memory_space<semaphore_mem>>
        %dma_wait3A_251 = tpu.memref_squeeze %dma_wait3A_250 : memref<1x!tpu.dma_semaphore, #tpu.memory_space<semaphore_mem>> -> memref<!tpu.dma_semaphore, #tpu.memory_space<semaphore_mem>>
        tpu.wait_indirect_dma semaphore(%dma_wait3A_251 : memref<!tpu.dma_semaphore, #tpu.memory_space<semaphore_mem>>) src(%arg6 : memref<128x16xf32, #tpu.memory_space<vmem>>) dst(%dma_wait3A_249 : memref<10240x16xf32, #tpu.memory_space<vmem_shared>>)
      } else {
      }
      %dma_start3A_154 = arith.constant 2 : i32
      %dma_start3A_155 = arith.constant 0 : i32
      %dma_start3A_156 = tpu.memref_slice %arg5[%add3A_148, %dma_start3A_155] : memref<80x128xi32, #tpu.memory_space<vmem>> -> memref<1x128xi32, #tpu.memory_space<vmem>>
      %dma_start3A_157 = tpu.memref_squeeze %dma_start3A_156 : memref<1x128xi32, #tpu.memory_space<vmem>> -> memref<128xi32, #tpu.memory_space<vmem>>
      %dma_start3A_158 = arith.constant 0 : i32
      %dma_start3A_159 = arith.constant 0 : i32
      %dma_start3A_160 = tpu.memref_slice %arg7[%dma_start3A_158, %dma_start3A_159] : memref<10240x16xf32, #tpu.memory_space<vmem_shared>> -> memref<10240x16xf32, #tpu.memory_space<vmem_shared>>
      %dma_start3A_161 = tpu.memref_slice %arg8[%dma_start3A_154] : memref<8x!tpu.dma_semaphore, #tpu.memory_space<semaphore_mem>> -> memref<1x!tpu.dma_semaphore, #tpu.memory_space<semaphore_mem>>
      %dma_start3A_162 = tpu.memref_squeeze %dma_start3A_161 : memref<1x!tpu.dma_semaphore, #tpu.memory_space<semaphore_mem>> -> memref<!tpu.dma_semaphore, #tpu.memory_space<semaphore_mem>>
      tpu.enqueue_indirect_dma source(%arg6 : memref<128x16xf32, #tpu.memory_space<vmem>>) target(%dma_start3A_160 : memref<10240x16xf32, #tpu.memory_space<vmem_shared>>) offsets(%dma_start3A_157 : memref<128xi32, #tpu.memory_space<vmem>>) semaphore(%dma_start3A_162 : memref<!tpu.dma_semaphore, #tpu.memory_space<semaphore_mem>>) {add = true}
      %add3A_163 = arith.constant 3 : i32
      %add3A_164 = arith.addi %add3A_116, %add3A_163 : i32
      %ge3A_165 = arith.constant 8 : i32
      %ge3A_166 = arith.cmpi sge, %add3A_164, %ge3A_165 : i32
      %convert_element_type3A_167 = arith.extui %ge3A_166 : i1 to i32
      %cond3A_168 = arith.constant 0 : i32
      %cond3A_169 = arith.cmpi ne, %convert_element_type3A_167, %cond3A_168 : i32
      scf.if %cond3A_169 {
        %dma_wait3A_243 = arith.constant 3 : i32
        %dma_wait3A_244 = arith.constant 0 : i32
        %dma_wait3A_245 = tpu.memref_slice %arg5[%add3A_164, %dma_wait3A_244] : memref<80x128xi32, #tpu.memory_space<vmem>> -> memref<1x128xi32, #tpu.memory_space<vmem>>
        %dma_wait3A_246 = tpu.memref_squeeze %dma_wait3A_245 : memref<1x128xi32, #tpu.memory_space<vmem>> -> memref<128xi32, #tpu.memory_space<vmem>>
        %dma_wait3A_247 = arith.constant 0 : i32
        %dma_wait3A_248 = arith.constant 0 : i32
        %dma_wait3A_249 = tpu.memref_slice %arg7[%dma_wait3A_247, %dma_wait3A_248] : memref<10240x16xf32, #tpu.memory_space<vmem_shared>> -> memref<10240x16xf32, #tpu.memory_space<vmem_shared>>
        %dma_wait3A_250 = tpu.memref_slice %arg8[%dma_wait3A_243] : memref<8x!tpu.dma_semaphore, #tpu.memory_space<semaphore_mem>> -> memref<1x!tpu.dma_semaphore, #tpu.memory_space<semaphore_mem>>
        %dma_wait3A_251 = tpu.memref_squeeze %dma_wait3A_250 : memref<1x!tpu.dma_semaphore, #tpu.memory_space<semaphore_mem>> -> memref<!tpu.dma_semaphore, #tpu.memory_space<semaphore_mem>>
        tpu.wait_indirect_dma semaphore(%dma_wait3A_251 : memref<!tpu.dma_semaphore, #tpu.memory_space<semaphore_mem>>) src(%arg6 : memref<128x16xf32, #tpu.memory_space<vmem>>) dst(%dma_wait3A_249 : memref<10240x16xf32, #tpu.memory_space<vmem_shared>>)
      } else {
      }
      %dma_start3A_170 = arith.constant 3 : i32
      %dma_start3A_171 = arith.constant 0 : i32
      %dma_start3A_172 = tpu.memref_slice %arg5[%add3A_164, %dma_start3A_171] : memref<80x128xi32, #tpu.memory_space<vmem>> -> memref<1x128xi32, #tpu.memory_space<vmem>>
      %dma_start3A_173 = tpu.memref_squeeze %dma_start3A_172 : memref<1x128xi32, #tpu.memory_space<vmem>> -> memref<128xi32, #tpu.memory_space<vmem>>
      %dma_start3A_174 = arith.constant 0 : i32
      %dma_start3A_175 = arith.constant 0 : i32
      %dma_start3A_176 = tpu.memref_slice %arg7[%dma_start3A_174, %dma_start3A_175] : memref<10240x16xf32, #tpu.memory_space<vmem_shared>> -> memref<10240x16xf32, #tpu.memory_space<vmem_shared>>
      %dma_start3A_177 = tpu.memref_slice %arg8[%dma_start3A_170] : memref<8x!tpu.dma_semaphore, #tpu.memory_space<semaphore_mem>> -> memref<1x!tpu.dma_semaphore, #tpu.memory_space<semaphore_mem>>
      %dma_start3A_178 = tpu.memref_squeeze %dma_start3A_177 : memref<1x!tpu.dma_semaphore, #tpu.memory_space<semaphore_mem>> -> memref<!tpu.dma_semaphore, #tpu.memory_space<semaphore_mem>>
      tpu.enqueue_indirect_dma source(%arg6 : memref<128x16xf32, #tpu.memory_space<vmem>>) target(%dma_start3A_176 : memref<10240x16xf32, #tpu.memory_space<vmem_shared>>) offsets(%dma_start3A_173 : memref<128xi32, #tpu.memory_space<vmem>>) semaphore(%dma_start3A_178 : memref<!tpu.dma_semaphore, #tpu.memory_space<semaphore_mem>>) {add = true}
      %add3A_179 = arith.constant 4 : i32
      %add3A_180 = arith.addi %add3A_116, %add3A_179 : i32
      %ge3A_181 = arith.constant 8 : i32
      %ge3A_182 = arith.cmpi sge, %add3A_180, %ge3A_181 : i32
      %convert_element_type3A_183 = arith.extui %ge3A_182 : i1 to i32
      %cond3A_184 = arith.constant 0 : i32
      %cond3A_185 = arith.cmpi ne, %convert_element_type3A_183, %cond3A_184 : i32
      scf.if %cond3A_185 {
        %dma_wait3A_243 = arith.constant 4 : i32
        %dma_wait3A_244 = arith.constant 0 : i32
        %dma_wait3A_245 = tpu.memref_slice %arg5[%add3A_180, %dma_wait3A_244] : memref<80x128xi32, #tpu.memory_space<vmem>> -> memref<1x128xi32, #tpu.memory_space<vmem>>
        %dma_wait3A_246 = tpu.memref_squeeze %dma_wait3A_245 : memref<1x128xi32, #tpu.memory_space<vmem>> -> memref<128xi32, #tpu.memory_space<vmem>>
        %dma_wait3A_247 = arith.constant 0 : i32
        %dma_wait3A_248 = arith.constant 0 : i32
        %dma_wait3A_249 = tpu.memref_slice %arg7[%dma_wait3A_247, %dma_wait3A_248] : memref<10240x16xf32, #tpu.memory_space<vmem_shared>> -> memref<10240x16xf32, #tpu.memory_space<vmem_shared>>
        %dma_wait3A_250 = tpu.memref_slice %arg8[%dma_wait3A_243] : memref<8x!tpu.dma_semaphore, #tpu.memory_space<semaphore_mem>> -> memref<1x!tpu.dma_semaphore, #tpu.memory_space<semaphore_mem>>
        %dma_wait3A_251 = tpu.memref_squeeze %dma_wait3A_250 : memref<1x!tpu.dma_semaphore, #tpu.memory_space<semaphore_mem>> -> memref<!tpu.dma_semaphore, #tpu.memory_space<semaphore_mem>>
        tpu.wait_indirect_dma semaphore(%dma_wait3A_251 : memref<!tpu.dma_semaphore, #tpu.memory_space<semaphore_mem>>) src(%arg6 : memref<128x16xf32, #tpu.memory_space<vmem>>) dst(%dma_wait3A_249 : memref<10240x16xf32, #tpu.memory_space<vmem_shared>>)
      } else {
      }
      %dma_start3A_186 = arith.constant 4 : i32
      %dma_start3A_187 = arith.constant 0 : i32
      %dma_start3A_188 = tpu.memref_slice %arg5[%add3A_180, %dma_start3A_187] : memref<80x128xi32, #tpu.memory_space<vmem>> -> memref<1x128xi32, #tpu.memory_space<vmem>>
      %dma_start3A_189 = tpu.memref_squeeze %dma_start3A_188 : memref<1x128xi32, #tpu.memory_space<vmem>> -> memref<128xi32, #tpu.memory_space<vmem>>
      %dma_start3A_190 = arith.constant 0 : i32
      %dma_start3A_191 = arith.constant 0 : i32
      %dma_start3A_192 = tpu.memref_slice %arg7[%dma_start3A_190, %dma_start3A_191] : memref<10240x16xf32, #tpu.memory_space<vmem_shared>> -> memref<10240x16xf32, #tpu.memory_space<vmem_shared>>
      %dma_start3A_193 = tpu.memref_slice %arg8[%dma_start3A_186] : memref<8x!tpu.dma_semaphore, #tpu.memory_space<semaphore_mem>> -> memref<1x!tpu.dma_semaphore, #tpu.memory_space<semaphore_mem>>
      %dma_start3A_194 = tpu.memref_squeeze %dma_start3A_193 : memref<1x!tpu.dma_semaphore, #tpu.memory_space<semaphore_mem>> -> memref<!tpu.dma_semaphore, #tpu.memory_space<semaphore_mem>>
      tpu.enqueue_indirect_dma source(%arg6 : memref<128x16xf32, #tpu.memory_space<vmem>>) target(%dma_start3A_192 : memref<10240x16xf32, #tpu.memory_space<vmem_shared>>) offsets(%dma_start3A_189 : memref<128xi32, #tpu.memory_space<vmem>>) semaphore(%dma_start3A_194 : memref<!tpu.dma_semaphore, #tpu.memory_space<semaphore_mem>>) {add = true}
      %add3A_195 = arith.constant 5 : i32
      %add3A_196 = arith.addi %add3A_116, %add3A_195 : i32
      %ge3A_197 = arith.constant 8 : i32
      %ge3A_198 = arith.cmpi sge, %add3A_196, %ge3A_197 : i32
      %convert_element_type3A_199 = arith.extui %ge3A_198 : i1 to i32
      %cond3A_200 = arith.constant 0 : i32
      %cond3A_201 = arith.cmpi ne, %convert_element_type3A_199, %cond3A_200 : i32
      scf.if %cond3A_201 {
        %dma_wait3A_243 = arith.constant 5 : i32
        %dma_wait3A_244 = arith.constant 0 : i32
        %dma_wait3A_245 = tpu.memref_slice %arg5[%add3A_196, %dma_wait3A_244] : memref<80x128xi32, #tpu.memory_space<vmem>> -> memref<1x128xi32, #tpu.memory_space<vmem>>
        %dma_wait3A_246 = tpu.memref_squeeze %dma_wait3A_245 : memref<1x128xi32, #tpu.memory_space<vmem>> -> memref<128xi32, #tpu.memory_space<vmem>>
        %dma_wait3A_247 = arith.constant 0 : i32
        %dma_wait3A_248 = arith.constant 0 : i32
        %dma_wait3A_249 = tpu.memref_slice %arg7[%dma_wait3A_247, %dma_wait3A_248] : memref<10240x16xf32, #tpu.memory_space<vmem_shared>> -> memref<10240x16xf32, #tpu.memory_space<vmem_shared>>
        %dma_wait3A_250 = tpu.memref_slice %arg8[%dma_wait3A_243] : memref<8x!tpu.dma_semaphore, #tpu.memory_space<semaphore_mem>> -> memref<1x!tpu.dma_semaphore, #tpu.memory_space<semaphore_mem>>
        %dma_wait3A_251 = tpu.memref_squeeze %dma_wait3A_250 : memref<1x!tpu.dma_semaphore, #tpu.memory_space<semaphore_mem>> -> memref<!tpu.dma_semaphore, #tpu.memory_space<semaphore_mem>>
        tpu.wait_indirect_dma semaphore(%dma_wait3A_251 : memref<!tpu.dma_semaphore, #tpu.memory_space<semaphore_mem>>) src(%arg6 : memref<128x16xf32, #tpu.memory_space<vmem>>) dst(%dma_wait3A_249 : memref<10240x16xf32, #tpu.memory_space<vmem_shared>>)
      } else {
      }
      %dma_start3A_202 = arith.constant 5 : i32
      %dma_start3A_203 = arith.constant 0 : i32
      %dma_start3A_204 = tpu.memref_slice %arg5[%add3A_196, %dma_start3A_203] : memref<80x128xi32, #tpu.memory_space<vmem>> -> memref<1x128xi32, #tpu.memory_space<vmem>>
      %dma_start3A_205 = tpu.memref_squeeze %dma_start3A_204 : memref<1x128xi32, #tpu.memory_space<vmem>> -> memref<128xi32, #tpu.memory_space<vmem>>
      %dma_start3A_206 = arith.constant 0 : i32
      %dma_start3A_207 = arith.constant 0 : i32
      %dma_start3A_208 = tpu.memref_slice %arg7[%dma_start3A_206, %dma_start3A_207] : memref<10240x16xf32, #tpu.memory_space<vmem_shared>> -> memref<10240x16xf32, #tpu.memory_space<vmem_shared>>
      %dma_start3A_209 = tpu.memref_slice %arg8[%dma_start3A_202] : memref<8x!tpu.dma_semaphore, #tpu.memory_space<semaphore_mem>> -> memref<1x!tpu.dma_semaphore, #tpu.memory_space<semaphore_mem>>
      %dma_start3A_210 = tpu.memref_squeeze %dma_start3A_209 : memref<1x!tpu.dma_semaphore, #tpu.memory_space<semaphore_mem>> -> memref<!tpu.dma_semaphore, #tpu.memory_space<semaphore_mem>>
      tpu.enqueue_indirect_dma source(%arg6 : memref<128x16xf32, #tpu.memory_space<vmem>>) target(%dma_start3A_208 : memref<10240x16xf32, #tpu.memory_space<vmem_shared>>) offsets(%dma_start3A_205 : memref<128xi32, #tpu.memory_space<vmem>>) semaphore(%dma_start3A_210 : memref<!tpu.dma_semaphore, #tpu.memory_space<semaphore_mem>>) {add = true}
      %add3A_211 = arith.constant 6 : i32
      %add3A_212 = arith.addi %add3A_116, %add3A_211 : i32
      %ge3A_213 = arith.constant 8 : i32
      %ge3A_214 = arith.cmpi sge, %add3A_212, %ge3A_213 : i32
      %convert_element_type3A_215 = arith.extui %ge3A_214 : i1 to i32
      %cond3A_216 = arith.constant 0 : i32
      %cond3A_217 = arith.cmpi ne, %convert_element_type3A_215, %cond3A_216 : i32
      scf.if %cond3A_217 {
        %dma_wait3A_243 = arith.constant 6 : i32
        %dma_wait3A_244 = arith.constant 0 : i32
        %dma_wait3A_245 = tpu.memref_slice %arg5[%add3A_212, %dma_wait3A_244] : memref<80x128xi32, #tpu.memory_space<vmem>> -> memref<1x128xi32, #tpu.memory_space<vmem>>
        %dma_wait3A_246 = tpu.memref_squeeze %dma_wait3A_245 : memref<1x128xi32, #tpu.memory_space<vmem>> -> memref<128xi32, #tpu.memory_space<vmem>>
        %dma_wait3A_247 = arith.constant 0 : i32
        %dma_wait3A_248 = arith.constant 0 : i32
        %dma_wait3A_249 = tpu.memref_slice %arg7[%dma_wait3A_247, %dma_wait3A_248] : memref<10240x16xf32, #tpu.memory_space<vmem_shared>> -> memref<10240x16xf32, #tpu.memory_space<vmem_shared>>
        %dma_wait3A_250 = tpu.memref_slice %arg8[%dma_wait3A_243] : memref<8x!tpu.dma_semaphore, #tpu.memory_space<semaphore_mem>> -> memref<1x!tpu.dma_semaphore, #tpu.memory_space<semaphore_mem>>
        %dma_wait3A_251 = tpu.memref_squeeze %dma_wait3A_250 : memref<1x!tpu.dma_semaphore, #tpu.memory_space<semaphore_mem>> -> memref<!tpu.dma_semaphore, #tpu.memory_space<semaphore_mem>>
        tpu.wait_indirect_dma semaphore(%dma_wait3A_251 : memref<!tpu.dma_semaphore, #tpu.memory_space<semaphore_mem>>) src(%arg6 : memref<128x16xf32, #tpu.memory_space<vmem>>) dst(%dma_wait3A_249 : memref<10240x16xf32, #tpu.memory_space<vmem_shared>>)
      } else {
      }
      %dma_start3A_218 = arith.constant 6 : i32
      %dma_start3A_219 = arith.constant 0 : i32
      %dma_start3A_220 = tpu.memref_slice %arg5[%add3A_212, %dma_start3A_219] : memref<80x128xi32, #tpu.memory_space<vmem>> -> memref<1x128xi32, #tpu.memory_space<vmem>>
      %dma_start3A_221 = tpu.memref_squeeze %dma_start3A_220 : memref<1x128xi32, #tpu.memory_space<vmem>> -> memref<128xi32, #tpu.memory_space<vmem>>
      %dma_start3A_222 = arith.constant 0 : i32
      %dma_start3A_223 = arith.constant 0 : i32
      %dma_start3A_224 = tpu.memref_slice %arg7[%dma_start3A_222, %dma_start3A_223] : memref<10240x16xf32, #tpu.memory_space<vmem_shared>> -> memref<10240x16xf32, #tpu.memory_space<vmem_shared>>
      %dma_start3A_225 = tpu.memref_slice %arg8[%dma_start3A_218] : memref<8x!tpu.dma_semaphore, #tpu.memory_space<semaphore_mem>> -> memref<1x!tpu.dma_semaphore, #tpu.memory_space<semaphore_mem>>
      %dma_start3A_226 = tpu.memref_squeeze %dma_start3A_225 : memref<1x!tpu.dma_semaphore, #tpu.memory_space<semaphore_mem>> -> memref<!tpu.dma_semaphore, #tpu.memory_space<semaphore_mem>>
      tpu.enqueue_indirect_dma source(%arg6 : memref<128x16xf32, #tpu.memory_space<vmem>>) target(%dma_start3A_224 : memref<10240x16xf32, #tpu.memory_space<vmem_shared>>) offsets(%dma_start3A_221 : memref<128xi32, #tpu.memory_space<vmem>>) semaphore(%dma_start3A_226 : memref<!tpu.dma_semaphore, #tpu.memory_space<semaphore_mem>>) {add = true}
      %add3A_227 = arith.constant 7 : i32
      %add3A_228 = arith.addi %add3A_116, %add3A_227 : i32
      %ge3A_229 = arith.constant 8 : i32
      %ge3A_230 = arith.cmpi sge, %add3A_228, %ge3A_229 : i32
      %convert_element_type3A_231 = arith.extui %ge3A_230 : i1 to i32
      %cond3A_232 = arith.constant 0 : i32
      %cond3A_233 = arith.cmpi ne, %convert_element_type3A_231, %cond3A_232 : i32
      scf.if %cond3A_233 {
        %dma_wait3A_243 = arith.constant 7 : i32
        %dma_wait3A_244 = arith.constant 0 : i32
        %dma_wait3A_245 = tpu.memref_slice %arg5[%add3A_228, %dma_wait3A_244] : memref<80x128xi32, #tpu.memory_space<vmem>> -> memref<1x128xi32, #tpu.memory_space<vmem>>
        %dma_wait3A_246 = tpu.memref_squeeze %dma_wait3A_245 : memref<1x128xi32, #tpu.memory_space<vmem>> -> memref<128xi32, #tpu.memory_space<vmem>>
        %dma_wait3A_247 = arith.constant 0 : i32
        %dma_wait3A_248 = arith.constant 0 : i32
        %dma_wait3A_249 = tpu.memref_slice %arg7[%dma_wait3A_247, %dma_wait3A_248] : memref<10240x16xf32, #tpu.memory_space<vmem_shared>> -> memref<10240x16xf32, #tpu.memory_space<vmem_shared>>
        %dma_wait3A_250 = tpu.memref_slice %arg8[%dma_wait3A_243] : memref<8x!tpu.dma_semaphore, #tpu.memory_space<semaphore_mem>> -> memref<1x!tpu.dma_semaphore, #tpu.memory_space<semaphore_mem>>
        %dma_wait3A_251 = tpu.memref_squeeze %dma_wait3A_250 : memref<1x!tpu.dma_semaphore, #tpu.memory_space<semaphore_mem>> -> memref<!tpu.dma_semaphore, #tpu.memory_space<semaphore_mem>>
        tpu.wait_indirect_dma semaphore(%dma_wait3A_251 : memref<!tpu.dma_semaphore, #tpu.memory_space<semaphore_mem>>) src(%arg6 : memref<128x16xf32, #tpu.memory_space<vmem>>) dst(%dma_wait3A_249 : memref<10240x16xf32, #tpu.memory_space<vmem_shared>>)
      } else {
      }
      %dma_start3A_234 = arith.constant 7 : i32
      %dma_start3A_235 = arith.constant 0 : i32
      %dma_start3A_236 = tpu.memref_slice %arg5[%add3A_228, %dma_start3A_235] : memref<80x128xi32, #tpu.memory_space<vmem>> -> memref<1x128xi32, #tpu.memory_space<vmem>>
      %dma_start3A_237 = tpu.memref_squeeze %dma_start3A_236 : memref<1x128xi32, #tpu.memory_space<vmem>> -> memref<128xi32, #tpu.memory_space<vmem>>
      %dma_start3A_238 = arith.constant 0 : i32
      %dma_start3A_239 = arith.constant 0 : i32
      %dma_start3A_240 = tpu.memref_slice %arg7[%dma_start3A_238, %dma_start3A_239] : memref<10240x16xf32, #tpu.memory_space<vmem_shared>> -> memref<10240x16xf32, #tpu.memory_space<vmem_shared>>
      %dma_start3A_241 = tpu.memref_slice %arg8[%dma_start3A_234] : memref<8x!tpu.dma_semaphore, #tpu.memory_space<semaphore_mem>> -> memref<1x!tpu.dma_semaphore, #tpu.memory_space<semaphore_mem>>
      %dma_start3A_242 = tpu.memref_squeeze %dma_start3A_241 : memref<1x!tpu.dma_semaphore, #tpu.memory_space<semaphore_mem>> -> memref<!tpu.dma_semaphore, #tpu.memory_space<semaphore_mem>>
      tpu.enqueue_indirect_dma source(%arg6 : memref<128x16xf32, #tpu.memory_space<vmem>>) target(%dma_start3A_240 : memref<10240x16xf32, #tpu.memory_space<vmem_shared>>) offsets(%dma_start3A_237 : memref<128xi32, #tpu.memory_space<vmem>>) semaphore(%dma_start3A_242 : memref<!tpu.dma_semaphore, #tpu.memory_space<semaphore_mem>>) {add = true}
    }
    %scan3A_25 = arith.constant 10 : i32
    %dma_wait3A = arith.constant 72 : i32
    %dma_wait3A_26 = arith.constant 0 : i32
    %dma_wait3A_27 = arith.constant 0 : i32
    %dma_wait3A_28 = tpu.memref_slice %arg5[%dma_wait3A, %dma_wait3A_27] : memref<80x128xi32, #tpu.memory_space<vmem>> -> memref<1x128xi32, #tpu.memory_space<vmem>>
    %dma_wait3A_29 = tpu.memref_squeeze %dma_wait3A_28 : memref<1x128xi32, #tpu.memory_space<vmem>> -> memref<128xi32, #tpu.memory_space<vmem>>
    %dma_wait3A_30 = arith.constant 0 : i32
    %dma_wait3A_31 = arith.constant 0 : i32
    %dma_wait3A_32 = tpu.memref_slice %arg7[%dma_wait3A_30, %dma_wait3A_31] : memref<10240x16xf32, #tpu.memory_space<vmem_shared>> -> memref<10240x16xf32, #tpu.memory_space<vmem_shared>>
    %dma_wait3A_33 = tpu.memref_slice %arg8[%dma_wait3A_26] : memref<8x!tpu.dma_semaphore, #tpu.memory_space<semaphore_mem>> -> memref<1x!tpu.dma_semaphore, #tpu.memory_space<semaphore_mem>>
    %dma_wait3A_34 = tpu.memref_squeeze %dma_wait3A_33 : memref<1x!tpu.dma_semaphore, #tpu.memory_space<semaphore_mem>> -> memref<!tpu.dma_semaphore, #tpu.memory_space<semaphore_mem>>
    tpu.wait_indirect_dma semaphore(%dma_wait3A_34 : memref<!tpu.dma_semaphore, #tpu.memory_space<semaphore_mem>>) src(%arg6 : memref<128x16xf32, #tpu.memory_space<vmem>>) dst(%dma_wait3A_32 : memref<10240x16xf32, #tpu.memory_space<vmem_shared>>)
    %dma_wait3A_35 = arith.constant 73 : i32
    %dma_wait3A_36 = arith.constant 1 : i32
    %dma_wait3A_37 = arith.constant 0 : i32
    %dma_wait3A_38 = tpu.memref_slice %arg5[%dma_wait3A_35, %dma_wait3A_37] : memref<80x128xi32, #tpu.memory_space<vmem>> -> memref<1x128xi32, #tpu.memory_space<vmem>>
    %dma_wait3A_39 = tpu.memref_squeeze %dma_wait3A_38 : memref<1x128xi32, #tpu.memory_space<vmem>> -> memref<128xi32, #tpu.memory_space<vmem>>
    %dma_wait3A_40 = arith.constant 0 : i32
    %dma_wait3A_41 = arith.constant 0 : i32
    %dma_wait3A_42 = tpu.memref_slice %arg7[%dma_wait3A_40, %dma_wait3A_41] : memref<10240x16xf32, #tpu.memory_space<vmem_shared>> -> memref<10240x16xf32, #tpu.memory_space<vmem_shared>>
    %dma_wait3A_43 = tpu.memref_slice %arg8[%dma_wait3A_36] : memref<8x!tpu.dma_semaphore, #tpu.memory_space<semaphore_mem>> -> memref<1x!tpu.dma_semaphore, #tpu.memory_space<semaphore_mem>>
    %dma_wait3A_44 = tpu.memref_squeeze %dma_wait3A_43 : memref<1x!tpu.dma_semaphore, #tpu.memory_space<semaphore_mem>> -> memref<!tpu.dma_semaphore, #tpu.memory_space<semaphore_mem>>
    tpu.wait_indirect_dma semaphore(%dma_wait3A_44 : memref<!tpu.dma_semaphore, #tpu.memory_space<semaphore_mem>>) src(%arg6 : memref<128x16xf32, #tpu.memory_space<vmem>>) dst(%dma_wait3A_42 : memref<10240x16xf32, #tpu.memory_space<vmem_shared>>)
    %dma_wait3A_45 = arith.constant 74 : i32
    %dma_wait3A_46 = arith.constant 2 : i32
    %dma_wait3A_47 = arith.constant 0 : i32
    %dma_wait3A_48 = tpu.memref_slice %arg5[%dma_wait3A_45, %dma_wait3A_47] : memref<80x128xi32, #tpu.memory_space<vmem>> -> memref<1x128xi32, #tpu.memory_space<vmem>>
    %dma_wait3A_49 = tpu.memref_squeeze %dma_wait3A_48 : memref<1x128xi32, #tpu.memory_space<vmem>> -> memref<128xi32, #tpu.memory_space<vmem>>
    %dma_wait3A_50 = arith.constant 0 : i32
    %dma_wait3A_51 = arith.constant 0 : i32
    %dma_wait3A_52 = tpu.memref_slice %arg7[%dma_wait3A_50, %dma_wait3A_51] : memref<10240x16xf32, #tpu.memory_space<vmem_shared>> -> memref<10240x16xf32, #tpu.memory_space<vmem_shared>>
    %dma_wait3A_53 = tpu.memref_slice %arg8[%dma_wait3A_46] : memref<8x!tpu.dma_semaphore, #tpu.memory_space<semaphore_mem>> -> memref<1x!tpu.dma_semaphore, #tpu.memory_space<semaphore_mem>>
    %dma_wait3A_54 = tpu.memref_squeeze %dma_wait3A_53 : memref<1x!tpu.dma_semaphore, #tpu.memory_space<semaphore_mem>> -> memref<!tpu.dma_semaphore, #tpu.memory_space<semaphore_mem>>
    tpu.wait_indirect_dma semaphore(%dma_wait3A_54 : memref<!tpu.dma_semaphore, #tpu.memory_space<semaphore_mem>>) src(%arg6 : memref<128x16xf32, #tpu.memory_space<vmem>>) dst(%dma_wait3A_52 : memref<10240x16xf32, #tpu.memory_space<vmem_shared>>)
    %dma_wait3A_55 = arith.constant 75 : i32
    %dma_wait3A_56 = arith.constant 3 : i32
    %dma_wait3A_57 = arith.constant 0 : i32
    %dma_wait3A_58 = tpu.memref_slice %arg5[%dma_wait3A_55, %dma_wait3A_57] : memref<80x128xi32, #tpu.memory_space<vmem>> -> memref<1x128xi32, #tpu.memory_space<vmem>>
    %dma_wait3A_59 = tpu.memref_squeeze %dma_wait3A_58 : memref<1x128xi32, #tpu.memory_space<vmem>> -> memref<128xi32, #tpu.memory_space<vmem>>
    %dma_wait3A_60 = arith.constant 0 : i32
    %dma_wait3A_61 = arith.constant 0 : i32
    %dma_wait3A_62 = tpu.memref_slice %arg7[%dma_wait3A_60, %dma_wait3A_61] : memref<10240x16xf32, #tpu.memory_space<vmem_shared>> -> memref<10240x16xf32, #tpu.memory_space<vmem_shared>>
    %dma_wait3A_63 = tpu.memref_slice %arg8[%dma_wait3A_56] : memref<8x!tpu.dma_semaphore, #tpu.memory_space<semaphore_mem>> -> memref<1x!tpu.dma_semaphore, #tpu.memory_space<semaphore_mem>>
    %dma_wait3A_64 = tpu.memref_squeeze %dma_wait3A_63 : memref<1x!tpu.dma_semaphore, #tpu.memory_space<semaphore_mem>> -> memref<!tpu.dma_semaphore, #tpu.memory_space<semaphore_mem>>
    tpu.wait_indirect_dma semaphore(%dma_wait3A_64 : memref<!tpu.dma_semaphore, #tpu.memory_space<semaphore_mem>>) src(%arg6 : memref<128x16xf32, #tpu.memory_space<vmem>>) dst(%dma_wait3A_62 : memref<10240x16xf32, #tpu.memory_space<vmem_shared>>)
    %dma_wait3A_65 = arith.constant 76 : i32
    %dma_wait3A_66 = arith.constant 4 : i32
    %dma_wait3A_67 = arith.constant 0 : i32
    %dma_wait3A_68 = tpu.memref_slice %arg5[%dma_wait3A_65, %dma_wait3A_67] : memref<80x128xi32, #tpu.memory_space<vmem>> -> memref<1x128xi32, #tpu.memory_space<vmem>>
    %dma_wait3A_69 = tpu.memref_squeeze %dma_wait3A_68 : memref<1x128xi32, #tpu.memory_space<vmem>> -> memref<128xi32, #tpu.memory_space<vmem>>
    %dma_wait3A_70 = arith.constant 0 : i32
    %dma_wait3A_71 = arith.constant 0 : i32
    %dma_wait3A_72 = tpu.memref_slice %arg7[%dma_wait3A_70, %dma_wait3A_71] : memref<10240x16xf32, #tpu.memory_space<vmem_shared>> -> memref<10240x16xf32, #tpu.memory_space<vmem_shared>>
    %dma_wait3A_73 = tpu.memref_slice %arg8[%dma_wait3A_66] : memref<8x!tpu.dma_semaphore, #tpu.memory_space<semaphore_mem>> -> memref<1x!tpu.dma_semaphore, #tpu.memory_space<semaphore_mem>>
    %dma_wait3A_74 = tpu.memref_squeeze %dma_wait3A_73 : memref<1x!tpu.dma_semaphore, #tpu.memory_space<semaphore_mem>> -> memref<!tpu.dma_semaphore, #tpu.memory_space<semaphore_mem>>
    tpu.wait_indirect_dma semaphore(%dma_wait3A_74 : memref<!tpu.dma_semaphore, #tpu.memory_space<semaphore_mem>>) src(%arg6 : memref<128x16xf32, #tpu.memory_space<vmem>>) dst(%dma_wait3A_72 : memref<10240x16xf32, #tpu.memory_space<vmem_shared>>)
    %dma_wait3A_75 = arith.constant 77 : i32
    %dma_wait3A_76 = arith.constant 5 : i32
    %dma_wait3A_77 = arith.constant 0 : i32
    %dma_wait3A_78 = tpu.memref_slice %arg5[%dma_wait3A_75, %dma_wait3A_77] : memref<80x128xi32, #tpu.memory_space<vmem>> -> memref<1x128xi32, #tpu.memory_space<vmem>>
    %dma_wait3A_79 = tpu.memref_squeeze %dma_wait3A_78 : memref<1x128xi32, #tpu.memory_space<vmem>> -> memref<128xi32, #tpu.memory_space<vmem>>
    %dma_wait3A_80 = arith.constant 0 : i32
    %dma_wait3A_81 = arith.constant 0 : i32
    %dma_wait3A_82 = tpu.memref_slice %arg7[%dma_wait3A_80, %dma_wait3A_81] : memref<10240x16xf32, #tpu.memory_space<vmem_shared>> -> memref<10240x16xf32, #tpu.memory_space<vmem_shared>>
    %dma_wait3A_83 = tpu.memref_slice %arg8[%dma_wait3A_76] : memref<8x!tpu.dma_semaphore, #tpu.memory_space<semaphore_mem>> -> memref<1x!tpu.dma_semaphore, #tpu.memory_space<semaphore_mem>>
    %dma_wait3A_84 = tpu.memref_squeeze %dma_wait3A_83 : memref<1x!tpu.dma_semaphore, #tpu.memory_space<semaphore_mem>> -> memref<!tpu.dma_semaphore, #tpu.memory_space<semaphore_mem>>
    tpu.wait_indirect_dma semaphore(%dma_wait3A_84 : memref<!tpu.dma_semaphore, #tpu.memory_space<semaphore_mem>>) src(%arg6 : memref<128x16xf32, #tpu.memory_space<vmem>>) dst(%dma_wait3A_82 : memref<10240x16xf32, #tpu.memory_space<vmem_shared>>)
    %dma_wait3A_85 = arith.constant 78 : i32
    %dma_wait3A_86 = arith.constant 6 : i32
    %dma_wait3A_87 = arith.constant 0 : i32
    %dma_wait3A_88 = tpu.memref_slice %arg5[%dma_wait3A_85, %dma_wait3A_87] : memref<80x128xi32, #tpu.memory_space<vmem>> -> memref<1x128xi32, #tpu.memory_space<vmem>>
    %dma_wait3A_89 = tpu.memref_squeeze %dma_wait3A_88 : memref<1x128xi32, #tpu.memory_space<vmem>> -> memref<128xi32, #tpu.memory_space<vmem>>
    %dma_wait3A_90 = arith.constant 0 : i32
    %dma_wait3A_91 = arith.constant 0 : i32
    %dma_wait3A_92 = tpu.memref_slice %arg7[%dma_wait3A_90, %dma_wait3A_91] : memref<10240x16xf32, #tpu.memory_space<vmem_shared>> -> memref<10240x16xf32, #tpu.memory_space<vmem_shared>>
    %dma_wait3A_93 = tpu.memref_slice %arg8[%dma_wait3A_86] : memref<8x!tpu.dma_semaphore, #tpu.memory_space<semaphore_mem>> -> memref<1x!tpu.dma_semaphore, #tpu.memory_space<semaphore_mem>>
    %dma_wait3A_94 = tpu.memref_squeeze %dma_wait3A_93 : memref<1x!tpu.dma_semaphore, #tpu.memory_space<semaphore_mem>> -> memref<!tpu.dma_semaphore, #tpu.memory_space<semaphore_mem>>
    tpu.wait_indirect_dma semaphore(%dma_wait3A_94 : memref<!tpu.dma_semaphore, #tpu.memory_space<semaphore_mem>>) src(%arg6 : memref<128x16xf32, #tpu.memory_space<vmem>>) dst(%dma_wait3A_92 : memref<10240x16xf32, #tpu.memory_space<vmem_shared>>)
    %dma_wait3A_95 = arith.constant 79 : i32
    %dma_wait3A_96 = arith.constant 7 : i32
    %dma_wait3A_97 = arith.constant 0 : i32
    %dma_wait3A_98 = tpu.memref_slice %arg5[%dma_wait3A_95, %dma_wait3A_97] : memref<80x128xi32, #tpu.memory_space<vmem>> -> memref<1x128xi32, #tpu.memory_space<vmem>>
    %dma_wait3A_99 = tpu.memref_squeeze %dma_wait3A_98 : memref<1x128xi32, #tpu.memory_space<vmem>> -> memref<128xi32, #tpu.memory_space<vmem>>
    %dma_wait3A_100 = arith.constant 0 : i32
    %dma_wait3A_101 = arith.constant 0 : i32
    %dma_wait3A_102 = tpu.memref_slice %arg7[%dma_wait3A_100, %dma_wait3A_101] : memref<10240x16xf32, #tpu.memory_space<vmem_shared>> -> memref<10240x16xf32, #tpu.memory_space<vmem_shared>>
    %dma_wait3A_103 = tpu.memref_slice %arg8[%dma_wait3A_96] : memref<8x!tpu.dma_semaphore, #tpu.memory_space<semaphore_mem>> -> memref<1x!tpu.dma_semaphore, #tpu.memory_space<semaphore_mem>>
    %dma_wait3A_104 = tpu.memref_squeeze %dma_wait3A_103 : memref<1x!tpu.dma_semaphore, #tpu.memory_space<semaphore_mem>> -> memref<!tpu.dma_semaphore, #tpu.memory_space<semaphore_mem>>
    tpu.wait_indirect_dma semaphore(%dma_wait3A_104 : memref<!tpu.dma_semaphore, #tpu.memory_space<semaphore_mem>>) src(%arg6 : memref<128x16xf32, #tpu.memory_space<vmem>>) dst(%dma_wait3A_102 : memref<10240x16xf32, #tpu.memory_space<vmem_shared>>)
    %barrier3A_105 = arith.constant 0 : index
    tpu.barrier barrier_id(%barrier3A_105)
    %mul3A_106 = arith.constant 640 : i32
    %mul3A_107 = arith.muli %arg1, %mul3A_106 : i32
    %mul3A_108 = arith.constant 640 : i32
    %mul3A_109 = arith.muli %arg1, %mul3A_108 : i32
    %mul3A_110 = arith.constant 16 : i32
    %mul3A_111 = arith.muli %mul3A_110, %arg0 : i32
    "tpu.region"() ({
      %run_scoped3A = tpu.sem_alloc : memref<!tpu.dma_semaphore, #tpu.memory_space<semaphore_mem>>
      %dma_start3A = tpu.memref_slice %arg4[%mul3A_109, %mul3A_111] : memref<10240x128xf32, #tpu.memory_space<hbm>> -> memref<640x16xf32, #tpu.memory_space<hbm>>
      %dma_start3A_112 = arith.constant 0 : i32
      %dma_start3A_113 = tpu.memref_slice %arg7[%mul3A_107, %dma_start3A_112] : memref<10240x16xf32, #tpu.memory_space<vmem_shared>> -> memref<640x16xf32, #tpu.memory_space<vmem_shared>>
      tpu.enqueue_dma source(%dma_start3A_113 : memref<640x16xf32, #tpu.memory_space<vmem_shared>>) target(%dma_start3A : memref<640x16xf32, #tpu.memory_space<hbm>>) target_semaphore(%run_scoped3A : memref<!tpu.dma_semaphore, #tpu.memory_space<semaphore_mem>>)
      %dma_wait3A_114 = tpu.memref_slice %arg4[%mul3A_109, %mul3A_111] : memref<10240x128xf32, #tpu.memory_space<hbm>> -> memref<640x16xf32, #tpu.memory_space<hbm>>
      %dma_wait3A_115 = arith.constant 0 : i32
      %dma_wait3A_116 = tpu.memref_slice %arg7[%mul3A_107, %dma_wait3A_115] : memref<10240x16xf32, #tpu.memory_space<vmem_shared>> -> memref<640x16xf32, #tpu.memory_space<vmem_shared>>
      tpu.wait_dma2 semaphore(%run_scoped3A : memref<!tpu.dma_semaphore, #tpu.memory_space<semaphore_mem>>) src(%dma_wait3A_116 : memref<640x16xf32, #tpu.memory_space<vmem_shared>>) dst(%dma_wait3A_114 : memref<640x16xf32, #tpu.memory_space<hbm>>)
      tpu.yield
    }) : () -> ()
    return
  }
}

#map = affine_map<(d0, d1) -> (0, 0)>
#map1 = affine_map<(d0, d1) -> (0, 0, 0)>
module attributes {stable_mosaic.version = 14 : i64} {
  func.func @k(%arg0: i32, %arg1: i32, %arg2: memref<10000x128xf32, #tpu.memory_space<hbm>>, %arg3: memref<2x2500x128xi32, #tpu.memory_space<hbm>>, %arg4: memref<60x128xi32, #tpu.memory_space<hbm>>, %arg5: memref<60x128xi32, #tpu.memory_space<hbm>>, %arg6: memref<10240x128xf32, #tpu.memory_space<hbm>>, %arg7: memref<160x128xi32, #tpu.memory_space<vmem>>, %arg8: memref<160x128xi32, #tpu.memory_space<vmem>>, %arg9: memref<8x128x32xf32, #tpu.memory_space<vmem>>, %arg10: memref<16x32xf32, #tpu.memory_space<vmem>>, %arg11: memref<640x16xf32, #tpu.memory_space<vmem>>, %arg12: memref<10240x32xf32, #tpu.memory_space<vmem_shared>>, %arg13: memref<10000x32xf32, #tpu.memory_space<vmem_shared>>, %arg14: memref<8x!tpu.dma_semaphore, #tpu.memory_space<semaphore_mem>>, %arg15: memref<8x!tpu.dma_semaphore, #tpu.memory_space<semaphore_mem>>) attributes {dimension_semantics = [#tpu.dimension_semantics<core_parallel>, #tpu.dimension_semantics<subcore_parallel>], iteration_bounds = array<i64: 2, 16>, scalar_prefetch = 0 : i64, scratch_operands = 9 : i64, tpu.core_type = #tpu.core_type<sc_vector_subcore>, window_params = [{transform_indices = #map}, {transform_indices = #map1}, {transform_indices = #map}, {transform_indices = #map}, {transform_indices = #map}]} {
    %mul3A = arith.constant 32 : i32
    %mul3A_0 = arith.muli %arg0, %mul3A : i32
    %lt3A = arith.constant 15 : i32
    %lt3A_1 = arith.cmpi slt, %arg1, %lt3A : i32
    %convert_element_type3A = arith.extui %lt3A_1 : i1 to i32
    %cond3A = arith.constant 0 : i32
    %cond3A_2 = arith.cmpi ne, %convert_element_type3A, %cond3A : i32
    scf.if %cond3A_2 {
      %mul3A_228 = arith.constant 160 : i32
      %mul3A_229 = arith.muli %arg1, %mul3A_228 : i32
      %run_scoped3A = arith.constant 0 : i32
      "tpu.region"() ({
        %run_scoped3A_233 = tpu.sem_alloc : memref<!tpu.dma_semaphore, #tpu.memory_space<semaphore_mem>>
        %dma_start3A_234 = arith.constant 0 : i32
        %dma_start3A_235 = tpu.memref_slice %arg3[%run_scoped3A, %mul3A_229, %dma_start3A_234] : memref<2x2500x128xi32, #tpu.memory_space<hbm>> -> memref<1x160x128xi32, #tpu.memory_space<hbm>>
        %dma_start3A_236 = tpu.memref_squeeze %dma_start3A_235 : memref<1x160x128xi32, #tpu.memory_space<hbm>> -> memref<160x128xi32, #tpu.memory_space<hbm>>
        %dma_start3A_237 = arith.constant 0 : i32
        %dma_start3A_238 = tpu.memref_slice %arg3[%run_scoped3A, %mul3A_229, %dma_start3A_237] : memref<2x2500x128xi32, #tpu.memory_space<hbm>> -> memref<1x160x128xi32, #tpu.memory_space<hbm>>
        %dma_start3A_239 = tpu.memref_squeeze %dma_start3A_238 : memref<1x160x128xi32, #tpu.memory_space<hbm>> -> memref<160x128xi32, #tpu.memory_space<hbm>>
        tpu.enqueue_dma source(%dma_start3A_239 : memref<160x128xi32, #tpu.memory_space<hbm>>) target(%arg7 : memref<160x128xi32, #tpu.memory_space<vmem>>) target_semaphore(%run_scoped3A_233 : memref<!tpu.dma_semaphore, #tpu.memory_space<semaphore_mem>>)
        %dma_wait3A_240 = arith.constant 0 : i32
        %dma_wait3A_241 = tpu.memref_slice %arg3[%run_scoped3A, %mul3A_229, %dma_wait3A_240] : memref<2x2500x128xi32, #tpu.memory_space<hbm>> -> memref<1x160x128xi32, #tpu.memory_space<hbm>>
        %dma_wait3A_242 = tpu.memref_squeeze %dma_wait3A_241 : memref<1x160x128xi32, #tpu.memory_space<hbm>> -> memref<160x128xi32, #tpu.memory_space<hbm>>
        %dma_wait3A_243 = arith.constant 0 : i32
        %dma_wait3A_244 = tpu.memref_slice %arg3[%run_scoped3A, %mul3A_229, %dma_wait3A_243] : memref<2x2500x128xi32, #tpu.memory_space<hbm>> -> memref<1x160x128xi32, #tpu.memory_space<hbm>>
        %dma_wait3A_245 = tpu.memref_squeeze %dma_wait3A_244 : memref<1x160x128xi32, #tpu.memory_space<hbm>> -> memref<160x128xi32, #tpu.memory_space<hbm>>
        tpu.wait_dma2 semaphore(%run_scoped3A_233 : memref<!tpu.dma_semaphore, #tpu.memory_space<semaphore_mem>>) src(%dma_wait3A_245 : memref<160x128xi32, #tpu.memory_space<hbm>>) dst(%arg7 : memref<160x128xi32, #tpu.memory_space<vmem>>)
        tpu.yield
      }) : () -> ()
      %mul3A_230 = arith.constant 160 : i32
      %mul3A_231 = arith.muli %arg1, %mul3A_230 : i32
      %run_scoped3A_232 = arith.constant 1 : i32
      "tpu.region"() ({
        %run_scoped3A_233 = tpu.sem_alloc : memref<!tpu.dma_semaphore, #tpu.memory_space<semaphore_mem>>
        %dma_start3A_234 = arith.constant 0 : i32
        %dma_start3A_235 = tpu.memref_slice %arg3[%run_scoped3A_232, %mul3A_231, %dma_start3A_234] : memref<2x2500x128xi32, #tpu.memory_space<hbm>> -> memref<1x160x128xi32, #tpu.memory_space<hbm>>
        %dma_start3A_236 = tpu.memref_squeeze %dma_start3A_235 : memref<1x160x128xi32, #tpu.memory_space<hbm>> -> memref<160x128xi32, #tpu.memory_space<hbm>>
        %dma_start3A_237 = arith.constant 0 : i32
        %dma_start3A_238 = tpu.memref_slice %arg3[%run_scoped3A_232, %mul3A_231, %dma_start3A_237] : memref<2x2500x128xi32, #tpu.memory_space<hbm>> -> memref<1x160x128xi32, #tpu.memory_space<hbm>>
        %dma_start3A_239 = tpu.memref_squeeze %dma_start3A_238 : memref<1x160x128xi32, #tpu.memory_space<hbm>> -> memref<160x128xi32, #tpu.memory_space<hbm>>
        tpu.enqueue_dma source(%dma_start3A_239 : memref<160x128xi32, #tpu.memory_space<hbm>>) target(%arg8 : memref<160x128xi32, #tpu.memory_space<vmem>>) target_semaphore(%run_scoped3A_233 : memref<!tpu.dma_semaphore, #tpu.memory_space<semaphore_mem>>)
        %dma_wait3A_240 = arith.constant 0 : i32
        %dma_wait3A_241 = tpu.memref_slice %arg3[%run_scoped3A_232, %mul3A_231, %dma_wait3A_240] : memref<2x2500x128xi32, #tpu.memory_space<hbm>> -> memref<1x160x128xi32, #tpu.memory_space<hbm>>
        %dma_wait3A_242 = tpu.memref_squeeze %dma_wait3A_241 : memref<1x160x128xi32, #tpu.memory_space<hbm>> -> memref<160x128xi32, #tpu.memory_space<hbm>>
        %dma_wait3A_243 = arith.constant 0 : i32
        %dma_wait3A_244 = tpu.memref_slice %arg3[%run_scoped3A_232, %mul3A_231, %dma_wait3A_243] : memref<2x2500x128xi32, #tpu.memory_space<hbm>> -> memref<1x160x128xi32, #tpu.memory_space<hbm>>
        %dma_wait3A_245 = tpu.memref_squeeze %dma_wait3A_244 : memref<1x160x128xi32, #tpu.memory_space<hbm>> -> memref<160x128xi32, #tpu.memory_space<hbm>>
        tpu.wait_dma2 semaphore(%run_scoped3A_233 : memref<!tpu.dma_semaphore, #tpu.memory_space<semaphore_mem>>) src(%dma_wait3A_245 : memref<160x128xi32, #tpu.memory_space<hbm>>) dst(%arg8 : memref<160x128xi32, #tpu.memory_space<vmem>>)
        tpu.yield
      }) : () -> ()
    } else {
    }
    %eq3A = arith.constant 15 : i32
    %eq3A_3 = arith.cmpi eq, %arg1, %eq3A : i32
    %convert_element_type3A_4 = arith.extui %eq3A_3 : i1 to i32
    %cond3A_5 = arith.constant 0 : i32
    %cond3A_6 = arith.cmpi ne, %convert_element_type3A_4, %cond3A_5 : i32
    scf.if %cond3A_6 {
      %run_scoped3A = arith.constant 0 : i32
      "tpu.region"() ({
        %run_scoped3A_229 = tpu.sem_alloc : memref<!tpu.dma_semaphore, #tpu.memory_space<semaphore_mem>>
        %dma_start3A_230 = arith.constant 0 : i32
        %dma_start3A_231 = arith.constant 0 : i32
        %dma_start3A_232 = tpu.memref_slice %arg7[%dma_start3A_230, %dma_start3A_231] : memref<160x128xi32, #tpu.memory_space<vmem>> -> memref<100x128xi32, #tpu.memory_space<vmem>>
        %dma_start3A_233 = arith.constant 2400 : i32
        %dma_start3A_234 = arith.constant 0 : i32
        %dma_start3A_235 = tpu.memref_slice %arg3[%run_scoped3A, %dma_start3A_233, %dma_start3A_234] : memref<2x2500x128xi32, #tpu.memory_space<hbm>> -> memref<1x100x128xi32, #tpu.memory_space<hbm>>
        %dma_start3A_236 = tpu.memref_squeeze %dma_start3A_235 : memref<1x100x128xi32, #tpu.memory_space<hbm>> -> memref<100x128xi32, #tpu.memory_space<hbm>>
        %dma_start3A_237 = arith.constant 0 : i32
        %dma_start3A_238 = arith.constant 0 : i32
        %dma_start3A_239 = tpu.memref_slice %arg7[%dma_start3A_237, %dma_start3A_238] : memref<160x128xi32, #tpu.memory_space<vmem>> -> memref<100x128xi32, #tpu.memory_space<vmem>>
        %dma_start3A_240 = arith.constant 2400 : i32
        %dma_start3A_241 = arith.constant 0 : i32
        %dma_start3A_242 = tpu.memref_slice %arg3[%run_scoped3A, %dma_start3A_240, %dma_start3A_241] : memref<2x2500x128xi32, #tpu.memory_space<hbm>> -> memref<1x100x128xi32, #tpu.memory_space<hbm>>
        %dma_start3A_243 = tpu.memref_squeeze %dma_start3A_242 : memref<1x100x128xi32, #tpu.memory_space<hbm>> -> memref<100x128xi32, #tpu.memory_space<hbm>>
        tpu.enqueue_dma source(%dma_start3A_243 : memref<100x128xi32, #tpu.memory_space<hbm>>) target(%dma_start3A_239 : memref<100x128xi32, #tpu.memory_space<vmem>>) target_semaphore(%run_scoped3A_229 : memref<!tpu.dma_semaphore, #tpu.memory_space<semaphore_mem>>)
        %dma_wait3A_244 = arith.constant 0 : i32
        %dma_wait3A_245 = arith.constant 0 : i32
        %dma_wait3A_246 = tpu.memref_slice %arg7[%dma_wait3A_244, %dma_wait3A_245] : memref<160x128xi32, #tpu.memory_space<vmem>> -> memref<100x128xi32, #tpu.memory_space<vmem>>
        %dma_wait3A_247 = arith.constant 2400 : i32
        %dma_wait3A_248 = arith.constant 0 : i32
        %dma_wait3A_249 = tpu.memref_slice %arg3[%run_scoped3A, %dma_wait3A_247, %dma_wait3A_248] : memref<2x2500x128xi32, #tpu.memory_space<hbm>> -> memref<1x100x128xi32, #tpu.memory_space<hbm>>
        %dma_wait3A_250 = tpu.memref_squeeze %dma_wait3A_249 : memref<1x100x128xi32, #tpu.memory_space<hbm>> -> memref<100x128xi32, #tpu.memory_space<hbm>>
        %dma_wait3A_251 = arith.constant 0 : i32
        %dma_wait3A_252 = arith.constant 0 : i32
        %dma_wait3A_253 = tpu.memref_slice %arg7[%dma_wait3A_251, %dma_wait3A_252] : memref<160x128xi32, #tpu.memory_space<vmem>> -> memref<100x128xi32, #tpu.memory_space<vmem>>
        %dma_wait3A_254 = arith.constant 2400 : i32
        %dma_wait3A_255 = arith.constant 0 : i32
        %dma_wait3A_256 = tpu.memref_slice %arg3[%run_scoped3A, %dma_wait3A_254, %dma_wait3A_255] : memref<2x2500x128xi32, #tpu.memory_space<hbm>> -> memref<1x100x128xi32, #tpu.memory_space<hbm>>
        %dma_wait3A_257 = tpu.memref_squeeze %dma_wait3A_256 : memref<1x100x128xi32, #tpu.memory_space<hbm>> -> memref<100x128xi32, #tpu.memory_space<hbm>>
        tpu.wait_dma2 semaphore(%run_scoped3A_229 : memref<!tpu.dma_semaphore, #tpu.memory_space<semaphore_mem>>) src(%dma_wait3A_257 : memref<100x128xi32, #tpu.memory_space<hbm>>) dst(%dma_wait3A_253 : memref<100x128xi32, #tpu.memory_space<vmem>>)
        tpu.yield
      }) : () -> ()
      %run_scoped3A_228 = arith.constant 1 : i32
      "tpu.region"() ({
        %run_scoped3A_229 = tpu.sem_alloc : memref<!tpu.dma_semaphore, #tpu.memory_space<semaphore_mem>>
        %dma_start3A_230 = arith.constant 0 : i32
        %dma_start3A_231 = arith.constant 0 : i32
        %dma_start3A_232 = tpu.memref_slice %arg8[%dma_start3A_230, %dma_start3A_231] : memref<160x128xi32, #tpu.memory_space<vmem>> -> memref<100x128xi32, #tpu.memory_space<vmem>>
        %dma_start3A_233 = arith.constant 2400 : i32
        %dma_start3A_234 = arith.constant 0 : i32
        %dma_start3A_235 = tpu.memref_slice %arg3[%run_scoped3A_228, %dma_start3A_233, %dma_start3A_234] : memref<2x2500x128xi32, #tpu.memory_space<hbm>> -> memref<1x100x128xi32, #tpu.memory_space<hbm>>
        %dma_start3A_236 = tpu.memref_squeeze %dma_start3A_235 : memref<1x100x128xi32, #tpu.memory_space<hbm>> -> memref<100x128xi32, #tpu.memory_space<hbm>>
        %dma_start3A_237 = arith.constant 0 : i32
        %dma_start3A_238 = arith.constant 0 : i32
        %dma_start3A_239 = tpu.memref_slice %arg8[%dma_start3A_237, %dma_start3A_238] : memref<160x128xi32, #tpu.memory_space<vmem>> -> memref<100x128xi32, #tpu.memory_space<vmem>>
        %dma_start3A_240 = arith.constant 2400 : i32
        %dma_start3A_241 = arith.constant 0 : i32
        %dma_start3A_242 = tpu.memref_slice %arg3[%run_scoped3A_228, %dma_start3A_240, %dma_start3A_241] : memref<2x2500x128xi32, #tpu.memory_space<hbm>> -> memref<1x100x128xi32, #tpu.memory_space<hbm>>
        %dma_start3A_243 = tpu.memref_squeeze %dma_start3A_242 : memref<1x100x128xi32, #tpu.memory_space<hbm>> -> memref<100x128xi32, #tpu.memory_space<hbm>>
        tpu.enqueue_dma source(%dma_start3A_243 : memref<100x128xi32, #tpu.memory_space<hbm>>) target(%dma_start3A_239 : memref<100x128xi32, #tpu.memory_space<vmem>>) target_semaphore(%run_scoped3A_229 : memref<!tpu.dma_semaphore, #tpu.memory_space<semaphore_mem>>)
        %dma_wait3A_244 = arith.constant 0 : i32
        %dma_wait3A_245 = arith.constant 0 : i32
        %dma_wait3A_246 = tpu.memref_slice %arg8[%dma_wait3A_244, %dma_wait3A_245] : memref<160x128xi32, #tpu.memory_space<vmem>> -> memref<100x128xi32, #tpu.memory_space<vmem>>
        %dma_wait3A_247 = arith.constant 2400 : i32
        %dma_wait3A_248 = arith.constant 0 : i32
        %dma_wait3A_249 = tpu.memref_slice %arg3[%run_scoped3A_228, %dma_wait3A_247, %dma_wait3A_248] : memref<2x2500x128xi32, #tpu.memory_space<hbm>> -> memref<1x100x128xi32, #tpu.memory_space<hbm>>
        %dma_wait3A_250 = tpu.memref_squeeze %dma_wait3A_249 : memref<1x100x128xi32, #tpu.memory_space<hbm>> -> memref<100x128xi32, #tpu.memory_space<hbm>>
        %dma_wait3A_251 = arith.constant 0 : i32
        %dma_wait3A_252 = arith.constant 0 : i32
        %dma_wait3A_253 = tpu.memref_slice %arg8[%dma_wait3A_251, %dma_wait3A_252] : memref<160x128xi32, #tpu.memory_space<vmem>> -> memref<100x128xi32, #tpu.memory_space<vmem>>
        %dma_wait3A_254 = arith.constant 2400 : i32
        %dma_wait3A_255 = arith.constant 0 : i32
        %dma_wait3A_256 = tpu.memref_slice %arg3[%run_scoped3A_228, %dma_wait3A_254, %dma_wait3A_255] : memref<2x2500x128xi32, #tpu.memory_space<hbm>> -> memref<1x100x128xi32, #tpu.memory_space<hbm>>
        %dma_wait3A_257 = tpu.memref_squeeze %dma_wait3A_256 : memref<1x100x128xi32, #tpu.memory_space<hbm>> -> memref<100x128xi32, #tpu.memory_space<hbm>>
        tpu.wait_dma2 semaphore(%run_scoped3A_229 : memref<!tpu.dma_semaphore, #tpu.memory_space<semaphore_mem>>) src(%dma_wait3A_257 : memref<100x128xi32, #tpu.memory_space<hbm>>) dst(%dma_wait3A_253 : memref<100x128xi32, #tpu.memory_space<vmem>>)
        tpu.yield
      }) : () -> ()
      "tpu.region"() ({
        %run_scoped3A_229 = tpu.sem_alloc : memref<!tpu.dma_semaphore, #tpu.memory_space<semaphore_mem>>
        %dma_start3A_230 = arith.constant 100 : i32
        %dma_start3A_231 = arith.constant 0 : i32
        %dma_start3A_232 = tpu.memref_slice %arg7[%dma_start3A_230, %dma_start3A_231] : memref<160x128xi32, #tpu.memory_space<vmem>> -> memref<60x128xi32, #tpu.memory_space<vmem>>
        %dma_start3A_233 = arith.constant 100 : i32
        %dma_start3A_234 = arith.constant 0 : i32
        %dma_start3A_235 = tpu.memref_slice %arg7[%dma_start3A_233, %dma_start3A_234] : memref<160x128xi32, #tpu.memory_space<vmem>> -> memref<60x128xi32, #tpu.memory_space<vmem>>
        tpu.enqueue_dma source(%arg4 : memref<60x128xi32, #tpu.memory_space<hbm>>) target(%dma_start3A_235 : memref<60x128xi32, #tpu.memory_space<vmem>>) target_semaphore(%run_scoped3A_229 : memref<!tpu.dma_semaphore, #tpu.memory_space<semaphore_mem>>)
        %dma_wait3A_236 = arith.constant 100 : i32
        %dma_wait3A_237 = arith.constant 0 : i32
        %dma_wait3A_238 = tpu.memref_slice %arg7[%dma_wait3A_236, %dma_wait3A_237] : memref<160x128xi32, #tpu.memory_space<vmem>> -> memref<60x128xi32, #tpu.memory_space<vmem>>
        %dma_wait3A_239 = arith.constant 100 : i32
        %dma_wait3A_240 = arith.constant 0 : i32
        %dma_wait3A_241 = tpu.memref_slice %arg7[%dma_wait3A_239, %dma_wait3A_240] : memref<160x128xi32, #tpu.memory_space<vmem>> -> memref<60x128xi32, #tpu.memory_space<vmem>>
        tpu.wait_dma2 semaphore(%run_scoped3A_229 : memref<!tpu.dma_semaphore, #tpu.memory_space<semaphore_mem>>) src(%arg4 : memref<60x128xi32, #tpu.memory_space<hbm>>) dst(%dma_wait3A_241 : memref<60x128xi32, #tpu.memory_space<vmem>>)
        tpu.yield
      }) : () -> ()
      "tpu.region"() ({
        %run_scoped3A_229 = tpu.sem_alloc : memref<!tpu.dma_semaphore, #tpu.memory_space<semaphore_mem>>
        %dma_start3A_230 = arith.constant 100 : i32
        %dma_start3A_231 = arith.constant 0 : i32
        %dma_start3A_232 = tpu.memref_slice %arg8[%dma_start3A_230, %dma_start3A_231] : memref<160x128xi32, #tpu.memory_space<vmem>> -> memref<60x128xi32, #tpu.memory_space<vmem>>
        %dma_start3A_233 = arith.constant 100 : i32
        %dma_start3A_234 = arith.constant 0 : i32
        %dma_start3A_235 = tpu.memref_slice %arg8[%dma_start3A_233, %dma_start3A_234] : memref<160x128xi32, #tpu.memory_space<vmem>> -> memref<60x128xi32, #tpu.memory_space<vmem>>
        tpu.enqueue_dma source(%arg5 : memref<60x128xi32, #tpu.memory_space<hbm>>) target(%dma_start3A_235 : memref<60x128xi32, #tpu.memory_space<vmem>>) target_semaphore(%run_scoped3A_229 : memref<!tpu.dma_semaphore, #tpu.memory_space<semaphore_mem>>)
        %dma_wait3A_236 = arith.constant 100 : i32
        %dma_wait3A_237 = arith.constant 0 : i32
        %dma_wait3A_238 = tpu.memref_slice %arg8[%dma_wait3A_236, %dma_wait3A_237] : memref<160x128xi32, #tpu.memory_space<vmem>> -> memref<60x128xi32, #tpu.memory_space<vmem>>
        %dma_wait3A_239 = arith.constant 100 : i32
        %dma_wait3A_240 = arith.constant 0 : i32
        %dma_wait3A_241 = tpu.memref_slice %arg8[%dma_wait3A_239, %dma_wait3A_240] : memref<160x128xi32, #tpu.memory_space<vmem>> -> memref<60x128xi32, #tpu.memory_space<vmem>>
        tpu.wait_dma2 semaphore(%run_scoped3A_229 : memref<!tpu.dma_semaphore, #tpu.memory_space<semaphore_mem>>) src(%arg5 : memref<60x128xi32, #tpu.memory_space<hbm>>) dst(%dma_wait3A_241 : memref<60x128xi32, #tpu.memory_space<vmem>>)
        tpu.yield
      }) : () -> ()
    } else {
    }
    %mul3A_7 = arith.constant 625 : i32
    %mul3A_8 = arith.muli %arg1, %mul3A_7 : i32
    %mul3A_9 = arith.constant 625 : i32
    %mul3A_10 = arith.muli %arg1, %mul3A_9 : i32
    "tpu.region"() ({
      %run_scoped3A = tpu.sem_alloc : memref<!tpu.dma_semaphore, #tpu.memory_space<semaphore_mem>>
      %dma_start3A_228 = arith.constant 0 : i32
      %dma_start3A_229 = tpu.memref_slice %arg13[%mul3A_10, %dma_start3A_228] : memref<10000x32xf32, #tpu.memory_space<vmem_shared>> -> memref<625x32xf32, #tpu.memory_space<vmem_shared>>
      %dma_start3A_230 = tpu.memref_slice %arg2[%mul3A_8, %mul3A_0] : memref<10000x128xf32, #tpu.memory_space<hbm>> -> memref<625x32xf32, #tpu.memory_space<hbm>>
      tpu.enqueue_dma source(%dma_start3A_230 : memref<625x32xf32, #tpu.memory_space<hbm>>) target(%dma_start3A_229 : memref<625x32xf32, #tpu.memory_space<vmem_shared>>) target_semaphore(%run_scoped3A : memref<!tpu.dma_semaphore, #tpu.memory_space<semaphore_mem>>)
      %dma_wait3A_231 = arith.constant 0 : i32
      %dma_wait3A_232 = tpu.memref_slice %arg13[%mul3A_10, %dma_wait3A_231] : memref<10000x32xf32, #tpu.memory_space<vmem_shared>> -> memref<625x32xf32, #tpu.memory_space<vmem_shared>>
      %dma_wait3A_233 = tpu.memref_slice %arg2[%mul3A_8, %mul3A_0] : memref<10000x128xf32, #tpu.memory_space<hbm>> -> memref<625x32xf32, #tpu.memory_space<hbm>>
      tpu.wait_dma2 semaphore(%run_scoped3A : memref<!tpu.dma_semaphore, #tpu.memory_space<semaphore_mem>>) src(%dma_wait3A_233 : memref<625x32xf32, #tpu.memory_space<hbm>>) dst(%dma_wait3A_232 : memref<625x32xf32, #tpu.memory_space<vmem_shared>>)
      tpu.yield
    }) : () -> ()
    %scan3A = arith.constant 0 : i32
    %scan3A_11 = arith.constant 16 : i32
    %scan3A_12 = arith.addi %scan3A, %scan3A_11 : i32
    %scan3A_13 = arith.constant 1 : i32
    scf.for %scan3A_228 = %scan3A to %scan3A_12 step %scan3A_13  : i32 {
      %mul3A_229 = arith.constant 1 : i32
      %mul3A_230 = arith.muli %scan3A_228, %mul3A_229 : i32
      %add3A = arith.constant 0 : i32
      %add3A_231 = arith.addi %add3A, %mul3A_230 : i32
      %scan3A_232 = arith.constant 0 : i32
      %scan3A_233 = arith.constant 2 : i32
      %scan3A_234 = arith.addi %scan3A_232, %scan3A_233 : i32
      %scan3A_235 = arith.constant 1 : i32
      scf.for %scan3A_237 = %scan3A_232 to %scan3A_234 step %scan3A_235  : i32 {
        %mul3A_238 = arith.constant 1 : i32
        %mul3A_239 = arith.muli %scan3A_237, %mul3A_238 : i32
        %add3A_240 = arith.constant 0 : i32
        %add3A_241 = arith.addi %add3A_240, %mul3A_239 : i32
        %broadcast_in_dim3A = arith.constant 0.000000e+00 : f32
        %broadcast_in_dim3A_242 = vector.broadcast %broadcast_in_dim3A : f32 to vector<16xf32>
        %mul3A_243 = arith.constant 16 : i32
        %mul3A_244 = arith.muli %add3A_241, %mul3A_243 : i32
        %swap3A = arith.index_cast %add3A_231 : i32 to index
        %swap3A_245 = arith.index_cast %mul3A_244 : i32 to index
        %swap3A_246 = tpu.vector_load %arg10[%swap3A, %swap3A_245] {strides = array<i32>} : memref<16x32xf32, #tpu.memory_space<vmem>>, vector<1x16xf32>,
        %swap3A_247 = vector.shape_cast %swap3A_246 : vector<1x16xf32> to vector<16xf32>
        %swap3A_248 = vector.shape_cast %broadcast_in_dim3A_242 : vector<16xf32> to vector<1x16xf32>
        tpu.vector_store %arg10[%swap3A, %swap3A_245], %swap3A_248 {strides = array<i32>} : memref<16x32xf32, #tpu.memory_space<vmem>>, vector<1x16xf32>,
      }
      %scan3A_236 = arith.constant 2 : i32
    }
    %scan3A_14 = arith.constant 16 : i32
    %lt3A_15 = arith.constant 15 : i32
    %lt3A_16 = arith.cmpi slt, %arg1, %lt3A_15 : i32
    %convert_element_type3A_17 = arith.extui %lt3A_16 : i1 to i32
    %cond3A_18 = arith.constant 0 : i32
    %cond3A_19 = arith.cmpi ne, %convert_element_type3A_17, %cond3A_18 : i32
    scf.if %cond3A_19 {
      %mul3A_228 = arith.constant 640 : i32
      %mul3A_229 = arith.muli %arg1, %mul3A_228 : i32
      %mul3A_230 = arith.constant 640 : i32
      %mul3A_231 = arith.muli %arg1, %mul3A_230 : i32
      "tpu.region"() ({
        %run_scoped3A = tpu.sem_alloc : memref<!tpu.dma_semaphore, #tpu.memory_space<semaphore_mem>>
        %dma_start3A_232 = arith.constant 0 : i32
        %dma_start3A_233 = tpu.memref_slice %arg12[%mul3A_231, %dma_start3A_232] : memref<10240x32xf32, #tpu.memory_space<vmem_shared>> -> memref<640x32xf32, #tpu.memory_space<vmem_shared>>
        %dma_start3A_234 = tpu.memref_slice %arg2[%mul3A_229, %mul3A_0] : memref<10000x128xf32, #tpu.memory_space<hbm>> -> memref<640x32xf32, #tpu.memory_space<hbm>>
        tpu.enqueue_dma source(%dma_start3A_234 : memref<640x32xf32, #tpu.memory_space<hbm>>) target(%dma_start3A_233 : memref<640x32xf32, #tpu.memory_space<vmem_shared>>) target_semaphore(%run_scoped3A : memref<!tpu.dma_semaphore, #tpu.memory_space<semaphore_mem>>)
        %dma_wait3A_235 = arith.constant 0 : i32
        %dma_wait3A_236 = tpu.memref_slice %arg12[%mul3A_231, %dma_wait3A_235] : memref<10240x32xf32, #tpu.memory_space<vmem_shared>> -> memref<640x32xf32, #tpu.memory_space<vmem_shared>>
        %dma_wait3A_237 = tpu.memref_slice %arg2[%mul3A_229, %mul3A_0] : memref<10000x128xf32, #tpu.memory_space<hbm>> -> memref<640x32xf32, #tpu.memory_space<hbm>>
        tpu.wait_dma2 semaphore(%run_scoped3A : memref<!tpu.dma_semaphore, #tpu.memory_space<semaphore_mem>>) src(%dma_wait3A_237 : memref<640x32xf32, #tpu.memory_space<hbm>>) dst(%dma_wait3A_236 : memref<640x32xf32, #tpu.memory_space<vmem_shared>>)
        tpu.yield
      }) : () -> ()
    } else {
    }
    %eq3A_20 = arith.constant 15 : i32
    %eq3A_21 = arith.cmpi eq, %arg1, %eq3A_20 : i32
    %convert_element_type3A_22 = arith.extui %eq3A_21 : i1 to i32
    %cond3A_23 = arith.constant 0 : i32
    %cond3A_24 = arith.cmpi ne, %convert_element_type3A_22, %cond3A_23 : i32
    scf.if %cond3A_24 {
      "tpu.region"() ({
        %run_scoped3A = tpu.sem_alloc : memref<!tpu.dma_semaphore, #tpu.memory_space<semaphore_mem>>
        %dma_start3A_233 = arith.constant 9600 : i32
        %dma_start3A_234 = arith.constant 0 : i32
        %dma_start3A_235 = tpu.memref_slice %arg12[%dma_start3A_233, %dma_start3A_234] : memref<10240x32xf32, #tpu.memory_space<vmem_shared>> -> memref<400x32xf32, #tpu.memory_space<vmem_shared>>
        %dma_start3A_236 = arith.constant 9600 : i32
        %dma_start3A_237 = tpu.memref_slice %arg2[%dma_start3A_236, %mul3A_0] : memref<10000x128xf32, #tpu.memory_space<hbm>> -> memref<400x32xf32, #tpu.memory_space<hbm>>
        tpu.enqueue_dma source(%dma_start3A_237 : memref<400x32xf32, #tpu.memory_space<hbm>>) target(%dma_start3A_235 : memref<400x32xf32, #tpu.memory_space<vmem_shared>>) target_semaphore(%run_scoped3A : memref<!tpu.dma_semaphore, #tpu.memory_space<semaphore_mem>>)
        %dma_wait3A_238 = arith.constant 9600 : i32
        %dma_wait3A_239 = arith.constant 0 : i32
        %dma_wait3A_240 = tpu.memref_slice %arg12[%dma_wait3A_238, %dma_wait3A_239] : memref<10240x32xf32, #tpu.memory_space<vmem_shared>> -> memref<400x32xf32, #tpu.memory_space<vmem_shared>>
        %dma_wait3A_241 = arith.constant 9600 : i32
        %dma_wait3A_242 = tpu.memref_slice %arg2[%dma_wait3A_241, %mul3A_0] : memref<10000x128xf32, #tpu.memory_space<hbm>> -> memref<400x32xf32, #tpu.memory_space<hbm>>
        tpu.wait_dma2 semaphore(%run_scoped3A : memref<!tpu.dma_semaphore, #tpu.memory_space<semaphore_mem>>) src(%dma_wait3A_242 : memref<400x32xf32, #tpu.memory_space<hbm>>) dst(%dma_wait3A_240 : memref<400x32xf32, #tpu.memory_space<vmem_shared>>)
        tpu.yield
      }) : () -> ()
      %scan3A_228 = arith.constant 0 : i32
      %scan3A_229 = arith.constant 15 : i32
      %scan3A_230 = arith.addi %scan3A_228, %scan3A_229 : i32
      %scan3A_231 = arith.constant 1 : i32
      scf.for %scan3A_233 = %scan3A_228 to %scan3A_230 step %scan3A_231  : i32 {
        %mul3A_234 = arith.constant 16 : i32
        %mul3A_235 = arith.muli %scan3A_233, %mul3A_234 : i32
        %add3A = arith.constant 10000 : i32
        %add3A_236 = arith.addi %add3A, %mul3A_235 : i32
        "tpu.region"() ({
          %run_scoped3A = tpu.sem_alloc : memref<!tpu.dma_semaphore, #tpu.memory_space<semaphore_mem>>
          %dma_start3A_237 = arith.constant 0 : i32
          %dma_start3A_238 = tpu.memref_slice %arg12[%add3A_236, %dma_start3A_237] : memref<10240x32xf32, #tpu.memory_space<vmem_shared>> -> memref<16x32xf32, #tpu.memory_space<vmem_shared>>
          %dma_start3A_239 = arith.constant 0 : i32
          %dma_start3A_240 = tpu.memref_slice %arg12[%add3A_236, %dma_start3A_239] : memref<10240x32xf32, #tpu.memory_space<vmem_shared>> -> memref<16x32xf32, #tpu.memory_space<vmem_shared>>
          tpu.enqueue_dma source(%arg10 : memref<16x32xf32, #tpu.memory_space<vmem>>) target(%dma_start3A_240 : memref<16x32xf32, #tpu.memory_space<vmem_shared>>) target_semaphore(%run_scoped3A : memref<!tpu.dma_semaphore, #tpu.memory_space<semaphore_mem>>)
          %dma_wait3A_241 = arith.constant 0 : i32
          %dma_wait3A_242 = tpu.memref_slice %arg12[%add3A_236, %dma_wait3A_241] : memref<10240x32xf32, #tpu.memory_space<vmem_shared>> -> memref<16x32xf32, #tpu.memory_space<vmem_shared>>
          %dma_wait3A_243 = arith.constant 0 : i32
          %dma_wait3A_244 = tpu.memref_slice %arg12[%add3A_236, %dma_wait3A_243] : memref<10240x32xf32, #tpu.memory_space<vmem_shared>> -> memref<16x32xf32, #tpu.memory_space<vmem_shared>>
          tpu.wait_dma2 semaphore(%run_scoped3A : memref<!tpu.dma_semaphore, #tpu.memory_space<semaphore_mem>>) src(%arg10 : memref<16x32xf32, #tpu.memory_space<vmem>>) dst(%dma_wait3A_244 : memref<16x32xf32, #tpu.memory_space<vmem_shared>>)
          tpu.yield
        }) : () -> ()
      }
      %scan3A_232 = arith.constant 15 : i32
    } else {
    }
    %eq3A_25 = arith.constant 0 : i32
    %eq3A_26 = arith.cmpi eq, %arg0, %eq3A_25 : i32
    %lt3A_27 = arith.constant 15 : i32
    %lt3A_28 = arith.cmpi slt, %arg1, %lt3A_27 : i32
    %and3A = arith.andi %eq3A_26, %lt3A_28 : i1
    %convert_element_type3A_29 = arith.extui %and3A : i1 to i32
    %cond3A_30 = arith.constant 0 : i32
    %cond3A_31 = arith.cmpi ne, %convert_element_type3A_29, %cond3A_30 : i32
    scf.if %cond3A_31 {
      %mul3A_228 = arith.constant 640 : i32
      %mul3A_229 = arith.muli %arg1, %mul3A_228 : i32
      "tpu.region"() ({
        %run_scoped3A = tpu.sem_alloc : memref<!tpu.dma_semaphore, #tpu.memory_space<semaphore_mem>>
        %dma_start3A_232 = arith.constant 64 : i32
        %dma_start3A_233 = tpu.memref_slice %arg2[%mul3A_229, %dma_start3A_232] : memref<10000x128xf32, #tpu.memory_space<hbm>> -> memref<640x16xf32, #tpu.memory_space<hbm>>
        %dma_start3A_234 = arith.constant 64 : i32
        %dma_start3A_235 = tpu.memref_slice %arg2[%mul3A_229, %dma_start3A_234] : memref<10000x128xf32, #tpu.memory_space<hbm>> -> memref<640x16xf32, #tpu.memory_space<hbm>>
        tpu.enqueue_dma source(%dma_start3A_235 : memref<640x16xf32, #tpu.memory_space<hbm>>) target(%arg11 : memref<640x16xf32, #tpu.memory_space<vmem>>) target_semaphore(%run_scoped3A : memref<!tpu.dma_semaphore, #tpu.memory_space<semaphore_mem>>)
        %dma_wait3A_236 = arith.constant 64 : i32
        %dma_wait3A_237 = tpu.memref_slice %arg2[%mul3A_229, %dma_wait3A_236] : memref<10000x128xf32, #tpu.memory_space<hbm>> -> memref<640x16xf32, #tpu.memory_space<hbm>>
        %dma_wait3A_238 = arith.constant 64 : i32
        %dma_wait3A_239 = tpu.memref_slice %arg2[%mul3A_229, %dma_wait3A_238] : memref<10000x128xf32, #tpu.memory_space<hbm>> -> memref<640x16xf32, #tpu.memory_space<hbm>>
        tpu.wait_dma2 semaphore(%run_scoped3A : memref<!tpu.dma_semaphore, #tpu.memory_space<semaphore_mem>>) src(%dma_wait3A_239 : memref<640x16xf32, #tpu.memory_space<hbm>>) dst(%arg11 : memref<640x16xf32, #tpu.memory_space<vmem>>)
        tpu.yield
      }) : () -> ()
      %mul3A_230 = arith.constant 640 : i32
      %mul3A_231 = arith.muli %arg1, %mul3A_230 : i32
      "tpu.region"() ({
        %run_scoped3A = tpu.sem_alloc : memref<!tpu.dma_semaphore, #tpu.memory_space<semaphore_mem>>
        %dma_start3A_232 = arith.constant 64 : i32
        %dma_start3A_233 = tpu.memref_slice %arg6[%mul3A_231, %dma_start3A_232] : memref<10240x128xf32, #tpu.memory_space<hbm>> -> memref<640x16xf32, #tpu.memory_space<hbm>>
        %dma_start3A_234 = arith.constant 64 : i32
        %dma_start3A_235 = tpu.memref_slice %arg6[%mul3A_231, %dma_start3A_234] : memref<10240x128xf32, #tpu.memory_space<hbm>> -> memref<640x16xf32, #tpu.memory_space<hbm>>
        tpu.enqueue_dma source(%arg11 : memref<640x16xf32, #tpu.memory_space<vmem>>) target(%dma_start3A_235 : memref<640x16xf32, #tpu.memory_space<hbm>>) target_semaphore(%run_scoped3A : memref<!tpu.dma_semaphore, #tpu.memory_space<semaphore_mem>>)
        %dma_wait3A_236 = arith.constant 64 : i32
        %dma_wait3A_237 = tpu.memref_slice %arg6[%mul3A_231, %dma_wait3A_236] : memref<10240x128xf32, #tpu.memory_space<hbm>> -> memref<640x16xf32, #tpu.memory_space<hbm>>
        %dma_wait3A_238 = arith.constant 64 : i32
        %dma_wait3A_239 = tpu.memref_slice %arg6[%mul3A_231, %dma_wait3A_238] : memref<10240x128xf32, #tpu.memory_space<hbm>> -> memref<640x16xf32, #tpu.memory_space<hbm>>
        tpu.wait_dma2 semaphore(%run_scoped3A : memref<!tpu.dma_semaphore, #tpu.memory_space<semaphore_mem>>) src(%arg11 : memref<640x16xf32, #tpu.memory_space<vmem>>) dst(%dma_wait3A_239 : memref<640x16xf32, #tpu.memory_space<hbm>>)
        tpu.yield
      }) : () -> ()
    } else {
    }
    %eq3A_32 = arith.constant 0 : i32
    %eq3A_33 = arith.cmpi eq, %arg0, %eq3A_32 : i32
    %eq3A_34 = arith.constant 15 : i32
    %eq3A_35 = arith.cmpi eq, %arg1, %eq3A_34 : i32
    %and3A_36 = arith.andi %eq3A_33, %eq3A_35 : i1
    %convert_element_type3A_37 = arith.extui %and3A_36 : i1 to i32
    %cond3A_38 = arith.constant 0 : i32
    %cond3A_39 = arith.cmpi ne, %convert_element_type3A_37, %cond3A_38 : i32
    scf.if %cond3A_39 {
      "tpu.region"() ({
        %run_scoped3A = tpu.sem_alloc : memref<!tpu.dma_semaphore, #tpu.memory_space<semaphore_mem>>
        %dma_start3A_228 = arith.constant 0 : i32
        %dma_start3A_229 = arith.constant 0 : i32
        %dma_start3A_230 = tpu.memref_slice %arg11[%dma_start3A_228, %dma_start3A_229] : memref<640x16xf32, #tpu.memory_space<vmem>> -> memref<400x16xf32, #tpu.memory_space<vmem>>
        %dma_start3A_231 = arith.constant 9600 : i32
        %dma_start3A_232 = arith.constant 64 : i32
        %dma_start3A_233 = tpu.memref_slice %arg2[%dma_start3A_231, %dma_start3A_232] : memref<10000x128xf32, #tpu.memory_space<hbm>> -> memref<400x16xf32, #tpu.memory_space<hbm>>
        %dma_start3A_234 = arith.constant 0 : i32
        %dma_start3A_235 = arith.constant 0 : i32
        %dma_start3A_236 = tpu.memref_slice %arg11[%dma_start3A_234, %dma_start3A_235] : memref<640x16xf32, #tpu.memory_space<vmem>> -> memref<400x16xf32, #tpu.memory_space<vmem>>
        %dma_start3A_237 = arith.constant 9600 : i32
        %dma_start3A_238 = arith.constant 64 : i32
        %dma_start3A_239 = tpu.memref_slice %arg2[%dma_start3A_237, %dma_start3A_238] : memref<10000x128xf32, #tpu.memory_space<hbm>> -> memref<400x16xf32, #tpu.memory_space<hbm>>
        tpu.enqueue_dma source(%dma_start3A_239 : memref<400x16xf32, #tpu.memory_space<hbm>>) target(%dma_start3A_236 : memref<400x16xf32, #tpu.memory_space<vmem>>) target_semaphore(%run_scoped3A : memref<!tpu.dma_semaphore, #tpu.memory_space<semaphore_mem>>)
        %dma_wait3A_240 = arith.constant 0 : i32
        %dma_wait3A_241 = arith.constant 0 : i32
        %dma_wait3A_242 = tpu.memref_slice %arg11[%dma_wait3A_240, %dma_wait3A_241] : memref<640x16xf32, #tpu.memory_space<vmem>> -> memref<400x16xf32, #tpu.memory_space<vmem>>
        %dma_wait3A_243 = arith.constant 9600 : i32
        %dma_wait3A_244 = arith.constant 64 : i32
        %dma_wait3A_245 = tpu.memref_slice %arg2[%dma_wait3A_243, %dma_wait3A_244] : memref<10000x128xf32, #tpu.memory_space<hbm>> -> memref<400x16xf32, #tpu.memory_space<hbm>>
        %dma_wait3A_246 = arith.constant 0 : i32
        %dma_wait3A_247 = arith.constant 0 : i32
        %dma_wait3A_248 = tpu.memref_slice %arg11[%dma_wait3A_246, %dma_wait3A_247] : memref<640x16xf32, #tpu.memory_space<vmem>> -> memref<400x16xf32, #tpu.memory_space<vmem>>
        %dma_wait3A_249 = arith.constant 9600 : i32
        %dma_wait3A_250 = arith.constant 64 : i32
        %dma_wait3A_251 = tpu.memref_slice %arg2[%dma_wait3A_249, %dma_wait3A_250] : memref<10000x128xf32, #tpu.memory_space<hbm>> -> memref<400x16xf32, #tpu.memory_space<hbm>>
        tpu.wait_dma2 semaphore(%run_scoped3A : memref<!tpu.dma_semaphore, #tpu.memory_space<semaphore_mem>>) src(%dma_wait3A_251 : memref<400x16xf32, #tpu.memory_space<hbm>>) dst(%dma_wait3A_248 : memref<400x16xf32, #tpu.memory_space<vmem>>)
        tpu.yield
      }) : () -> ()
      "tpu.region"() ({
        %run_scoped3A = tpu.sem_alloc : memref<!tpu.dma_semaphore, #tpu.memory_space<semaphore_mem>>
        %dma_start3A_228 = arith.constant 0 : i32
        %dma_start3A_229 = arith.constant 0 : i32
        %dma_start3A_230 = tpu.memref_slice %arg11[%dma_start3A_228, %dma_start3A_229] : memref<640x16xf32, #tpu.memory_space<vmem>> -> memref<400x16xf32, #tpu.memory_space<vmem>>
        %dma_start3A_231 = arith.constant 9600 : i32
        %dma_start3A_232 = arith.constant 64 : i32
        %dma_start3A_233 = tpu.memref_slice %arg6[%dma_start3A_231, %dma_start3A_232] : memref<10240x128xf32, #tpu.memory_space<hbm>> -> memref<400x16xf32, #tpu.memory_space<hbm>>
        %dma_start3A_234 = arith.constant 9600 : i32
        %dma_start3A_235 = arith.constant 64 : i32
        %dma_start3A_236 = tpu.memref_slice %arg6[%dma_start3A_234, %dma_start3A_235] : memref<10240x128xf32, #tpu.memory_space<hbm>> -> memref<400x16xf32, #tpu.memory_space<hbm>>
        %dma_start3A_237 = arith.constant 0 : i32
        %dma_start3A_238 = arith.constant 0 : i32
        %dma_start3A_239 = tpu.memref_slice %arg11[%dma_start3A_237, %dma_start3A_238] : memref<640x16xf32, #tpu.memory_space<vmem>> -> memref<400x16xf32, #tpu.memory_space<vmem>>
        tpu.enqueue_dma source(%dma_start3A_239 : memref<400x16xf32, #tpu.memory_space<vmem>>) target(%dma_start3A_236 : memref<400x16xf32, #tpu.memory_space<hbm>>) target_semaphore(%run_scoped3A : memref<!tpu.dma_semaphore, #tpu.memory_space<semaphore_mem>>)
        %dma_wait3A_240 = arith.constant 0 : i32
        %dma_wait3A_241 = arith.constant 0 : i32
        %dma_wait3A_242 = tpu.memref_slice %arg11[%dma_wait3A_240, %dma_wait3A_241] : memref<640x16xf32, #tpu.memory_space<vmem>> -> memref<400x16xf32, #tpu.memory_space<vmem>>
        %dma_wait3A_243 = arith.constant 9600 : i32
        %dma_wait3A_244 = arith.constant 64 : i32
        %dma_wait3A_245 = tpu.memref_slice %arg6[%dma_wait3A_243, %dma_wait3A_244] : memref<10240x128xf32, #tpu.memory_space<hbm>> -> memref<400x16xf32, #tpu.memory_space<hbm>>
        %dma_wait3A_246 = arith.constant 9600 : i32
        %dma_wait3A_247 = arith.constant 64 : i32
        %dma_wait3A_248 = tpu.memref_slice %arg6[%dma_wait3A_246, %dma_wait3A_247] : memref<10240x128xf32, #tpu.memory_space<hbm>> -> memref<400x16xf32, #tpu.memory_space<hbm>>
        %dma_wait3A_249 = arith.constant 0 : i32
        %dma_wait3A_250 = arith.constant 0 : i32
        %dma_wait3A_251 = tpu.memref_slice %arg11[%dma_wait3A_249, %dma_wait3A_250] : memref<640x16xf32, #tpu.memory_space<vmem>> -> memref<400x16xf32, #tpu.memory_space<vmem>>
        tpu.wait_dma2 semaphore(%run_scoped3A : memref<!tpu.dma_semaphore, #tpu.memory_space<semaphore_mem>>) src(%dma_wait3A_251 : memref<400x16xf32, #tpu.memory_space<vmem>>) dst(%dma_wait3A_248 : memref<400x16xf32, #tpu.memory_space<hbm>>)
        tpu.yield
      }) : () -> ()
    } else {
    }
    %barrier3A = arith.constant 0 : index
    tpu.barrier barrier_id(%barrier3A)
    %dma_start3A = arith.constant 0 : i32
    %dma_start3A_40 = arith.constant 0 : i32
    %dma_start3A_41 = arith.constant 0 : i32
    %dma_start3A_42 = arith.constant 0 : i32
    %dma_start3A_43 = arith.constant 0 : i32
    %dma_start3A_44 = tpu.memref_slice %arg9[%dma_start3A_40, %dma_start3A_42, %dma_start3A_43] : memref<8x128x32xf32, #tpu.memory_space<vmem>> -> memref<1x128x32xf32, #tpu.memory_space<vmem>>
    %dma_start3A_45 = tpu.memref_squeeze %dma_start3A_44 : memref<1x128x32xf32, #tpu.memory_space<vmem>> -> memref<128x32xf32, #tpu.memory_space<vmem>>
    %dma_start3A_46 = arith.constant 0 : i32
    %dma_start3A_47 = tpu.memref_slice %arg7[%dma_start3A, %dma_start3A_46] : memref<160x128xi32, #tpu.memory_space<vmem>> -> memref<1x128xi32, #tpu.memory_space<vmem>>
    %dma_start3A_48 = tpu.memref_squeeze %dma_start3A_47 : memref<1x128xi32, #tpu.memory_space<vmem>> -> memref<128xi32, #tpu.memory_space<vmem>>
    %dma_start3A_49 = arith.constant 0 : i32
    %dma_start3A_50 = arith.constant 0 : i32
    %dma_start3A_51 = tpu.memref_slice %arg13[%dma_start3A_49, %dma_start3A_50] : memref<10000x32xf32, #tpu.memory_space<vmem_shared>> -> memref<10000x32xf32, #tpu.memory_space<vmem_shared>>
    %dma_start3A_52 = tpu.memref_slice %arg14[%dma_start3A_41] : memref<8x!tpu.dma_semaphore, #tpu.memory_space<semaphore_mem>> -> memref<1x!tpu.dma_semaphore, #tpu.memory_space<semaphore_mem>>
    %dma_start3A_53 = tpu.memref_squeeze %dma_start3A_52 : memref<1x!tpu.dma_semaphore, #tpu.memory_space<semaphore_mem>> -> memref<!tpu.dma_semaphore, #tpu.memory_space<semaphore_mem>>
    tpu.enqueue_indirect_dma source(%dma_start3A_51 : memref<10000x32xf32, #tpu.memory_space<vmem_shared>>) target(%dma_start3A_45 : memref<128x32xf32, #tpu.memory_space<vmem>>) offsets(%dma_start3A_48 : memref<128xi32, #tpu.memory_space<vmem>>) semaphore(%dma_start3A_53 : memref<!tpu.dma_semaphore, #tpu.memory_space<semaphore_mem>>)
    %dma_start3A_54 = arith.constant 1 : i32
    %dma_start3A_55 = arith.constant 1 : i32
    %dma_start3A_56 = arith.constant 1 : i32
    %dma_start3A_57 = arith.constant 0 : i32
    %dma_start3A_58 = arith.constant 0 : i32
    %dma_start3A_59 = tpu.memref_slice %arg9[%dma_start3A_55, %dma_start3A_57, %dma_start3A_58] : memref<8x128x32xf32, #tpu.memory_space<vmem>> -> memref<1x128x32xf32, #tpu.memory_space<vmem>>
    %dma_start3A_60 = tpu.memref_squeeze %dma_start3A_59 : memref<1x128x32xf32, #tpu.memory_space<vmem>> -> memref<128x32xf32, #tpu.memory_space<vmem>>
    %dma_start3A_61 = arith.constant 0 : i32
    %dma_start3A_62 = tpu.memref_slice %arg7[%dma_start3A_54, %dma_start3A_61] : memref<160x128xi32, #tpu.memory_space<vmem>> -> memref<1x128xi32, #tpu.memory_space<vmem>>
    %dma_start3A_63 = tpu.memref_squeeze %dma_start3A_62 : memref<1x128xi32, #tpu.memory_space<vmem>> -> memref<128xi32, #tpu.memory_space<vmem>>
    %dma_start3A_64 = arith.constant 0 : i32
    %dma_start3A_65 = arith.constant 0 : i32
    %dma_start3A_66 = tpu.memref_slice %arg13[%dma_start3A_64, %dma_start3A_65] : memref<10000x32xf32, #tpu.memory_space<vmem_shared>> -> memref<10000x32xf32, #tpu.memory_space<vmem_shared>>
    %dma_start3A_67 = tpu.memref_slice %arg14[%dma_start3A_56] : memref<8x!tpu.dma_semaphore, #tpu.memory_space<semaphore_mem>> -> memref<1x!tpu.dma_semaphore, #tpu.memory_space<semaphore_mem>>
    %dma_start3A_68 = tpu.memref_squeeze %dma_start3A_67 : memref<1x!tpu.dma_semaphore, #tpu.memory_space<semaphore_mem>> -> memref<!tpu.dma_semaphore, #tpu.memory_space<semaphore_mem>>
    tpu.enqueue_indirect_dma source(%dma_start3A_66 : memref<10000x32xf32, #tpu.memory_space<vmem_shared>>) target(%dma_start3A_60 : memref<128x32xf32, #tpu.memory_space<vmem>>) offsets(%dma_start3A_63 : memref<128xi32, #tpu.memory_space<vmem>>) semaphore(%dma_start3A_68 : memref<!tpu.dma_semaphore, #tpu.memory_space<semaphore_mem>>)
    %dma_start3A_69 = arith.constant 2 : i32
    %dma_start3A_70 = arith.constant 2 : i32
    %dma_start3A_71 = arith.constant 2 : i32
    %dma_start3A_72 = arith.constant 0 : i32
    %dma_start3A_73 = arith.constant 0 : i32
    %dma_start3A_74 = tpu.memref_slice %arg9[%dma_start3A_70, %dma_start3A_72, %dma_start3A_73] : memref<8x128x32xf32, #tpu.memory_space<vmem>> -> memref<1x128x32xf32, #tpu.memory_space<vmem>>
    %dma_start3A_75 = tpu.memref_squeeze %dma_start3A_74 : memref<1x128x32xf32, #tpu.memory_space<vmem>> -> memref<128x32xf32, #tpu.memory_space<vmem>>
    %dma_start3A_76 = arith.constant 0 : i32
    %dma_start3A_77 = tpu.memref_slice %arg7[%dma_start3A_69, %dma_start3A_76] : memref<160x128xi32, #tpu.memory_space<vmem>> -> memref<1x128xi32, #tpu.memory_space<vmem>>
    %dma_start3A_78 = tpu.memref_squeeze %dma_start3A_77 : memref<1x128xi32, #tpu.memory_space<vmem>> -> memref<128xi32, #tpu.memory_space<vmem>>
    %dma_start3A_79 = arith.constant 0 : i32
    %dma_start3A_80 = arith.constant 0 : i32
    %dma_start3A_81 = tpu.memref_slice %arg13[%dma_start3A_79, %dma_start3A_80] : memref<10000x32xf32, #tpu.memory_space<vmem_shared>> -> memref<10000x32xf32, #tpu.memory_space<vmem_shared>>
    %dma_start3A_82 = tpu.memref_slice %arg14[%dma_start3A_71] : memref<8x!tpu.dma_semaphore, #tpu.memory_space<semaphore_mem>> -> memref<1x!tpu.dma_semaphore, #tpu.memory_space<semaphore_mem>>
    %dma_start3A_83 = tpu.memref_squeeze %dma_start3A_82 : memref<1x!tpu.dma_semaphore, #tpu.memory_space<semaphore_mem>> -> memref<!tpu.dma_semaphore, #tpu.memory_space<semaphore_mem>>
    tpu.enqueue_indirect_dma source(%dma_start3A_81 : memref<10000x32xf32, #tpu.memory_space<vmem_shared>>) target(%dma_start3A_75 : memref<128x32xf32, #tpu.memory_space<vmem>>) offsets(%dma_start3A_78 : memref<128xi32, #tpu.memory_space<vmem>>) semaphore(%dma_start3A_83 : memref<!tpu.dma_semaphore, #tpu.memory_space<semaphore_mem>>)
    %dma_start3A_84 = arith.constant 3 : i32
    %dma_start3A_85 = arith.constant 3 : i32
    %dma_start3A_86 = arith.constant 3 : i32
    %dma_start3A_87 = arith.constant 0 : i32
    %dma_start3A_88 = arith.constant 0 : i32
    %dma_start3A_89 = tpu.memref_slice %arg9[%dma_start3A_85, %dma_start3A_87, %dma_start3A_88] : memref<8x128x32xf32, #tpu.memory_space<vmem>> -> memref<1x128x32xf32, #tpu.memory_space<vmem>>
    %dma_start3A_90 = tpu.memref_squeeze %dma_start3A_89 : memref<1x128x32xf32, #tpu.memory_space<vmem>> -> memref<128x32xf32, #tpu.memory_space<vmem>>
    %dma_start3A_91 = arith.constant 0 : i32
    %dma_start3A_92 = tpu.memref_slice %arg7[%dma_start3A_84, %dma_start3A_91] : memref<160x128xi32, #tpu.memory_space<vmem>> -> memref<1x128xi32, #tpu.memory_space<vmem>>
    %dma_start3A_93 = tpu.memref_squeeze %dma_start3A_92 : memref<1x128xi32, #tpu.memory_space<vmem>> -> memref<128xi32, #tpu.memory_space<vmem>>
    %dma_start3A_94 = arith.constant 0 : i32
    %dma_start3A_95 = arith.constant 0 : i32
    %dma_start3A_96 = tpu.memref_slice %arg13[%dma_start3A_94, %dma_start3A_95] : memref<10000x32xf32, #tpu.memory_space<vmem_shared>> -> memref<10000x32xf32, #tpu.memory_space<vmem_shared>>
    %dma_start3A_97 = tpu.memref_slice %arg14[%dma_start3A_86] : memref<8x!tpu.dma_semaphore, #tpu.memory_space<semaphore_mem>> -> memref<1x!tpu.dma_semaphore, #tpu.memory_space<semaphore_mem>>
    %dma_start3A_98 = tpu.memref_squeeze %dma_start3A_97 : memref<1x!tpu.dma_semaphore, #tpu.memory_space<semaphore_mem>> -> memref<!tpu.dma_semaphore, #tpu.memory_space<semaphore_mem>>
    tpu.enqueue_indirect_dma source(%dma_start3A_96 : memref<10000x32xf32, #tpu.memory_space<vmem_shared>>) target(%dma_start3A_90 : memref<128x32xf32, #tpu.memory_space<vmem>>) offsets(%dma_start3A_93 : memref<128xi32, #tpu.memory_space<vmem>>) semaphore(%dma_start3A_98 : memref<!tpu.dma_semaphore, #tpu.memory_space<semaphore_mem>>)
    %scan3A_99 = arith.constant 0 : i32
    %scan3A_100 = arith.constant 20 : i32
    %scan3A_101 = arith.addi %scan3A_99, %scan3A_100 : i32
    %scan3A_102 = arith.constant 1 : i32
    scf.for %scan3A_228 = %scan3A_99 to %scan3A_101 step %scan3A_102  : i32 {
      %mul3A_229 = arith.constant 8 : i32
      %mul3A_230 = arith.muli %scan3A_228, %mul3A_229 : i32
      %add3A = arith.constant 0 : i32
      %add3A_231 = arith.addi %add3A, %mul3A_230 : i32
      %add3A_232 = arith.constant 0 : i32
      %add3A_233 = arith.addi %add3A_231, %add3A_232 : i32
      %dma_wait3A_234 = arith.constant 0 : i32
      %dma_wait3A_235 = arith.constant 0 : i32
      %dma_wait3A_236 = arith.constant 0 : i32
      %dma_wait3A_237 = arith.constant 0 : i32
      %dma_wait3A_238 = tpu.memref_slice %arg9[%dma_wait3A_234, %dma_wait3A_236, %dma_wait3A_237] : memref<8x128x32xf32, #tpu.memory_space<vmem>> -> memref<1x128x32xf32, #tpu.memory_space<vmem>>
      %dma_wait3A_239 = tpu.memref_squeeze %dma_wait3A_238 : memref<1x128x32xf32, #tpu.memory_space<vmem>> -> memref<128x32xf32, #tpu.memory_space<vmem>>
      %dma_wait3A_240 = arith.constant 0 : i32
      %dma_wait3A_241 = tpu.memref_slice %arg7[%add3A_233, %dma_wait3A_240] : memref<160x128xi32, #tpu.memory_space<vmem>> -> memref<1x128xi32, #tpu.memory_space<vmem>>
      %dma_wait3A_242 = tpu.memref_squeeze %dma_wait3A_241 : memref<1x128xi32, #tpu.memory_space<vmem>> -> memref<128xi32, #tpu.memory_space<vmem>>
      %dma_wait3A_243 = arith.constant 0 : i32
      %dma_wait3A_244 = arith.constant 0 : i32
      %dma_wait3A_245 = tpu.memref_slice %arg13[%dma_wait3A_243, %dma_wait3A_244] : memref<10000x32xf32, #tpu.memory_space<vmem_shared>> -> memref<10000x32xf32, #tpu.memory_space<vmem_shared>>
      %dma_wait3A_246 = tpu.memref_slice %arg14[%dma_wait3A_235] : memref<8x!tpu.dma_semaphore, #tpu.memory_space<semaphore_mem>> -> memref<1x!tpu.dma_semaphore, #tpu.memory_space<semaphore_mem>>
      %dma_wait3A_247 = tpu.memref_squeeze %dma_wait3A_246 : memref<1x!tpu.dma_semaphore, #tpu.memory_space<semaphore_mem>> -> memref<!tpu.dma_semaphore, #tpu.memory_space<semaphore_mem>>
      tpu.wait_indirect_dma semaphore(%dma_wait3A_247 : memref<!tpu.dma_semaphore, #tpu.memory_space<semaphore_mem>>) src(%dma_wait3A_245 : memref<10000x32xf32, #tpu.memory_space<vmem_shared>>) dst(%dma_wait3A_239 : memref<128x32xf32, #tpu.memory_space<vmem>>)
      %dma_start3A_248 = arith.constant 0 : i32
      %dma_start3A_249 = arith.constant 0 : i32
      %dma_start3A_250 = arith.constant 0 : i32
      %dma_start3A_251 = arith.constant 0 : i32
      %dma_start3A_252 = tpu.memref_slice %arg9[%dma_start3A_248, %dma_start3A_250, %dma_start3A_251] : memref<8x128x32xf32, #tpu.memory_space<vmem>> -> memref<1x128x32xf32, #tpu.memory_space<vmem>>
      %dma_start3A_253 = tpu.memref_squeeze %dma_start3A_252 : memref<1x128x32xf32, #tpu.memory_space<vmem>> -> memref<128x32xf32, #tpu.memory_space<vmem>>
      %dma_start3A_254 = arith.constant 0 : i32
      %dma_start3A_255 = tpu.memref_slice %arg8[%add3A_233, %dma_start3A_254] : memref<160x128xi32, #tpu.memory_space<vmem>> -> memref<1x128xi32, #tpu.memory_space<vmem>>
      %dma_start3A_256 = tpu.memref_squeeze %dma_start3A_255 : memref<1x128xi32, #tpu.memory_space<vmem>> -> memref<128xi32, #tpu.memory_space<vmem>>
      %dma_start3A_257 = arith.constant 0 : i32
      %dma_start3A_258 = arith.constant 0 : i32
      %dma_start3A_259 = tpu.memref_slice %arg12[%dma_start3A_257, %dma_start3A_258] : memref<10240x32xf32, #tpu.memory_space<vmem_shared>> -> memref<10240x32xf32, #tpu.memory_space<vmem_shared>>
      %dma_start3A_260 = tpu.memref_slice %arg15[%dma_start3A_249] : memref<8x!tpu.dma_semaphore, #tpu.memory_space<semaphore_mem>> -> memref<1x!tpu.dma_semaphore, #tpu.memory_space<semaphore_mem>>
      %dma_start3A_261 = tpu.memref_squeeze %dma_start3A_260 : memref<1x!tpu.dma_semaphore, #tpu.memory_space<semaphore_mem>> -> memref<!tpu.dma_semaphore, #tpu.memory_space<semaphore_mem>>
      tpu.enqueue_indirect_dma source(%dma_start3A_253 : memref<128x32xf32, #tpu.memory_space<vmem>>) target(%dma_start3A_259 : memref<10240x32xf32, #tpu.memory_space<vmem_shared>>) offsets(%dma_start3A_256 : memref<128xi32, #tpu.memory_space<vmem>>) semaphore(%dma_start3A_261 : memref<!tpu.dma_semaphore, #tpu.memory_space<semaphore_mem>>) {add = true}
      %add3A_262 = arith.constant 4 : i32
      %add3A_263 = arith.addi %add3A_233, %add3A_262 : i32
      %lt3A_264 = arith.constant 160 : i32
      %lt3A_265 = arith.cmpi slt, %add3A_263, %lt3A_264 : i32
      %convert_element_type3A_266 = arith.extui %lt3A_265 : i1 to i32
      %cond3A_267 = arith.constant 0 : i32
      %cond3A_268 = arith.cmpi ne, %convert_element_type3A_266, %cond3A_267 : i32
      scf.if %cond3A_268 {
        %ge3A = arith.constant 8 : i32
        %ge3A_528 = arith.cmpi sge, %add3A_263, %ge3A : i32
        %convert_element_type3A_529 = arith.extui %ge3A_528 : i1 to i32
        %cond3A_530 = arith.constant 0 : i32
        %cond3A_531 = arith.cmpi ne, %convert_element_type3A_529, %cond3A_530 : i32
        scf.if %cond3A_531 {
          %dma_wait3A_546 = arith.constant 4 : i32
          %dma_wait3A_547 = arith.constant 4 : i32
          %dma_wait3A_548 = arith.constant 0 : i32
          %dma_wait3A_549 = arith.constant 0 : i32
          %dma_wait3A_550 = tpu.memref_slice %arg9[%dma_wait3A_546, %dma_wait3A_548, %dma_wait3A_549] : memref<8x128x32xf32, #tpu.memory_space<vmem>> -> memref<1x128x32xf32, #tpu.memory_space<vmem>>
          %dma_wait3A_551 = tpu.memref_squeeze %dma_wait3A_550 : memref<1x128x32xf32, #tpu.memory_space<vmem>> -> memref<128x32xf32, #tpu.memory_space<vmem>>
          %dma_wait3A_552 = arith.constant 0 : i32
          %dma_wait3A_553 = tpu.memref_slice %arg8[%add3A_233, %dma_wait3A_552] : memref<160x128xi32, #tpu.memory_space<vmem>> -> memref<1x128xi32, #tpu.memory_space<vmem>>
          %dma_wait3A_554 = tpu.memref_squeeze %dma_wait3A_553 : memref<1x128xi32, #tpu.memory_space<vmem>> -> memref<128xi32, #tpu.memory_space<vmem>>
          %dma_wait3A_555 = arith.constant 0 : i32
          %dma_wait3A_556 = arith.constant 0 : i32
          %dma_wait3A_557 = tpu.memref_slice %arg12[%dma_wait3A_555, %dma_wait3A_556] : memref<10240x32xf32, #tpu.memory_space<vmem_shared>> -> memref<10240x32xf32, #tpu.memory_space<vmem_shared>>
          %dma_wait3A_558 = tpu.memref_slice %arg15[%dma_wait3A_547] : memref<8x!tpu.dma_semaphore, #tpu.memory_space<semaphore_mem>> -> memref<1x!tpu.dma_semaphore, #tpu.memory_space<semaphore_mem>>
          %dma_wait3A_559 = tpu.memref_squeeze %dma_wait3A_558 : memref<1x!tpu.dma_semaphore, #tpu.memory_space<semaphore_mem>> -> memref<!tpu.dma_semaphore, #tpu.memory_space<semaphore_mem>>
          tpu.wait_indirect_dma semaphore(%dma_wait3A_559 : memref<!tpu.dma_semaphore, #tpu.memory_space<semaphore_mem>>) src(%dma_wait3A_551 : memref<128x32xf32, #tpu.memory_space<vmem>>) dst(%dma_wait3A_557 : memref<10240x32xf32, #tpu.memory_space<vmem_shared>>)
        } else {
        }
        %dma_start3A_532 = arith.constant 4 : i32
        %dma_start3A_533 = arith.constant 4 : i32
        %dma_start3A_534 = arith.constant 0 : i32
        %dma_start3A_535 = arith.constant 0 : i32
        %dma_start3A_536 = tpu.memref_slice %arg9[%dma_start3A_532, %dma_start3A_534, %dma_start3A_535] : memref<8x128x32xf32, #tpu.memory_space<vmem>> -> memref<1x128x32xf32, #tpu.memory_space<vmem>>
        %dma_start3A_537 = tpu.memref_squeeze %dma_start3A_536 : memref<1x128x32xf32, #tpu.memory_space<vmem>> -> memref<128x32xf32, #tpu.memory_space<vmem>>
        %dma_start3A_538 = arith.constant 0 : i32
        %dma_start3A_539 = tpu.memref_slice %arg7[%add3A_263, %dma_start3A_538] : memref<160x128xi32, #tpu.memory_space<vmem>> -> memref<1x128xi32, #tpu.memory_space<vmem>>
        %dma_start3A_540 = tpu.memref_squeeze %dma_start3A_539 : memref<1x128xi32, #tpu.memory_space<vmem>> -> memref<128xi32, #tpu.memory_space<vmem>>
        %dma_start3A_541 = arith.constant 0 : i32
        %dma_start3A_542 = arith.constant 0 : i32
        %dma_start3A_543 = tpu.memref_slice %arg13[%dma_start3A_541, %dma_start3A_542] : memref<10000x32xf32, #tpu.memory_space<vmem_shared>> -> memref<10000x32xf32, #tpu.memory_space<vmem_shared>>
        %dma_start3A_544 = tpu.memref_slice %arg14[%dma_start3A_533] : memref<8x!tpu.dma_semaphore, #tpu.memory_space<semaphore_mem>> -> memref<1x!tpu.dma_semaphore, #tpu.memory_space<semaphore_mem>>
        %dma_start3A_545 = tpu.memref_squeeze %dma_start3A_544 : memref<1x!tpu.dma_semaphore, #tpu.memory_space<semaphore_mem>> -> memref<!tpu.dma_semaphore, #tpu.memory_space<semaphore_mem>>
        tpu.enqueue_indirect_dma source(%dma_start3A_543 : memref<10000x32xf32, #tpu.memory_space<vmem_shared>>) target(%dma_start3A_537 : memref<128x32xf32, #tpu.memory_space<vmem>>) offsets(%dma_start3A_540 : memref<128xi32, #tpu.memory_space<vmem>>) semaphore(%dma_start3A_545 : memref<!tpu.dma_semaphore, #tpu.memory_space<semaphore_mem>>)
      } else {
      }
      %add3A_269 = arith.constant 1 : i32
      %add3A_270 = arith.addi %add3A_231, %add3A_269 : i32
      %dma_wait3A_271 = arith.constant 1 : i32
      %dma_wait3A_272 = arith.constant 1 : i32
      %dma_wait3A_273 = arith.constant 0 : i32
      %dma_wait3A_274 = arith.constant 0 : i32
      %dma_wait3A_275 = tpu.memref_slice %arg9[%dma_wait3A_271, %dma_wait3A_273, %dma_wait3A_274] : memref<8x128x32xf32, #tpu.memory_space<vmem>> -> memref<1x128x32xf32, #tpu.memory_space<vmem>>
      %dma_wait3A_276 = tpu.memref_squeeze %dma_wait3A_275 : memref<1x128x32xf32, #tpu.memory_space<vmem>> -> memref<128x32xf32, #tpu.memory_space<vmem>>
      %dma_wait3A_277 = arith.constant 0 : i32
      %dma_wait3A_278 = tpu.memref_slice %arg7[%add3A_270, %dma_wait3A_277] : memref<160x128xi32, #tpu.memory_space<vmem>> -> memref<1x128xi32, #tpu.memory_space<vmem>>
      %dma_wait3A_279 = tpu.memref_squeeze %dma_wait3A_278 : memref<1x128xi32, #tpu.memory_space<vmem>> -> memref<128xi32, #tpu.memory_space<vmem>>
      %dma_wait3A_280 = arith.constant 0 : i32
      %dma_wait3A_281 = arith.constant 0 : i32
      %dma_wait3A_282 = tpu.memref_slice %arg13[%dma_wait3A_280, %dma_wait3A_281] : memref<10000x32xf32, #tpu.memory_space<vmem_shared>> -> memref<10000x32xf32, #tpu.memory_space<vmem_shared>>
      %dma_wait3A_283 = tpu.memref_slice %arg14[%dma_wait3A_272] : memref<8x!tpu.dma_semaphore, #tpu.memory_space<semaphore_mem>> -> memref<1x!tpu.dma_semaphore, #tpu.memory_space<semaphore_mem>>
      %dma_wait3A_284 = tpu.memref_squeeze %dma_wait3A_283 : memref<1x!tpu.dma_semaphore, #tpu.memory_space<semaphore_mem>> -> memref<!tpu.dma_semaphore, #tpu.memory_space<semaphore_mem>>
      tpu.wait_indirect_dma semaphore(%dma_wait3A_284 : memref<!tpu.dma_semaphore, #tpu.memory_space<semaphore_mem>>) src(%dma_wait3A_282 : memref<10000x32xf32, #tpu.memory_space<vmem_shared>>) dst(%dma_wait3A_276 : memref<128x32xf32, #tpu.memory_space<vmem>>)
      %dma_start3A_285 = arith.constant 1 : i32
      %dma_start3A_286 = arith.constant 1 : i32
      %dma_start3A_287 = arith.constant 0 : i32
      %dma_start3A_288 = arith.constant 0 : i32
      %dma_start3A_289 = tpu.memref_slice %arg9[%dma_start3A_285, %dma_start3A_287, %dma_start3A_288] : memref<8x128x32xf32, #tpu.memory_space<vmem>> -> memref<1x128x32xf32, #tpu.memory_space<vmem>>
      %dma_start3A_290 = tpu.memref_squeeze %dma_start3A_289 : memref<1x128x32xf32, #tpu.memory_space<vmem>> -> memref<128x32xf32, #tpu.memory_space<vmem>>
      %dma_start3A_291 = arith.constant 0 : i32
      %dma_start3A_292 = tpu.memref_slice %arg8[%add3A_270, %dma_start3A_291] : memref<160x128xi32, #tpu.memory_space<vmem>> -> memref<1x128xi32, #tpu.memory_space<vmem>>
      %dma_start3A_293 = tpu.memref_squeeze %dma_start3A_292 : memref<1x128xi32, #tpu.memory_space<vmem>> -> memref<128xi32, #tpu.memory_space<vmem>>
      %dma_start3A_294 = arith.constant 0 : i32
      %dma_start3A_295 = arith.constant 0 : i32
      %dma_start3A_296 = tpu.memref_slice %arg12[%dma_start3A_294, %dma_start3A_295] : memref<10240x32xf32, #tpu.memory_space<vmem_shared>> -> memref<10240x32xf32, #tpu.memory_space<vmem_shared>>
      %dma_start3A_297 = tpu.memref_slice %arg15[%dma_start3A_286] : memref<8x!tpu.dma_semaphore, #tpu.memory_space<semaphore_mem>> -> memref<1x!tpu.dma_semaphore, #tpu.memory_space<semaphore_mem>>
      %dma_start3A_298 = tpu.memref_squeeze %dma_start3A_297 : memref<1x!tpu.dma_semaphore, #tpu.memory_space<semaphore_mem>> -> memref<!tpu.dma_semaphore, #tpu.memory_space<semaphore_mem>>
      tpu.enqueue_indirect_dma source(%dma_start3A_290 : memref<128x32xf32, #tpu.memory_space<vmem>>) target(%dma_start3A_296 : memref<10240x32xf32, #tpu.memory_space<vmem_shared>>) offsets(%dma_start3A_293 : memref<128xi32, #tpu.memory_space<vmem>>) semaphore(%dma_start3A_298 : memref<!tpu.dma_semaphore, #tpu.memory_space<semaphore_mem>>) {add = true}
      %add3A_299 = arith.constant 4 : i32
      %add3A_300 = arith.addi %add3A_270, %add3A_299 : i32
      %lt3A_301 = arith.constant 160 : i32
      %lt3A_302 = arith.cmpi slt, %add3A_300, %lt3A_301 : i32
      %convert_element_type3A_303 = arith.extui %lt3A_302 : i1 to i32
      %cond3A_304 = arith.constant 0 : i32
      %cond3A_305 = arith.cmpi ne, %convert_element_type3A_303, %cond3A_304 : i32
      scf.if %cond3A_305 {
        %ge3A = arith.constant 8 : i32
        %ge3A_528 = arith.cmpi sge, %add3A_300, %ge3A : i32
        %convert_element_type3A_529 = arith.extui %ge3A_528 : i1 to i32
        %cond3A_530 = arith.constant 0 : i32
        %cond3A_531 = arith.cmpi ne, %convert_element_type3A_529, %cond3A_530 : i32
        scf.if %cond3A_531 {
          %dma_wait3A_546 = arith.constant 5 : i32
          %dma_wait3A_547 = arith.constant 5 : i32
          %dma_wait3A_548 = arith.constant 0 : i32
          %dma_wait3A_549 = arith.constant 0 : i32
          %dma_wait3A_550 = tpu.memref_slice %arg9[%dma_wait3A_546, %dma_wait3A_548, %dma_wait3A_549] : memref<8x128x32xf32, #tpu.memory_space<vmem>> -> memref<1x128x32xf32, #tpu.memory_space<vmem>>
          %dma_wait3A_551 = tpu.memref_squeeze %dma_wait3A_550 : memref<1x128x32xf32, #tpu.memory_space<vmem>> -> memref<128x32xf32, #tpu.memory_space<vmem>>
          %dma_wait3A_552 = arith.constant 0 : i32
          %dma_wait3A_553 = tpu.memref_slice %arg8[%add3A_270, %dma_wait3A_552] : memref<160x128xi32, #tpu.memory_space<vmem>> -> memref<1x128xi32, #tpu.memory_space<vmem>>
          %dma_wait3A_554 = tpu.memref_squeeze %dma_wait3A_553 : memref<1x128xi32, #tpu.memory_space<vmem>> -> memref<128xi32, #tpu.memory_space<vmem>>
          %dma_wait3A_555 = arith.constant 0 : i32
          %dma_wait3A_556 = arith.constant 0 : i32
          %dma_wait3A_557 = tpu.memref_slice %arg12[%dma_wait3A_555, %dma_wait3A_556] : memref<10240x32xf32, #tpu.memory_space<vmem_shared>> -> memref<10240x32xf32, #tpu.memory_space<vmem_shared>>
          %dma_wait3A_558 = tpu.memref_slice %arg15[%dma_wait3A_547] : memref<8x!tpu.dma_semaphore, #tpu.memory_space<semaphore_mem>> -> memref<1x!tpu.dma_semaphore, #tpu.memory_space<semaphore_mem>>
          %dma_wait3A_559 = tpu.memref_squeeze %dma_wait3A_558 : memref<1x!tpu.dma_semaphore, #tpu.memory_space<semaphore_mem>> -> memref<!tpu.dma_semaphore, #tpu.memory_space<semaphore_mem>>
          tpu.wait_indirect_dma semaphore(%dma_wait3A_559 : memref<!tpu.dma_semaphore, #tpu.memory_space<semaphore_mem>>) src(%dma_wait3A_551 : memref<128x32xf32, #tpu.memory_space<vmem>>) dst(%dma_wait3A_557 : memref<10240x32xf32, #tpu.memory_space<vmem_shared>>)
        } else {
        }
        %dma_start3A_532 = arith.constant 5 : i32
        %dma_start3A_533 = arith.constant 5 : i32
        %dma_start3A_534 = arith.constant 0 : i32
        %dma_start3A_535 = arith.constant 0 : i32
        %dma_start3A_536 = tpu.memref_slice %arg9[%dma_start3A_532, %dma_start3A_534, %dma_start3A_535] : memref<8x128x32xf32, #tpu.memory_space<vmem>> -> memref<1x128x32xf32, #tpu.memory_space<vmem>>
        %dma_start3A_537 = tpu.memref_squeeze %dma_start3A_536 : memref<1x128x32xf32, #tpu.memory_space<vmem>> -> memref<128x32xf32, #tpu.memory_space<vmem>>
        %dma_start3A_538 = arith.constant 0 : i32
        %dma_start3A_539 = tpu.memref_slice %arg7[%add3A_300, %dma_start3A_538] : memref<160x128xi32, #tpu.memory_space<vmem>> -> memref<1x128xi32, #tpu.memory_space<vmem>>
        %dma_start3A_540 = tpu.memref_squeeze %dma_start3A_539 : memref<1x128xi32, #tpu.memory_space<vmem>> -> memref<128xi32, #tpu.memory_space<vmem>>
        %dma_start3A_541 = arith.constant 0 : i32
        %dma_start3A_542 = arith.constant 0 : i32
        %dma_start3A_543 = tpu.memref_slice %arg13[%dma_start3A_541, %dma_start3A_542] : memref<10000x32xf32, #tpu.memory_space<vmem_shared>> -> memref<10000x32xf32, #tpu.memory_space<vmem_shared>>
        %dma_start3A_544 = tpu.memref_slice %arg14[%dma_start3A_533] : memref<8x!tpu.dma_semaphore, #tpu.memory_space<semaphore_mem>> -> memref<1x!tpu.dma_semaphore, #tpu.memory_space<semaphore_mem>>
        %dma_start3A_545 = tpu.memref_squeeze %dma_start3A_544 : memref<1x!tpu.dma_semaphore, #tpu.memory_space<semaphore_mem>> -> memref<!tpu.dma_semaphore, #tpu.memory_space<semaphore_mem>>
        tpu.enqueue_indirect_dma source(%dma_start3A_543 : memref<10000x32xf32, #tpu.memory_space<vmem_shared>>) target(%dma_start3A_537 : memref<128x32xf32, #tpu.memory_space<vmem>>) offsets(%dma_start3A_540 : memref<128xi32, #tpu.memory_space<vmem>>) semaphore(%dma_start3A_545 : memref<!tpu.dma_semaphore, #tpu.memory_space<semaphore_mem>>)
      } else {
      }
      %add3A_306 = arith.constant 2 : i32
      %add3A_307 = arith.addi %add3A_231, %add3A_306 : i32
      %dma_wait3A_308 = arith.constant 2 : i32
      %dma_wait3A_309 = arith.constant 2 : i32
      %dma_wait3A_310 = arith.constant 0 : i32
      %dma_wait3A_311 = arith.constant 0 : i32
      %dma_wait3A_312 = tpu.memref_slice %arg9[%dma_wait3A_308, %dma_wait3A_310, %dma_wait3A_311] : memref<8x128x32xf32, #tpu.memory_space<vmem>> -> memref<1x128x32xf32, #tpu.memory_space<vmem>>
      %dma_wait3A_313 = tpu.memref_squeeze %dma_wait3A_312 : memref<1x128x32xf32, #tpu.memory_space<vmem>> -> memref<128x32xf32, #tpu.memory_space<vmem>>
      %dma_wait3A_314 = arith.constant 0 : i32
      %dma_wait3A_315 = tpu.memref_slice %arg7[%add3A_307, %dma_wait3A_314] : memref<160x128xi32, #tpu.memory_space<vmem>> -> memref<1x128xi32, #tpu.memory_space<vmem>>
      %dma_wait3A_316 = tpu.memref_squeeze %dma_wait3A_315 : memref<1x128xi32, #tpu.memory_space<vmem>> -> memref<128xi32, #tpu.memory_space<vmem>>
      %dma_wait3A_317 = arith.constant 0 : i32
      %dma_wait3A_318 = arith.constant 0 : i32
      %dma_wait3A_319 = tpu.memref_slice %arg13[%dma_wait3A_317, %dma_wait3A_318] : memref<10000x32xf32, #tpu.memory_space<vmem_shared>> -> memref<10000x32xf32, #tpu.memory_space<vmem_shared>>
      %dma_wait3A_320 = tpu.memref_slice %arg14[%dma_wait3A_309] : memref<8x!tpu.dma_semaphore, #tpu.memory_space<semaphore_mem>> -> memref<1x!tpu.dma_semaphore, #tpu.memory_space<semaphore_mem>>
      %dma_wait3A_321 = tpu.memref_squeeze %dma_wait3A_320 : memref<1x!tpu.dma_semaphore, #tpu.memory_space<semaphore_mem>> -> memref<!tpu.dma_semaphore, #tpu.memory_space<semaphore_mem>>
      tpu.wait_indirect_dma semaphore(%dma_wait3A_321 : memref<!tpu.dma_semaphore, #tpu.memory_space<semaphore_mem>>) src(%dma_wait3A_319 : memref<10000x32xf32, #tpu.memory_space<vmem_shared>>) dst(%dma_wait3A_313 : memref<128x32xf32, #tpu.memory_space<vmem>>)
      %dma_start3A_322 = arith.constant 2 : i32
      %dma_start3A_323 = arith.constant 2 : i32
      %dma_start3A_324 = arith.constant 0 : i32
      %dma_start3A_325 = arith.constant 0 : i32
      %dma_start3A_326 = tpu.memref_slice %arg9[%dma_start3A_322, %dma_start3A_324, %dma_start3A_325] : memref<8x128x32xf32, #tpu.memory_space<vmem>> -> memref<1x128x32xf32, #tpu.memory_space<vmem>>
      %dma_start3A_327 = tpu.memref_squeeze %dma_start3A_326 : memref<1x128x32xf32, #tpu.memory_space<vmem>> -> memref<128x32xf32, #tpu.memory_space<vmem>>
      %dma_start3A_328 = arith.constant 0 : i32
      %dma_start3A_329 = tpu.memref_slice %arg8[%add3A_307, %dma_start3A_328] : memref<160x128xi32, #tpu.memory_space<vmem>> -> memref<1x128xi32, #tpu.memory_space<vmem>>
      %dma_start3A_330 = tpu.memref_squeeze %dma_start3A_329 : memref<1x128xi32, #tpu.memory_space<vmem>> -> memref<128xi32, #tpu.memory_space<vmem>>
      %dma_start3A_331 = arith.constant 0 : i32
      %dma_start3A_332 = arith.constant 0 : i32
      %dma_start3A_333 = tpu.memref_slice %arg12[%dma_start3A_331, %dma_start3A_332] : memref<10240x32xf32, #tpu.memory_space<vmem_shared>> -> memref<10240x32xf32, #tpu.memory_space<vmem_shared>>
      %dma_start3A_334 = tpu.memref_slice %arg15[%dma_start3A_323] : memref<8x!tpu.dma_semaphore, #tpu.memory_space<semaphore_mem>> -> memref<1x!tpu.dma_semaphore, #tpu.memory_space<semaphore_mem>>
      %dma_start3A_335 = tpu.memref_squeeze %dma_start3A_334 : memref<1x!tpu.dma_semaphore, #tpu.memory_space<semaphore_mem>> -> memref<!tpu.dma_semaphore, #tpu.memory_space<semaphore_mem>>
      tpu.enqueue_indirect_dma source(%dma_start3A_327 : memref<128x32xf32, #tpu.memory_space<vmem>>) target(%dma_start3A_333 : memref<10240x32xf32, #tpu.memory_space<vmem_shared>>) offsets(%dma_start3A_330 : memref<128xi32, #tpu.memory_space<vmem>>) semaphore(%dma_start3A_335 : memref<!tpu.dma_semaphore, #tpu.memory_space<semaphore_mem>>) {add = true}
      %add3A_336 = arith.constant 4 : i32
      %add3A_337 = arith.addi %add3A_307, %add3A_336 : i32
      %lt3A_338 = arith.constant 160 : i32
      %lt3A_339 = arith.cmpi slt, %add3A_337, %lt3A_338 : i32
      %convert_element_type3A_340 = arith.extui %lt3A_339 : i1 to i32
      %cond3A_341 = arith.constant 0 : i32
      %cond3A_342 = arith.cmpi ne, %convert_element_type3A_340, %cond3A_341 : i32
      scf.if %cond3A_342 {
        %ge3A = arith.constant 8 : i32
        %ge3A_528 = arith.cmpi sge, %add3A_337, %ge3A : i32
        %convert_element_type3A_529 = arith.extui %ge3A_528 : i1 to i32
        %cond3A_530 = arith.constant 0 : i32
        %cond3A_531 = arith.cmpi ne, %convert_element_type3A_529, %cond3A_530 : i32
        scf.if %cond3A_531 {
          %dma_wait3A_546 = arith.constant 6 : i32
          %dma_wait3A_547 = arith.constant 6 : i32
          %dma_wait3A_548 = arith.constant 0 : i32
          %dma_wait3A_549 = arith.constant 0 : i32
          %dma_wait3A_550 = tpu.memref_slice %arg9[%dma_wait3A_546, %dma_wait3A_548, %dma_wait3A_549] : memref<8x128x32xf32, #tpu.memory_space<vmem>> -> memref<1x128x32xf32, #tpu.memory_space<vmem>>
          %dma_wait3A_551 = tpu.memref_squeeze %dma_wait3A_550 : memref<1x128x32xf32, #tpu.memory_space<vmem>> -> memref<128x32xf32, #tpu.memory_space<vmem>>
          %dma_wait3A_552 = arith.constant 0 : i32
          %dma_wait3A_553 = tpu.memref_slice %arg8[%add3A_307, %dma_wait3A_552] : memref<160x128xi32, #tpu.memory_space<vmem>> -> memref<1x128xi32, #tpu.memory_space<vmem>>
          %dma_wait3A_554 = tpu.memref_squeeze %dma_wait3A_553 : memref<1x128xi32, #tpu.memory_space<vmem>> -> memref<128xi32, #tpu.memory_space<vmem>>
          %dma_wait3A_555 = arith.constant 0 : i32
          %dma_wait3A_556 = arith.constant 0 : i32
          %dma_wait3A_557 = tpu.memref_slice %arg12[%dma_wait3A_555, %dma_wait3A_556] : memref<10240x32xf32, #tpu.memory_space<vmem_shared>> -> memref<10240x32xf32, #tpu.memory_space<vmem_shared>>
          %dma_wait3A_558 = tpu.memref_slice %arg15[%dma_wait3A_547] : memref<8x!tpu.dma_semaphore, #tpu.memory_space<semaphore_mem>> -> memref<1x!tpu.dma_semaphore, #tpu.memory_space<semaphore_mem>>
          %dma_wait3A_559 = tpu.memref_squeeze %dma_wait3A_558 : memref<1x!tpu.dma_semaphore, #tpu.memory_space<semaphore_mem>> -> memref<!tpu.dma_semaphore, #tpu.memory_space<semaphore_mem>>
          tpu.wait_indirect_dma semaphore(%dma_wait3A_559 : memref<!tpu.dma_semaphore, #tpu.memory_space<semaphore_mem>>) src(%dma_wait3A_551 : memref<128x32xf32, #tpu.memory_space<vmem>>) dst(%dma_wait3A_557 : memref<10240x32xf32, #tpu.memory_space<vmem_shared>>)
        } else {
        }
        %dma_start3A_532 = arith.constant 6 : i32
        %dma_start3A_533 = arith.constant 6 : i32
        %dma_start3A_534 = arith.constant 0 : i32
        %dma_start3A_535 = arith.constant 0 : i32
        %dma_start3A_536 = tpu.memref_slice %arg9[%dma_start3A_532, %dma_start3A_534, %dma_start3A_535] : memref<8x128x32xf32, #tpu.memory_space<vmem>> -> memref<1x128x32xf32, #tpu.memory_space<vmem>>
        %dma_start3A_537 = tpu.memref_squeeze %dma_start3A_536 : memref<1x128x32xf32, #tpu.memory_space<vmem>> -> memref<128x32xf32, #tpu.memory_space<vmem>>
        %dma_start3A_538 = arith.constant 0 : i32
        %dma_start3A_539 = tpu.memref_slice %arg7[%add3A_337, %dma_start3A_538] : memref<160x128xi32, #tpu.memory_space<vmem>> -> memref<1x128xi32, #tpu.memory_space<vmem>>
        %dma_start3A_540 = tpu.memref_squeeze %dma_start3A_539 : memref<1x128xi32, #tpu.memory_space<vmem>> -> memref<128xi32, #tpu.memory_space<vmem>>
        %dma_start3A_541 = arith.constant 0 : i32
        %dma_start3A_542 = arith.constant 0 : i32
        %dma_start3A_543 = tpu.memref_slice %arg13[%dma_start3A_541, %dma_start3A_542] : memref<10000x32xf32, #tpu.memory_space<vmem_shared>> -> memref<10000x32xf32, #tpu.memory_space<vmem_shared>>
        %dma_start3A_544 = tpu.memref_slice %arg14[%dma_start3A_533] : memref<8x!tpu.dma_semaphore, #tpu.memory_space<semaphore_mem>> -> memref<1x!tpu.dma_semaphore, #tpu.memory_space<semaphore_mem>>
        %dma_start3A_545 = tpu.memref_squeeze %dma_start3A_544 : memref<1x!tpu.dma_semaphore, #tpu.memory_space<semaphore_mem>> -> memref<!tpu.dma_semaphore, #tpu.memory_space<semaphore_mem>>
        tpu.enqueue_indirect_dma source(%dma_start3A_543 : memref<10000x32xf32, #tpu.memory_space<vmem_shared>>) target(%dma_start3A_537 : memref<128x32xf32, #tpu.memory_space<vmem>>) offsets(%dma_start3A_540 : memref<128xi32, #tpu.memory_space<vmem>>) semaphore(%dma_start3A_545 : memref<!tpu.dma_semaphore, #tpu.memory_space<semaphore_mem>>)
      } else {
      }
      %add3A_343 = arith.constant 3 : i32
      %add3A_344 = arith.addi %add3A_231, %add3A_343 : i32
      %dma_wait3A_345 = arith.constant 3 : i32
      %dma_wait3A_346 = arith.constant 3 : i32
      %dma_wait3A_347 = arith.constant 0 : i32
      %dma_wait3A_348 = arith.constant 0 : i32
      %dma_wait3A_349 = tpu.memref_slice %arg9[%dma_wait3A_345, %dma_wait3A_347, %dma_wait3A_348] : memref<8x128x32xf32, #tpu.memory_space<vmem>> -> memref<1x128x32xf32, #tpu.memory_space<vmem>>
      %dma_wait3A_350 = tpu.memref_squeeze %dma_wait3A_349 : memref<1x128x32xf32, #tpu.memory_space<vmem>> -> memref<128x32xf32, #tpu.memory_space<vmem>>
      %dma_wait3A_351 = arith.constant 0 : i32
      %dma_wait3A_352 = tpu.memref_slice %arg7[%add3A_344, %dma_wait3A_351] : memref<160x128xi32, #tpu.memory_space<vmem>> -> memref<1x128xi32, #tpu.memory_space<vmem>>
      %dma_wait3A_353 = tpu.memref_squeeze %dma_wait3A_352 : memref<1x128xi32, #tpu.memory_space<vmem>> -> memref<128xi32, #tpu.memory_space<vmem>>
      %dma_wait3A_354 = arith.constant 0 : i32
      %dma_wait3A_355 = arith.constant 0 : i32
      %dma_wait3A_356 = tpu.memref_slice %arg13[%dma_wait3A_354, %dma_wait3A_355] : memref<10000x32xf32, #tpu.memory_space<vmem_shared>> -> memref<10000x32xf32, #tpu.memory_space<vmem_shared>>
      %dma_wait3A_357 = tpu.memref_slice %arg14[%dma_wait3A_346] : memref<8x!tpu.dma_semaphore, #tpu.memory_space<semaphore_mem>> -> memref<1x!tpu.dma_semaphore, #tpu.memory_space<semaphore_mem>>
      %dma_wait3A_358 = tpu.memref_squeeze %dma_wait3A_357 : memref<1x!tpu.dma_semaphore, #tpu.memory_space<semaphore_mem>> -> memref<!tpu.dma_semaphore, #tpu.memory_space<semaphore_mem>>
      tpu.wait_indirect_dma semaphore(%dma_wait3A_358 : memref<!tpu.dma_semaphore, #tpu.memory_space<semaphore_mem>>) src(%dma_wait3A_356 : memref<10000x32xf32, #tpu.memory_space<vmem_shared>>) dst(%dma_wait3A_350 : memref<128x32xf32, #tpu.memory_space<vmem>>)
      %dma_start3A_359 = arith.constant 3 : i32
      %dma_start3A_360 = arith.constant 3 : i32
      %dma_start3A_361 = arith.constant 0 : i32
      %dma_start3A_362 = arith.constant 0 : i32
      %dma_start3A_363 = tpu.memref_slice %arg9[%dma_start3A_359, %dma_start3A_361, %dma_start3A_362] : memref<8x128x32xf32, #tpu.memory_space<vmem>> -> memref<1x128x32xf32, #tpu.memory_space<vmem>>
      %dma_start3A_364 = tpu.memref_squeeze %dma_start3A_363 : memref<1x128x32xf32, #tpu.memory_space<vmem>> -> memref<128x32xf32, #tpu.memory_space<vmem>>
      %dma_start3A_365 = arith.constant 0 : i32
      %dma_start3A_366 = tpu.memref_slice %arg8[%add3A_344, %dma_start3A_365] : memref<160x128xi32, #tpu.memory_space<vmem>> -> memref<1x128xi32, #tpu.memory_space<vmem>>
      %dma_start3A_367 = tpu.memref_squeeze %dma_start3A_366 : memref<1x128xi32, #tpu.memory_space<vmem>> -> memref<128xi32, #tpu.memory_space<vmem>>
      %dma_start3A_368 = arith.constant 0 : i32
      %dma_start3A_369 = arith.constant 0 : i32
      %dma_start3A_370 = tpu.memref_slice %arg12[%dma_start3A_368, %dma_start3A_369] : memref<10240x32xf32, #tpu.memory_space<vmem_shared>> -> memref<10240x32xf32, #tpu.memory_space<vmem_shared>>
      %dma_start3A_371 = tpu.memref_slice %arg15[%dma_start3A_360] : memref<8x!tpu.dma_semaphore, #tpu.memory_space<semaphore_mem>> -> memref<1x!tpu.dma_semaphore, #tpu.memory_space<semaphore_mem>>
      %dma_start3A_372 = tpu.memref_squeeze %dma_start3A_371 : memref<1x!tpu.dma_semaphore, #tpu.memory_space<semaphore_mem>> -> memref<!tpu.dma_semaphore, #tpu.memory_space<semaphore_mem>>
      tpu.enqueue_indirect_dma source(%dma_start3A_364 : memref<128x32xf32, #tpu.memory_space<vmem>>) target(%dma_start3A_370 : memref<10240x32xf32, #tpu.memory_space<vmem_shared>>) offsets(%dma_start3A_367 : memref<128xi32, #tpu.memory_space<vmem>>) semaphore(%dma_start3A_372 : memref<!tpu.dma_semaphore, #tpu.memory_space<semaphore_mem>>) {add = true}
      %add3A_373 = arith.constant 4 : i32
      %add3A_374 = arith.addi %add3A_344, %add3A_373 : i32
      %lt3A_375 = arith.constant 160 : i32
      %lt3A_376 = arith.cmpi slt, %add3A_374, %lt3A_375 : i32
      %convert_element_type3A_377 = arith.extui %lt3A_376 : i1 to i32
      %cond3A_378 = arith.constant 0 : i32
      %cond3A_379 = arith.cmpi ne, %convert_element_type3A_377, %cond3A_378 : i32
      scf.if %cond3A_379 {
        %ge3A = arith.constant 8 : i32
        %ge3A_528 = arith.cmpi sge, %add3A_374, %ge3A : i32
        %convert_element_type3A_529 = arith.extui %ge3A_528 : i1 to i32
        %cond3A_530 = arith.constant 0 : i32
        %cond3A_531 = arith.cmpi ne, %convert_element_type3A_529, %cond3A_530 : i32
        scf.if %cond3A_531 {
          %dma_wait3A_546 = arith.constant 7 : i32
          %dma_wait3A_547 = arith.constant 7 : i32
          %dma_wait3A_548 = arith.constant 0 : i32
          %dma_wait3A_549 = arith.constant 0 : i32
          %dma_wait3A_550 = tpu.memref_slice %arg9[%dma_wait3A_546, %dma_wait3A_548, %dma_wait3A_549] : memref<8x128x32xf32, #tpu.memory_space<vmem>> -> memref<1x128x32xf32, #tpu.memory_space<vmem>>
          %dma_wait3A_551 = tpu.memref_squeeze %dma_wait3A_550 : memref<1x128x32xf32, #tpu.memory_space<vmem>> -> memref<128x32xf32, #tpu.memory_space<vmem>>
          %dma_wait3A_552 = arith.constant 0 : i32
          %dma_wait3A_553 = tpu.memref_slice %arg8[%add3A_344, %dma_wait3A_552] : memref<160x128xi32, #tpu.memory_space<vmem>> -> memref<1x128xi32, #tpu.memory_space<vmem>>
          %dma_wait3A_554 = tpu.memref_squeeze %dma_wait3A_553 : memref<1x128xi32, #tpu.memory_space<vmem>> -> memref<128xi32, #tpu.memory_space<vmem>>
          %dma_wait3A_555 = arith.constant 0 : i32
          %dma_wait3A_556 = arith.constant 0 : i32
          %dma_wait3A_557 = tpu.memref_slice %arg12[%dma_wait3A_555, %dma_wait3A_556] : memref<10240x32xf32, #tpu.memory_space<vmem_shared>> -> memref<10240x32xf32, #tpu.memory_space<vmem_shared>>
          %dma_wait3A_558 = tpu.memref_slice %arg15[%dma_wait3A_547] : memref<8x!tpu.dma_semaphore, #tpu.memory_space<semaphore_mem>> -> memref<1x!tpu.dma_semaphore, #tpu.memory_space<semaphore_mem>>
          %dma_wait3A_559 = tpu.memref_squeeze %dma_wait3A_558 : memref<1x!tpu.dma_semaphore, #tpu.memory_space<semaphore_mem>> -> memref<!tpu.dma_semaphore, #tpu.memory_space<semaphore_mem>>
          tpu.wait_indirect_dma semaphore(%dma_wait3A_559 : memref<!tpu.dma_semaphore, #tpu.memory_space<semaphore_mem>>) src(%dma_wait3A_551 : memref<128x32xf32, #tpu.memory_space<vmem>>) dst(%dma_wait3A_557 : memref<10240x32xf32, #tpu.memory_space<vmem_shared>>)
        } else {
        }
        %dma_start3A_532 = arith.constant 7 : i32
        %dma_start3A_533 = arith.constant 7 : i32
        %dma_start3A_534 = arith.constant 0 : i32
        %dma_start3A_535 = arith.constant 0 : i32
        %dma_start3A_536 = tpu.memref_slice %arg9[%dma_start3A_532, %dma_start3A_534, %dma_start3A_535] : memref<8x128x32xf32, #tpu.memory_space<vmem>> -> memref<1x128x32xf32, #tpu.memory_space<vmem>>
        %dma_start3A_537 = tpu.memref_squeeze %dma_start3A_536 : memref<1x128x32xf32, #tpu.memory_space<vmem>> -> memref<128x32xf32, #tpu.memory_space<vmem>>
        %dma_start3A_538 = arith.constant 0 : i32
        %dma_start3A_539 = tpu.memref_slice %arg7[%add3A_374, %dma_start3A_538] : memref<160x128xi32, #tpu.memory_space<vmem>> -> memref<1x128xi32, #tpu.memory_space<vmem>>
        %dma_start3A_540 = tpu.memref_squeeze %dma_start3A_539 : memref<1x128xi32, #tpu.memory_space<vmem>> -> memref<128xi32, #tpu.memory_space<vmem>>
        %dma_start3A_541 = arith.constant 0 : i32
        %dma_start3A_542 = arith.constant 0 : i32
        %dma_start3A_543 = tpu.memref_slice %arg13[%dma_start3A_541, %dma_start3A_542] : memref<10000x32xf32, #tpu.memory_space<vmem_shared>> -> memref<10000x32xf32, #tpu.memory_space<vmem_shared>>
        %dma_start3A_544 = tpu.memref_slice %arg14[%dma_start3A_533] : memref<8x!tpu.dma_semaphore, #tpu.memory_space<semaphore_mem>> -> memref<1x!tpu.dma_semaphore, #tpu.memory_space<semaphore_mem>>
        %dma_start3A_545 = tpu.memref_squeeze %dma_start3A_544 : memref<1x!tpu.dma_semaphore, #tpu.memory_space<semaphore_mem>> -> memref<!tpu.dma_semaphore, #tpu.memory_space<semaphore_mem>>
        tpu.enqueue_indirect_dma source(%dma_start3A_543 : memref<10000x32xf32, #tpu.memory_space<vmem_shared>>) target(%dma_start3A_537 : memref<128x32xf32, #tpu.memory_space<vmem>>) offsets(%dma_start3A_540 : memref<128xi32, #tpu.memory_space<vmem>>) semaphore(%dma_start3A_545 : memref<!tpu.dma_semaphore, #tpu.memory_space<semaphore_mem>>)
      } else {
      }
      %add3A_380 = arith.constant 4 : i32
      %add3A_381 = arith.addi %add3A_231, %add3A_380 : i32
      %dma_wait3A_382 = arith.constant 4 : i32
      %dma_wait3A_383 = arith.constant 4 : i32
      %dma_wait3A_384 = arith.constant 0 : i32
      %dma_wait3A_385 = arith.constant 0 : i32
      %dma_wait3A_386 = tpu.memref_slice %arg9[%dma_wait3A_382, %dma_wait3A_384, %dma_wait3A_385] : memref<8x128x32xf32, #tpu.memory_space<vmem>> -> memref<1x128x32xf32, #tpu.memory_space<vmem>>
      %dma_wait3A_387 = tpu.memref_squeeze %dma_wait3A_386 : memref<1x128x32xf32, #tpu.memory_space<vmem>> -> memref<128x32xf32, #tpu.memory_space<vmem>>
      %dma_wait3A_388 = arith.constant 0 : i32
      %dma_wait3A_389 = tpu.memref_slice %arg7[%add3A_381, %dma_wait3A_388] : memref<160x128xi32, #tpu.memory_space<vmem>> -> memref<1x128xi32, #tpu.memory_space<vmem>>
      %dma_wait3A_390 = tpu.memref_squeeze %dma_wait3A_389 : memref<1x128xi32, #tpu.memory_space<vmem>> -> memref<128xi32, #tpu.memory_space<vmem>>
      %dma_wait3A_391 = arith.constant 0 : i32
      %dma_wait3A_392 = arith.constant 0 : i32
      %dma_wait3A_393 = tpu.memref_slice %arg13[%dma_wait3A_391, %dma_wait3A_392] : memref<10000x32xf32, #tpu.memory_space<vmem_shared>> -> memref<10000x32xf32, #tpu.memory_space<vmem_shared>>
      %dma_wait3A_394 = tpu.memref_slice %arg14[%dma_wait3A_383] : memref<8x!tpu.dma_semaphore, #tpu.memory_space<semaphore_mem>> -> memref<1x!tpu.dma_semaphore, #tpu.memory_space<semaphore_mem>>
      %dma_wait3A_395 = tpu.memref_squeeze %dma_wait3A_394 : memref<1x!tpu.dma_semaphore, #tpu.memory_space<semaphore_mem>> -> memref<!tpu.dma_semaphore, #tpu.memory_space<semaphore_mem>>
      tpu.wait_indirect_dma semaphore(%dma_wait3A_395 : memref<!tpu.dma_semaphore, #tpu.memory_space<semaphore_mem>>) src(%dma_wait3A_393 : memref<10000x32xf32, #tpu.memory_space<vmem_shared>>) dst(%dma_wait3A_387 : memref<128x32xf32, #tpu.memory_space<vmem>>)
      %dma_start3A_396 = arith.constant 4 : i32
      %dma_start3A_397 = arith.constant 4 : i32
      %dma_start3A_398 = arith.constant 0 : i32
      %dma_start3A_399 = arith.constant 0 : i32
      %dma_start3A_400 = tpu.memref_slice %arg9[%dma_start3A_396, %dma_start3A_398, %dma_start3A_399] : memref<8x128x32xf32, #tpu.memory_space<vmem>> -> memref<1x128x32xf32, #tpu.memory_space<vmem>>
      %dma_start3A_401 = tpu.memref_squeeze %dma_start3A_400 : memref<1x128x32xf32, #tpu.memory_space<vmem>> -> memref<128x32xf32, #tpu.memory_space<vmem>>
      %dma_start3A_402 = arith.constant 0 : i32
      %dma_start3A_403 = tpu.memref_slice %arg8[%add3A_381, %dma_start3A_402] : memref<160x128xi32, #tpu.memory_space<vmem>> -> memref<1x128xi32, #tpu.memory_space<vmem>>
      %dma_start3A_404 = tpu.memref_squeeze %dma_start3A_403 : memref<1x128xi32, #tpu.memory_space<vmem>> -> memref<128xi32, #tpu.memory_space<vmem>>
      %dma_start3A_405 = arith.constant 0 : i32
      %dma_start3A_406 = arith.constant 0 : i32
      %dma_start3A_407 = tpu.memref_slice %arg12[%dma_start3A_405, %dma_start3A_406] : memref<10240x32xf32, #tpu.memory_space<vmem_shared>> -> memref<10240x32xf32, #tpu.memory_space<vmem_shared>>
      %dma_start3A_408 = tpu.memref_slice %arg15[%dma_start3A_397] : memref<8x!tpu.dma_semaphore, #tpu.memory_space<semaphore_mem>> -> memref<1x!tpu.dma_semaphore, #tpu.memory_space<semaphore_mem>>
      %dma_start3A_409 = tpu.memref_squeeze %dma_start3A_408 : memref<1x!tpu.dma_semaphore, #tpu.memory_space<semaphore_mem>> -> memref<!tpu.dma_semaphore, #tpu.memory_space<semaphore_mem>>
      tpu.enqueue_indirect_dma source(%dma_start3A_401 : memref<128x32xf32, #tpu.memory_space<vmem>>) target(%dma_start3A_407 : memref<10240x32xf32, #tpu.memory_space<vmem_shared>>) offsets(%dma_start3A_404 : memref<128xi32, #tpu.memory_space<vmem>>) semaphore(%dma_start3A_409 : memref<!tpu.dma_semaphore, #tpu.memory_space<semaphore_mem>>) {add = true}
      %add3A_410 = arith.constant 4 : i32
      %add3A_411 = arith.addi %add3A_381, %add3A_410 : i32
      %lt3A_412 = arith.constant 160 : i32
      %lt3A_413 = arith.cmpi slt, %add3A_411, %lt3A_412 : i32
      %convert_element_type3A_414 = arith.extui %lt3A_413 : i1 to i32
      %cond3A_415 = arith.constant 0 : i32
      %cond3A_416 = arith.cmpi ne, %convert_element_type3A_414, %cond3A_415 : i32
      scf.if %cond3A_416 {
        %ge3A = arith.constant 8 : i32
        %ge3A_528 = arith.cmpi sge, %add3A_411, %ge3A : i32
        %convert_element_type3A_529 = arith.extui %ge3A_528 : i1 to i32
        %cond3A_530 = arith.constant 0 : i32
        %cond3A_531 = arith.cmpi ne, %convert_element_type3A_529, %cond3A_530 : i32
        scf.if %cond3A_531 {
          %dma_wait3A_546 = arith.constant 0 : i32
          %dma_wait3A_547 = arith.constant 0 : i32
          %dma_wait3A_548 = arith.constant 0 : i32
          %dma_wait3A_549 = arith.constant 0 : i32
          %dma_wait3A_550 = tpu.memref_slice %arg9[%dma_wait3A_546, %dma_wait3A_548, %dma_wait3A_549] : memref<8x128x32xf32, #tpu.memory_space<vmem>> -> memref<1x128x32xf32, #tpu.memory_space<vmem>>
          %dma_wait3A_551 = tpu.memref_squeeze %dma_wait3A_550 : memref<1x128x32xf32, #tpu.memory_space<vmem>> -> memref<128x32xf32, #tpu.memory_space<vmem>>
          %dma_wait3A_552 = arith.constant 0 : i32
          %dma_wait3A_553 = tpu.memref_slice %arg8[%add3A_381, %dma_wait3A_552] : memref<160x128xi32, #tpu.memory_space<vmem>> -> memref<1x128xi32, #tpu.memory_space<vmem>>
          %dma_wait3A_554 = tpu.memref_squeeze %dma_wait3A_553 : memref<1x128xi32, #tpu.memory_space<vmem>> -> memref<128xi32, #tpu.memory_space<vmem>>
          %dma_wait3A_555 = arith.constant 0 : i32
          %dma_wait3A_556 = arith.constant 0 : i32
          %dma_wait3A_557 = tpu.memref_slice %arg12[%dma_wait3A_555, %dma_wait3A_556] : memref<10240x32xf32, #tpu.memory_space<vmem_shared>> -> memref<10240x32xf32, #tpu.memory_space<vmem_shared>>
          %dma_wait3A_558 = tpu.memref_slice %arg15[%dma_wait3A_547] : memref<8x!tpu.dma_semaphore, #tpu.memory_space<semaphore_mem>> -> memref<1x!tpu.dma_semaphore, #tpu.memory_space<semaphore_mem>>
          %dma_wait3A_559 = tpu.memref_squeeze %dma_wait3A_558 : memref<1x!tpu.dma_semaphore, #tpu.memory_space<semaphore_mem>> -> memref<!tpu.dma_semaphore, #tpu.memory_space<semaphore_mem>>
          tpu.wait_indirect_dma semaphore(%dma_wait3A_559 : memref<!tpu.dma_semaphore, #tpu.memory_space<semaphore_mem>>) src(%dma_wait3A_551 : memref<128x32xf32, #tpu.memory_space<vmem>>) dst(%dma_wait3A_557 : memref<10240x32xf32, #tpu.memory_space<vmem_shared>>)
        } else {
        }
        %dma_start3A_532 = arith.constant 0 : i32
        %dma_start3A_533 = arith.constant 0 : i32
        %dma_start3A_534 = arith.constant 0 : i32
        %dma_start3A_535 = arith.constant 0 : i32
        %dma_start3A_536 = tpu.memref_slice %arg9[%dma_start3A_532, %dma_start3A_534, %dma_start3A_535] : memref<8x128x32xf32, #tpu.memory_space<vmem>> -> memref<1x128x32xf32, #tpu.memory_space<vmem>>
        %dma_start3A_537 = tpu.memref_squeeze %dma_start3A_536 : memref<1x128x32xf32, #tpu.memory_space<vmem>> -> memref<128x32xf32, #tpu.memory_space<vmem>>
        %dma_start3A_538 = arith.constant 0 : i32
        %dma_start3A_539 = tpu.memref_slice %arg7[%add3A_411, %dma_start3A_538] : memref<160x128xi32, #tpu.memory_space<vmem>> -> memref<1x128xi32, #tpu.memory_space<vmem>>
        %dma_start3A_540 = tpu.memref_squeeze %dma_start3A_539 : memref<1x128xi32, #tpu.memory_space<vmem>> -> memref<128xi32, #tpu.memory_space<vmem>>
        %dma_start3A_541 = arith.constant 0 : i32
        %dma_start3A_542 = arith.constant 0 : i32
        %dma_start3A_543 = tpu.memref_slice %arg13[%dma_start3A_541, %dma_start3A_542] : memref<10000x32xf32, #tpu.memory_space<vmem_shared>> -> memref<10000x32xf32, #tpu.memory_space<vmem_shared>>
        %dma_start3A_544 = tpu.memref_slice %arg14[%dma_start3A_533] : memref<8x!tpu.dma_semaphore, #tpu.memory_space<semaphore_mem>> -> memref<1x!tpu.dma_semaphore, #tpu.memory_space<semaphore_mem>>
        %dma_start3A_545 = tpu.memref_squeeze %dma_start3A_544 : memref<1x!tpu.dma_semaphore, #tpu.memory_space<semaphore_mem>> -> memref<!tpu.dma_semaphore, #tpu.memory_space<semaphore_mem>>
        tpu.enqueue_indirect_dma source(%dma_start3A_543 : memref<10000x32xf32, #tpu.memory_space<vmem_shared>>) target(%dma_start3A_537 : memref<128x32xf32, #tpu.memory_space<vmem>>) offsets(%dma_start3A_540 : memref<128xi32, #tpu.memory_space<vmem>>) semaphore(%dma_start3A_545 : memref<!tpu.dma_semaphore, #tpu.memory_space<semaphore_mem>>)
      } else {
      }
      %add3A_417 = arith.constant 5 : i32
      %add3A_418 = arith.addi %add3A_231, %add3A_417 : i32
      %dma_wait3A_419 = arith.constant 5 : i32
      %dma_wait3A_420 = arith.constant 5 : i32
      %dma_wait3A_421 = arith.constant 0 : i32
      %dma_wait3A_422 = arith.constant 0 : i32
      %dma_wait3A_423 = tpu.memref_slice %arg9[%dma_wait3A_419, %dma_wait3A_421, %dma_wait3A_422] : memref<8x128x32xf32, #tpu.memory_space<vmem>> -> memref<1x128x32xf32, #tpu.memory_space<vmem>>
      %dma_wait3A_424 = tpu.memref_squeeze %dma_wait3A_423 : memref<1x128x32xf32, #tpu.memory_space<vmem>> -> memref<128x32xf32, #tpu.memory_space<vmem>>
      %dma_wait3A_425 = arith.constant 0 : i32
      %dma_wait3A_426 = tpu.memref_slice %arg7[%add3A_418, %dma_wait3A_425] : memref<160x128xi32, #tpu.memory_space<vmem>> -> memref<1x128xi32, #tpu.memory_space<vmem>>
      %dma_wait3A_427 = tpu.memref_squeeze %dma_wait3A_426 : memref<1x128xi32, #tpu.memory_space<vmem>> -> memref<128xi32, #tpu.memory_space<vmem>>
      %dma_wait3A_428 = arith.constant 0 : i32
      %dma_wait3A_429 = arith.constant 0 : i32
      %dma_wait3A_430 = tpu.memref_slice %arg13[%dma_wait3A_428, %dma_wait3A_429] : memref<10000x32xf32, #tpu.memory_space<vmem_shared>> -> memref<10000x32xf32, #tpu.memory_space<vmem_shared>>
      %dma_wait3A_431 = tpu.memref_slice %arg14[%dma_wait3A_420] : memref<8x!tpu.dma_semaphore, #tpu.memory_space<semaphore_mem>> -> memref<1x!tpu.dma_semaphore, #tpu.memory_space<semaphore_mem>>
      %dma_wait3A_432 = tpu.memref_squeeze %dma_wait3A_431 : memref<1x!tpu.dma_semaphore, #tpu.memory_space<semaphore_mem>> -> memref<!tpu.dma_semaphore, #tpu.memory_space<semaphore_mem>>
      tpu.wait_indirect_dma semaphore(%dma_wait3A_432 : memref<!tpu.dma_semaphore, #tpu.memory_space<semaphore_mem>>) src(%dma_wait3A_430 : memref<10000x32xf32, #tpu.memory_space<vmem_shared>>) dst(%dma_wait3A_424 : memref<128x32xf32, #tpu.memory_space<vmem>>)
      %dma_start3A_433 = arith.constant 5 : i32
      %dma_start3A_434 = arith.constant 5 : i32
      %dma_start3A_435 = arith.constant 0 : i32
      %dma_start3A_436 = arith.constant 0 : i32
      %dma_start3A_437 = tpu.memref_slice %arg9[%dma_start3A_433, %dma_start3A_435, %dma_start3A_436] : memref<8x128x32xf32, #tpu.memory_space<vmem>> -> memref<1x128x32xf32, #tpu.memory_space<vmem>>
      %dma_start3A_438 = tpu.memref_squeeze %dma_start3A_437 : memref<1x128x32xf32, #tpu.memory_space<vmem>> -> memref<128x32xf32, #tpu.memory_space<vmem>>
      %dma_start3A_439 = arith.constant 0 : i32
      %dma_start3A_440 = tpu.memref_slice %arg8[%add3A_418, %dma_start3A_439] : memref<160x128xi32, #tpu.memory_space<vmem>> -> memref<1x128xi32, #tpu.memory_space<vmem>>
      %dma_start3A_441 = tpu.memref_squeeze %dma_start3A_440 : memref<1x128xi32, #tpu.memory_space<vmem>> -> memref<128xi32, #tpu.memory_space<vmem>>
      %dma_start3A_442 = arith.constant 0 : i32
      %dma_start3A_443 = arith.constant 0 : i32
      %dma_start3A_444 = tpu.memref_slice %arg12[%dma_start3A_442, %dma_start3A_443] : memref<10240x32xf32, #tpu.memory_space<vmem_shared>> -> memref<10240x32xf32, #tpu.memory_space<vmem_shared>>
      %dma_start3A_445 = tpu.memref_slice %arg15[%dma_start3A_434] : memref<8x!tpu.dma_semaphore, #tpu.memory_space<semaphore_mem>> -> memref<1x!tpu.dma_semaphore, #tpu.memory_space<semaphore_mem>>
      %dma_start3A_446 = tpu.memref_squeeze %dma_start3A_445 : memref<1x!tpu.dma_semaphore, #tpu.memory_space<semaphore_mem>> -> memref<!tpu.dma_semaphore, #tpu.memory_space<semaphore_mem>>
      tpu.enqueue_indirect_dma source(%dma_start3A_438 : memref<128x32xf32, #tpu.memory_space<vmem>>) target(%dma_start3A_444 : memref<10240x32xf32, #tpu.memory_space<vmem_shared>>) offsets(%dma_start3A_441 : memref<128xi32, #tpu.memory_space<vmem>>) semaphore(%dma_start3A_446 : memref<!tpu.dma_semaphore, #tpu.memory_space<semaphore_mem>>) {add = true}
      %add3A_447 = arith.constant 4 : i32
      %add3A_448 = arith.addi %add3A_418, %add3A_447 : i32
      %lt3A_449 = arith.constant 160 : i32
      %lt3A_450 = arith.cmpi slt, %add3A_448, %lt3A_449 : i32
      %convert_element_type3A_451 = arith.extui %lt3A_450 : i1 to i32
      %cond3A_452 = arith.constant 0 : i32
      %cond3A_453 = arith.cmpi ne, %convert_element_type3A_451, %cond3A_452 : i32
      scf.if %cond3A_453 {
        %ge3A = arith.constant 8 : i32
        %ge3A_528 = arith.cmpi sge, %add3A_448, %ge3A : i32
        %convert_element_type3A_529 = arith.extui %ge3A_528 : i1 to i32
        %cond3A_530 = arith.constant 0 : i32
        %cond3A_531 = arith.cmpi ne, %convert_element_type3A_529, %cond3A_530 : i32
        scf.if %cond3A_531 {
          %dma_wait3A_546 = arith.constant 1 : i32
          %dma_wait3A_547 = arith.constant 1 : i32
          %dma_wait3A_548 = arith.constant 0 : i32
          %dma_wait3A_549 = arith.constant 0 : i32
          %dma_wait3A_550 = tpu.memref_slice %arg9[%dma_wait3A_546, %dma_wait3A_548, %dma_wait3A_549] : memref<8x128x32xf32, #tpu.memory_space<vmem>> -> memref<1x128x32xf32, #tpu.memory_space<vmem>>
          %dma_wait3A_551 = tpu.memref_squeeze %dma_wait3A_550 : memref<1x128x32xf32, #tpu.memory_space<vmem>> -> memref<128x32xf32, #tpu.memory_space<vmem>>
          %dma_wait3A_552 = arith.constant 0 : i32
          %dma_wait3A_553 = tpu.memref_slice %arg8[%add3A_418, %dma_wait3A_552] : memref<160x128xi32, #tpu.memory_space<vmem>> -> memref<1x128xi32, #tpu.memory_space<vmem>>
          %dma_wait3A_554 = tpu.memref_squeeze %dma_wait3A_553 : memref<1x128xi32, #tpu.memory_space<vmem>> -> memref<128xi32, #tpu.memory_space<vmem>>
          %dma_wait3A_555 = arith.constant 0 : i32
          %dma_wait3A_556 = arith.constant 0 : i32
          %dma_wait3A_557 = tpu.memref_slice %arg12[%dma_wait3A_555, %dma_wait3A_556] : memref<10240x32xf32, #tpu.memory_space<vmem_shared>> -> memref<10240x32xf32, #tpu.memory_space<vmem_shared>>
          %dma_wait3A_558 = tpu.memref_slice %arg15[%dma_wait3A_547] : memref<8x!tpu.dma_semaphore, #tpu.memory_space<semaphore_mem>> -> memref<1x!tpu.dma_semaphore, #tpu.memory_space<semaphore_mem>>
          %dma_wait3A_559 = tpu.memref_squeeze %dma_wait3A_558 : memref<1x!tpu.dma_semaphore, #tpu.memory_space<semaphore_mem>> -> memref<!tpu.dma_semaphore, #tpu.memory_space<semaphore_mem>>
          tpu.wait_indirect_dma semaphore(%dma_wait3A_559 : memref<!tpu.dma_semaphore, #tpu.memory_space<semaphore_mem>>) src(%dma_wait3A_551 : memref<128x32xf32, #tpu.memory_space<vmem>>) dst(%dma_wait3A_557 : memref<10240x32xf32, #tpu.memory_space<vmem_shared>>)
        } else {
        }
        %dma_start3A_532 = arith.constant 1 : i32
        %dma_start3A_533 = arith.constant 1 : i32
        %dma_start3A_534 = arith.constant 0 : i32
        %dma_start3A_535 = arith.constant 0 : i32
        %dma_start3A_536 = tpu.memref_slice %arg9[%dma_start3A_532, %dma_start3A_534, %dma_start3A_535] : memref<8x128x32xf32, #tpu.memory_space<vmem>> -> memref<1x128x32xf32, #tpu.memory_space<vmem>>
        %dma_start3A_537 = tpu.memref_squeeze %dma_start3A_536 : memref<1x128x32xf32, #tpu.memory_space<vmem>> -> memref<128x32xf32, #tpu.memory_space<vmem>>
        %dma_start3A_538 = arith.constant 0 : i32
        %dma_start3A_539 = tpu.memref_slice %arg7[%add3A_448, %dma_start3A_538] : memref<160x128xi32, #tpu.memory_space<vmem>> -> memref<1x128xi32, #tpu.memory_space<vmem>>
        %dma_start3A_540 = tpu.memref_squeeze %dma_start3A_539 : memref<1x128xi32, #tpu.memory_space<vmem>> -> memref<128xi32, #tpu.memory_space<vmem>>
        %dma_start3A_541 = arith.constant 0 : i32
        %dma_start3A_542 = arith.constant 0 : i32
        %dma_start3A_543 = tpu.memref_slice %arg13[%dma_start3A_541, %dma_start3A_542] : memref<10000x32xf32, #tpu.memory_space<vmem_shared>> -> memref<10000x32xf32, #tpu.memory_space<vmem_shared>>
        %dma_start3A_544 = tpu.memref_slice %arg14[%dma_start3A_533] : memref<8x!tpu.dma_semaphore, #tpu.memory_space<semaphore_mem>> -> memref<1x!tpu.dma_semaphore, #tpu.memory_space<semaphore_mem>>
        %dma_start3A_545 = tpu.memref_squeeze %dma_start3A_544 : memref<1x!tpu.dma_semaphore, #tpu.memory_space<semaphore_mem>> -> memref<!tpu.dma_semaphore, #tpu.memory_space<semaphore_mem>>
        tpu.enqueue_indirect_dma source(%dma_start3A_543 : memref<10000x32xf32, #tpu.memory_space<vmem_shared>>) target(%dma_start3A_537 : memref<128x32xf32, #tpu.memory_space<vmem>>) offsets(%dma_start3A_540 : memref<128xi32, #tpu.memory_space<vmem>>) semaphore(%dma_start3A_545 : memref<!tpu.dma_semaphore, #tpu.memory_space<semaphore_mem>>)
      } else {
      }
      %add3A_454 = arith.constant 6 : i32
      %add3A_455 = arith.addi %add3A_231, %add3A_454 : i32
      %dma_wait3A_456 = arith.constant 6 : i32
      %dma_wait3A_457 = arith.constant 6 : i32
      %dma_wait3A_458 = arith.constant 0 : i32
      %dma_wait3A_459 = arith.constant 0 : i32
      %dma_wait3A_460 = tpu.memref_slice %arg9[%dma_wait3A_456, %dma_wait3A_458, %dma_wait3A_459] : memref<8x128x32xf32, #tpu.memory_space<vmem>> -> memref<1x128x32xf32, #tpu.memory_space<vmem>>
      %dma_wait3A_461 = tpu.memref_squeeze %dma_wait3A_460 : memref<1x128x32xf32, #tpu.memory_space<vmem>> -> memref<128x32xf32, #tpu.memory_space<vmem>>
      %dma_wait3A_462 = arith.constant 0 : i32
      %dma_wait3A_463 = tpu.memref_slice %arg7[%add3A_455, %dma_wait3A_462] : memref<160x128xi32, #tpu.memory_space<vmem>> -> memref<1x128xi32, #tpu.memory_space<vmem>>
      %dma_wait3A_464 = tpu.memref_squeeze %dma_wait3A_463 : memref<1x128xi32, #tpu.memory_space<vmem>> -> memref<128xi32, #tpu.memory_space<vmem>>
      %dma_wait3A_465 = arith.constant 0 : i32
      %dma_wait3A_466 = arith.constant 0 : i32
      %dma_wait3A_467 = tpu.memref_slice %arg13[%dma_wait3A_465, %dma_wait3A_466] : memref<10000x32xf32, #tpu.memory_space<vmem_shared>> -> memref<10000x32xf32, #tpu.memory_space<vmem_shared>>
      %dma_wait3A_468 = tpu.memref_slice %arg14[%dma_wait3A_457] : memref<8x!tpu.dma_semaphore, #tpu.memory_space<semaphore_mem>> -> memref<1x!tpu.dma_semaphore, #tpu.memory_space<semaphore_mem>>
      %dma_wait3A_469 = tpu.memref_squeeze %dma_wait3A_468 : memref<1x!tpu.dma_semaphore, #tpu.memory_space<semaphore_mem>> -> memref<!tpu.dma_semaphore, #tpu.memory_space<semaphore_mem>>
      tpu.wait_indirect_dma semaphore(%dma_wait3A_469 : memref<!tpu.dma_semaphore, #tpu.memory_space<semaphore_mem>>) src(%dma_wait3A_467 : memref<10000x32xf32, #tpu.memory_space<vmem_shared>>) dst(%dma_wait3A_461 : memref<128x32xf32, #tpu.memory_space<vmem>>)
      %dma_start3A_470 = arith.constant 6 : i32
      %dma_start3A_471 = arith.constant 6 : i32
      %dma_start3A_472 = arith.constant 0 : i32
      %dma_start3A_473 = arith.constant 0 : i32
      %dma_start3A_474 = tpu.memref_slice %arg9[%dma_start3A_470, %dma_start3A_472, %dma_start3A_473] : memref<8x128x32xf32, #tpu.memory_space<vmem>> -> memref<1x128x32xf32, #tpu.memory_space<vmem>>
      %dma_start3A_475 = tpu.memref_squeeze %dma_start3A_474 : memref<1x128x32xf32, #tpu.memory_space<vmem>> -> memref<128x32xf32, #tpu.memory_space<vmem>>
      %dma_start3A_476 = arith.constant 0 : i32
      %dma_start3A_477 = tpu.memref_slice %arg8[%add3A_455, %dma_start3A_476] : memref<160x128xi32, #tpu.memory_space<vmem>> -> memref<1x128xi32, #tpu.memory_space<vmem>>
      %dma_start3A_478 = tpu.memref_squeeze %dma_start3A_477 : memref<1x128xi32, #tpu.memory_space<vmem>> -> memref<128xi32, #tpu.memory_space<vmem>>
      %dma_start3A_479 = arith.constant 0 : i32
      %dma_start3A_480 = arith.constant 0 : i32
      %dma_start3A_481 = tpu.memref_slice %arg12[%dma_start3A_479, %dma_start3A_480] : memref<10240x32xf32, #tpu.memory_space<vmem_shared>> -> memref<10240x32xf32, #tpu.memory_space<vmem_shared>>
      %dma_start3A_482 = tpu.memref_slice %arg15[%dma_start3A_471] : memref<8x!tpu.dma_semaphore, #tpu.memory_space<semaphore_mem>> -> memref<1x!tpu.dma_semaphore, #tpu.memory_space<semaphore_mem>>
      %dma_start3A_483 = tpu.memref_squeeze %dma_start3A_482 : memref<1x!tpu.dma_semaphore, #tpu.memory_space<semaphore_mem>> -> memref<!tpu.dma_semaphore, #tpu.memory_space<semaphore_mem>>
      tpu.enqueue_indirect_dma source(%dma_start3A_475 : memref<128x32xf32, #tpu.memory_space<vmem>>) target(%dma_start3A_481 : memref<10240x32xf32, #tpu.memory_space<vmem_shared>>) offsets(%dma_start3A_478 : memref<128xi32, #tpu.memory_space<vmem>>) semaphore(%dma_start3A_483 : memref<!tpu.dma_semaphore, #tpu.memory_space<semaphore_mem>>) {add = true}
      %add3A_484 = arith.constant 4 : i32
      %add3A_485 = arith.addi %add3A_455, %add3A_484 : i32
      %lt3A_486 = arith.constant 160 : i32
      %lt3A_487 = arith.cmpi slt, %add3A_485, %lt3A_486 : i32
      %convert_element_type3A_488 = arith.extui %lt3A_487 : i1 to i32
      %cond3A_489 = arith.constant 0 : i32
      %cond3A_490 = arith.cmpi ne, %convert_element_type3A_488, %cond3A_489 : i32
      scf.if %cond3A_490 {
        %ge3A = arith.constant 8 : i32
        %ge3A_528 = arith.cmpi sge, %add3A_485, %ge3A : i32
        %convert_element_type3A_529 = arith.extui %ge3A_528 : i1 to i32
        %cond3A_530 = arith.constant 0 : i32
        %cond3A_531 = arith.cmpi ne, %convert_element_type3A_529, %cond3A_530 : i32
        scf.if %cond3A_531 {
          %dma_wait3A_546 = arith.constant 2 : i32
          %dma_wait3A_547 = arith.constant 2 : i32
          %dma_wait3A_548 = arith.constant 0 : i32
          %dma_wait3A_549 = arith.constant 0 : i32
          %dma_wait3A_550 = tpu.memref_slice %arg9[%dma_wait3A_546, %dma_wait3A_548, %dma_wait3A_549] : memref<8x128x32xf32, #tpu.memory_space<vmem>> -> memref<1x128x32xf32, #tpu.memory_space<vmem>>
          %dma_wait3A_551 = tpu.memref_squeeze %dma_wait3A_550 : memref<1x128x32xf32, #tpu.memory_space<vmem>> -> memref<128x32xf32, #tpu.memory_space<vmem>>
          %dma_wait3A_552 = arith.constant 0 : i32
          %dma_wait3A_553 = tpu.memref_slice %arg8[%add3A_455, %dma_wait3A_552] : memref<160x128xi32, #tpu.memory_space<vmem>> -> memref<1x128xi32, #tpu.memory_space<vmem>>
          %dma_wait3A_554 = tpu.memref_squeeze %dma_wait3A_553 : memref<1x128xi32, #tpu.memory_space<vmem>> -> memref<128xi32, #tpu.memory_space<vmem>>
          %dma_wait3A_555 = arith.constant 0 : i32
          %dma_wait3A_556 = arith.constant 0 : i32
          %dma_wait3A_557 = tpu.memref_slice %arg12[%dma_wait3A_555, %dma_wait3A_556] : memref<10240x32xf32, #tpu.memory_space<vmem_shared>> -> memref<10240x32xf32, #tpu.memory_space<vmem_shared>>
          %dma_wait3A_558 = tpu.memref_slice %arg15[%dma_wait3A_547] : memref<8x!tpu.dma_semaphore, #tpu.memory_space<semaphore_mem>> -> memref<1x!tpu.dma_semaphore, #tpu.memory_space<semaphore_mem>>
          %dma_wait3A_559 = tpu.memref_squeeze %dma_wait3A_558 : memref<1x!tpu.dma_semaphore, #tpu.memory_space<semaphore_mem>> -> memref<!tpu.dma_semaphore, #tpu.memory_space<semaphore_mem>>
          tpu.wait_indirect_dma semaphore(%dma_wait3A_559 : memref<!tpu.dma_semaphore, #tpu.memory_space<semaphore_mem>>) src(%dma_wait3A_551 : memref<128x32xf32, #tpu.memory_space<vmem>>) dst(%dma_wait3A_557 : memref<10240x32xf32, #tpu.memory_space<vmem_shared>>)
        } else {
        }
        %dma_start3A_532 = arith.constant 2 : i32
        %dma_start3A_533 = arith.constant 2 : i32
        %dma_start3A_534 = arith.constant 0 : i32
        %dma_start3A_535 = arith.constant 0 : i32
        %dma_start3A_536 = tpu.memref_slice %arg9[%dma_start3A_532, %dma_start3A_534, %dma_start3A_535] : memref<8x128x32xf32, #tpu.memory_space<vmem>> -> memref<1x128x32xf32, #tpu.memory_space<vmem>>
        %dma_start3A_537 = tpu.memref_squeeze %dma_start3A_536 : memref<1x128x32xf32, #tpu.memory_space<vmem>> -> memref<128x32xf32, #tpu.memory_space<vmem>>
        %dma_start3A_538 = arith.constant 0 : i32
        %dma_start3A_539 = tpu.memref_slice %arg7[%add3A_485, %dma_start3A_538] : memref<160x128xi32, #tpu.memory_space<vmem>> -> memref<1x128xi32, #tpu.memory_space<vmem>>
        %dma_start3A_540 = tpu.memref_squeeze %dma_start3A_539 : memref<1x128xi32, #tpu.memory_space<vmem>> -> memref<128xi32, #tpu.memory_space<vmem>>
        %dma_start3A_541 = arith.constant 0 : i32
        %dma_start3A_542 = arith.constant 0 : i32
        %dma_start3A_543 = tpu.memref_slice %arg13[%dma_start3A_541, %dma_start3A_542] : memref<10000x32xf32, #tpu.memory_space<vmem_shared>> -> memref<10000x32xf32, #tpu.memory_space<vmem_shared>>
        %dma_start3A_544 = tpu.memref_slice %arg14[%dma_start3A_533] : memref<8x!tpu.dma_semaphore, #tpu.memory_space<semaphore_mem>> -> memref<1x!tpu.dma_semaphore, #tpu.memory_space<semaphore_mem>>
        %dma_start3A_545 = tpu.memref_squeeze %dma_start3A_544 : memref<1x!tpu.dma_semaphore, #tpu.memory_space<semaphore_mem>> -> memref<!tpu.dma_semaphore, #tpu.memory_space<semaphore_mem>>
        tpu.enqueue_indirect_dma source(%dma_start3A_543 : memref<10000x32xf32, #tpu.memory_space<vmem_shared>>) target(%dma_start3A_537 : memref<128x32xf32, #tpu.memory_space<vmem>>) offsets(%dma_start3A_540 : memref<128xi32, #tpu.memory_space<vmem>>) semaphore(%dma_start3A_545 : memref<!tpu.dma_semaphore, #tpu.memory_space<semaphore_mem>>)
      } else {
      }
      %add3A_491 = arith.constant 7 : i32
      %add3A_492 = arith.addi %add3A_231, %add3A_491 : i32
      %dma_wait3A_493 = arith.constant 7 : i32
      %dma_wait3A_494 = arith.constant 7 : i32
      %dma_wait3A_495 = arith.constant 0 : i32
      %dma_wait3A_496 = arith.constant 0 : i32
      %dma_wait3A_497 = tpu.memref_slice %arg9[%dma_wait3A_493, %dma_wait3A_495, %dma_wait3A_496] : memref<8x128x32xf32, #tpu.memory_space<vmem>> -> memref<1x128x32xf32, #tpu.memory_space<vmem>>
      %dma_wait3A_498 = tpu.memref_squeeze %dma_wait3A_497 : memref<1x128x32xf32, #tpu.memory_space<vmem>> -> memref<128x32xf32, #tpu.memory_space<vmem>>
      %dma_wait3A_499 = arith.constant 0 : i32
      %dma_wait3A_500 = tpu.memref_slice %arg7[%add3A_492, %dma_wait3A_499] : memref<160x128xi32, #tpu.memory_space<vmem>> -> memref<1x128xi32, #tpu.memory_space<vmem>>
      %dma_wait3A_501 = tpu.memref_squeeze %dma_wait3A_500 : memref<1x128xi32, #tpu.memory_space<vmem>> -> memref<128xi32, #tpu.memory_space<vmem>>
      %dma_wait3A_502 = arith.constant 0 : i32
      %dma_wait3A_503 = arith.constant 0 : i32
      %dma_wait3A_504 = tpu.memref_slice %arg13[%dma_wait3A_502, %dma_wait3A_503] : memref<10000x32xf32, #tpu.memory_space<vmem_shared>> -> memref<10000x32xf32, #tpu.memory_space<vmem_shared>>
      %dma_wait3A_505 = tpu.memref_slice %arg14[%dma_wait3A_494] : memref<8x!tpu.dma_semaphore, #tpu.memory_space<semaphore_mem>> -> memref<1x!tpu.dma_semaphore, #tpu.memory_space<semaphore_mem>>
      %dma_wait3A_506 = tpu.memref_squeeze %dma_wait3A_505 : memref<1x!tpu.dma_semaphore, #tpu.memory_space<semaphore_mem>> -> memref<!tpu.dma_semaphore, #tpu.memory_space<semaphore_mem>>
      tpu.wait_indirect_dma semaphore(%dma_wait3A_506 : memref<!tpu.dma_semaphore, #tpu.memory_space<semaphore_mem>>) src(%dma_wait3A_504 : memref<10000x32xf32, #tpu.memory_space<vmem_shared>>) dst(%dma_wait3A_498 : memref<128x32xf32, #tpu.memory_space<vmem>>)
      %dma_start3A_507 = arith.constant 7 : i32
      %dma_start3A_508 = arith.constant 7 : i32
      %dma_start3A_509 = arith.constant 0 : i32
      %dma_start3A_510 = arith.constant 0 : i32
      %dma_start3A_511 = tpu.memref_slice %arg9[%dma_start3A_507, %dma_start3A_509, %dma_start3A_510] : memref<8x128x32xf32, #tpu.memory_space<vmem>> -> memref<1x128x32xf32, #tpu.memory_space<vmem>>
      %dma_start3A_512 = tpu.memref_squeeze %dma_start3A_511 : memref<1x128x32xf32, #tpu.memory_space<vmem>> -> memref<128x32xf32, #tpu.memory_space<vmem>>
      %dma_start3A_513 = arith.constant 0 : i32
      %dma_start3A_514 = tpu.memref_slice %arg8[%add3A_492, %dma_start3A_513] : memref<160x128xi32, #tpu.memory_space<vmem>> -> memref<1x128xi32, #tpu.memory_space<vmem>>
      %dma_start3A_515 = tpu.memref_squeeze %dma_start3A_514 : memref<1x128xi32, #tpu.memory_space<vmem>> -> memref<128xi32, #tpu.memory_space<vmem>>
      %dma_start3A_516 = arith.constant 0 : i32
      %dma_start3A_517 = arith.constant 0 : i32
      %dma_start3A_518 = tpu.memref_slice %arg12[%dma_start3A_516, %dma_start3A_517] : memref<10240x32xf32, #tpu.memory_space<vmem_shared>> -> memref<10240x32xf32, #tpu.memory_space<vmem_shared>>
      %dma_start3A_519 = tpu.memref_slice %arg15[%dma_start3A_508] : memref<8x!tpu.dma_semaphore, #tpu.memory_space<semaphore_mem>> -> memref<1x!tpu.dma_semaphore, #tpu.memory_space<semaphore_mem>>
      %dma_start3A_520 = tpu.memref_squeeze %dma_start3A_519 : memref<1x!tpu.dma_semaphore, #tpu.memory_space<semaphore_mem>> -> memref<!tpu.dma_semaphore, #tpu.memory_space<semaphore_mem>>
      tpu.enqueue_indirect_dma source(%dma_start3A_512 : memref<128x32xf32, #tpu.memory_space<vmem>>) target(%dma_start3A_518 : memref<10240x32xf32, #tpu.memory_space<vmem_shared>>) offsets(%dma_start3A_515 : memref<128xi32, #tpu.memory_space<vmem>>) semaphore(%dma_start3A_520 : memref<!tpu.dma_semaphore, #tpu.memory_space<semaphore_mem>>) {add = true}
      %add3A_521 = arith.constant 4 : i32
      %add3A_522 = arith.addi %add3A_492, %add3A_521 : i32
      %lt3A_523 = arith.constant 160 : i32
      %lt3A_524 = arith.cmpi slt, %add3A_522, %lt3A_523 : i32
      %convert_element_type3A_525 = arith.extui %lt3A_524 : i1 to i32
      %cond3A_526 = arith.constant 0 : i32
      %cond3A_527 = arith.cmpi ne, %convert_element_type3A_525, %cond3A_526 : i32
      scf.if %cond3A_527 {
        %ge3A = arith.constant 8 : i32
        %ge3A_528 = arith.cmpi sge, %add3A_522, %ge3A : i32
        %convert_element_type3A_529 = arith.extui %ge3A_528 : i1 to i32
        %cond3A_530 = arith.constant 0 : i32
        %cond3A_531 = arith.cmpi ne, %convert_element_type3A_529, %cond3A_530 : i32
        scf.if %cond3A_531 {
          %dma_wait3A_546 = arith.constant 3 : i32
          %dma_wait3A_547 = arith.constant 3 : i32
          %dma_wait3A_548 = arith.constant 0 : i32
          %dma_wait3A_549 = arith.constant 0 : i32
          %dma_wait3A_550 = tpu.memref_slice %arg9[%dma_wait3A_546, %dma_wait3A_548, %dma_wait3A_549] : memref<8x128x32xf32, #tpu.memory_space<vmem>> -> memref<1x128x32xf32, #tpu.memory_space<vmem>>
          %dma_wait3A_551 = tpu.memref_squeeze %dma_wait3A_550 : memref<1x128x32xf32, #tpu.memory_space<vmem>> -> memref<128x32xf32, #tpu.memory_space<vmem>>
          %dma_wait3A_552 = arith.constant 0 : i32
          %dma_wait3A_553 = tpu.memref_slice %arg8[%add3A_492, %dma_wait3A_552] : memref<160x128xi32, #tpu.memory_space<vmem>> -> memref<1x128xi32, #tpu.memory_space<vmem>>
          %dma_wait3A_554 = tpu.memref_squeeze %dma_wait3A_553 : memref<1x128xi32, #tpu.memory_space<vmem>> -> memref<128xi32, #tpu.memory_space<vmem>>
          %dma_wait3A_555 = arith.constant 0 : i32
          %dma_wait3A_556 = arith.constant 0 : i32
          %dma_wait3A_557 = tpu.memref_slice %arg12[%dma_wait3A_555, %dma_wait3A_556] : memref<10240x32xf32, #tpu.memory_space<vmem_shared>> -> memref<10240x32xf32, #tpu.memory_space<vmem_shared>>
          %dma_wait3A_558 = tpu.memref_slice %arg15[%dma_wait3A_547] : memref<8x!tpu.dma_semaphore, #tpu.memory_space<semaphore_mem>> -> memref<1x!tpu.dma_semaphore, #tpu.memory_space<semaphore_mem>>
          %dma_wait3A_559 = tpu.memref_squeeze %dma_wait3A_558 : memref<1x!tpu.dma_semaphore, #tpu.memory_space<semaphore_mem>> -> memref<!tpu.dma_semaphore, #tpu.memory_space<semaphore_mem>>
          tpu.wait_indirect_dma semaphore(%dma_wait3A_559 : memref<!tpu.dma_semaphore, #tpu.memory_space<semaphore_mem>>) src(%dma_wait3A_551 : memref<128x32xf32, #tpu.memory_space<vmem>>) dst(%dma_wait3A_557 : memref<10240x32xf32, #tpu.memory_space<vmem_shared>>)
        } else {
        }
        %dma_start3A_532 = arith.constant 3 : i32
        %dma_start3A_533 = arith.constant 3 : i32
        %dma_start3A_534 = arith.constant 0 : i32
        %dma_start3A_535 = arith.constant 0 : i32
        %dma_start3A_536 = tpu.memref_slice %arg9[%dma_start3A_532, %dma_start3A_534, %dma_start3A_535] : memref<8x128x32xf32, #tpu.memory_space<vmem>> -> memref<1x128x32xf32, #tpu.memory_space<vmem>>
        %dma_start3A_537 = tpu.memref_squeeze %dma_start3A_536 : memref<1x128x32xf32, #tpu.memory_space<vmem>> -> memref<128x32xf32, #tpu.memory_space<vmem>>
        %dma_start3A_538 = arith.constant 0 : i32
        %dma_start3A_539 = tpu.memref_slice %arg7[%add3A_522, %dma_start3A_538] : memref<160x128xi32, #tpu.memory_space<vmem>> -> memref<1x128xi32, #tpu.memory_space<vmem>>
        %dma_start3A_540 = tpu.memref_squeeze %dma_start3A_539 : memref<1x128xi32, #tpu.memory_space<vmem>> -> memref<128xi32, #tpu.memory_space<vmem>>
        %dma_start3A_541 = arith.constant 0 : i32
        %dma_start3A_542 = arith.constant 0 : i32
        %dma_start3A_543 = tpu.memref_slice %arg13[%dma_start3A_541, %dma_start3A_542] : memref<10000x32xf32, #tpu.memory_space<vmem_shared>> -> memref<10000x32xf32, #tpu.memory_space<vmem_shared>>
        %dma_start3A_544 = tpu.memref_slice %arg14[%dma_start3A_533] : memref<8x!tpu.dma_semaphore, #tpu.memory_space<semaphore_mem>> -> memref<1x!tpu.dma_semaphore, #tpu.memory_space<semaphore_mem>>
        %dma_start3A_545 = tpu.memref_squeeze %dma_start3A_544 : memref<1x!tpu.dma_semaphore, #tpu.memory_space<semaphore_mem>> -> memref<!tpu.dma_semaphore, #tpu.memory_space<semaphore_mem>>
        tpu.enqueue_indirect_dma source(%dma_start3A_543 : memref<10000x32xf32, #tpu.memory_space<vmem_shared>>) target(%dma_start3A_537 : memref<128x32xf32, #tpu.memory_space<vmem>>) offsets(%dma_start3A_540 : memref<128xi32, #tpu.memory_space<vmem>>) semaphore(%dma_start3A_545 : memref<!tpu.dma_semaphore, #tpu.memory_space<semaphore_mem>>)
      } else {
      }
    }
    %scan3A_103 = arith.constant 20 : i32
    %dma_wait3A = arith.constant 0 : i32
    %dma_wait3A_104 = arith.constant 152 : i32
    %dma_wait3A_105 = arith.constant 0 : i32
    %dma_wait3A_106 = arith.constant 0 : i32
    %dma_wait3A_107 = arith.constant 0 : i32
    %dma_wait3A_108 = tpu.memref_slice %arg9[%dma_wait3A, %dma_wait3A_106, %dma_wait3A_107] : memref<8x128x32xf32, #tpu.memory_space<vmem>> -> memref<1x128x32xf32, #tpu.memory_space<vmem>>
    %dma_wait3A_109 = tpu.memref_squeeze %dma_wait3A_108 : memref<1x128x32xf32, #tpu.memory_space<vmem>> -> memref<128x32xf32, #tpu.memory_space<vmem>>
    %dma_wait3A_110 = arith.constant 0 : i32
    %dma_wait3A_111 = tpu.memref_slice %arg8[%dma_wait3A_104, %dma_wait3A_110] : memref<160x128xi32, #tpu.memory_space<vmem>> -> memref<1x128xi32, #tpu.memory_space<vmem>>
    %dma_wait3A_112 = tpu.memref_squeeze %dma_wait3A_111 : memref<1x128xi32, #tpu.memory_space<vmem>> -> memref<128xi32, #tpu.memory_space<vmem>>
    %dma_wait3A_113 = arith.constant 0 : i32
    %dma_wait3A_114 = arith.constant 0 : i32
    %dma_wait3A_115 = tpu.memref_slice %arg12[%dma_wait3A_113, %dma_wait3A_114] : memref<10240x32xf32, #tpu.memory_space<vmem_shared>> -> memref<10240x32xf32, #tpu.memory_space<vmem_shared>>
    %dma_wait3A_116 = tpu.memref_slice %arg15[%dma_wait3A_105] : memref<8x!tpu.dma_semaphore, #tpu.memory_space<semaphore_mem>> -> memref<1x!tpu.dma_semaphore, #tpu.memory_space<semaphore_mem>>
    %dma_wait3A_117 = tpu.memref_squeeze %dma_wait3A_116 : memref<1x!tpu.dma_semaphore, #tpu.memory_space<semaphore_mem>> -> memref<!tpu.dma_semaphore, #tpu.memory_space<semaphore_mem>>
    tpu.wait_indirect_dma semaphore(%dma_wait3A_117 : memref<!tpu.dma_semaphore, #tpu.memory_space<semaphore_mem>>) src(%dma_wait3A_109 : memref<128x32xf32, #tpu.memory_space<vmem>>) dst(%dma_wait3A_115 : memref<10240x32xf32, #tpu.memory_space<vmem_shared>>)
    %dma_wait3A_118 = arith.constant 1 : i32
    %dma_wait3A_119 = arith.constant 153 : i32
    %dma_wait3A_120 = arith.constant 1 : i32
    %dma_wait3A_121 = arith.constant 0 : i32
    %dma_wait3A_122 = arith.constant 0 : i32
    %dma_wait3A_123 = tpu.memref_slice %arg9[%dma_wait3A_118, %dma_wait3A_121, %dma_wait3A_122] : memref<8x128x32xf32, #tpu.memory_space<vmem>> -> memref<1x128x32xf32, #tpu.memory_space<vmem>>
    %dma_wait3A_124 = tpu.memref_squeeze %dma_wait3A_123 : memref<1x128x32xf32, #tpu.memory_space<vmem>> -> memref<128x32xf32, #tpu.memory_space<vmem>>
    %dma_wait3A_125 = arith.constant 0 : i32
    %dma_wait3A_126 = tpu.memref_slice %arg8[%dma_wait3A_119, %dma_wait3A_125] : memref<160x128xi32, #tpu.memory_space<vmem>> -> memref<1x128xi32, #tpu.memory_space<vmem>>
    %dma_wait3A_127 = tpu.memref_squeeze %dma_wait3A_126 : memref<1x128xi32, #tpu.memory_space<vmem>> -> memref<128xi32, #tpu.memory_space<vmem>>
    %dma_wait3A_128 = arith.constant 0 : i32
    %dma_wait3A_129 = arith.constant 0 : i32
    %dma_wait3A_130 = tpu.memref_slice %arg12[%dma_wait3A_128, %dma_wait3A_129] : memref<10240x32xf32, #tpu.memory_space<vmem_shared>> -> memref<10240x32xf32, #tpu.memory_space<vmem_shared>>
    %dma_wait3A_131 = tpu.memref_slice %arg15[%dma_wait3A_120] : memref<8x!tpu.dma_semaphore, #tpu.memory_space<semaphore_mem>> -> memref<1x!tpu.dma_semaphore, #tpu.memory_space<semaphore_mem>>
    %dma_wait3A_132 = tpu.memref_squeeze %dma_wait3A_131 : memref<1x!tpu.dma_semaphore, #tpu.memory_space<semaphore_mem>> -> memref<!tpu.dma_semaphore, #tpu.memory_space<semaphore_mem>>
    tpu.wait_indirect_dma semaphore(%dma_wait3A_132 : memref<!tpu.dma_semaphore, #tpu.memory_space<semaphore_mem>>) src(%dma_wait3A_124 : memref<128x32xf32, #tpu.memory_space<vmem>>) dst(%dma_wait3A_130 : memref<10240x32xf32, #tpu.memory_space<vmem_shared>>)
    %dma_wait3A_133 = arith.constant 2 : i32
    %dma_wait3A_134 = arith.constant 154 : i32
    %dma_wait3A_135 = arith.constant 2 : i32
    %dma_wait3A_136 = arith.constant 0 : i32
    %dma_wait3A_137 = arith.constant 0 : i32
    %dma_wait3A_138 = tpu.memref_slice %arg9[%dma_wait3A_133, %dma_wait3A_136, %dma_wait3A_137] : memref<8x128x32xf32, #tpu.memory_space<vmem>> -> memref<1x128x32xf32, #tpu.memory_space<vmem>>
    %dma_wait3A_139 = tpu.memref_squeeze %dma_wait3A_138 : memref<1x128x32xf32, #tpu.memory_space<vmem>> -> memref<128x32xf32, #tpu.memory_space<vmem>>
    %dma_wait3A_140 = arith.constant 0 : i32
    %dma_wait3A_141 = tpu.memref_slice %arg8[%dma_wait3A_134, %dma_wait3A_140] : memref<160x128xi32, #tpu.memory_space<vmem>> -> memref<1x128xi32, #tpu.memory_space<vmem>>
    %dma_wait3A_142 = tpu.memref_squeeze %dma_wait3A_141 : memref<1x128xi32, #tpu.memory_space<vmem>> -> memref<128xi32, #tpu.memory_space<vmem>>
    %dma_wait3A_143 = arith.constant 0 : i32
    %dma_wait3A_144 = arith.constant 0 : i32
    %dma_wait3A_145 = tpu.memref_slice %arg12[%dma_wait3A_143, %dma_wait3A_144] : memref<10240x32xf32, #tpu.memory_space<vmem_shared>> -> memref<10240x32xf32, #tpu.memory_space<vmem_shared>>
    %dma_wait3A_146 = tpu.memref_slice %arg15[%dma_wait3A_135] : memref<8x!tpu.dma_semaphore, #tpu.memory_space<semaphore_mem>> -> memref<1x!tpu.dma_semaphore, #tpu.memory_space<semaphore_mem>>
    %dma_wait3A_147 = tpu.memref_squeeze %dma_wait3A_146 : memref<1x!tpu.dma_semaphore, #tpu.memory_space<semaphore_mem>> -> memref<!tpu.dma_semaphore, #tpu.memory_space<semaphore_mem>>
    tpu.wait_indirect_dma semaphore(%dma_wait3A_147 : memref<!tpu.dma_semaphore, #tpu.memory_space<semaphore_mem>>) src(%dma_wait3A_139 : memref<128x32xf32, #tpu.memory_space<vmem>>) dst(%dma_wait3A_145 : memref<10240x32xf32, #tpu.memory_space<vmem_shared>>)
    %dma_wait3A_148 = arith.constant 3 : i32
    %dma_wait3A_149 = arith.constant 155 : i32
    %dma_wait3A_150 = arith.constant 3 : i32
    %dma_wait3A_151 = arith.constant 0 : i32
    %dma_wait3A_152 = arith.constant 0 : i32
    %dma_wait3A_153 = tpu.memref_slice %arg9[%dma_wait3A_148, %dma_wait3A_151, %dma_wait3A_152] : memref<8x128x32xf32, #tpu.memory_space<vmem>> -> memref<1x128x32xf32, #tpu.memory_space<vmem>>
    %dma_wait3A_154 = tpu.memref_squeeze %dma_wait3A_153 : memref<1x128x32xf32, #tpu.memory_space<vmem>> -> memref<128x32xf32, #tpu.memory_space<vmem>>
    %dma_wait3A_155 = arith.constant 0 : i32
    %dma_wait3A_156 = tpu.memref_slice %arg8[%dma_wait3A_149, %dma_wait3A_155] : memref<160x128xi32, #tpu.memory_space<vmem>> -> memref<1x128xi32, #tpu.memory_space<vmem>>
    %dma_wait3A_157 = tpu.memref_squeeze %dma_wait3A_156 : memref<1x128xi32, #tpu.memory_space<vmem>> -> memref<128xi32, #tpu.memory_space<vmem>>
    %dma_wait3A_158 = arith.constant 0 : i32
    %dma_wait3A_159 = arith.constant 0 : i32
    %dma_wait3A_160 = tpu.memref_slice %arg12[%dma_wait3A_158, %dma_wait3A_159] : memref<10240x32xf32, #tpu.memory_space<vmem_shared>> -> memref<10240x32xf32, #tpu.memory_space<vmem_shared>>
    %dma_wait3A_161 = tpu.memref_slice %arg15[%dma_wait3A_150] : memref<8x!tpu.dma_semaphore, #tpu.memory_space<semaphore_mem>> -> memref<1x!tpu.dma_semaphore, #tpu.memory_space<semaphore_mem>>
    %dma_wait3A_162 = tpu.memref_squeeze %dma_wait3A_161 : memref<1x!tpu.dma_semaphore, #tpu.memory_space<semaphore_mem>> -> memref<!tpu.dma_semaphore, #tpu.memory_space<semaphore_mem>>
    tpu.wait_indirect_dma semaphore(%dma_wait3A_162 : memref<!tpu.dma_semaphore, #tpu.memory_space<semaphore_mem>>) src(%dma_wait3A_154 : memref<128x32xf32, #tpu.memory_space<vmem>>) dst(%dma_wait3A_160 : memref<10240x32xf32, #tpu.memory_space<vmem_shared>>)
    %dma_wait3A_163 = arith.constant 4 : i32
    %dma_wait3A_164 = arith.constant 156 : i32
    %dma_wait3A_165 = arith.constant 4 : i32
    %dma_wait3A_166 = arith.constant 0 : i32
    %dma_wait3A_167 = arith.constant 0 : i32
    %dma_wait3A_168 = tpu.memref_slice %arg9[%dma_wait3A_163, %dma_wait3A_166, %dma_wait3A_167] : memref<8x128x32xf32, #tpu.memory_space<vmem>> -> memref<1x128x32xf32, #tpu.memory_space<vmem>>
    %dma_wait3A_169 = tpu.memref_squeeze %dma_wait3A_168 : memref<1x128x32xf32, #tpu.memory_space<vmem>> -> memref<128x32xf32, #tpu.memory_space<vmem>>
    %dma_wait3A_170 = arith.constant 0 : i32
    %dma_wait3A_171 = tpu.memref_slice %arg8[%dma_wait3A_164, %dma_wait3A_170] : memref<160x128xi32, #tpu.memory_space<vmem>> -> memref<1x128xi32, #tpu.memory_space<vmem>>
    %dma_wait3A_172 = tpu.memref_squeeze %dma_wait3A_171 : memref<1x128xi32, #tpu.memory_space<vmem>> -> memref<128xi32, #tpu.memory_space<vmem>>
    %dma_wait3A_173 = arith.constant 0 : i32
    %dma_wait3A_174 = arith.constant 0 : i32
    %dma_wait3A_175 = tpu.memref_slice %arg12[%dma_wait3A_173, %dma_wait3A_174] : memref<10240x32xf32, #tpu.memory_space<vmem_shared>> -> memref<10240x32xf32, #tpu.memory_space<vmem_shared>>
    %dma_wait3A_176 = tpu.memref_slice %arg15[%dma_wait3A_165] : memref<8x!tpu.dma_semaphore, #tpu.memory_space<semaphore_mem>> -> memref<1x!tpu.dma_semaphore, #tpu.memory_space<semaphore_mem>>
    %dma_wait3A_177 = tpu.memref_squeeze %dma_wait3A_176 : memref<1x!tpu.dma_semaphore, #tpu.memory_space<semaphore_mem>> -> memref<!tpu.dma_semaphore, #tpu.memory_space<semaphore_mem>>
    tpu.wait_indirect_dma semaphore(%dma_wait3A_177 : memref<!tpu.dma_semaphore, #tpu.memory_space<semaphore_mem>>) src(%dma_wait3A_169 : memref<128x32xf32, #tpu.memory_space<vmem>>) dst(%dma_wait3A_175 : memref<10240x32xf32, #tpu.memory_space<vmem_shared>>)
    %dma_wait3A_178 = arith.constant 5 : i32
    %dma_wait3A_179 = arith.constant 157 : i32
    %dma_wait3A_180 = arith.constant 5 : i32
    %dma_wait3A_181 = arith.constant 0 : i32
    %dma_wait3A_182 = arith.constant 0 : i32
    %dma_wait3A_183 = tpu.memref_slice %arg9[%dma_wait3A_178, %dma_wait3A_181, %dma_wait3A_182] : memref<8x128x32xf32, #tpu.memory_space<vmem>> -> memref<1x128x32xf32, #tpu.memory_space<vmem>>
    %dma_wait3A_184 = tpu.memref_squeeze %dma_wait3A_183 : memref<1x128x32xf32, #tpu.memory_space<vmem>> -> memref<128x32xf32, #tpu.memory_space<vmem>>
    %dma_wait3A_185 = arith.constant 0 : i32
    %dma_wait3A_186 = tpu.memref_slice %arg8[%dma_wait3A_179, %dma_wait3A_185] : memref<160x128xi32, #tpu.memory_space<vmem>> -> memref<1x128xi32, #tpu.memory_space<vmem>>
    %dma_wait3A_187 = tpu.memref_squeeze %dma_wait3A_186 : memref<1x128xi32, #tpu.memory_space<vmem>> -> memref<128xi32, #tpu.memory_space<vmem>>
    %dma_wait3A_188 = arith.constant 0 : i32
    %dma_wait3A_189 = arith.constant 0 : i32
    %dma_wait3A_190 = tpu.memref_slice %arg12[%dma_wait3A_188, %dma_wait3A_189] : memref<10240x32xf32, #tpu.memory_space<vmem_shared>> -> memref<10240x32xf32, #tpu.memory_space<vmem_shared>>
    %dma_wait3A_191 = tpu.memref_slice %arg15[%dma_wait3A_180] : memref<8x!tpu.dma_semaphore, #tpu.memory_space<semaphore_mem>> -> memref<1x!tpu.dma_semaphore, #tpu.memory_space<semaphore_mem>>
    %dma_wait3A_192 = tpu.memref_squeeze %dma_wait3A_191 : memref<1x!tpu.dma_semaphore, #tpu.memory_space<semaphore_mem>> -> memref<!tpu.dma_semaphore, #tpu.memory_space<semaphore_mem>>
    tpu.wait_indirect_dma semaphore(%dma_wait3A_192 : memref<!tpu.dma_semaphore, #tpu.memory_space<semaphore_mem>>) src(%dma_wait3A_184 : memref<128x32xf32, #tpu.memory_space<vmem>>) dst(%dma_wait3A_190 : memref<10240x32xf32, #tpu.memory_space<vmem_shared>>)
    %dma_wait3A_193 = arith.constant 6 : i32
    %dma_wait3A_194 = arith.constant 158 : i32
    %dma_wait3A_195 = arith.constant 6 : i32
    %dma_wait3A_196 = arith.constant 0 : i32
    %dma_wait3A_197 = arith.constant 0 : i32
    %dma_wait3A_198 = tpu.memref_slice %arg9[%dma_wait3A_193, %dma_wait3A_196, %dma_wait3A_197] : memref<8x128x32xf32, #tpu.memory_space<vmem>> -> memref<1x128x32xf32, #tpu.memory_space<vmem>>
    %dma_wait3A_199 = tpu.memref_squeeze %dma_wait3A_198 : memref<1x128x32xf32, #tpu.memory_space<vmem>> -> memref<128x32xf32, #tpu.memory_space<vmem>>
    %dma_wait3A_200 = arith.constant 0 : i32
    %dma_wait3A_201 = tpu.memref_slice %arg8[%dma_wait3A_194, %dma_wait3A_200] : memref<160x128xi32, #tpu.memory_space<vmem>> -> memref<1x128xi32, #tpu.memory_space<vmem>>
    %dma_wait3A_202 = tpu.memref_squeeze %dma_wait3A_201 : memref<1x128xi32, #tpu.memory_space<vmem>> -> memref<128xi32, #tpu.memory_space<vmem>>
    %dma_wait3A_203 = arith.constant 0 : i32
    %dma_wait3A_204 = arith.constant 0 : i32
    %dma_wait3A_205 = tpu.memref_slice %arg12[%dma_wait3A_203, %dma_wait3A_204] : memref<10240x32xf32, #tpu.memory_space<vmem_shared>> -> memref<10240x32xf32, #tpu.memory_space<vmem_shared>>
    %dma_wait3A_206 = tpu.memref_slice %arg15[%dma_wait3A_195] : memref<8x!tpu.dma_semaphore, #tpu.memory_space<semaphore_mem>> -> memref<1x!tpu.dma_semaphore, #tpu.memory_space<semaphore_mem>>
    %dma_wait3A_207 = tpu.memref_squeeze %dma_wait3A_206 : memref<1x!tpu.dma_semaphore, #tpu.memory_space<semaphore_mem>> -> memref<!tpu.dma_semaphore, #tpu.memory_space<semaphore_mem>>
    tpu.wait_indirect_dma semaphore(%dma_wait3A_207 : memref<!tpu.dma_semaphore, #tpu.memory_space<semaphore_mem>>) src(%dma_wait3A_199 : memref<128x32xf32, #tpu.memory_space<vmem>>) dst(%dma_wait3A_205 : memref<10240x32xf32, #tpu.memory_space<vmem_shared>>)
    %dma_wait3A_208 = arith.constant 7 : i32
    %dma_wait3A_209 = arith.constant 159 : i32
    %dma_wait3A_210 = arith.constant 7 : i32
    %dma_wait3A_211 = arith.constant 0 : i32
    %dma_wait3A_212 = arith.constant 0 : i32
    %dma_wait3A_213 = tpu.memref_slice %arg9[%dma_wait3A_208, %dma_wait3A_211, %dma_wait3A_212] : memref<8x128x32xf32, #tpu.memory_space<vmem>> -> memref<1x128x32xf32, #tpu.memory_space<vmem>>
    %dma_wait3A_214 = tpu.memref_squeeze %dma_wait3A_213 : memref<1x128x32xf32, #tpu.memory_space<vmem>> -> memref<128x32xf32, #tpu.memory_space<vmem>>
    %dma_wait3A_215 = arith.constant 0 : i32
    %dma_wait3A_216 = tpu.memref_slice %arg8[%dma_wait3A_209, %dma_wait3A_215] : memref<160x128xi32, #tpu.memory_space<vmem>> -> memref<1x128xi32, #tpu.memory_space<vmem>>
    %dma_wait3A_217 = tpu.memref_squeeze %dma_wait3A_216 : memref<1x128xi32, #tpu.memory_space<vmem>> -> memref<128xi32, #tpu.memory_space<vmem>>
    %dma_wait3A_218 = arith.constant 0 : i32
    %dma_wait3A_219 = arith.constant 0 : i32
    %dma_wait3A_220 = tpu.memref_slice %arg12[%dma_wait3A_218, %dma_wait3A_219] : memref<10240x32xf32, #tpu.memory_space<vmem_shared>> -> memref<10240x32xf32, #tpu.memory_space<vmem_shared>>
    %dma_wait3A_221 = tpu.memref_slice %arg15[%dma_wait3A_210] : memref<8x!tpu.dma_semaphore, #tpu.memory_space<semaphore_mem>> -> memref<1x!tpu.dma_semaphore, #tpu.memory_space<semaphore_mem>>
    %dma_wait3A_222 = tpu.memref_squeeze %dma_wait3A_221 : memref<1x!tpu.dma_semaphore, #tpu.memory_space<semaphore_mem>> -> memref<!tpu.dma_semaphore, #tpu.memory_space<semaphore_mem>>
    tpu.wait_indirect_dma semaphore(%dma_wait3A_222 : memref<!tpu.dma_semaphore, #tpu.memory_space<semaphore_mem>>) src(%dma_wait3A_214 : memref<128x32xf32, #tpu.memory_space<vmem>>) dst(%dma_wait3A_220 : memref<10240x32xf32, #tpu.memory_space<vmem_shared>>)
    %barrier3A_223 = arith.constant 0 : index
    tpu.barrier barrier_id(%barrier3A_223)
    %mul3A_224 = arith.constant 640 : i32
    %mul3A_225 = arith.muli %arg1, %mul3A_224 : i32
    %mul3A_226 = arith.constant 640 : i32
    %mul3A_227 = arith.muli %arg1, %mul3A_226 : i32
    "tpu.region"() ({
      %run_scoped3A = tpu.sem_alloc : memref<!tpu.dma_semaphore, #tpu.memory_space<semaphore_mem>>
      %dma_start3A_228 = tpu.memref_slice %arg6[%mul3A_227, %mul3A_0] : memref<10240x128xf32, #tpu.memory_space<hbm>> -> memref<640x32xf32, #tpu.memory_space<hbm>>
      %dma_start3A_229 = arith.constant 0 : i32
      %dma_start3A_230 = tpu.memref_slice %arg12[%mul3A_225, %dma_start3A_229] : memref<10240x32xf32, #tpu.memory_space<vmem_shared>> -> memref<640x32xf32, #tpu.memory_space<vmem_shared>>
      tpu.enqueue_dma source(%dma_start3A_230 : memref<640x32xf32, #tpu.memory_space<vmem_shared>>) target(%dma_start3A_228 : memref<640x32xf32, #tpu.memory_space<hbm>>) target_semaphore(%run_scoped3A : memref<!tpu.dma_semaphore, #tpu.memory_space<semaphore_mem>>)
      %dma_wait3A_231 = tpu.memref_slice %arg6[%mul3A_227, %mul3A_0] : memref<10240x128xf32, #tpu.memory_space<hbm>> -> memref<640x32xf32, #tpu.memory_space<hbm>>
      %dma_wait3A_232 = arith.constant 0 : i32
      %dma_wait3A_233 = tpu.memref_slice %arg12[%mul3A_225, %dma_wait3A_232] : memref<10240x32xf32, #tpu.memory_space<vmem_shared>> -> memref<640x32xf32, #tpu.memory_space<vmem_shared>>
      tpu.wait_dma2 semaphore(%run_scoped3A : memref<!tpu.dma_semaphore, #tpu.memory_space<semaphore_mem>>) src(%dma_wait3A_233 : memref<640x32xf32, #tpu.memory_space<vmem_shared>>) dst(%dma_wait3A_231 : memref<640x32xf32, #tpu.memory_space<hbm>>)
      tpu.yield
    }) : () -> ()
    return
  }
}

#map = affine_map<(d0, d1) -> (0, 0)>
#map1 = affine_map<(d0, d1) -> (0, 0, 0)>
module attributes {stable_mosaic.version = 14 : i64} {
  func.func @k(%arg0: i32, %arg1: i32, %arg2: memref<10000x128xf32, #tpu.memory_space<hbm>>, %arg3: memref<2x2500x128xi32, #tpu.memory_space<hbm>>, %arg4: memref<60x128xi32, #tpu.memory_space<hbm>>, %arg5: memref<60x128xi32, #tpu.memory_space<hbm>>, %arg6: memref<10240x128xf32, #tpu.memory_space<hbm>>, %arg7: memref<160x128xi32, #tpu.memory_space<vmem>>, %arg8: memref<160x128xi32, #tpu.memory_space<vmem>>, %arg9: memref<8x128x32xf32, #tpu.memory_space<vmem>>, %arg10: memref<16x32xf32, #tpu.memory_space<vmem>>, %arg11: memref<640x16xf32, #tpu.memory_space<vmem>>, %arg12: memref<10240x32xf32, #tpu.memory_space<vmem_shared>>, %arg13: memref<10000x32xf32, #tpu.memory_space<vmem_shared>>, %arg14: memref<8x!tpu.dma_semaphore, #tpu.memory_space<semaphore_mem>>, %arg15: memref<8x!tpu.dma_semaphore, #tpu.memory_space<semaphore_mem>>) attributes {dimension_semantics = [#tpu.dimension_semantics<core_parallel>, #tpu.dimension_semantics<subcore_parallel>], iteration_bounds = array<i64: 2, 16>, scalar_prefetch = 0 : i64, scratch_operands = 9 : i64, tpu.core_type = #tpu.core_type<sc_vector_subcore>, window_params = [{transform_indices = #map}, {transform_indices = #map1}, {transform_indices = #map}, {transform_indices = #map}, {transform_indices = #map}]} {
    %mul3A = arith.constant 32 : i32
    %mul3A_0 = arith.muli %arg0, %mul3A : i32
    %lt3A = arith.constant 15 : i32
    %lt3A_1 = arith.cmpi slt, %arg1, %lt3A : i32
    %convert_element_type3A = arith.extui %lt3A_1 : i1 to i32
    %cond3A = arith.constant 0 : i32
    %cond3A_2 = arith.cmpi ne, %convert_element_type3A, %cond3A : i32
    scf.if %cond3A_2 {
      %mul3A_228 = arith.constant 160 : i32
      %mul3A_229 = arith.muli %arg1, %mul3A_228 : i32
      %run_scoped3A = arith.constant 0 : i32
      "tpu.region"() ({
        %run_scoped3A_233 = tpu.sem_alloc : memref<!tpu.dma_semaphore, #tpu.memory_space<semaphore_mem>>
        %dma_start3A_234 = arith.constant 0 : i32
        %dma_start3A_235 = tpu.memref_slice %arg3[%run_scoped3A, %mul3A_229, %dma_start3A_234] : memref<2x2500x128xi32, #tpu.memory_space<hbm>> -> memref<1x160x128xi32, #tpu.memory_space<hbm>>
        %dma_start3A_236 = tpu.memref_squeeze %dma_start3A_235 : memref<1x160x128xi32, #tpu.memory_space<hbm>> -> memref<160x128xi32, #tpu.memory_space<hbm>>
        %dma_start3A_237 = arith.constant 0 : i32
        %dma_start3A_238 = tpu.memref_slice %arg3[%run_scoped3A, %mul3A_229, %dma_start3A_237] : memref<2x2500x128xi32, #tpu.memory_space<hbm>> -> memref<1x160x128xi32, #tpu.memory_space<hbm>>
        %dma_start3A_239 = tpu.memref_squeeze %dma_start3A_238 : memref<1x160x128xi32, #tpu.memory_space<hbm>> -> memref<160x128xi32, #tpu.memory_space<hbm>>
        tpu.enqueue_dma source(%dma_start3A_239 : memref<160x128xi32, #tpu.memory_space<hbm>>) target(%arg7 : memref<160x128xi32, #tpu.memory_space<vmem>>) target_semaphore(%run_scoped3A_233 : memref<!tpu.dma_semaphore, #tpu.memory_space<semaphore_mem>>)
        %dma_wait3A_240 = arith.constant 0 : i32
        %dma_wait3A_241 = tpu.memref_slice %arg3[%run_scoped3A, %mul3A_229, %dma_wait3A_240] : memref<2x2500x128xi32, #tpu.memory_space<hbm>> -> memref<1x160x128xi32, #tpu.memory_space<hbm>>
        %dma_wait3A_242 = tpu.memref_squeeze %dma_wait3A_241 : memref<1x160x128xi32, #tpu.memory_space<hbm>> -> memref<160x128xi32, #tpu.memory_space<hbm>>
        %dma_wait3A_243 = arith.constant 0 : i32
        %dma_wait3A_244 = tpu.memref_slice %arg3[%run_scoped3A, %mul3A_229, %dma_wait3A_243] : memref<2x2500x128xi32, #tpu.memory_space<hbm>> -> memref<1x160x128xi32, #tpu.memory_space<hbm>>
        %dma_wait3A_245 = tpu.memref_squeeze %dma_wait3A_244 : memref<1x160x128xi32, #tpu.memory_space<hbm>> -> memref<160x128xi32, #tpu.memory_space<hbm>>
        tpu.wait_dma2 semaphore(%run_scoped3A_233 : memref<!tpu.dma_semaphore, #tpu.memory_space<semaphore_mem>>) src(%dma_wait3A_245 : memref<160x128xi32, #tpu.memory_space<hbm>>) dst(%arg7 : memref<160x128xi32, #tpu.memory_space<vmem>>)
        tpu.yield
      }) : () -> ()
      %mul3A_230 = arith.constant 160 : i32
      %mul3A_231 = arith.muli %arg1, %mul3A_230 : i32
      %run_scoped3A_232 = arith.constant 1 : i32
      "tpu.region"() ({
        %run_scoped3A_233 = tpu.sem_alloc : memref<!tpu.dma_semaphore, #tpu.memory_space<semaphore_mem>>
        %dma_start3A_234 = arith.constant 0 : i32
        %dma_start3A_235 = tpu.memref_slice %arg3[%run_scoped3A_232, %mul3A_231, %dma_start3A_234] : memref<2x2500x128xi32, #tpu.memory_space<hbm>> -> memref<1x160x128xi32, #tpu.memory_space<hbm>>
        %dma_start3A_236 = tpu.memref_squeeze %dma_start3A_235 : memref<1x160x128xi32, #tpu.memory_space<hbm>> -> memref<160x128xi32, #tpu.memory_space<hbm>>
        %dma_start3A_237 = arith.constant 0 : i32
        %dma_start3A_238 = tpu.memref_slice %arg3[%run_scoped3A_232, %mul3A_231, %dma_start3A_237] : memref<2x2500x128xi32, #tpu.memory_space<hbm>> -> memref<1x160x128xi32, #tpu.memory_space<hbm>>
        %dma_start3A_239 = tpu.memref_squeeze %dma_start3A_238 : memref<1x160x128xi32, #tpu.memory_space<hbm>> -> memref<160x128xi32, #tpu.memory_space<hbm>>
        tpu.enqueue_dma source(%dma_start3A_239 : memref<160x128xi32, #tpu.memory_space<hbm>>) target(%arg8 : memref<160x128xi32, #tpu.memory_space<vmem>>) target_semaphore(%run_scoped3A_233 : memref<!tpu.dma_semaphore, #tpu.memory_space<semaphore_mem>>)
        %dma_wait3A_240 = arith.constant 0 : i32
        %dma_wait3A_241 = tpu.memref_slice %arg3[%run_scoped3A_232, %mul3A_231, %dma_wait3A_240] : memref<2x2500x128xi32, #tpu.memory_space<hbm>> -> memref<1x160x128xi32, #tpu.memory_space<hbm>>
        %dma_wait3A_242 = tpu.memref_squeeze %dma_wait3A_241 : memref<1x160x128xi32, #tpu.memory_space<hbm>> -> memref<160x128xi32, #tpu.memory_space<hbm>>
        %dma_wait3A_243 = arith.constant 0 : i32
        %dma_wait3A_244 = tpu.memref_slice %arg3[%run_scoped3A_232, %mul3A_231, %dma_wait3A_243] : memref<2x2500x128xi32, #tpu.memory_space<hbm>> -> memref<1x160x128xi32, #tpu.memory_space<hbm>>
        %dma_wait3A_245 = tpu.memref_squeeze %dma_wait3A_244 : memref<1x160x128xi32, #tpu.memory_space<hbm>> -> memref<160x128xi32, #tpu.memory_space<hbm>>
        tpu.wait_dma2 semaphore(%run_scoped3A_233 : memref<!tpu.dma_semaphore, #tpu.memory_space<semaphore_mem>>) src(%dma_wait3A_245 : memref<160x128xi32, #tpu.memory_space<hbm>>) dst(%arg8 : memref<160x128xi32, #tpu.memory_space<vmem>>)
        tpu.yield
      }) : () -> ()
    } else {
    }
    %eq3A = arith.constant 15 : i32
    %eq3A_3 = arith.cmpi eq, %arg1, %eq3A : i32
    %convert_element_type3A_4 = arith.extui %eq3A_3 : i1 to i32
    %cond3A_5 = arith.constant 0 : i32
    %cond3A_6 = arith.cmpi ne, %convert_element_type3A_4, %cond3A_5 : i32
    scf.if %cond3A_6 {
      %run_scoped3A = arith.constant 0 : i32
      "tpu.region"() ({
        %run_scoped3A_229 = tpu.sem_alloc : memref<!tpu.dma_semaphore, #tpu.memory_space<semaphore_mem>>
        %dma_start3A_230 = arith.constant 0 : i32
        %dma_start3A_231 = arith.constant 0 : i32
        %dma_start3A_232 = tpu.memref_slice %arg7[%dma_start3A_230, %dma_start3A_231] : memref<160x128xi32, #tpu.memory_space<vmem>> -> memref<100x128xi32, #tpu.memory_space<vmem>>
        %dma_start3A_233 = arith.constant 2400 : i32
        %dma_start3A_234 = arith.constant 0 : i32
        %dma_start3A_235 = tpu.memref_slice %arg3[%run_scoped3A, %dma_start3A_233, %dma_start3A_234] : memref<2x2500x128xi32, #tpu.memory_space<hbm>> -> memref<1x100x128xi32, #tpu.memory_space<hbm>>
        %dma_start3A_236 = tpu.memref_squeeze %dma_start3A_235 : memref<1x100x128xi32, #tpu.memory_space<hbm>> -> memref<100x128xi32, #tpu.memory_space<hbm>>
        %dma_start3A_237 = arith.constant 0 : i32
        %dma_start3A_238 = arith.constant 0 : i32
        %dma_start3A_239 = tpu.memref_slice %arg7[%dma_start3A_237, %dma_start3A_238] : memref<160x128xi32, #tpu.memory_space<vmem>> -> memref<100x128xi32, #tpu.memory_space<vmem>>
        %dma_start3A_240 = arith.constant 2400 : i32
        %dma_start3A_241 = arith.constant 0 : i32
        %dma_start3A_242 = tpu.memref_slice %arg3[%run_scoped3A, %dma_start3A_240, %dma_start3A_241] : memref<2x2500x128xi32, #tpu.memory_space<hbm>> -> memref<1x100x128xi32, #tpu.memory_space<hbm>>
        %dma_start3A_243 = tpu.memref_squeeze %dma_start3A_242 : memref<1x100x128xi32, #tpu.memory_space<hbm>> -> memref<100x128xi32, #tpu.memory_space<hbm>>
        tpu.enqueue_dma source(%dma_start3A_243 : memref<100x128xi32, #tpu.memory_space<hbm>>) target(%dma_start3A_239 : memref<100x128xi32, #tpu.memory_space<vmem>>) target_semaphore(%run_scoped3A_229 : memref<!tpu.dma_semaphore, #tpu.memory_space<semaphore_mem>>)
        %dma_wait3A_244 = arith.constant 0 : i32
        %dma_wait3A_245 = arith.constant 0 : i32
        %dma_wait3A_246 = tpu.memref_slice %arg7[%dma_wait3A_244, %dma_wait3A_245] : memref<160x128xi32, #tpu.memory_space<vmem>> -> memref<100x128xi32, #tpu.memory_space<vmem>>
        %dma_wait3A_247 = arith.constant 2400 : i32
        %dma_wait3A_248 = arith.constant 0 : i32
        %dma_wait3A_249 = tpu.memref_slice %arg3[%run_scoped3A, %dma_wait3A_247, %dma_wait3A_248] : memref<2x2500x128xi32, #tpu.memory_space<hbm>> -> memref<1x100x128xi32, #tpu.memory_space<hbm>>
        %dma_wait3A_250 = tpu.memref_squeeze %dma_wait3A_249 : memref<1x100x128xi32, #tpu.memory_space<hbm>> -> memref<100x128xi32, #tpu.memory_space<hbm>>
        %dma_wait3A_251 = arith.constant 0 : i32
        %dma_wait3A_252 = arith.constant 0 : i32
        %dma_wait3A_253 = tpu.memref_slice %arg7[%dma_wait3A_251, %dma_wait3A_252] : memref<160x128xi32, #tpu.memory_space<vmem>> -> memref<100x128xi32, #tpu.memory_space<vmem>>
        %dma_wait3A_254 = arith.constant 2400 : i32
        %dma_wait3A_255 = arith.constant 0 : i32
        %dma_wait3A_256 = tpu.memref_slice %arg3[%run_scoped3A, %dma_wait3A_254, %dma_wait3A_255] : memref<2x2500x128xi32, #tpu.memory_space<hbm>> -> memref<1x100x128xi32, #tpu.memory_space<hbm>>
        %dma_wait3A_257 = tpu.memref_squeeze %dma_wait3A_256 : memref<1x100x128xi32, #tpu.memory_space<hbm>> -> memref<100x128xi32, #tpu.memory_space<hbm>>
        tpu.wait_dma2 semaphore(%run_scoped3A_229 : memref<!tpu.dma_semaphore, #tpu.memory_space<semaphore_mem>>) src(%dma_wait3A_257 : memref<100x128xi32, #tpu.memory_space<hbm>>) dst(%dma_wait3A_253 : memref<100x128xi32, #tpu.memory_space<vmem>>)
        tpu.yield
      }) : () -> ()
      %run_scoped3A_228 = arith.constant 1 : i32
      "tpu.region"() ({
        %run_scoped3A_229 = tpu.sem_alloc : memref<!tpu.dma_semaphore, #tpu.memory_space<semaphore_mem>>
        %dma_start3A_230 = arith.constant 0 : i32
        %dma_start3A_231 = arith.constant 0 : i32
        %dma_start3A_232 = tpu.memref_slice %arg8[%dma_start3A_230, %dma_start3A_231] : memref<160x128xi32, #tpu.memory_space<vmem>> -> memref<100x128xi32, #tpu.memory_space<vmem>>
        %dma_start3A_233 = arith.constant 2400 : i32
        %dma_start3A_234 = arith.constant 0 : i32
        %dma_start3A_235 = tpu.memref_slice %arg3[%run_scoped3A_228, %dma_start3A_233, %dma_start3A_234] : memref<2x2500x128xi32, #tpu.memory_space<hbm>> -> memref<1x100x128xi32, #tpu.memory_space<hbm>>
        %dma_start3A_236 = tpu.memref_squeeze %dma_start3A_235 : memref<1x100x128xi32, #tpu.memory_space<hbm>> -> memref<100x128xi32, #tpu.memory_space<hbm>>
        %dma_start3A_237 = arith.constant 0 : i32
        %dma_start3A_238 = arith.constant 0 : i32
        %dma_start3A_239 = tpu.memref_slice %arg8[%dma_start3A_237, %dma_start3A_238] : memref<160x128xi32, #tpu.memory_space<vmem>> -> memref<100x128xi32, #tpu.memory_space<vmem>>
        %dma_start3A_240 = arith.constant 2400 : i32
        %dma_start3A_241 = arith.constant 0 : i32
        %dma_start3A_242 = tpu.memref_slice %arg3[%run_scoped3A_228, %dma_start3A_240, %dma_start3A_241] : memref<2x2500x128xi32, #tpu.memory_space<hbm>> -> memref<1x100x128xi32, #tpu.memory_space<hbm>>
        %dma_start3A_243 = tpu.memref_squeeze %dma_start3A_242 : memref<1x100x128xi32, #tpu.memory_space<hbm>> -> memref<100x128xi32, #tpu.memory_space<hbm>>
        tpu.enqueue_dma source(%dma_start3A_243 : memref<100x128xi32, #tpu.memory_space<hbm>>) target(%dma_start3A_239 : memref<100x128xi32, #tpu.memory_space<vmem>>) target_semaphore(%run_scoped3A_229 : memref<!tpu.dma_semaphore, #tpu.memory_space<semaphore_mem>>)
        %dma_wait3A_244 = arith.constant 0 : i32
        %dma_wait3A_245 = arith.constant 0 : i32
        %dma_wait3A_246 = tpu.memref_slice %arg8[%dma_wait3A_244, %dma_wait3A_245] : memref<160x128xi32, #tpu.memory_space<vmem>> -> memref<100x128xi32, #tpu.memory_space<vmem>>
        %dma_wait3A_247 = arith.constant 2400 : i32
        %dma_wait3A_248 = arith.constant 0 : i32
        %dma_wait3A_249 = tpu.memref_slice %arg3[%run_scoped3A_228, %dma_wait3A_247, %dma_wait3A_248] : memref<2x2500x128xi32, #tpu.memory_space<hbm>> -> memref<1x100x128xi32, #tpu.memory_space<hbm>>
        %dma_wait3A_250 = tpu.memref_squeeze %dma_wait3A_249 : memref<1x100x128xi32, #tpu.memory_space<hbm>> -> memref<100x128xi32, #tpu.memory_space<hbm>>
        %dma_wait3A_251 = arith.constant 0 : i32
        %dma_wait3A_252 = arith.constant 0 : i32
        %dma_wait3A_253 = tpu.memref_slice %arg8[%dma_wait3A_251, %dma_wait3A_252] : memref<160x128xi32, #tpu.memory_space<vmem>> -> memref<100x128xi32, #tpu.memory_space<vmem>>
        %dma_wait3A_254 = arith.constant 2400 : i32
        %dma_wait3A_255 = arith.constant 0 : i32
        %dma_wait3A_256 = tpu.memref_slice %arg3[%run_scoped3A_228, %dma_wait3A_254, %dma_wait3A_255] : memref<2x2500x128xi32, #tpu.memory_space<hbm>> -> memref<1x100x128xi32, #tpu.memory_space<hbm>>
        %dma_wait3A_257 = tpu.memref_squeeze %dma_wait3A_256 : memref<1x100x128xi32, #tpu.memory_space<hbm>> -> memref<100x128xi32, #tpu.memory_space<hbm>>
        tpu.wait_dma2 semaphore(%run_scoped3A_229 : memref<!tpu.dma_semaphore, #tpu.memory_space<semaphore_mem>>) src(%dma_wait3A_257 : memref<100x128xi32, #tpu.memory_space<hbm>>) dst(%dma_wait3A_253 : memref<100x128xi32, #tpu.memory_space<vmem>>)
        tpu.yield
      }) : () -> ()
      "tpu.region"() ({
        %run_scoped3A_229 = tpu.sem_alloc : memref<!tpu.dma_semaphore, #tpu.memory_space<semaphore_mem>>
        %dma_start3A_230 = arith.constant 100 : i32
        %dma_start3A_231 = arith.constant 0 : i32
        %dma_start3A_232 = tpu.memref_slice %arg7[%dma_start3A_230, %dma_start3A_231] : memref<160x128xi32, #tpu.memory_space<vmem>> -> memref<60x128xi32, #tpu.memory_space<vmem>>
        %dma_start3A_233 = arith.constant 100 : i32
        %dma_start3A_234 = arith.constant 0 : i32
        %dma_start3A_235 = tpu.memref_slice %arg7[%dma_start3A_233, %dma_start3A_234] : memref<160x128xi32, #tpu.memory_space<vmem>> -> memref<60x128xi32, #tpu.memory_space<vmem>>
        tpu.enqueue_dma source(%arg4 : memref<60x128xi32, #tpu.memory_space<hbm>>) target(%dma_start3A_235 : memref<60x128xi32, #tpu.memory_space<vmem>>) target_semaphore(%run_scoped3A_229 : memref<!tpu.dma_semaphore, #tpu.memory_space<semaphore_mem>>)
        %dma_wait3A_236 = arith.constant 100 : i32
        %dma_wait3A_237 = arith.constant 0 : i32
        %dma_wait3A_238 = tpu.memref_slice %arg7[%dma_wait3A_236, %dma_wait3A_237] : memref<160x128xi32, #tpu.memory_space<vmem>> -> memref<60x128xi32, #tpu.memory_space<vmem>>
        %dma_wait3A_239 = arith.constant 100 : i32
        %dma_wait3A_240 = arith.constant 0 : i32
        %dma_wait3A_241 = tpu.memref_slice %arg7[%dma_wait3A_239, %dma_wait3A_240] : memref<160x128xi32, #tpu.memory_space<vmem>> -> memref<60x128xi32, #tpu.memory_space<vmem>>
        tpu.wait_dma2 semaphore(%run_scoped3A_229 : memref<!tpu.dma_semaphore, #tpu.memory_space<semaphore_mem>>) src(%arg4 : memref<60x128xi32, #tpu.memory_space<hbm>>) dst(%dma_wait3A_241 : memref<60x128xi32, #tpu.memory_space<vmem>>)
        tpu.yield
      }) : () -> ()
      "tpu.region"() ({
        %run_scoped3A_229 = tpu.sem_alloc : memref<!tpu.dma_semaphore, #tpu.memory_space<semaphore_mem>>
        %dma_start3A_230 = arith.constant 100 : i32
        %dma_start3A_231 = arith.constant 0 : i32
        %dma_start3A_232 = tpu.memref_slice %arg8[%dma_start3A_230, %dma_start3A_231] : memref<160x128xi32, #tpu.memory_space<vmem>> -> memref<60x128xi32, #tpu.memory_space<vmem>>
        %dma_start3A_233 = arith.constant 100 : i32
        %dma_start3A_234 = arith.constant 0 : i32
        %dma_start3A_235 = tpu.memref_slice %arg8[%dma_start3A_233, %dma_start3A_234] : memref<160x128xi32, #tpu.memory_space<vmem>> -> memref<60x128xi32, #tpu.memory_space<vmem>>
        tpu.enqueue_dma source(%arg5 : memref<60x128xi32, #tpu.memory_space<hbm>>) target(%dma_start3A_235 : memref<60x128xi32, #tpu.memory_space<vmem>>) target_semaphore(%run_scoped3A_229 : memref<!tpu.dma_semaphore, #tpu.memory_space<semaphore_mem>>)
        %dma_wait3A_236 = arith.constant 100 : i32
        %dma_wait3A_237 = arith.constant 0 : i32
        %dma_wait3A_238 = tpu.memref_slice %arg8[%dma_wait3A_236, %dma_wait3A_237] : memref<160x128xi32, #tpu.memory_space<vmem>> -> memref<60x128xi32, #tpu.memory_space<vmem>>
        %dma_wait3A_239 = arith.constant 100 : i32
        %dma_wait3A_240 = arith.constant 0 : i32
        %dma_wait3A_241 = tpu.memref_slice %arg8[%dma_wait3A_239, %dma_wait3A_240] : memref<160x128xi32, #tpu.memory_space<vmem>> -> memref<60x128xi32, #tpu.memory_space<vmem>>
        tpu.wait_dma2 semaphore(%run_scoped3A_229 : memref<!tpu.dma_semaphore, #tpu.memory_space<semaphore_mem>>) src(%arg5 : memref<60x128xi32, #tpu.memory_space<hbm>>) dst(%dma_wait3A_241 : memref<60x128xi32, #tpu.memory_space<vmem>>)
        tpu.yield
      }) : () -> ()
    } else {
    }
    %mul3A_7 = arith.constant 625 : i32
    %mul3A_8 = arith.muli %arg1, %mul3A_7 : i32
    %mul3A_9 = arith.constant 625 : i32
    %mul3A_10 = arith.muli %arg1, %mul3A_9 : i32
    "tpu.region"() ({
      %run_scoped3A = tpu.sem_alloc : memref<!tpu.dma_semaphore, #tpu.memory_space<semaphore_mem>>
      %dma_start3A_228 = arith.constant 0 : i32
      %dma_start3A_229 = tpu.memref_slice %arg13[%mul3A_10, %dma_start3A_228] : memref<10000x32xf32, #tpu.memory_space<vmem_shared>> -> memref<625x32xf32, #tpu.memory_space<vmem_shared>>
      %dma_start3A_230 = tpu.memref_slice %arg2[%mul3A_8, %mul3A_0] : memref<10000x128xf32, #tpu.memory_space<hbm>> -> memref<625x32xf32, #tpu.memory_space<hbm>>
      tpu.enqueue_dma source(%dma_start3A_230 : memref<625x32xf32, #tpu.memory_space<hbm>>) target(%dma_start3A_229 : memref<625x32xf32, #tpu.memory_space<vmem_shared>>) target_semaphore(%run_scoped3A : memref<!tpu.dma_semaphore, #tpu.memory_space<semaphore_mem>>)
      %dma_wait3A_231 = arith.constant 0 : i32
      %dma_wait3A_232 = tpu.memref_slice %arg13[%mul3A_10, %dma_wait3A_231] : memref<10000x32xf32, #tpu.memory_space<vmem_shared>> -> memref<625x32xf32, #tpu.memory_space<vmem_shared>>
      %dma_wait3A_233 = tpu.memref_slice %arg2[%mul3A_8, %mul3A_0] : memref<10000x128xf32, #tpu.memory_space<hbm>> -> memref<625x32xf32, #tpu.memory_space<hbm>>
      tpu.wait_dma2 semaphore(%run_scoped3A : memref<!tpu.dma_semaphore, #tpu.memory_space<semaphore_mem>>) src(%dma_wait3A_233 : memref<625x32xf32, #tpu.memory_space<hbm>>) dst(%dma_wait3A_232 : memref<625x32xf32, #tpu.memory_space<vmem_shared>>)
      tpu.yield
    }) : () -> ()
    %scan3A = arith.constant 0 : i32
    %scan3A_11 = arith.constant 16 : i32
    %scan3A_12 = arith.addi %scan3A, %scan3A_11 : i32
    %scan3A_13 = arith.constant 1 : i32
    scf.for %scan3A_228 = %scan3A to %scan3A_12 step %scan3A_13  : i32 {
      %mul3A_229 = arith.constant 1 : i32
      %mul3A_230 = arith.muli %scan3A_228, %mul3A_229 : i32
      %add3A = arith.constant 0 : i32
      %add3A_231 = arith.addi %add3A, %mul3A_230 : i32
      %scan3A_232 = arith.constant 0 : i32
      %scan3A_233 = arith.constant 2 : i32
      %scan3A_234 = arith.addi %scan3A_232, %scan3A_233 : i32
      %scan3A_235 = arith.constant 1 : i32
      scf.for %scan3A_237 = %scan3A_232 to %scan3A_234 step %scan3A_235  : i32 {
        %mul3A_238 = arith.constant 1 : i32
        %mul3A_239 = arith.muli %scan3A_237, %mul3A_238 : i32
        %add3A_240 = arith.constant 0 : i32
        %add3A_241 = arith.addi %add3A_240, %mul3A_239 : i32
        %broadcast_in_dim3A = arith.constant 0.000000e+00 : f32
        %broadcast_in_dim3A_242 = vector.broadcast %broadcast_in_dim3A : f32 to vector<16xf32>
        %mul3A_243 = arith.constant 16 : i32
        %mul3A_244 = arith.muli %add3A_241, %mul3A_243 : i32
        %swap3A = arith.index_cast %add3A_231 : i32 to index
        %swap3A_245 = arith.index_cast %mul3A_244 : i32 to index
        %swap3A_246 = tpu.vector_load %arg10[%swap3A, %swap3A_245] {strides = array<i32>} : memref<16x32xf32, #tpu.memory_space<vmem>>, vector<1x16xf32>,
        %swap3A_247 = vector.shape_cast %swap3A_246 : vector<1x16xf32> to vector<16xf32>
        %swap3A_248 = vector.shape_cast %broadcast_in_dim3A_242 : vector<16xf32> to vector<1x16xf32>
        tpu.vector_store %arg10[%swap3A, %swap3A_245], %swap3A_248 {strides = array<i32>} : memref<16x32xf32, #tpu.memory_space<vmem>>, vector<1x16xf32>,
      }
      %scan3A_236 = arith.constant 2 : i32
    }
    %scan3A_14 = arith.constant 16 : i32
    %lt3A_15 = arith.constant 15 : i32
    %lt3A_16 = arith.cmpi slt, %arg1, %lt3A_15 : i32
    %convert_element_type3A_17 = arith.extui %lt3A_16 : i1 to i32
    %cond3A_18 = arith.constant 0 : i32
    %cond3A_19 = arith.cmpi ne, %convert_element_type3A_17, %cond3A_18 : i32
    scf.if %cond3A_19 {
      %mul3A_228 = arith.constant 640 : i32
      %mul3A_229 = arith.muli %arg1, %mul3A_228 : i32
      %mul3A_230 = arith.constant 640 : i32
      %mul3A_231 = arith.muli %arg1, %mul3A_230 : i32
      "tpu.region"() ({
        %run_scoped3A = tpu.sem_alloc : memref<!tpu.dma_semaphore, #tpu.memory_space<semaphore_mem>>
        %dma_start3A_232 = arith.constant 0 : i32
        %dma_start3A_233 = tpu.memref_slice %arg12[%mul3A_231, %dma_start3A_232] : memref<10240x32xf32, #tpu.memory_space<vmem_shared>> -> memref<640x32xf32, #tpu.memory_space<vmem_shared>>
        %dma_start3A_234 = tpu.memref_slice %arg2[%mul3A_229, %mul3A_0] : memref<10000x128xf32, #tpu.memory_space<hbm>> -> memref<640x32xf32, #tpu.memory_space<hbm>>
        tpu.enqueue_dma source(%dma_start3A_234 : memref<640x32xf32, #tpu.memory_space<hbm>>) target(%dma_start3A_233 : memref<640x32xf32, #tpu.memory_space<vmem_shared>>) target_semaphore(%run_scoped3A : memref<!tpu.dma_semaphore, #tpu.memory_space<semaphore_mem>>)
        %dma_wait3A_235 = arith.constant 0 : i32
        %dma_wait3A_236 = tpu.memref_slice %arg12[%mul3A_231, %dma_wait3A_235] : memref<10240x32xf32, #tpu.memory_space<vmem_shared>> -> memref<640x32xf32, #tpu.memory_space<vmem_shared>>
        %dma_wait3A_237 = tpu.memref_slice %arg2[%mul3A_229, %mul3A_0] : memref<10000x128xf32, #tpu.memory_space<hbm>> -> memref<640x32xf32, #tpu.memory_space<hbm>>
        tpu.wait_dma2 semaphore(%run_scoped3A : memref<!tpu.dma_semaphore, #tpu.memory_space<semaphore_mem>>) src(%dma_wait3A_237 : memref<640x32xf32, #tpu.memory_space<hbm>>) dst(%dma_wait3A_236 : memref<640x32xf32, #tpu.memory_space<vmem_shared>>)
        tpu.yield
      }) : () -> ()
    } else {
    }
    %eq3A_20 = arith.constant 15 : i32
    %eq3A_21 = arith.cmpi eq, %arg1, %eq3A_20 : i32
    %convert_element_type3A_22 = arith.extui %eq3A_21 : i1 to i32
    %cond3A_23 = arith.constant 0 : i32
    %cond3A_24 = arith.cmpi ne, %convert_element_type3A_22, %cond3A_23 : i32
    scf.if %cond3A_24 {
      "tpu.region"() ({
        %run_scoped3A = tpu.sem_alloc : memref<!tpu.dma_semaphore, #tpu.memory_space<semaphore_mem>>
        %dma_start3A_233 = arith.constant 9600 : i32
        %dma_start3A_234 = arith.constant 0 : i32
        %dma_start3A_235 = tpu.memref_slice %arg12[%dma_start3A_233, %dma_start3A_234] : memref<10240x32xf32, #tpu.memory_space<vmem_shared>> -> memref<400x32xf32, #tpu.memory_space<vmem_shared>>
        %dma_start3A_236 = arith.constant 9600 : i32
        %dma_start3A_237 = tpu.memref_slice %arg2[%dma_start3A_236, %mul3A_0] : memref<10000x128xf32, #tpu.memory_space<hbm>> -> memref<400x32xf32, #tpu.memory_space<hbm>>
        tpu.enqueue_dma source(%dma_start3A_237 : memref<400x32xf32, #tpu.memory_space<hbm>>) target(%dma_start3A_235 : memref<400x32xf32, #tpu.memory_space<vmem_shared>>) target_semaphore(%run_scoped3A : memref<!tpu.dma_semaphore, #tpu.memory_space<semaphore_mem>>)
        %dma_wait3A_238 = arith.constant 9600 : i32
        %dma_wait3A_239 = arith.constant 0 : i32
        %dma_wait3A_240 = tpu.memref_slice %arg12[%dma_wait3A_238, %dma_wait3A_239] : memref<10240x32xf32, #tpu.memory_space<vmem_shared>> -> memref<400x32xf32, #tpu.memory_space<vmem_shared>>
        %dma_wait3A_241 = arith.constant 9600 : i32
        %dma_wait3A_242 = tpu.memref_slice %arg2[%dma_wait3A_241, %mul3A_0] : memref<10000x128xf32, #tpu.memory_space<hbm>> -> memref<400x32xf32, #tpu.memory_space<hbm>>
        tpu.wait_dma2 semaphore(%run_scoped3A : memref<!tpu.dma_semaphore, #tpu.memory_space<semaphore_mem>>) src(%dma_wait3A_242 : memref<400x32xf32, #tpu.memory_space<hbm>>) dst(%dma_wait3A_240 : memref<400x32xf32, #tpu.memory_space<vmem_shared>>)
        tpu.yield
      }) : () -> ()
      %scan3A_228 = arith.constant 0 : i32
      %scan3A_229 = arith.constant 15 : i32
      %scan3A_230 = arith.addi %scan3A_228, %scan3A_229 : i32
      %scan3A_231 = arith.constant 1 : i32
      scf.for %scan3A_233 = %scan3A_228 to %scan3A_230 step %scan3A_231  : i32 {
        %mul3A_234 = arith.constant 16 : i32
        %mul3A_235 = arith.muli %scan3A_233, %mul3A_234 : i32
        %add3A = arith.constant 10000 : i32
        %add3A_236 = arith.addi %add3A, %mul3A_235 : i32
        "tpu.region"() ({
          %run_scoped3A = tpu.sem_alloc : memref<!tpu.dma_semaphore, #tpu.memory_space<semaphore_mem>>
          %dma_start3A_237 = arith.constant 0 : i32
          %dma_start3A_238 = tpu.memref_slice %arg12[%add3A_236, %dma_start3A_237] : memref<10240x32xf32, #tpu.memory_space<vmem_shared>> -> memref<16x32xf32, #tpu.memory_space<vmem_shared>>
          %dma_start3A_239 = arith.constant 0 : i32
          %dma_start3A_240 = tpu.memref_slice %arg12[%add3A_236, %dma_start3A_239] : memref<10240x32xf32, #tpu.memory_space<vmem_shared>> -> memref<16x32xf32, #tpu.memory_space<vmem_shared>>
          tpu.enqueue_dma source(%arg10 : memref<16x32xf32, #tpu.memory_space<vmem>>) target(%dma_start3A_240 : memref<16x32xf32, #tpu.memory_space<vmem_shared>>) target_semaphore(%run_scoped3A : memref<!tpu.dma_semaphore, #tpu.memory_space<semaphore_mem>>)
          %dma_wait3A_241 = arith.constant 0 : i32
          %dma_wait3A_242 = tpu.memref_slice %arg12[%add3A_236, %dma_wait3A_241] : memref<10240x32xf32, #tpu.memory_space<vmem_shared>> -> memref<16x32xf32, #tpu.memory_space<vmem_shared>>
          %dma_wait3A_243 = arith.constant 0 : i32
          %dma_wait3A_244 = tpu.memref_slice %arg12[%add3A_236, %dma_wait3A_243] : memref<10240x32xf32, #tpu.memory_space<vmem_shared>> -> memref<16x32xf32, #tpu.memory_space<vmem_shared>>
          tpu.wait_dma2 semaphore(%run_scoped3A : memref<!tpu.dma_semaphore, #tpu.memory_space<semaphore_mem>>) src(%arg10 : memref<16x32xf32, #tpu.memory_space<vmem>>) dst(%dma_wait3A_244 : memref<16x32xf32, #tpu.memory_space<vmem_shared>>)
          tpu.yield
        }) : () -> ()
      }
      %scan3A_232 = arith.constant 15 : i32
    } else {
    }
    %eq3A_25 = arith.constant 0 : i32
    %eq3A_26 = arith.cmpi eq, %arg0, %eq3A_25 : i32
    %lt3A_27 = arith.constant 15 : i32
    %lt3A_28 = arith.cmpi slt, %arg1, %lt3A_27 : i32
    %and3A = arith.andi %eq3A_26, %lt3A_28 : i1
    %convert_element_type3A_29 = arith.extui %and3A : i1 to i32
    %cond3A_30 = arith.constant 0 : i32
    %cond3A_31 = arith.cmpi ne, %convert_element_type3A_29, %cond3A_30 : i32
    scf.if %cond3A_31 {
      %mul3A_228 = arith.constant 640 : i32
      %mul3A_229 = arith.muli %arg1, %mul3A_228 : i32
      "tpu.region"() ({
        %run_scoped3A = tpu.sem_alloc : memref<!tpu.dma_semaphore, #tpu.memory_space<semaphore_mem>>
        %dma_start3A_232 = arith.constant 64 : i32
        %dma_start3A_233 = tpu.memref_slice %arg2[%mul3A_229, %dma_start3A_232] : memref<10000x128xf32, #tpu.memory_space<hbm>> -> memref<640x16xf32, #tpu.memory_space<hbm>>
        %dma_start3A_234 = arith.constant 64 : i32
        %dma_start3A_235 = tpu.memref_slice %arg2[%mul3A_229, %dma_start3A_234] : memref<10000x128xf32, #tpu.memory_space<hbm>> -> memref<640x16xf32, #tpu.memory_space<hbm>>
        tpu.enqueue_dma source(%dma_start3A_235 : memref<640x16xf32, #tpu.memory_space<hbm>>) target(%arg11 : memref<640x16xf32, #tpu.memory_space<vmem>>) target_semaphore(%run_scoped3A : memref<!tpu.dma_semaphore, #tpu.memory_space<semaphore_mem>>)
        %dma_wait3A_236 = arith.constant 64 : i32
        %dma_wait3A_237 = tpu.memref_slice %arg2[%mul3A_229, %dma_wait3A_236] : memref<10000x128xf32, #tpu.memory_space<hbm>> -> memref<640x16xf32, #tpu.memory_space<hbm>>
        %dma_wait3A_238 = arith.constant 64 : i32
        %dma_wait3A_239 = tpu.memref_slice %arg2[%mul3A_229, %dma_wait3A_238] : memref<10000x128xf32, #tpu.memory_space<hbm>> -> memref<640x16xf32, #tpu.memory_space<hbm>>
        tpu.wait_dma2 semaphore(%run_scoped3A : memref<!tpu.dma_semaphore, #tpu.memory_space<semaphore_mem>>) src(%dma_wait3A_239 : memref<640x16xf32, #tpu.memory_space<hbm>>) dst(%arg11 : memref<640x16xf32, #tpu.memory_space<vmem>>)
        tpu.yield
      }) : () -> ()
      %mul3A_230 = arith.constant 640 : i32
      %mul3A_231 = arith.muli %arg1, %mul3A_230 : i32
      "tpu.region"() ({
        %run_scoped3A = tpu.sem_alloc : memref<!tpu.dma_semaphore, #tpu.memory_space<semaphore_mem>>
        %dma_start3A_232 = arith.constant 64 : i32
        %dma_start3A_233 = tpu.memref_slice %arg6[%mul3A_231, %dma_start3A_232] : memref<10240x128xf32, #tpu.memory_space<hbm>> -> memref<640x16xf32, #tpu.memory_space<hbm>>
        %dma_start3A_234 = arith.constant 64 : i32
        %dma_start3A_235 = tpu.memref_slice %arg6[%mul3A_231, %dma_start3A_234] : memref<10240x128xf32, #tpu.memory_space<hbm>> -> memref<640x16xf32, #tpu.memory_space<hbm>>
        tpu.enqueue_dma source(%arg11 : memref<640x16xf32, #tpu.memory_space<vmem>>) target(%dma_start3A_235 : memref<640x16xf32, #tpu.memory_space<hbm>>) target_semaphore(%run_scoped3A : memref<!tpu.dma_semaphore, #tpu.memory_space<semaphore_mem>>)
        %dma_wait3A_236 = arith.constant 64 : i32
        %dma_wait3A_237 = tpu.memref_slice %arg6[%mul3A_231, %dma_wait3A_236] : memref<10240x128xf32, #tpu.memory_space<hbm>> -> memref<640x16xf32, #tpu.memory_space<hbm>>
        %dma_wait3A_238 = arith.constant 64 : i32
        %dma_wait3A_239 = tpu.memref_slice %arg6[%mul3A_231, %dma_wait3A_238] : memref<10240x128xf32, #tpu.memory_space<hbm>> -> memref<640x16xf32, #tpu.memory_space<hbm>>
        tpu.wait_dma2 semaphore(%run_scoped3A : memref<!tpu.dma_semaphore, #tpu.memory_space<semaphore_mem>>) src(%arg11 : memref<640x16xf32, #tpu.memory_space<vmem>>) dst(%dma_wait3A_239 : memref<640x16xf32, #tpu.memory_space<hbm>>)
        tpu.yield
      }) : () -> ()
    } else {
    }
    %eq3A_32 = arith.constant 0 : i32
    %eq3A_33 = arith.cmpi eq, %arg0, %eq3A_32 : i32
    %eq3A_34 = arith.constant 15 : i32
    %eq3A_35 = arith.cmpi eq, %arg1, %eq3A_34 : i32
    %and3A_36 = arith.andi %eq3A_33, %eq3A_35 : i1
    %convert_element_type3A_37 = arith.extui %and3A_36 : i1 to i32
    %cond3A_38 = arith.constant 0 : i32
    %cond3A_39 = arith.cmpi ne, %convert_element_type3A_37, %cond3A_38 : i32
    scf.if %cond3A_39 {
      "tpu.region"() ({
        %run_scoped3A = tpu.sem_alloc : memref<!tpu.dma_semaphore, #tpu.memory_space<semaphore_mem>>
        %dma_start3A_228 = arith.constant 0 : i32
        %dma_start3A_229 = arith.constant 0 : i32
        %dma_start3A_230 = tpu.memref_slice %arg11[%dma_start3A_228, %dma_start3A_229] : memref<640x16xf32, #tpu.memory_space<vmem>> -> memref<400x16xf32, #tpu.memory_space<vmem>>
        %dma_start3A_231 = arith.constant 9600 : i32
        %dma_start3A_232 = arith.constant 64 : i32
        %dma_start3A_233 = tpu.memref_slice %arg2[%dma_start3A_231, %dma_start3A_232] : memref<10000x128xf32, #tpu.memory_space<hbm>> -> memref<400x16xf32, #tpu.memory_space<hbm>>
        %dma_start3A_234 = arith.constant 0 : i32
        %dma_start3A_235 = arith.constant 0 : i32
        %dma_start3A_236 = tpu.memref_slice %arg11[%dma_start3A_234, %dma_start3A_235] : memref<640x16xf32, #tpu.memory_space<vmem>> -> memref<400x16xf32, #tpu.memory_space<vmem>>
        %dma_start3A_237 = arith.constant 9600 : i32
        %dma_start3A_238 = arith.constant 64 : i32
        %dma_start3A_239 = tpu.memref_slice %arg2[%dma_start3A_237, %dma_start3A_238] : memref<10000x128xf32, #tpu.memory_space<hbm>> -> memref<400x16xf32, #tpu.memory_space<hbm>>
        tpu.enqueue_dma source(%dma_start3A_239 : memref<400x16xf32, #tpu.memory_space<hbm>>) target(%dma_start3A_236 : memref<400x16xf32, #tpu.memory_space<vmem>>) target_semaphore(%run_scoped3A : memref<!tpu.dma_semaphore, #tpu.memory_space<semaphore_mem>>)
        %dma_wait3A_240 = arith.constant 0 : i32
        %dma_wait3A_241 = arith.constant 0 : i32
        %dma_wait3A_242 = tpu.memref_slice %arg11[%dma_wait3A_240, %dma_wait3A_241] : memref<640x16xf32, #tpu.memory_space<vmem>> -> memref<400x16xf32, #tpu.memory_space<vmem>>
        %dma_wait3A_243 = arith.constant 9600 : i32
        %dma_wait3A_244 = arith.constant 64 : i32
        %dma_wait3A_245 = tpu.memref_slice %arg2[%dma_wait3A_243, %dma_wait3A_244] : memref<10000x128xf32, #tpu.memory_space<hbm>> -> memref<400x16xf32, #tpu.memory_space<hbm>>
        %dma_wait3A_246 = arith.constant 0 : i32
        %dma_wait3A_247 = arith.constant 0 : i32
        %dma_wait3A_248 = tpu.memref_slice %arg11[%dma_wait3A_246, %dma_wait3A_247] : memref<640x16xf32, #tpu.memory_space<vmem>> -> memref<400x16xf32, #tpu.memory_space<vmem>>
        %dma_wait3A_249 = arith.constant 9600 : i32
        %dma_wait3A_250 = arith.constant 64 : i32
        %dma_wait3A_251 = tpu.memref_slice %arg2[%dma_wait3A_249, %dma_wait3A_250] : memref<10000x128xf32, #tpu.memory_space<hbm>> -> memref<400x16xf32, #tpu.memory_space<hbm>>
        tpu.wait_dma2 semaphore(%run_scoped3A : memref<!tpu.dma_semaphore, #tpu.memory_space<semaphore_mem>>) src(%dma_wait3A_251 : memref<400x16xf32, #tpu.memory_space<hbm>>) dst(%dma_wait3A_248 : memref<400x16xf32, #tpu.memory_space<vmem>>)
        tpu.yield
      }) : () -> ()
      "tpu.region"() ({
        %run_scoped3A = tpu.sem_alloc : memref<!tpu.dma_semaphore, #tpu.memory_space<semaphore_mem>>
        %dma_start3A_228 = arith.constant 0 : i32
        %dma_start3A_229 = arith.constant 0 : i32
        %dma_start3A_230 = tpu.memref_slice %arg11[%dma_start3A_228, %dma_start3A_229] : memref<640x16xf32, #tpu.memory_space<vmem>> -> memref<400x16xf32, #tpu.memory_space<vmem>>
        %dma_start3A_231 = arith.constant 9600 : i32
        %dma_start3A_232 = arith.constant 64 : i32
        %dma_start3A_233 = tpu.memref_slice %arg6[%dma_start3A_231, %dma_start3A_232] : memref<10240x128xf32, #tpu.memory_space<hbm>> -> memref<400x16xf32, #tpu.memory_space<hbm>>
        %dma_start3A_234 = arith.constant 9600 : i32
        %dma_start3A_235 = arith.constant 64 : i32
        %dma_start3A_236 = tpu.memref_slice %arg6[%dma_start3A_234, %dma_start3A_235] : memref<10240x128xf32, #tpu.memory_space<hbm>> -> memref<400x16xf32, #tpu.memory_space<hbm>>
        %dma_start3A_237 = arith.constant 0 : i32
        %dma_start3A_238 = arith.constant 0 : i32
        %dma_start3A_239 = tpu.memref_slice %arg11[%dma_start3A_237, %dma_start3A_238] : memref<640x16xf32, #tpu.memory_space<vmem>> -> memref<400x16xf32, #tpu.memory_space<vmem>>
        tpu.enqueue_dma source(%dma_start3A_239 : memref<400x16xf32, #tpu.memory_space<vmem>>) target(%dma_start3A_236 : memref<400x16xf32, #tpu.memory_space<hbm>>) target_semaphore(%run_scoped3A : memref<!tpu.dma_semaphore, #tpu.memory_space<semaphore_mem>>)
        %dma_wait3A_240 = arith.constant 0 : i32
        %dma_wait3A_241 = arith.constant 0 : i32
        %dma_wait3A_242 = tpu.memref_slice %arg11[%dma_wait3A_240, %dma_wait3A_241] : memref<640x16xf32, #tpu.memory_space<vmem>> -> memref<400x16xf32, #tpu.memory_space<vmem>>
        %dma_wait3A_243 = arith.constant 9600 : i32
        %dma_wait3A_244 = arith.constant 64 : i32
        %dma_wait3A_245 = tpu.memref_slice %arg6[%dma_wait3A_243, %dma_wait3A_244] : memref<10240x128xf32, #tpu.memory_space<hbm>> -> memref<400x16xf32, #tpu.memory_space<hbm>>
        %dma_wait3A_246 = arith.constant 9600 : i32
        %dma_wait3A_247 = arith.constant 64 : i32
        %dma_wait3A_248 = tpu.memref_slice %arg6[%dma_wait3A_246, %dma_wait3A_247] : memref<10240x128xf32, #tpu.memory_space<hbm>> -> memref<400x16xf32, #tpu.memory_space<hbm>>
        %dma_wait3A_249 = arith.constant 0 : i32
        %dma_wait3A_250 = arith.constant 0 : i32
        %dma_wait3A_251 = tpu.memref_slice %arg11[%dma_wait3A_249, %dma_wait3A_250] : memref<640x16xf32, #tpu.memory_space<vmem>> -> memref<400x16xf32, #tpu.memory_space<vmem>>
        tpu.wait_dma2 semaphore(%run_scoped3A : memref<!tpu.dma_semaphore, #tpu.memory_space<semaphore_mem>>) src(%dma_wait3A_251 : memref<400x16xf32, #tpu.memory_space<vmem>>) dst(%dma_wait3A_248 : memref<400x16xf32, #tpu.memory_space<hbm>>)
        tpu.yield
      }) : () -> ()
    } else {
    }
    %barrier3A = arith.constant 0 : index
    tpu.barrier barrier_id(%barrier3A)
    %dma_start3A = arith.constant 0 : i32
    %dma_start3A_40 = arith.constant 0 : i32
    %dma_start3A_41 = arith.constant 0 : i32
    %dma_start3A_42 = arith.constant 0 : i32
    %dma_start3A_43 = arith.constant 0 : i32
    %dma_start3A_44 = tpu.memref_slice %arg9[%dma_start3A_40, %dma_start3A_42, %dma_start3A_43] : memref<8x128x32xf32, #tpu.memory_space<vmem>> -> memref<1x128x32xf32, #tpu.memory_space<vmem>>
    %dma_start3A_45 = tpu.memref_squeeze %dma_start3A_44 : memref<1x128x32xf32, #tpu.memory_space<vmem>> -> memref<128x32xf32, #tpu.memory_space<vmem>>
    %dma_start3A_46 = arith.constant 0 : i32
    %dma_start3A_47 = tpu.memref_slice %arg7[%dma_start3A, %dma_start3A_46] : memref<160x128xi32, #tpu.memory_space<vmem>> -> memref<1x128xi32, #tpu.memory_space<vmem>>
    %dma_start3A_48 = tpu.memref_squeeze %dma_start3A_47 : memref<1x128xi32, #tpu.memory_space<vmem>> -> memref<128xi32, #tpu.memory_space<vmem>>
    %dma_start3A_49 = arith.constant 0 : i32
    %dma_start3A_50 = arith.constant 0 : i32
    %dma_start3A_51 = tpu.memref_slice %arg13[%dma_start3A_49, %dma_start3A_50] : memref<10000x32xf32, #tpu.memory_space<vmem_shared>> -> memref<10000x32xf32, #tpu.memory_space<vmem_shared>>
    %dma_start3A_52 = tpu.memref_slice %arg14[%dma_start3A_41] : memref<8x!tpu.dma_semaphore, #tpu.memory_space<semaphore_mem>> -> memref<1x!tpu.dma_semaphore, #tpu.memory_space<semaphore_mem>>
    %dma_start3A_53 = tpu.memref_squeeze %dma_start3A_52 : memref<1x!tpu.dma_semaphore, #tpu.memory_space<semaphore_mem>> -> memref<!tpu.dma_semaphore, #tpu.memory_space<semaphore_mem>>
    tpu.enqueue_indirect_dma source(%dma_start3A_51 : memref<10000x32xf32, #tpu.memory_space<vmem_shared>>) target(%dma_start3A_45 : memref<128x32xf32, #tpu.memory_space<vmem>>) offsets(%dma_start3A_48 : memref<128xi32, #tpu.memory_space<vmem>>) semaphore(%dma_start3A_53 : memref<!tpu.dma_semaphore, #tpu.memory_space<semaphore_mem>>)
    %dma_start3A_54 = arith.constant 1 : i32
    %dma_start3A_55 = arith.constant 1 : i32
    %dma_start3A_56 = arith.constant 1 : i32
    %dma_start3A_57 = arith.constant 0 : i32
    %dma_start3A_58 = arith.constant 0 : i32
    %dma_start3A_59 = tpu.memref_slice %arg9[%dma_start3A_55, %dma_start3A_57, %dma_start3A_58] : memref<8x128x32xf32, #tpu.memory_space<vmem>> -> memref<1x128x32xf32, #tpu.memory_space<vmem>>
    %dma_start3A_60 = tpu.memref_squeeze %dma_start3A_59 : memref<1x128x32xf32, #tpu.memory_space<vmem>> -> memref<128x32xf32, #tpu.memory_space<vmem>>
    %dma_start3A_61 = arith.constant 0 : i32
    %dma_start3A_62 = tpu.memref_slice %arg7[%dma_start3A_54, %dma_start3A_61] : memref<160x128xi32, #tpu.memory_space<vmem>> -> memref<1x128xi32, #tpu.memory_space<vmem>>
    %dma_start3A_63 = tpu.memref_squeeze %dma_start3A_62 : memref<1x128xi32, #tpu.memory_space<vmem>> -> memref<128xi32, #tpu.memory_space<vmem>>
    %dma_start3A_64 = arith.constant 0 : i32
    %dma_start3A_65 = arith.constant 0 : i32
    %dma_start3A_66 = tpu.memref_slice %arg13[%dma_start3A_64, %dma_start3A_65] : memref<10000x32xf32, #tpu.memory_space<vmem_shared>> -> memref<10000x32xf32, #tpu.memory_space<vmem_shared>>
    %dma_start3A_67 = tpu.memref_slice %arg14[%dma_start3A_56] : memref<8x!tpu.dma_semaphore, #tpu.memory_space<semaphore_mem>> -> memref<1x!tpu.dma_semaphore, #tpu.memory_space<semaphore_mem>>
    %dma_start3A_68 = tpu.memref_squeeze %dma_start3A_67 : memref<1x!tpu.dma_semaphore, #tpu.memory_space<semaphore_mem>> -> memref<!tpu.dma_semaphore, #tpu.memory_space<semaphore_mem>>
    tpu.enqueue_indirect_dma source(%dma_start3A_66 : memref<10000x32xf32, #tpu.memory_space<vmem_shared>>) target(%dma_start3A_60 : memref<128x32xf32, #tpu.memory_space<vmem>>) offsets(%dma_start3A_63 : memref<128xi32, #tpu.memory_space<vmem>>) semaphore(%dma_start3A_68 : memref<!tpu.dma_semaphore, #tpu.memory_space<semaphore_mem>>)
    %dma_start3A_69 = arith.constant 2 : i32
    %dma_start3A_70 = arith.constant 2 : i32
    %dma_start3A_71 = arith.constant 2 : i32
    %dma_start3A_72 = arith.constant 0 : i32
    %dma_start3A_73 = arith.constant 0 : i32
    %dma_start3A_74 = tpu.memref_slice %arg9[%dma_start3A_70, %dma_start3A_72, %dma_start3A_73] : memref<8x128x32xf32, #tpu.memory_space<vmem>> -> memref<1x128x32xf32, #tpu.memory_space<vmem>>
    %dma_start3A_75 = tpu.memref_squeeze %dma_start3A_74 : memref<1x128x32xf32, #tpu.memory_space<vmem>> -> memref<128x32xf32, #tpu.memory_space<vmem>>
    %dma_start3A_76 = arith.constant 0 : i32
    %dma_start3A_77 = tpu.memref_slice %arg7[%dma_start3A_69, %dma_start3A_76] : memref<160x128xi32, #tpu.memory_space<vmem>> -> memref<1x128xi32, #tpu.memory_space<vmem>>
    %dma_start3A_78 = tpu.memref_squeeze %dma_start3A_77 : memref<1x128xi32, #tpu.memory_space<vmem>> -> memref<128xi32, #tpu.memory_space<vmem>>
    %dma_start3A_79 = arith.constant 0 : i32
    %dma_start3A_80 = arith.constant 0 : i32
    %dma_start3A_81 = tpu.memref_slice %arg13[%dma_start3A_79, %dma_start3A_80] : memref<10000x32xf32, #tpu.memory_space<vmem_shared>> -> memref<10000x32xf32, #tpu.memory_space<vmem_shared>>
    %dma_start3A_82 = tpu.memref_slice %arg14[%dma_start3A_71] : memref<8x!tpu.dma_semaphore, #tpu.memory_space<semaphore_mem>> -> memref<1x!tpu.dma_semaphore, #tpu.memory_space<semaphore_mem>>
    %dma_start3A_83 = tpu.memref_squeeze %dma_start3A_82 : memref<1x!tpu.dma_semaphore, #tpu.memory_space<semaphore_mem>> -> memref<!tpu.dma_semaphore, #tpu.memory_space<semaphore_mem>>
    tpu.enqueue_indirect_dma source(%dma_start3A_81 : memref<10000x32xf32, #tpu.memory_space<vmem_shared>>) target(%dma_start3A_75 : memref<128x32xf32, #tpu.memory_space<vmem>>) offsets(%dma_start3A_78 : memref<128xi32, #tpu.memory_space<vmem>>) semaphore(%dma_start3A_83 : memref<!tpu.dma_semaphore, #tpu.memory_space<semaphore_mem>>)
    %dma_start3A_84 = arith.constant 3 : i32
    %dma_start3A_85 = arith.constant 3 : i32
    %dma_start3A_86 = arith.constant 3 : i32
    %dma_start3A_87 = arith.constant 0 : i32
    %dma_start3A_88 = arith.constant 0 : i32
    %dma_start3A_89 = tpu.memref_slice %arg9[%dma_start3A_85, %dma_start3A_87, %dma_start3A_88] : memref<8x128x32xf32, #tpu.memory_space<vmem>> -> memref<1x128x32xf32, #tpu.memory_space<vmem>>
    %dma_start3A_90 = tpu.memref_squeeze %dma_start3A_89 : memref<1x128x32xf32, #tpu.memory_space<vmem>> -> memref<128x32xf32, #tpu.memory_space<vmem>>
    %dma_start3A_91 = arith.constant 0 : i32
    %dma_start3A_92 = tpu.memref_slice %arg7[%dma_start3A_84, %dma_start3A_91] : memref<160x128xi32, #tpu.memory_space<vmem>> -> memref<1x128xi32, #tpu.memory_space<vmem>>
    %dma_start3A_93 = tpu.memref_squeeze %dma_start3A_92 : memref<1x128xi32, #tpu.memory_space<vmem>> -> memref<128xi32, #tpu.memory_space<vmem>>
    %dma_start3A_94 = arith.constant 0 : i32
    %dma_start3A_95 = arith.constant 0 : i32
    %dma_start3A_96 = tpu.memref_slice %arg13[%dma_start3A_94, %dma_start3A_95] : memref<10000x32xf32, #tpu.memory_space<vmem_shared>> -> memref<10000x32xf32, #tpu.memory_space<vmem_shared>>
    %dma_start3A_97 = tpu.memref_slice %arg14[%dma_start3A_86] : memref<8x!tpu.dma_semaphore, #tpu.memory_space<semaphore_mem>> -> memref<1x!tpu.dma_semaphore, #tpu.memory_space<semaphore_mem>>
    %dma_start3A_98 = tpu.memref_squeeze %dma_start3A_97 : memref<1x!tpu.dma_semaphore, #tpu.memory_space<semaphore_mem>> -> memref<!tpu.dma_semaphore, #tpu.memory_space<semaphore_mem>>
    tpu.enqueue_indirect_dma source(%dma_start3A_96 : memref<10000x32xf32, #tpu.memory_space<vmem_shared>>) target(%dma_start3A_90 : memref<128x32xf32, #tpu.memory_space<vmem>>) offsets(%dma_start3A_93 : memref<128xi32, #tpu.memory_space<vmem>>) semaphore(%dma_start3A_98 : memref<!tpu.dma_semaphore, #tpu.memory_space<semaphore_mem>>)
    %scan3A_99 = arith.constant 0 : i32
    %scan3A_100 = arith.constant 20 : i32
    %scan3A_101 = arith.addi %scan3A_99, %scan3A_100 : i32
    %scan3A_102 = arith.constant 1 : i32
    scf.for %scan3A_228 = %scan3A_99 to %scan3A_101 step %scan3A_102  : i32 {
      %mul3A_229 = arith.constant 8 : i32
      %mul3A_230 = arith.muli %scan3A_228, %mul3A_229 : i32
      %add3A = arith.constant 0 : i32
      %add3A_231 = arith.addi %add3A, %mul3A_230 : i32
      %add3A_232 = arith.constant 0 : i32
      %add3A_233 = arith.addi %add3A_231, %add3A_232 : i32
      %dma_wait3A_234 = arith.constant 0 : i32
      %dma_wait3A_235 = arith.constant 0 : i32
      %dma_wait3A_236 = arith.constant 0 : i32
      %dma_wait3A_237 = arith.constant 0 : i32
      %dma_wait3A_238 = tpu.memref_slice %arg9[%dma_wait3A_234, %dma_wait3A_236, %dma_wait3A_237] : memref<8x128x32xf32, #tpu.memory_space<vmem>> -> memref<1x128x32xf32, #tpu.memory_space<vmem>>
      %dma_wait3A_239 = tpu.memref_squeeze %dma_wait3A_238 : memref<1x128x32xf32, #tpu.memory_space<vmem>> -> memref<128x32xf32, #tpu.memory_space<vmem>>
      %dma_wait3A_240 = arith.constant 0 : i32
      %dma_wait3A_241 = tpu.memref_slice %arg7[%add3A_233, %dma_wait3A_240] : memref<160x128xi32, #tpu.memory_space<vmem>> -> memref<1x128xi32, #tpu.memory_space<vmem>>
      %dma_wait3A_242 = tpu.memref_squeeze %dma_wait3A_241 : memref<1x128xi32, #tpu.memory_space<vmem>> -> memref<128xi32, #tpu.memory_space<vmem>>
      %dma_wait3A_243 = arith.constant 0 : i32
      %dma_wait3A_244 = arith.constant 0 : i32
      %dma_wait3A_245 = tpu.memref_slice %arg13[%dma_wait3A_243, %dma_wait3A_244] : memref<10000x32xf32, #tpu.memory_space<vmem_shared>> -> memref<10000x32xf32, #tpu.memory_space<vmem_shared>>
      %dma_wait3A_246 = tpu.memref_slice %arg14[%dma_wait3A_235] : memref<8x!tpu.dma_semaphore, #tpu.memory_space<semaphore_mem>> -> memref<1x!tpu.dma_semaphore, #tpu.memory_space<semaphore_mem>>
      %dma_wait3A_247 = tpu.memref_squeeze %dma_wait3A_246 : memref<1x!tpu.dma_semaphore, #tpu.memory_space<semaphore_mem>> -> memref<!tpu.dma_semaphore, #tpu.memory_space<semaphore_mem>>
      tpu.wait_indirect_dma semaphore(%dma_wait3A_247 : memref<!tpu.dma_semaphore, #tpu.memory_space<semaphore_mem>>) src(%dma_wait3A_245 : memref<10000x32xf32, #tpu.memory_space<vmem_shared>>) dst(%dma_wait3A_239 : memref<128x32xf32, #tpu.memory_space<vmem>>)
      %dma_start3A_248 = arith.constant 0 : i32
      %dma_start3A_249 = arith.constant 0 : i32
      %dma_start3A_250 = arith.constant 0 : i32
      %dma_start3A_251 = arith.constant 0 : i32
      %dma_start3A_252 = tpu.memref_slice %arg9[%dma_start3A_248, %dma_start3A_250, %dma_start3A_251] : memref<8x128x32xf32, #tpu.memory_space<vmem>> -> memref<1x128x32xf32, #tpu.memory_space<vmem>>
      %dma_start3A_253 = tpu.memref_squeeze %dma_start3A_252 : memref<1x128x32xf32, #tpu.memory_space<vmem>> -> memref<128x32xf32, #tpu.memory_space<vmem>>
      %dma_start3A_254 = arith.constant 0 : i32
      %dma_start3A_255 = tpu.memref_slice %arg8[%add3A_233, %dma_start3A_254] : memref<160x128xi32, #tpu.memory_space<vmem>> -> memref<1x128xi32, #tpu.memory_space<vmem>>
      %dma_start3A_256 = tpu.memref_squeeze %dma_start3A_255 : memref<1x128xi32, #tpu.memory_space<vmem>> -> memref<128xi32, #tpu.memory_space<vmem>>
      %dma_start3A_257 = arith.constant 0 : i32
      %dma_start3A_258 = arith.constant 0 : i32
      %dma_start3A_259 = tpu.memref_slice %arg12[%dma_start3A_257, %dma_start3A_258] : memref<10240x32xf32, #tpu.memory_space<vmem_shared>> -> memref<10240x32xf32, #tpu.memory_space<vmem_shared>>
      %dma_start3A_260 = tpu.memref_slice %arg15[%dma_start3A_249] : memref<8x!tpu.dma_semaphore, #tpu.memory_space<semaphore_mem>> -> memref<1x!tpu.dma_semaphore, #tpu.memory_space<semaphore_mem>>
      %dma_start3A_261 = tpu.memref_squeeze %dma_start3A_260 : memref<1x!tpu.dma_semaphore, #tpu.memory_space<semaphore_mem>> -> memref<!tpu.dma_semaphore, #tpu.memory_space<semaphore_mem>>
      tpu.enqueue_indirect_dma source(%dma_start3A_253 : memref<128x32xf32, #tpu.memory_space<vmem>>) target(%dma_start3A_259 : memref<10240x32xf32, #tpu.memory_space<vmem_shared>>) offsets(%dma_start3A_256 : memref<128xi32, #tpu.memory_space<vmem>>) semaphore(%dma_start3A_261 : memref<!tpu.dma_semaphore, #tpu.memory_space<semaphore_mem>>) {add = true}
      %add3A_262 = arith.constant 4 : i32
      %add3A_263 = arith.addi %add3A_233, %add3A_262 : i32
      %lt3A_264 = arith.constant 160 : i32
      %lt3A_265 = arith.cmpi slt, %add3A_263, %lt3A_264 : i32
      %convert_element_type3A_266 = arith.extui %lt3A_265 : i1 to i32
      %cond3A_267 = arith.constant 0 : i32
      %cond3A_268 = arith.cmpi ne, %convert_element_type3A_266, %cond3A_267 : i32
      scf.if %cond3A_268 {
        %ge3A = arith.constant 8 : i32
        %ge3A_528 = arith.cmpi sge, %add3A_263, %ge3A : i32
        %convert_element_type3A_529 = arith.extui %ge3A_528 : i1 to i32
        %cond3A_530 = arith.constant 0 : i32
        %cond3A_531 = arith.cmpi ne, %convert_element_type3A_529, %cond3A_530 : i32
        scf.if %cond3A_531 {
          %dma_wait3A_546 = arith.constant 4 : i32
          %dma_wait3A_547 = arith.constant 4 : i32
          %dma_wait3A_548 = arith.constant 0 : i32
          %dma_wait3A_549 = arith.constant 0 : i32
          %dma_wait3A_550 = tpu.memref_slice %arg9[%dma_wait3A_546, %dma_wait3A_548, %dma_wait3A_549] : memref<8x128x32xf32, #tpu.memory_space<vmem>> -> memref<1x128x32xf32, #tpu.memory_space<vmem>>
          %dma_wait3A_551 = tpu.memref_squeeze %dma_wait3A_550 : memref<1x128x32xf32, #tpu.memory_space<vmem>> -> memref<128x32xf32, #tpu.memory_space<vmem>>
          %dma_wait3A_552 = arith.constant 0 : i32
          %dma_wait3A_553 = tpu.memref_slice %arg8[%add3A_233, %dma_wait3A_552] : memref<160x128xi32, #tpu.memory_space<vmem>> -> memref<1x128xi32, #tpu.memory_space<vmem>>
          %dma_wait3A_554 = tpu.memref_squeeze %dma_wait3A_553 : memref<1x128xi32, #tpu.memory_space<vmem>> -> memref<128xi32, #tpu.memory_space<vmem>>
          %dma_wait3A_555 = arith.constant 0 : i32
          %dma_wait3A_556 = arith.constant 0 : i32
          %dma_wait3A_557 = tpu.memref_slice %arg12[%dma_wait3A_555, %dma_wait3A_556] : memref<10240x32xf32, #tpu.memory_space<vmem_shared>> -> memref<10240x32xf32, #tpu.memory_space<vmem_shared>>
          %dma_wait3A_558 = tpu.memref_slice %arg15[%dma_wait3A_547] : memref<8x!tpu.dma_semaphore, #tpu.memory_space<semaphore_mem>> -> memref<1x!tpu.dma_semaphore, #tpu.memory_space<semaphore_mem>>
          %dma_wait3A_559 = tpu.memref_squeeze %dma_wait3A_558 : memref<1x!tpu.dma_semaphore, #tpu.memory_space<semaphore_mem>> -> memref<!tpu.dma_semaphore, #tpu.memory_space<semaphore_mem>>
          tpu.wait_indirect_dma semaphore(%dma_wait3A_559 : memref<!tpu.dma_semaphore, #tpu.memory_space<semaphore_mem>>) src(%dma_wait3A_551 : memref<128x32xf32, #tpu.memory_space<vmem>>) dst(%dma_wait3A_557 : memref<10240x32xf32, #tpu.memory_space<vmem_shared>>)
        } else {
        }
        %dma_start3A_532 = arith.constant 4 : i32
        %dma_start3A_533 = arith.constant 4 : i32
        %dma_start3A_534 = arith.constant 0 : i32
        %dma_start3A_535 = arith.constant 0 : i32
        %dma_start3A_536 = tpu.memref_slice %arg9[%dma_start3A_532, %dma_start3A_534, %dma_start3A_535] : memref<8x128x32xf32, #tpu.memory_space<vmem>> -> memref<1x128x32xf32, #tpu.memory_space<vmem>>
        %dma_start3A_537 = tpu.memref_squeeze %dma_start3A_536 : memref<1x128x32xf32, #tpu.memory_space<vmem>> -> memref<128x32xf32, #tpu.memory_space<vmem>>
        %dma_start3A_538 = arith.constant 0 : i32
        %dma_start3A_539 = tpu.memref_slice %arg7[%add3A_263, %dma_start3A_538] : memref<160x128xi32, #tpu.memory_space<vmem>> -> memref<1x128xi32, #tpu.memory_space<vmem>>
        %dma_start3A_540 = tpu.memref_squeeze %dma_start3A_539 : memref<1x128xi32, #tpu.memory_space<vmem>> -> memref<128xi32, #tpu.memory_space<vmem>>
        %dma_start3A_541 = arith.constant 0 : i32
        %dma_start3A_542 = arith.constant 0 : i32
        %dma_start3A_543 = tpu.memref_slice %arg13[%dma_start3A_541, %dma_start3A_542] : memref<10000x32xf32, #tpu.memory_space<vmem_shared>> -> memref<10000x32xf32, #tpu.memory_space<vmem_shared>>
        %dma_start3A_544 = tpu.memref_slice %arg14[%dma_start3A_533] : memref<8x!tpu.dma_semaphore, #tpu.memory_space<semaphore_mem>> -> memref<1x!tpu.dma_semaphore, #tpu.memory_space<semaphore_mem>>
        %dma_start3A_545 = tpu.memref_squeeze %dma_start3A_544 : memref<1x!tpu.dma_semaphore, #tpu.memory_space<semaphore_mem>> -> memref<!tpu.dma_semaphore, #tpu.memory_space<semaphore_mem>>
        tpu.enqueue_indirect_dma source(%dma_start3A_543 : memref<10000x32xf32, #tpu.memory_space<vmem_shared>>) target(%dma_start3A_537 : memref<128x32xf32, #tpu.memory_space<vmem>>) offsets(%dma_start3A_540 : memref<128xi32, #tpu.memory_space<vmem>>) semaphore(%dma_start3A_545 : memref<!tpu.dma_semaphore, #tpu.memory_space<semaphore_mem>>)
      } else {
      }
      %add3A_269 = arith.constant 1 : i32
      %add3A_270 = arith.addi %add3A_231, %add3A_269 : i32
      %dma_wait3A_271 = arith.constant 1 : i32
      %dma_wait3A_272 = arith.constant 1 : i32
      %dma_wait3A_273 = arith.constant 0 : i32
      %dma_wait3A_274 = arith.constant 0 : i32
      %dma_wait3A_275 = tpu.memref_slice %arg9[%dma_wait3A_271, %dma_wait3A_273, %dma_wait3A_274] : memref<8x128x32xf32, #tpu.memory_space<vmem>> -> memref<1x128x32xf32, #tpu.memory_space<vmem>>
      %dma_wait3A_276 = tpu.memref_squeeze %dma_wait3A_275 : memref<1x128x32xf32, #tpu.memory_space<vmem>> -> memref<128x32xf32, #tpu.memory_space<vmem>>
      %dma_wait3A_277 = arith.constant 0 : i32
      %dma_wait3A_278 = tpu.memref_slice %arg7[%add3A_270, %dma_wait3A_277] : memref<160x128xi32, #tpu.memory_space<vmem>> -> memref<1x128xi32, #tpu.memory_space<vmem>>
      %dma_wait3A_279 = tpu.memref_squeeze %dma_wait3A_278 : memref<1x128xi32, #tpu.memory_space<vmem>> -> memref<128xi32, #tpu.memory_space<vmem>>
      %dma_wait3A_280 = arith.constant 0 : i32
      %dma_wait3A_281 = arith.constant 0 : i32
      %dma_wait3A_282 = tpu.memref_slice %arg13[%dma_wait3A_280, %dma_wait3A_281] : memref<10000x32xf32, #tpu.memory_space<vmem_shared>> -> memref<10000x32xf32, #tpu.memory_space<vmem_shared>>
      %dma_wait3A_283 = tpu.memref_slice %arg14[%dma_wait3A_272] : memref<8x!tpu.dma_semaphore, #tpu.memory_space<semaphore_mem>> -> memref<1x!tpu.dma_semaphore, #tpu.memory_space<semaphore_mem>>
      %dma_wait3A_284 = tpu.memref_squeeze %dma_wait3A_283 : memref<1x!tpu.dma_semaphore, #tpu.memory_space<semaphore_mem>> -> memref<!tpu.dma_semaphore, #tpu.memory_space<semaphore_mem>>
      tpu.wait_indirect_dma semaphore(%dma_wait3A_284 : memref<!tpu.dma_semaphore, #tpu.memory_space<semaphore_mem>>) src(%dma_wait3A_282 : memref<10000x32xf32, #tpu.memory_space<vmem_shared>>) dst(%dma_wait3A_276 : memref<128x32xf32, #tpu.memory_space<vmem>>)
      %dma_start3A_285 = arith.constant 1 : i32
      %dma_start3A_286 = arith.constant 1 : i32
      %dma_start3A_287 = arith.constant 0 : i32
      %dma_start3A_288 = arith.constant 0 : i32
      %dma_start3A_289 = tpu.memref_slice %arg9[%dma_start3A_285, %dma_start3A_287, %dma_start3A_288] : memref<8x128x32xf32, #tpu.memory_space<vmem>> -> memref<1x128x32xf32, #tpu.memory_space<vmem>>
      %dma_start3A_290 = tpu.memref_squeeze %dma_start3A_289 : memref<1x128x32xf32, #tpu.memory_space<vmem>> -> memref<128x32xf32, #tpu.memory_space<vmem>>
      %dma_start3A_291 = arith.constant 0 : i32
      %dma_start3A_292 = tpu.memref_slice %arg8[%add3A_270, %dma_start3A_291] : memref<160x128xi32, #tpu.memory_space<vmem>> -> memref<1x128xi32, #tpu.memory_space<vmem>>
      %dma_start3A_293 = tpu.memref_squeeze %dma_start3A_292 : memref<1x128xi32, #tpu.memory_space<vmem>> -> memref<128xi32, #tpu.memory_space<vmem>>
      %dma_start3A_294 = arith.constant 0 : i32
      %dma_start3A_295 = arith.constant 0 : i32
      %dma_start3A_296 = tpu.memref_slice %arg12[%dma_start3A_294, %dma_start3A_295] : memref<10240x32xf32, #tpu.memory_space<vmem_shared>> -> memref<10240x32xf32, #tpu.memory_space<vmem_shared>>
      %dma_start3A_297 = tpu.memref_slice %arg15[%dma_start3A_286] : memref<8x!tpu.dma_semaphore, #tpu.memory_space<semaphore_mem>> -> memref<1x!tpu.dma_semaphore, #tpu.memory_space<semaphore_mem>>
      %dma_start3A_298 = tpu.memref_squeeze %dma_start3A_297 : memref<1x!tpu.dma_semaphore, #tpu.memory_space<semaphore_mem>> -> memref<!tpu.dma_semaphore, #tpu.memory_space<semaphore_mem>>
      tpu.enqueue_indirect_dma source(%dma_start3A_290 : memref<128x32xf32, #tpu.memory_space<vmem>>) target(%dma_start3A_296 : memref<10240x32xf32, #tpu.memory_space<vmem_shared>>) offsets(%dma_start3A_293 : memref<128xi32, #tpu.memory_space<vmem>>) semaphore(%dma_start3A_298 : memref<!tpu.dma_semaphore, #tpu.memory_space<semaphore_mem>>) {add = true}
      %add3A_299 = arith.constant 4 : i32
      %add3A_300 = arith.addi %add3A_270, %add3A_299 : i32
      %lt3A_301 = arith.constant 160 : i32
      %lt3A_302 = arith.cmpi slt, %add3A_300, %lt3A_301 : i32
      %convert_element_type3A_303 = arith.extui %lt3A_302 : i1 to i32
      %cond3A_304 = arith.constant 0 : i32
      %cond3A_305 = arith.cmpi ne, %convert_element_type3A_303, %cond3A_304 : i32
      scf.if %cond3A_305 {
        %ge3A = arith.constant 8 : i32
        %ge3A_528 = arith.cmpi sge, %add3A_300, %ge3A : i32
        %convert_element_type3A_529 = arith.extui %ge3A_528 : i1 to i32
        %cond3A_530 = arith.constant 0 : i32
        %cond3A_531 = arith.cmpi ne, %convert_element_type3A_529, %cond3A_530 : i32
        scf.if %cond3A_531 {
          %dma_wait3A_546 = arith.constant 5 : i32
          %dma_wait3A_547 = arith.constant 5 : i32
          %dma_wait3A_548 = arith.constant 0 : i32
          %dma_wait3A_549 = arith.constant 0 : i32
          %dma_wait3A_550 = tpu.memref_slice %arg9[%dma_wait3A_546, %dma_wait3A_548, %dma_wait3A_549] : memref<8x128x32xf32, #tpu.memory_space<vmem>> -> memref<1x128x32xf32, #tpu.memory_space<vmem>>
          %dma_wait3A_551 = tpu.memref_squeeze %dma_wait3A_550 : memref<1x128x32xf32, #tpu.memory_space<vmem>> -> memref<128x32xf32, #tpu.memory_space<vmem>>
          %dma_wait3A_552 = arith.constant 0 : i32
          %dma_wait3A_553 = tpu.memref_slice %arg8[%add3A_270, %dma_wait3A_552] : memref<160x128xi32, #tpu.memory_space<vmem>> -> memref<1x128xi32, #tpu.memory_space<vmem>>
          %dma_wait3A_554 = tpu.memref_squeeze %dma_wait3A_553 : memref<1x128xi32, #tpu.memory_space<vmem>> -> memref<128xi32, #tpu.memory_space<vmem>>
          %dma_wait3A_555 = arith.constant 0 : i32
          %dma_wait3A_556 = arith.constant 0 : i32
          %dma_wait3A_557 = tpu.memref_slice %arg12[%dma_wait3A_555, %dma_wait3A_556] : memref<10240x32xf32, #tpu.memory_space<vmem_shared>> -> memref<10240x32xf32, #tpu.memory_space<vmem_shared>>
          %dma_wait3A_558 = tpu.memref_slice %arg15[%dma_wait3A_547] : memref<8x!tpu.dma_semaphore, #tpu.memory_space<semaphore_mem>> -> memref<1x!tpu.dma_semaphore, #tpu.memory_space<semaphore_mem>>
          %dma_wait3A_559 = tpu.memref_squeeze %dma_wait3A_558 : memref<1x!tpu.dma_semaphore, #tpu.memory_space<semaphore_mem>> -> memref<!tpu.dma_semaphore, #tpu.memory_space<semaphore_mem>>
          tpu.wait_indirect_dma semaphore(%dma_wait3A_559 : memref<!tpu.dma_semaphore, #tpu.memory_space<semaphore_mem>>) src(%dma_wait3A_551 : memref<128x32xf32, #tpu.memory_space<vmem>>) dst(%dma_wait3A_557 : memref<10240x32xf32, #tpu.memory_space<vmem_shared>>)
        } else {
        }
        %dma_start3A_532 = arith.constant 5 : i32
        %dma_start3A_533 = arith.constant 5 : i32
        %dma_start3A_534 = arith.constant 0 : i32
        %dma_start3A_535 = arith.constant 0 : i32
        %dma_start3A_536 = tpu.memref_slice %arg9[%dma_start3A_532, %dma_start3A_534, %dma_start3A_535] : memref<8x128x32xf32, #tpu.memory_space<vmem>> -> memref<1x128x32xf32, #tpu.memory_space<vmem>>
        %dma_start3A_537 = tpu.memref_squeeze %dma_start3A_536 : memref<1x128x32xf32, #tpu.memory_space<vmem>> -> memref<128x32xf32, #tpu.memory_space<vmem>>
        %dma_start3A_538 = arith.constant 0 : i32
        %dma_start3A_539 = tpu.memref_slice %arg7[%add3A_300, %dma_start3A_538] : memref<160x128xi32, #tpu.memory_space<vmem>> -> memref<1x128xi32, #tpu.memory_space<vmem>>
        %dma_start3A_540 = tpu.memref_squeeze %dma_start3A_539 : memref<1x128xi32, #tpu.memory_space<vmem>> -> memref<128xi32, #tpu.memory_space<vmem>>
        %dma_start3A_541 = arith.constant 0 : i32
        %dma_start3A_542 = arith.constant 0 : i32
        %dma_start3A_543 = tpu.memref_slice %arg13[%dma_start3A_541, %dma_start3A_542] : memref<10000x32xf32, #tpu.memory_space<vmem_shared>> -> memref<10000x32xf32, #tpu.memory_space<vmem_shared>>
        %dma_start3A_544 = tpu.memref_slice %arg14[%dma_start3A_533] : memref<8x!tpu.dma_semaphore, #tpu.memory_space<semaphore_mem>> -> memref<1x!tpu.dma_semaphore, #tpu.memory_space<semaphore_mem>>
        %dma_start3A_545 = tpu.memref_squeeze %dma_start3A_544 : memref<1x!tpu.dma_semaphore, #tpu.memory_space<semaphore_mem>> -> memref<!tpu.dma_semaphore, #tpu.memory_space<semaphore_mem>>
        tpu.enqueue_indirect_dma source(%dma_start3A_543 : memref<10000x32xf32, #tpu.memory_space<vmem_shared>>) target(%dma_start3A_537 : memref<128x32xf32, #tpu.memory_space<vmem>>) offsets(%dma_start3A_540 : memref<128xi32, #tpu.memory_space<vmem>>) semaphore(%dma_start3A_545 : memref<!tpu.dma_semaphore, #tpu.memory_space<semaphore_mem>>)
      } else {
      }
      %add3A_306 = arith.constant 2 : i32
      %add3A_307 = arith.addi %add3A_231, %add3A_306 : i32
      %dma_wait3A_308 = arith.constant 2 : i32
      %dma_wait3A_309 = arith.constant 2 : i32
      %dma_wait3A_310 = arith.constant 0 : i32
      %dma_wait3A_311 = arith.constant 0 : i32
      %dma_wait3A_312 = tpu.memref_slice %arg9[%dma_wait3A_308, %dma_wait3A_310, %dma_wait3A_311] : memref<8x128x32xf32, #tpu.memory_space<vmem>> -> memref<1x128x32xf32, #tpu.memory_space<vmem>>
      %dma_wait3A_313 = tpu.memref_squeeze %dma_wait3A_312 : memref<1x128x32xf32, #tpu.memory_space<vmem>> -> memref<128x32xf32, #tpu.memory_space<vmem>>
      %dma_wait3A_314 = arith.constant 0 : i32
      %dma_wait3A_315 = tpu.memref_slice %arg7[%add3A_307, %dma_wait3A_314] : memref<160x128xi32, #tpu.memory_space<vmem>> -> memref<1x128xi32, #tpu.memory_space<vmem>>
      %dma_wait3A_316 = tpu.memref_squeeze %dma_wait3A_315 : memref<1x128xi32, #tpu.memory_space<vmem>> -> memref<128xi32, #tpu.memory_space<vmem>>
      %dma_wait3A_317 = arith.constant 0 : i32
      %dma_wait3A_318 = arith.constant 0 : i32
      %dma_wait3A_319 = tpu.memref_slice %arg13[%dma_wait3A_317, %dma_wait3A_318] : memref<10000x32xf32, #tpu.memory_space<vmem_shared>> -> memref<10000x32xf32, #tpu.memory_space<vmem_shared>>
      %dma_wait3A_320 = tpu.memref_slice %arg14[%dma_wait3A_309] : memref<8x!tpu.dma_semaphore, #tpu.memory_space<semaphore_mem>> -> memref<1x!tpu.dma_semaphore, #tpu.memory_space<semaphore_mem>>
      %dma_wait3A_321 = tpu.memref_squeeze %dma_wait3A_320 : memref<1x!tpu.dma_semaphore, #tpu.memory_space<semaphore_mem>> -> memref<!tpu.dma_semaphore, #tpu.memory_space<semaphore_mem>>
      tpu.wait_indirect_dma semaphore(%dma_wait3A_321 : memref<!tpu.dma_semaphore, #tpu.memory_space<semaphore_mem>>) src(%dma_wait3A_319 : memref<10000x32xf32, #tpu.memory_space<vmem_shared>>) dst(%dma_wait3A_313 : memref<128x32xf32, #tpu.memory_space<vmem>>)
      %dma_start3A_322 = arith.constant 2 : i32
      %dma_start3A_323 = arith.constant 2 : i32
      %dma_start3A_324 = arith.constant 0 : i32
      %dma_start3A_325 = arith.constant 0 : i32
      %dma_start3A_326 = tpu.memref_slice %arg9[%dma_start3A_322, %dma_start3A_324, %dma_start3A_325] : memref<8x128x32xf32, #tpu.memory_space<vmem>> -> memref<1x128x32xf32, #tpu.memory_space<vmem>>
      %dma_start3A_327 = tpu.memref_squeeze %dma_start3A_326 : memref<1x128x32xf32, #tpu.memory_space<vmem>> -> memref<128x32xf32, #tpu.memory_space<vmem>>
      %dma_start3A_328 = arith.constant 0 : i32
      %dma_start3A_329 = tpu.memref_slice %arg8[%add3A_307, %dma_start3A_328] : memref<160x128xi32, #tpu.memory_space<vmem>> -> memref<1x128xi32, #tpu.memory_space<vmem>>
      %dma_start3A_330 = tpu.memref_squeeze %dma_start3A_329 : memref<1x128xi32, #tpu.memory_space<vmem>> -> memref<128xi32, #tpu.memory_space<vmem>>
      %dma_start3A_331 = arith.constant 0 : i32
      %dma_start3A_332 = arith.constant 0 : i32
      %dma_start3A_333 = tpu.memref_slice %arg12[%dma_start3A_331, %dma_start3A_332] : memref<10240x32xf32, #tpu.memory_space<vmem_shared>> -> memref<10240x32xf32, #tpu.memory_space<vmem_shared>>
      %dma_start3A_334 = tpu.memref_slice %arg15[%dma_start3A_323] : memref<8x!tpu.dma_semaphore, #tpu.memory_space<semaphore_mem>> -> memref<1x!tpu.dma_semaphore, #tpu.memory_space<semaphore_mem>>
      %dma_start3A_335 = tpu.memref_squeeze %dma_start3A_334 : memref<1x!tpu.dma_semaphore, #tpu.memory_space<semaphore_mem>> -> memref<!tpu.dma_semaphore, #tpu.memory_space<semaphore_mem>>
      tpu.enqueue_indirect_dma source(%dma_start3A_327 : memref<128x32xf32, #tpu.memory_space<vmem>>) target(%dma_start3A_333 : memref<10240x32xf32, #tpu.memory_space<vmem_shared>>) offsets(%dma_start3A_330 : memref<128xi32, #tpu.memory_space<vmem>>) semaphore(%dma_start3A_335 : memref<!tpu.dma_semaphore, #tpu.memory_space<semaphore_mem>>) {add = true}
      %add3A_336 = arith.constant 4 : i32
      %add3A_337 = arith.addi %add3A_307, %add3A_336 : i32
      %lt3A_338 = arith.constant 160 : i32
      %lt3A_339 = arith.cmpi slt, %add3A_337, %lt3A_338 : i32
      %convert_element_type3A_340 = arith.extui %lt3A_339 : i1 to i32
      %cond3A_341 = arith.constant 0 : i32
      %cond3A_342 = arith.cmpi ne, %convert_element_type3A_340, %cond3A_341 : i32
      scf.if %cond3A_342 {
        %ge3A = arith.constant 8 : i32
        %ge3A_528 = arith.cmpi sge, %add3A_337, %ge3A : i32
        %convert_element_type3A_529 = arith.extui %ge3A_528 : i1 to i32
        %cond3A_530 = arith.constant 0 : i32
        %cond3A_531 = arith.cmpi ne, %convert_element_type3A_529, %cond3A_530 : i32
        scf.if %cond3A_531 {
          %dma_wait3A_546 = arith.constant 6 : i32
          %dma_wait3A_547 = arith.constant 6 : i32
          %dma_wait3A_548 = arith.constant 0 : i32
          %dma_wait3A_549 = arith.constant 0 : i32
          %dma_wait3A_550 = tpu.memref_slice %arg9[%dma_wait3A_546, %dma_wait3A_548, %dma_wait3A_549] : memref<8x128x32xf32, #tpu.memory_space<vmem>> -> memref<1x128x32xf32, #tpu.memory_space<vmem>>
          %dma_wait3A_551 = tpu.memref_squeeze %dma_wait3A_550 : memref<1x128x32xf32, #tpu.memory_space<vmem>> -> memref<128x32xf32, #tpu.memory_space<vmem>>
          %dma_wait3A_552 = arith.constant 0 : i32
          %dma_wait3A_553 = tpu.memref_slice %arg8[%add3A_307, %dma_wait3A_552] : memref<160x128xi32, #tpu.memory_space<vmem>> -> memref<1x128xi32, #tpu.memory_space<vmem>>
          %dma_wait3A_554 = tpu.memref_squeeze %dma_wait3A_553 : memref<1x128xi32, #tpu.memory_space<vmem>> -> memref<128xi32, #tpu.memory_space<vmem>>
          %dma_wait3A_555 = arith.constant 0 : i32
          %dma_wait3A_556 = arith.constant 0 : i32
          %dma_wait3A_557 = tpu.memref_slice %arg12[%dma_wait3A_555, %dma_wait3A_556] : memref<10240x32xf32, #tpu.memory_space<vmem_shared>> -> memref<10240x32xf32, #tpu.memory_space<vmem_shared>>
          %dma_wait3A_558 = tpu.memref_slice %arg15[%dma_wait3A_547] : memref<8x!tpu.dma_semaphore, #tpu.memory_space<semaphore_mem>> -> memref<1x!tpu.dma_semaphore, #tpu.memory_space<semaphore_mem>>
          %dma_wait3A_559 = tpu.memref_squeeze %dma_wait3A_558 : memref<1x!tpu.dma_semaphore, #tpu.memory_space<semaphore_mem>> -> memref<!tpu.dma_semaphore, #tpu.memory_space<semaphore_mem>>
          tpu.wait_indirect_dma semaphore(%dma_wait3A_559 : memref<!tpu.dma_semaphore, #tpu.memory_space<semaphore_mem>>) src(%dma_wait3A_551 : memref<128x32xf32, #tpu.memory_space<vmem>>) dst(%dma_wait3A_557 : memref<10240x32xf32, #tpu.memory_space<vmem_shared>>)
        } else {
        }
        %dma_start3A_532 = arith.constant 6 : i32
        %dma_start3A_533 = arith.constant 6 : i32
        %dma_start3A_534 = arith.constant 0 : i32
        %dma_start3A_535 = arith.constant 0 : i32
        %dma_start3A_536 = tpu.memref_slice %arg9[%dma_start3A_532, %dma_start3A_534, %dma_start3A_535] : memref<8x128x32xf32, #tpu.memory_space<vmem>> -> memref<1x128x32xf32, #tpu.memory_space<vmem>>
        %dma_start3A_537 = tpu.memref_squeeze %dma_start3A_536 : memref<1x128x32xf32, #tpu.memory_space<vmem>> -> memref<128x32xf32, #tpu.memory_space<vmem>>
        %dma_start3A_538 = arith.constant 0 : i32
        %dma_start3A_539 = tpu.memref_slice %arg7[%add3A_337, %dma_start3A_538] : memref<160x128xi32, #tpu.memory_space<vmem>> -> memref<1x128xi32, #tpu.memory_space<vmem>>
        %dma_start3A_540 = tpu.memref_squeeze %dma_start3A_539 : memref<1x128xi32, #tpu.memory_space<vmem>> -> memref<128xi32, #tpu.memory_space<vmem>>
        %dma_start3A_541 = arith.constant 0 : i32
        %dma_start3A_542 = arith.constant 0 : i32
        %dma_start3A_543 = tpu.memref_slice %arg13[%dma_start3A_541, %dma_start3A_542] : memref<10000x32xf32, #tpu.memory_space<vmem_shared>> -> memref<10000x32xf32, #tpu.memory_space<vmem_shared>>
        %dma_start3A_544 = tpu.memref_slice %arg14[%dma_start3A_533] : memref<8x!tpu.dma_semaphore, #tpu.memory_space<semaphore_mem>> -> memref<1x!tpu.dma_semaphore, #tpu.memory_space<semaphore_mem>>
        %dma_start3A_545 = tpu.memref_squeeze %dma_start3A_544 : memref<1x!tpu.dma_semaphore, #tpu.memory_space<semaphore_mem>> -> memref<!tpu.dma_semaphore, #tpu.memory_space<semaphore_mem>>
        tpu.enqueue_indirect_dma source(%dma_start3A_543 : memref<10000x32xf32, #tpu.memory_space<vmem_shared>>) target(%dma_start3A_537 : memref<128x32xf32, #tpu.memory_space<vmem>>) offsets(%dma_start3A_540 : memref<128xi32, #tpu.memory_space<vmem>>) semaphore(%dma_start3A_545 : memref<!tpu.dma_semaphore, #tpu.memory_space<semaphore_mem>>)
      } else {
      }
      %add3A_343 = arith.constant 3 : i32
      %add3A_344 = arith.addi %add3A_231, %add3A_343 : i32
      %dma_wait3A_345 = arith.constant 3 : i32
      %dma_wait3A_346 = arith.constant 3 : i32
      %dma_wait3A_347 = arith.constant 0 : i32
      %dma_wait3A_348 = arith.constant 0 : i32
      %dma_wait3A_349 = tpu.memref_slice %arg9[%dma_wait3A_345, %dma_wait3A_347, %dma_wait3A_348] : memref<8x128x32xf32, #tpu.memory_space<vmem>> -> memref<1x128x32xf32, #tpu.memory_space<vmem>>
      %dma_wait3A_350 = tpu.memref_squeeze %dma_wait3A_349 : memref<1x128x32xf32, #tpu.memory_space<vmem>> -> memref<128x32xf32, #tpu.memory_space<vmem>>
      %dma_wait3A_351 = arith.constant 0 : i32
      %dma_wait3A_352 = tpu.memref_slice %arg7[%add3A_344, %dma_wait3A_351] : memref<160x128xi32, #tpu.memory_space<vmem>> -> memref<1x128xi32, #tpu.memory_space<vmem>>
      %dma_wait3A_353 = tpu.memref_squeeze %dma_wait3A_352 : memref<1x128xi32, #tpu.memory_space<vmem>> -> memref<128xi32, #tpu.memory_space<vmem>>
      %dma_wait3A_354 = arith.constant 0 : i32
      %dma_wait3A_355 = arith.constant 0 : i32
      %dma_wait3A_356 = tpu.memref_slice %arg13[%dma_wait3A_354, %dma_wait3A_355] : memref<10000x32xf32, #tpu.memory_space<vmem_shared>> -> memref<10000x32xf32, #tpu.memory_space<vmem_shared>>
      %dma_wait3A_357 = tpu.memref_slice %arg14[%dma_wait3A_346] : memref<8x!tpu.dma_semaphore, #tpu.memory_space<semaphore_mem>> -> memref<1x!tpu.dma_semaphore, #tpu.memory_space<semaphore_mem>>
      %dma_wait3A_358 = tpu.memref_squeeze %dma_wait3A_357 : memref<1x!tpu.dma_semaphore, #tpu.memory_space<semaphore_mem>> -> memref<!tpu.dma_semaphore, #tpu.memory_space<semaphore_mem>>
      tpu.wait_indirect_dma semaphore(%dma_wait3A_358 : memref<!tpu.dma_semaphore, #tpu.memory_space<semaphore_mem>>) src(%dma_wait3A_356 : memref<10000x32xf32, #tpu.memory_space<vmem_shared>>) dst(%dma_wait3A_350 : memref<128x32xf32, #tpu.memory_space<vmem>>)
      %dma_start3A_359 = arith.constant 3 : i32
      %dma_start3A_360 = arith.constant 3 : i32
      %dma_start3A_361 = arith.constant 0 : i32
      %dma_start3A_362 = arith.constant 0 : i32
      %dma_start3A_363 = tpu.memref_slice %arg9[%dma_start3A_359, %dma_start3A_361, %dma_start3A_362] : memref<8x128x32xf32, #tpu.memory_space<vmem>> -> memref<1x128x32xf32, #tpu.memory_space<vmem>>
      %dma_start3A_364 = tpu.memref_squeeze %dma_start3A_363 : memref<1x128x32xf32, #tpu.memory_space<vmem>> -> memref<128x32xf32, #tpu.memory_space<vmem>>
      %dma_start3A_365 = arith.constant 0 : i32
      %dma_start3A_366 = tpu.memref_slice %arg8[%add3A_344, %dma_start3A_365] : memref<160x128xi32, #tpu.memory_space<vmem>> -> memref<1x128xi32, #tpu.memory_space<vmem>>
      %dma_start3A_367 = tpu.memref_squeeze %dma_start3A_366 : memref<1x128xi32, #tpu.memory_space<vmem>> -> memref<128xi32, #tpu.memory_space<vmem>>
      %dma_start3A_368 = arith.constant 0 : i32
      %dma_start3A_369 = arith.constant 0 : i32
      %dma_start3A_370 = tpu.memref_slice %arg12[%dma_start3A_368, %dma_start3A_369] : memref<10240x32xf32, #tpu.memory_space<vmem_shared>> -> memref<10240x32xf32, #tpu.memory_space<vmem_shared>>
      %dma_start3A_371 = tpu.memref_slice %arg15[%dma_start3A_360] : memref<8x!tpu.dma_semaphore, #tpu.memory_space<semaphore_mem>> -> memref<1x!tpu.dma_semaphore, #tpu.memory_space<semaphore_mem>>
      %dma_start3A_372 = tpu.memref_squeeze %dma_start3A_371 : memref<1x!tpu.dma_semaphore, #tpu.memory_space<semaphore_mem>> -> memref<!tpu.dma_semaphore, #tpu.memory_space<semaphore_mem>>
      tpu.enqueue_indirect_dma source(%dma_start3A_364 : memref<128x32xf32, #tpu.memory_space<vmem>>) target(%dma_start3A_370 : memref<10240x32xf32, #tpu.memory_space<vmem_shared>>) offsets(%dma_start3A_367 : memref<128xi32, #tpu.memory_space<vmem>>) semaphore(%dma_start3A_372 : memref<!tpu.dma_semaphore, #tpu.memory_space<semaphore_mem>>) {add = true}
      %add3A_373 = arith.constant 4 : i32
      %add3A_374 = arith.addi %add3A_344, %add3A_373 : i32
      %lt3A_375 = arith.constant 160 : i32
      %lt3A_376 = arith.cmpi slt, %add3A_374, %lt3A_375 : i32
      %convert_element_type3A_377 = arith.extui %lt3A_376 : i1 to i32
      %cond3A_378 = arith.constant 0 : i32
      %cond3A_379 = arith.cmpi ne, %convert_element_type3A_377, %cond3A_378 : i32
      scf.if %cond3A_379 {
        %ge3A = arith.constant 8 : i32
        %ge3A_528 = arith.cmpi sge, %add3A_374, %ge3A : i32
        %convert_element_type3A_529 = arith.extui %ge3A_528 : i1 to i32
        %cond3A_530 = arith.constant 0 : i32
        %cond3A_531 = arith.cmpi ne, %convert_element_type3A_529, %cond3A_530 : i32
        scf.if %cond3A_531 {
          %dma_wait3A_546 = arith.constant 7 : i32
          %dma_wait3A_547 = arith.constant 7 : i32
          %dma_wait3A_548 = arith.constant 0 : i32
          %dma_wait3A_549 = arith.constant 0 : i32
          %dma_wait3A_550 = tpu.memref_slice %arg9[%dma_wait3A_546, %dma_wait3A_548, %dma_wait3A_549] : memref<8x128x32xf32, #tpu.memory_space<vmem>> -> memref<1x128x32xf32, #tpu.memory_space<vmem>>
          %dma_wait3A_551 = tpu.memref_squeeze %dma_wait3A_550 : memref<1x128x32xf32, #tpu.memory_space<vmem>> -> memref<128x32xf32, #tpu.memory_space<vmem>>
          %dma_wait3A_552 = arith.constant 0 : i32
          %dma_wait3A_553 = tpu.memref_slice %arg8[%add3A_344, %dma_wait3A_552] : memref<160x128xi32, #tpu.memory_space<vmem>> -> memref<1x128xi32, #tpu.memory_space<vmem>>
          %dma_wait3A_554 = tpu.memref_squeeze %dma_wait3A_553 : memref<1x128xi32, #tpu.memory_space<vmem>> -> memref<128xi32, #tpu.memory_space<vmem>>
          %dma_wait3A_555 = arith.constant 0 : i32
          %dma_wait3A_556 = arith.constant 0 : i32
          %dma_wait3A_557 = tpu.memref_slice %arg12[%dma_wait3A_555, %dma_wait3A_556] : memref<10240x32xf32, #tpu.memory_space<vmem_shared>> -> memref<10240x32xf32, #tpu.memory_space<vmem_shared>>
          %dma_wait3A_558 = tpu.memref_slice %arg15[%dma_wait3A_547] : memref<8x!tpu.dma_semaphore, #tpu.memory_space<semaphore_mem>> -> memref<1x!tpu.dma_semaphore, #tpu.memory_space<semaphore_mem>>
          %dma_wait3A_559 = tpu.memref_squeeze %dma_wait3A_558 : memref<1x!tpu.dma_semaphore, #tpu.memory_space<semaphore_mem>> -> memref<!tpu.dma_semaphore, #tpu.memory_space<semaphore_mem>>
          tpu.wait_indirect_dma semaphore(%dma_wait3A_559 : memref<!tpu.dma_semaphore, #tpu.memory_space<semaphore_mem>>) src(%dma_wait3A_551 : memref<128x32xf32, #tpu.memory_space<vmem>>) dst(%dma_wait3A_557 : memref<10240x32xf32, #tpu.memory_space<vmem_shared>>)
        } else {
        }
        %dma_start3A_532 = arith.constant 7 : i32
        %dma_start3A_533 = arith.constant 7 : i32
        %dma_start3A_534 = arith.constant 0 : i32
        %dma_start3A_535 = arith.constant 0 : i32
        %dma_start3A_536 = tpu.memref_slice %arg9[%dma_start3A_532, %dma_start3A_534, %dma_start3A_535] : memref<8x128x32xf32, #tpu.memory_space<vmem>> -> memref<1x128x32xf32, #tpu.memory_space<vmem>>
        %dma_start3A_537 = tpu.memref_squeeze %dma_start3A_536 : memref<1x128x32xf32, #tpu.memory_space<vmem>> -> memref<128x32xf32, #tpu.memory_space<vmem>>
        %dma_start3A_538 = arith.constant 0 : i32
        %dma_start3A_539 = tpu.memref_slice %arg7[%add3A_374, %dma_start3A_538] : memref<160x128xi32, #tpu.memory_space<vmem>> -> memref<1x128xi32, #tpu.memory_space<vmem>>
        %dma_start3A_540 = tpu.memref_squeeze %dma_start3A_539 : memref<1x128xi32, #tpu.memory_space<vmem>> -> memref<128xi32, #tpu.memory_space<vmem>>
        %dma_start3A_541 = arith.constant 0 : i32
        %dma_start3A_542 = arith.constant 0 : i32
        %dma_start3A_543 = tpu.memref_slice %arg13[%dma_start3A_541, %dma_start3A_542] : memref<10000x32xf32, #tpu.memory_space<vmem_shared>> -> memref<10000x32xf32, #tpu.memory_space<vmem_shared>>
        %dma_start3A_544 = tpu.memref_slice %arg14[%dma_start3A_533] : memref<8x!tpu.dma_semaphore, #tpu.memory_space<semaphore_mem>> -> memref<1x!tpu.dma_semaphore, #tpu.memory_space<semaphore_mem>>
        %dma_start3A_545 = tpu.memref_squeeze %dma_start3A_544 : memref<1x!tpu.dma_semaphore, #tpu.memory_space<semaphore_mem>> -> memref<!tpu.dma_semaphore, #tpu.memory_space<semaphore_mem>>
        tpu.enqueue_indirect_dma source(%dma_start3A_543 : memref<10000x32xf32, #tpu.memory_space<vmem_shared>>) target(%dma_start3A_537 : memref<128x32xf32, #tpu.memory_space<vmem>>) offsets(%dma_start3A_540 : memref<128xi32, #tpu.memory_space<vmem>>) semaphore(%dma_start3A_545 : memref<!tpu.dma_semaphore, #tpu.memory_space<semaphore_mem>>)
      } else {
      }
      %add3A_380 = arith.constant 4 : i32
      %add3A_381 = arith.addi %add3A_231, %add3A_380 : i32
      %dma_wait3A_382 = arith.constant 4 : i32
      %dma_wait3A_383 = arith.constant 4 : i32
      %dma_wait3A_384 = arith.constant 0 : i32
      %dma_wait3A_385 = arith.constant 0 : i32
      %dma_wait3A_386 = tpu.memref_slice %arg9[%dma_wait3A_382, %dma_wait3A_384, %dma_wait3A_385] : memref<8x128x32xf32, #tpu.memory_space<vmem>> -> memref<1x128x32xf32, #tpu.memory_space<vmem>>
      %dma_wait3A_387 = tpu.memref_squeeze %dma_wait3A_386 : memref<1x128x32xf32, #tpu.memory_space<vmem>> -> memref<128x32xf32, #tpu.memory_space<vmem>>
      %dma_wait3A_388 = arith.constant 0 : i32
      %dma_wait3A_389 = tpu.memref_slice %arg7[%add3A_381, %dma_wait3A_388] : memref<160x128xi32, #tpu.memory_space<vmem>> -> memref<1x128xi32, #tpu.memory_space<vmem>>
      %dma_wait3A_390 = tpu.memref_squeeze %dma_wait3A_389 : memref<1x128xi32, #tpu.memory_space<vmem>> -> memref<128xi32, #tpu.memory_space<vmem>>
      %dma_wait3A_391 = arith.constant 0 : i32
      %dma_wait3A_392 = arith.constant 0 : i32
      %dma_wait3A_393 = tpu.memref_slice %arg13[%dma_wait3A_391, %dma_wait3A_392] : memref<10000x32xf32, #tpu.memory_space<vmem_shared>> -> memref<10000x32xf32, #tpu.memory_space<vmem_shared>>
      %dma_wait3A_394 = tpu.memref_slice %arg14[%dma_wait3A_383] : memref<8x!tpu.dma_semaphore, #tpu.memory_space<semaphore_mem>> -> memref<1x!tpu.dma_semaphore, #tpu.memory_space<semaphore_mem>>
      %dma_wait3A_395 = tpu.memref_squeeze %dma_wait3A_394 : memref<1x!tpu.dma_semaphore, #tpu.memory_space<semaphore_mem>> -> memref<!tpu.dma_semaphore, #tpu.memory_space<semaphore_mem>>
      tpu.wait_indirect_dma semaphore(%dma_wait3A_395 : memref<!tpu.dma_semaphore, #tpu.memory_space<semaphore_mem>>) src(%dma_wait3A_393 : memref<10000x32xf32, #tpu.memory_space<vmem_shared>>) dst(%dma_wait3A_387 : memref<128x32xf32, #tpu.memory_space<vmem>>)
      %dma_start3A_396 = arith.constant 4 : i32
      %dma_start3A_397 = arith.constant 4 : i32
      %dma_start3A_398 = arith.constant 0 : i32
      %dma_start3A_399 = arith.constant 0 : i32
      %dma_start3A_400 = tpu.memref_slice %arg9[%dma_start3A_396, %dma_start3A_398, %dma_start3A_399] : memref<8x128x32xf32, #tpu.memory_space<vmem>> -> memref<1x128x32xf32, #tpu.memory_space<vmem>>
      %dma_start3A_401 = tpu.memref_squeeze %dma_start3A_400 : memref<1x128x32xf32, #tpu.memory_space<vmem>> -> memref<128x32xf32, #tpu.memory_space<vmem>>
      %dma_start3A_402 = arith.constant 0 : i32
      %dma_start3A_403 = tpu.memref_slice %arg8[%add3A_381, %dma_start3A_402] : memref<160x128xi32, #tpu.memory_space<vmem>> -> memref<1x128xi32, #tpu.memory_space<vmem>>
      %dma_start3A_404 = tpu.memref_squeeze %dma_start3A_403 : memref<1x128xi32, #tpu.memory_space<vmem>> -> memref<128xi32, #tpu.memory_space<vmem>>
      %dma_start3A_405 = arith.constant 0 : i32
      %dma_start3A_406 = arith.constant 0 : i32
      %dma_start3A_407 = tpu.memref_slice %arg12[%dma_start3A_405, %dma_start3A_406] : memref<10240x32xf32, #tpu.memory_space<vmem_shared>> -> memref<10240x32xf32, #tpu.memory_space<vmem_shared>>
      %dma_start3A_408 = tpu.memref_slice %arg15[%dma_start3A_397] : memref<8x!tpu.dma_semaphore, #tpu.memory_space<semaphore_mem>> -> memref<1x!tpu.dma_semaphore, #tpu.memory_space<semaphore_mem>>
      %dma_start3A_409 = tpu.memref_squeeze %dma_start3A_408 : memref<1x!tpu.dma_semaphore, #tpu.memory_space<semaphore_mem>> -> memref<!tpu.dma_semaphore, #tpu.memory_space<semaphore_mem>>
      tpu.enqueue_indirect_dma source(%dma_start3A_401 : memref<128x32xf32, #tpu.memory_space<vmem>>) target(%dma_start3A_407 : memref<10240x32xf32, #tpu.memory_space<vmem_shared>>) offsets(%dma_start3A_404 : memref<128xi32, #tpu.memory_space<vmem>>) semaphore(%dma_start3A_409 : memref<!tpu.dma_semaphore, #tpu.memory_space<semaphore_mem>>) {add = true}
      %add3A_410 = arith.constant 4 : i32
      %add3A_411 = arith.addi %add3A_381, %add3A_410 : i32
      %lt3A_412 = arith.constant 160 : i32
      %lt3A_413 = arith.cmpi slt, %add3A_411, %lt3A_412 : i32
      %convert_element_type3A_414 = arith.extui %lt3A_413 : i1 to i32
      %cond3A_415 = arith.constant 0 : i32
      %cond3A_416 = arith.cmpi ne, %convert_element_type3A_414, %cond3A_415 : i32
      scf.if %cond3A_416 {
        %ge3A = arith.constant 8 : i32
        %ge3A_528 = arith.cmpi sge, %add3A_411, %ge3A : i32
        %convert_element_type3A_529 = arith.extui %ge3A_528 : i1 to i32
        %cond3A_530 = arith.constant 0 : i32
        %cond3A_531 = arith.cmpi ne, %convert_element_type3A_529, %cond3A_530 : i32
        scf.if %cond3A_531 {
          %dma_wait3A_546 = arith.constant 0 : i32
          %dma_wait3A_547 = arith.constant 0 : i32
          %dma_wait3A_548 = arith.constant 0 : i32
          %dma_wait3A_549 = arith.constant 0 : i32
          %dma_wait3A_550 = tpu.memref_slice %arg9[%dma_wait3A_546, %dma_wait3A_548, %dma_wait3A_549] : memref<8x128x32xf32, #tpu.memory_space<vmem>> -> memref<1x128x32xf32, #tpu.memory_space<vmem>>
          %dma_wait3A_551 = tpu.memref_squeeze %dma_wait3A_550 : memref<1x128x32xf32, #tpu.memory_space<vmem>> -> memref<128x32xf32, #tpu.memory_space<vmem>>
          %dma_wait3A_552 = arith.constant 0 : i32
          %dma_wait3A_553 = tpu.memref_slice %arg8[%add3A_381, %dma_wait3A_552] : memref<160x128xi32, #tpu.memory_space<vmem>> -> memref<1x128xi32, #tpu.memory_space<vmem>>
          %dma_wait3A_554 = tpu.memref_squeeze %dma_wait3A_553 : memref<1x128xi32, #tpu.memory_space<vmem>> -> memref<128xi32, #tpu.memory_space<vmem>>
          %dma_wait3A_555 = arith.constant 0 : i32
          %dma_wait3A_556 = arith.constant 0 : i32
          %dma_wait3A_557 = tpu.memref_slice %arg12[%dma_wait3A_555, %dma_wait3A_556] : memref<10240x32xf32, #tpu.memory_space<vmem_shared>> -> memref<10240x32xf32, #tpu.memory_space<vmem_shared>>
          %dma_wait3A_558 = tpu.memref_slice %arg15[%dma_wait3A_547] : memref<8x!tpu.dma_semaphore, #tpu.memory_space<semaphore_mem>> -> memref<1x!tpu.dma_semaphore, #tpu.memory_space<semaphore_mem>>
          %dma_wait3A_559 = tpu.memref_squeeze %dma_wait3A_558 : memref<1x!tpu.dma_semaphore, #tpu.memory_space<semaphore_mem>> -> memref<!tpu.dma_semaphore, #tpu.memory_space<semaphore_mem>>
          tpu.wait_indirect_dma semaphore(%dma_wait3A_559 : memref<!tpu.dma_semaphore, #tpu.memory_space<semaphore_mem>>) src(%dma_wait3A_551 : memref<128x32xf32, #tpu.memory_space<vmem>>) dst(%dma_wait3A_557 : memref<10240x32xf32, #tpu.memory_space<vmem_shared>>)
        } else {
        }
        %dma_start3A_532 = arith.constant 0 : i32
        %dma_start3A_533 = arith.constant 0 : i32
        %dma_start3A_534 = arith.constant 0 : i32
        %dma_start3A_535 = arith.constant 0 : i32
        %dma_start3A_536 = tpu.memref_slice %arg9[%dma_start3A_532, %dma_start3A_534, %dma_start3A_535] : memref<8x128x32xf32, #tpu.memory_space<vmem>> -> memref<1x128x32xf32, #tpu.memory_space<vmem>>
        %dma_start3A_537 = tpu.memref_squeeze %dma_start3A_536 : memref<1x128x32xf32, #tpu.memory_space<vmem>> -> memref<128x32xf32, #tpu.memory_space<vmem>>
        %dma_start3A_538 = arith.constant 0 : i32
        %dma_start3A_539 = tpu.memref_slice %arg7[%add3A_411, %dma_start3A_538] : memref<160x128xi32, #tpu.memory_space<vmem>> -> memref<1x128xi32, #tpu.memory_space<vmem>>
        %dma_start3A_540 = tpu.memref_squeeze %dma_start3A_539 : memref<1x128xi32, #tpu.memory_space<vmem>> -> memref<128xi32, #tpu.memory_space<vmem>>
        %dma_start3A_541 = arith.constant 0 : i32
        %dma_start3A_542 = arith.constant 0 : i32
        %dma_start3A_543 = tpu.memref_slice %arg13[%dma_start3A_541, %dma_start3A_542] : memref<10000x32xf32, #tpu.memory_space<vmem_shared>> -> memref<10000x32xf32, #tpu.memory_space<vmem_shared>>
        %dma_start3A_544 = tpu.memref_slice %arg14[%dma_start3A_533] : memref<8x!tpu.dma_semaphore, #tpu.memory_space<semaphore_mem>> -> memref<1x!tpu.dma_semaphore, #tpu.memory_space<semaphore_mem>>
        %dma_start3A_545 = tpu.memref_squeeze %dma_start3A_544 : memref<1x!tpu.dma_semaphore, #tpu.memory_space<semaphore_mem>> -> memref<!tpu.dma_semaphore, #tpu.memory_space<semaphore_mem>>
        tpu.enqueue_indirect_dma source(%dma_start3A_543 : memref<10000x32xf32, #tpu.memory_space<vmem_shared>>) target(%dma_start3A_537 : memref<128x32xf32, #tpu.memory_space<vmem>>) offsets(%dma_start3A_540 : memref<128xi32, #tpu.memory_space<vmem>>) semaphore(%dma_start3A_545 : memref<!tpu.dma_semaphore, #tpu.memory_space<semaphore_mem>>)
      } else {
      }
      %add3A_417 = arith.constant 5 : i32
      %add3A_418 = arith.addi %add3A_231, %add3A_417 : i32
      %dma_wait3A_419 = arith.constant 5 : i32
      %dma_wait3A_420 = arith.constant 5 : i32
      %dma_wait3A_421 = arith.constant 0 : i32
      %dma_wait3A_422 = arith.constant 0 : i32
      %dma_wait3A_423 = tpu.memref_slice %arg9[%dma_wait3A_419, %dma_wait3A_421, %dma_wait3A_422] : memref<8x128x32xf32, #tpu.memory_space<vmem>> -> memref<1x128x32xf32, #tpu.memory_space<vmem>>
      %dma_wait3A_424 = tpu.memref_squeeze %dma_wait3A_423 : memref<1x128x32xf32, #tpu.memory_space<vmem>> -> memref<128x32xf32, #tpu.memory_space<vmem>>
      %dma_wait3A_425 = arith.constant 0 : i32
      %dma_wait3A_426 = tpu.memref_slice %arg7[%add3A_418, %dma_wait3A_425] : memref<160x128xi32, #tpu.memory_space<vmem>> -> memref<1x128xi32, #tpu.memory_space<vmem>>
      %dma_wait3A_427 = tpu.memref_squeeze %dma_wait3A_426 : memref<1x128xi32, #tpu.memory_space<vmem>> -> memref<128xi32, #tpu.memory_space<vmem>>
      %dma_wait3A_428 = arith.constant 0 : i32
      %dma_wait3A_429 = arith.constant 0 : i32
      %dma_wait3A_430 = tpu.memref_slice %arg13[%dma_wait3A_428, %dma_wait3A_429] : memref<10000x32xf32, #tpu.memory_space<vmem_shared>> -> memref<10000x32xf32, #tpu.memory_space<vmem_shared>>
      %dma_wait3A_431 = tpu.memref_slice %arg14[%dma_wait3A_420] : memref<8x!tpu.dma_semaphore, #tpu.memory_space<semaphore_mem>> -> memref<1x!tpu.dma_semaphore, #tpu.memory_space<semaphore_mem>>
      %dma_wait3A_432 = tpu.memref_squeeze %dma_wait3A_431 : memref<1x!tpu.dma_semaphore, #tpu.memory_space<semaphore_mem>> -> memref<!tpu.dma_semaphore, #tpu.memory_space<semaphore_mem>>
      tpu.wait_indirect_dma semaphore(%dma_wait3A_432 : memref<!tpu.dma_semaphore, #tpu.memory_space<semaphore_mem>>) src(%dma_wait3A_430 : memref<10000x32xf32, #tpu.memory_space<vmem_shared>>) dst(%dma_wait3A_424 : memref<128x32xf32, #tpu.memory_space<vmem>>)
      %dma_start3A_433 = arith.constant 5 : i32
      %dma_start3A_434 = arith.constant 5 : i32
      %dma_start3A_435 = arith.constant 0 : i32
      %dma_start3A_436 = arith.constant 0 : i32
      %dma_start3A_437 = tpu.memref_slice %arg9[%dma_start3A_433, %dma_start3A_435, %dma_start3A_436] : memref<8x128x32xf32, #tpu.memory_space<vmem>> -> memref<1x128x32xf32, #tpu.memory_space<vmem>>
      %dma_start3A_438 = tpu.memref_squeeze %dma_start3A_437 : memref<1x128x32xf32, #tpu.memory_space<vmem>> -> memref<128x32xf32, #tpu.memory_space<vmem>>
      %dma_start3A_439 = arith.constant 0 : i32
      %dma_start3A_440 = tpu.memref_slice %arg8[%add3A_418, %dma_start3A_439] : memref<160x128xi32, #tpu.memory_space<vmem>> -> memref<1x128xi32, #tpu.memory_space<vmem>>
      %dma_start3A_441 = tpu.memref_squeeze %dma_start3A_440 : memref<1x128xi32, #tpu.memory_space<vmem>> -> memref<128xi32, #tpu.memory_space<vmem>>
      %dma_start3A_442 = arith.constant 0 : i32
      %dma_start3A_443 = arith.constant 0 : i32
      %dma_start3A_444 = tpu.memref_slice %arg12[%dma_start3A_442, %dma_start3A_443] : memref<10240x32xf32, #tpu.memory_space<vmem_shared>> -> memref<10240x32xf32, #tpu.memory_space<vmem_shared>>
      %dma_start3A_445 = tpu.memref_slice %arg15[%dma_start3A_434] : memref<8x!tpu.dma_semaphore, #tpu.memory_space<semaphore_mem>> -> memref<1x!tpu.dma_semaphore, #tpu.memory_space<semaphore_mem>>
      %dma_start3A_446 = tpu.memref_squeeze %dma_start3A_445 : memref<1x!tpu.dma_semaphore, #tpu.memory_space<semaphore_mem>> -> memref<!tpu.dma_semaphore, #tpu.memory_space<semaphore_mem>>
      tpu.enqueue_indirect_dma source(%dma_start3A_438 : memref<128x32xf32, #tpu.memory_space<vmem>>) target(%dma_start3A_444 : memref<10240x32xf32, #tpu.memory_space<vmem_shared>>) offsets(%dma_start3A_441 : memref<128xi32, #tpu.memory_space<vmem>>) semaphore(%dma_start3A_446 : memref<!tpu.dma_semaphore, #tpu.memory_space<semaphore_mem>>) {add = true}
      %add3A_447 = arith.constant 4 : i32
      %add3A_448 = arith.addi %add3A_418, %add3A_447 : i32
      %lt3A_449 = arith.constant 160 : i32
      %lt3A_450 = arith.cmpi slt, %add3A_448, %lt3A_449 : i32
      %convert_element_type3A_451 = arith.extui %lt3A_450 : i1 to i32
      %cond3A_452 = arith.constant 0 : i32
      %cond3A_453 = arith.cmpi ne, %convert_element_type3A_451, %cond3A_452 : i32
      scf.if %cond3A_453 {
        %ge3A = arith.constant 8 : i32
        %ge3A_528 = arith.cmpi sge, %add3A_448, %ge3A : i32
        %convert_element_type3A_529 = arith.extui %ge3A_528 : i1 to i32
        %cond3A_530 = arith.constant 0 : i32
        %cond3A_531 = arith.cmpi ne, %convert_element_type3A_529, %cond3A_530 : i32
        scf.if %cond3A_531 {
          %dma_wait3A_546 = arith.constant 1 : i32
          %dma_wait3A_547 = arith.constant 1 : i32
          %dma_wait3A_548 = arith.constant 0 : i32
          %dma_wait3A_549 = arith.constant 0 : i32
          %dma_wait3A_550 = tpu.memref_slice %arg9[%dma_wait3A_546, %dma_wait3A_548, %dma_wait3A_549] : memref<8x128x32xf32, #tpu.memory_space<vmem>> -> memref<1x128x32xf32, #tpu.memory_space<vmem>>
          %dma_wait3A_551 = tpu.memref_squeeze %dma_wait3A_550 : memref<1x128x32xf32, #tpu.memory_space<vmem>> -> memref<128x32xf32, #tpu.memory_space<vmem>>
          %dma_wait3A_552 = arith.constant 0 : i32
          %dma_wait3A_553 = tpu.memref_slice %arg8[%add3A_418, %dma_wait3A_552] : memref<160x128xi32, #tpu.memory_space<vmem>> -> memref<1x128xi32, #tpu.memory_space<vmem>>
          %dma_wait3A_554 = tpu.memref_squeeze %dma_wait3A_553 : memref<1x128xi32, #tpu.memory_space<vmem>> -> memref<128xi32, #tpu.memory_space<vmem>>
          %dma_wait3A_555 = arith.constant 0 : i32
          %dma_wait3A_556 = arith.constant 0 : i32
          %dma_wait3A_557 = tpu.memref_slice %arg12[%dma_wait3A_555, %dma_wait3A_556] : memref<10240x32xf32, #tpu.memory_space<vmem_shared>> -> memref<10240x32xf32, #tpu.memory_space<vmem_shared>>
          %dma_wait3A_558 = tpu.memref_slice %arg15[%dma_wait3A_547] : memref<8x!tpu.dma_semaphore, #tpu.memory_space<semaphore_mem>> -> memref<1x!tpu.dma_semaphore, #tpu.memory_space<semaphore_mem>>
          %dma_wait3A_559 = tpu.memref_squeeze %dma_wait3A_558 : memref<1x!tpu.dma_semaphore, #tpu.memory_space<semaphore_mem>> -> memref<!tpu.dma_semaphore, #tpu.memory_space<semaphore_mem>>
          tpu.wait_indirect_dma semaphore(%dma_wait3A_559 : memref<!tpu.dma_semaphore, #tpu.memory_space<semaphore_mem>>) src(%dma_wait3A_551 : memref<128x32xf32, #tpu.memory_space<vmem>>) dst(%dma_wait3A_557 : memref<10240x32xf32, #tpu.memory_space<vmem_shared>>)
        } else {
        }
        %dma_start3A_532 = arith.constant 1 : i32
        %dma_start3A_533 = arith.constant 1 : i32
        %dma_start3A_534 = arith.constant 0 : i32
        %dma_start3A_535 = arith.constant 0 : i32
        %dma_start3A_536 = tpu.memref_slice %arg9[%dma_start3A_532, %dma_start3A_534, %dma_start3A_535] : memref<8x128x32xf32, #tpu.memory_space<vmem>> -> memref<1x128x32xf32, #tpu.memory_space<vmem>>
        %dma_start3A_537 = tpu.memref_squeeze %dma_start3A_536 : memref<1x128x32xf32, #tpu.memory_space<vmem>> -> memref<128x32xf32, #tpu.memory_space<vmem>>
        %dma_start3A_538 = arith.constant 0 : i32
        %dma_start3A_539 = tpu.memref_slice %arg7[%add3A_448, %dma_start3A_538] : memref<160x128xi32, #tpu.memory_space<vmem>> -> memref<1x128xi32, #tpu.memory_space<vmem>>
        %dma_start3A_540 = tpu.memref_squeeze %dma_start3A_539 : memref<1x128xi32, #tpu.memory_space<vmem>> -> memref<128xi32, #tpu.memory_space<vmem>>
        %dma_start3A_541 = arith.constant 0 : i32
        %dma_start3A_542 = arith.constant 0 : i32
        %dma_start3A_543 = tpu.memref_slice %arg13[%dma_start3A_541, %dma_start3A_542] : memref<10000x32xf32, #tpu.memory_space<vmem_shared>> -> memref<10000x32xf32, #tpu.memory_space<vmem_shared>>
        %dma_start3A_544 = tpu.memref_slice %arg14[%dma_start3A_533] : memref<8x!tpu.dma_semaphore, #tpu.memory_space<semaphore_mem>> -> memref<1x!tpu.dma_semaphore, #tpu.memory_space<semaphore_mem>>
        %dma_start3A_545 = tpu.memref_squeeze %dma_start3A_544 : memref<1x!tpu.dma_semaphore, #tpu.memory_space<semaphore_mem>> -> memref<!tpu.dma_semaphore, #tpu.memory_space<semaphore_mem>>
        tpu.enqueue_indirect_dma source(%dma_start3A_543 : memref<10000x32xf32, #tpu.memory_space<vmem_shared>>) target(%dma_start3A_537 : memref<128x32xf32, #tpu.memory_space<vmem>>) offsets(%dma_start3A_540 : memref<128xi32, #tpu.memory_space<vmem>>) semaphore(%dma_start3A_545 : memref<!tpu.dma_semaphore, #tpu.memory_space<semaphore_mem>>)
      } else {
      }
      %add3A_454 = arith.constant 6 : i32
      %add3A_455 = arith.addi %add3A_231, %add3A_454 : i32
      %dma_wait3A_456 = arith.constant 6 : i32
      %dma_wait3A_457 = arith.constant 6 : i32
      %dma_wait3A_458 = arith.constant 0 : i32
      %dma_wait3A_459 = arith.constant 0 : i32
      %dma_wait3A_460 = tpu.memref_slice %arg9[%dma_wait3A_456, %dma_wait3A_458, %dma_wait3A_459] : memref<8x128x32xf32, #tpu.memory_space<vmem>> -> memref<1x128x32xf32, #tpu.memory_space<vmem>>
      %dma_wait3A_461 = tpu.memref_squeeze %dma_wait3A_460 : memref<1x128x32xf32, #tpu.memory_space<vmem>> -> memref<128x32xf32, #tpu.memory_space<vmem>>
      %dma_wait3A_462 = arith.constant 0 : i32
      %dma_wait3A_463 = tpu.memref_slice %arg7[%add3A_455, %dma_wait3A_462] : memref<160x128xi32, #tpu.memory_space<vmem>> -> memref<1x128xi32, #tpu.memory_space<vmem>>
      %dma_wait3A_464 = tpu.memref_squeeze %dma_wait3A_463 : memref<1x128xi32, #tpu.memory_space<vmem>> -> memref<128xi32, #tpu.memory_space<vmem>>
      %dma_wait3A_465 = arith.constant 0 : i32
      %dma_wait3A_466 = arith.constant 0 : i32
      %dma_wait3A_467 = tpu.memref_slice %arg13[%dma_wait3A_465, %dma_wait3A_466] : memref<10000x32xf32, #tpu.memory_space<vmem_shared>> -> memref<10000x32xf32, #tpu.memory_space<vmem_shared>>
      %dma_wait3A_468 = tpu.memref_slice %arg14[%dma_wait3A_457] : memref<8x!tpu.dma_semaphore, #tpu.memory_space<semaphore_mem>> -> memref<1x!tpu.dma_semaphore, #tpu.memory_space<semaphore_mem>>
      %dma_wait3A_469 = tpu.memref_squeeze %dma_wait3A_468 : memref<1x!tpu.dma_semaphore, #tpu.memory_space<semaphore_mem>> -> memref<!tpu.dma_semaphore, #tpu.memory_space<semaphore_mem>>
      tpu.wait_indirect_dma semaphore(%dma_wait3A_469 : memref<!tpu.dma_semaphore, #tpu.memory_space<semaphore_mem>>) src(%dma_wait3A_467 : memref<10000x32xf32, #tpu.memory_space<vmem_shared>>) dst(%dma_wait3A_461 : memref<128x32xf32, #tpu.memory_space<vmem>>)
      %dma_start3A_470 = arith.constant 6 : i32
      %dma_start3A_471 = arith.constant 6 : i32
      %dma_start3A_472 = arith.constant 0 : i32
      %dma_start3A_473 = arith.constant 0 : i32
      %dma_start3A_474 = tpu.memref_slice %arg9[%dma_start3A_470, %dma_start3A_472, %dma_start3A_473] : memref<8x128x32xf32, #tpu.memory_space<vmem>> -> memref<1x128x32xf32, #tpu.memory_space<vmem>>
      %dma_start3A_475 = tpu.memref_squeeze %dma_start3A_474 : memref<1x128x32xf32, #tpu.memory_space<vmem>> -> memref<128x32xf32, #tpu.memory_space<vmem>>
      %dma_start3A_476 = arith.constant 0 : i32
      %dma_start3A_477 = tpu.memref_slice %arg8[%add3A_455, %dma_start3A_476] : memref<160x128xi32, #tpu.memory_space<vmem>> -> memref<1x128xi32, #tpu.memory_space<vmem>>
      %dma_start3A_478 = tpu.memref_squeeze %dma_start3A_477 : memref<1x128xi32, #tpu.memory_space<vmem>> -> memref<128xi32, #tpu.memory_space<vmem>>
      %dma_start3A_479 = arith.constant 0 : i32
      %dma_start3A_480 = arith.constant 0 : i32
      %dma_start3A_481 = tpu.memref_slice %arg12[%dma_start3A_479, %dma_start3A_480] : memref<10240x32xf32, #tpu.memory_space<vmem_shared>> -> memref<10240x32xf32, #tpu.memory_space<vmem_shared>>
      %dma_start3A_482 = tpu.memref_slice %arg15[%dma_start3A_471] : memref<8x!tpu.dma_semaphore, #tpu.memory_space<semaphore_mem>> -> memref<1x!tpu.dma_semaphore, #tpu.memory_space<semaphore_mem>>
      %dma_start3A_483 = tpu.memref_squeeze %dma_start3A_482 : memref<1x!tpu.dma_semaphore, #tpu.memory_space<semaphore_mem>> -> memref<!tpu.dma_semaphore, #tpu.memory_space<semaphore_mem>>
      tpu.enqueue_indirect_dma source(%dma_start3A_475 : memref<128x32xf32, #tpu.memory_space<vmem>>) target(%dma_start3A_481 : memref<10240x32xf32, #tpu.memory_space<vmem_shared>>) offsets(%dma_start3A_478 : memref<128xi32, #tpu.memory_space<vmem>>) semaphore(%dma_start3A_483 : memref<!tpu.dma_semaphore, #tpu.memory_space<semaphore_mem>>) {add = true}
      %add3A_484 = arith.constant 4 : i32
      %add3A_485 = arith.addi %add3A_455, %add3A_484 : i32
      %lt3A_486 = arith.constant 160 : i32
      %lt3A_487 = arith.cmpi slt, %add3A_485, %lt3A_486 : i32
      %convert_element_type3A_488 = arith.extui %lt3A_487 : i1 to i32
      %cond3A_489 = arith.constant 0 : i32
      %cond3A_490 = arith.cmpi ne, %convert_element_type3A_488, %cond3A_489 : i32
      scf.if %cond3A_490 {
        %ge3A = arith.constant 8 : i32
        %ge3A_528 = arith.cmpi sge, %add3A_485, %ge3A : i32
        %convert_element_type3A_529 = arith.extui %ge3A_528 : i1 to i32
        %cond3A_530 = arith.constant 0 : i32
        %cond3A_531 = arith.cmpi ne, %convert_element_type3A_529, %cond3A_530 : i32
        scf.if %cond3A_531 {
          %dma_wait3A_546 = arith.constant 2 : i32
          %dma_wait3A_547 = arith.constant 2 : i32
          %dma_wait3A_548 = arith.constant 0 : i32
          %dma_wait3A_549 = arith.constant 0 : i32
          %dma_wait3A_550 = tpu.memref_slice %arg9[%dma_wait3A_546, %dma_wait3A_548, %dma_wait3A_549] : memref<8x128x32xf32, #tpu.memory_space<vmem>> -> memref<1x128x32xf32, #tpu.memory_space<vmem>>
          %dma_wait3A_551 = tpu.memref_squeeze %dma_wait3A_550 : memref<1x128x32xf32, #tpu.memory_space<vmem>> -> memref<128x32xf32, #tpu.memory_space<vmem>>
          %dma_wait3A_552 = arith.constant 0 : i32
          %dma_wait3A_553 = tpu.memref_slice %arg8[%add3A_455, %dma_wait3A_552] : memref<160x128xi32, #tpu.memory_space<vmem>> -> memref<1x128xi32, #tpu.memory_space<vmem>>
          %dma_wait3A_554 = tpu.memref_squeeze %dma_wait3A_553 : memref<1x128xi32, #tpu.memory_space<vmem>> -> memref<128xi32, #tpu.memory_space<vmem>>
          %dma_wait3A_555 = arith.constant 0 : i32
          %dma_wait3A_556 = arith.constant 0 : i32
          %dma_wait3A_557 = tpu.memref_slice %arg12[%dma_wait3A_555, %dma_wait3A_556] : memref<10240x32xf32, #tpu.memory_space<vmem_shared>> -> memref<10240x32xf32, #tpu.memory_space<vmem_shared>>
          %dma_wait3A_558 = tpu.memref_slice %arg15[%dma_wait3A_547] : memref<8x!tpu.dma_semaphore, #tpu.memory_space<semaphore_mem>> -> memref<1x!tpu.dma_semaphore, #tpu.memory_space<semaphore_mem>>
          %dma_wait3A_559 = tpu.memref_squeeze %dma_wait3A_558 : memref<1x!tpu.dma_semaphore, #tpu.memory_space<semaphore_mem>> -> memref<!tpu.dma_semaphore, #tpu.memory_space<semaphore_mem>>
          tpu.wait_indirect_dma semaphore(%dma_wait3A_559 : memref<!tpu.dma_semaphore, #tpu.memory_space<semaphore_mem>>) src(%dma_wait3A_551 : memref<128x32xf32, #tpu.memory_space<vmem>>) dst(%dma_wait3A_557 : memref<10240x32xf32, #tpu.memory_space<vmem_shared>>)
        } else {
        }
        %dma_start3A_532 = arith.constant 2 : i32
        %dma_start3A_533 = arith.constant 2 : i32
        %dma_start3A_534 = arith.constant 0 : i32
        %dma_start3A_535 = arith.constant 0 : i32
        %dma_start3A_536 = tpu.memref_slice %arg9[%dma_start3A_532, %dma_start3A_534, %dma_start3A_535] : memref<8x128x32xf32, #tpu.memory_space<vmem>> -> memref<1x128x32xf32, #tpu.memory_space<vmem>>
        %dma_start3A_537 = tpu.memref_squeeze %dma_start3A_536 : memref<1x128x32xf32, #tpu.memory_space<vmem>> -> memref<128x32xf32, #tpu.memory_space<vmem>>
        %dma_start3A_538 = arith.constant 0 : i32
        %dma_start3A_539 = tpu.memref_slice %arg7[%add3A_485, %dma_start3A_538] : memref<160x128xi32, #tpu.memory_space<vmem>> -> memref<1x128xi32, #tpu.memory_space<vmem>>
        %dma_start3A_540 = tpu.memref_squeeze %dma_start3A_539 : memref<1x128xi32, #tpu.memory_space<vmem>> -> memref<128xi32, #tpu.memory_space<vmem>>
        %dma_start3A_541 = arith.constant 0 : i32
        %dma_start3A_542 = arith.constant 0 : i32
        %dma_start3A_543 = tpu.memref_slice %arg13[%dma_start3A_541, %dma_start3A_542] : memref<10000x32xf32, #tpu.memory_space<vmem_shared>> -> memref<10000x32xf32, #tpu.memory_space<vmem_shared>>
        %dma_start3A_544 = tpu.memref_slice %arg14[%dma_start3A_533] : memref<8x!tpu.dma_semaphore, #tpu.memory_space<semaphore_mem>> -> memref<1x!tpu.dma_semaphore, #tpu.memory_space<semaphore_mem>>
        %dma_start3A_545 = tpu.memref_squeeze %dma_start3A_544 : memref<1x!tpu.dma_semaphore, #tpu.memory_space<semaphore_mem>> -> memref<!tpu.dma_semaphore, #tpu.memory_space<semaphore_mem>>
        tpu.enqueue_indirect_dma source(%dma_start3A_543 : memref<10000x32xf32, #tpu.memory_space<vmem_shared>>) target(%dma_start3A_537 : memref<128x32xf32, #tpu.memory_space<vmem>>) offsets(%dma_start3A_540 : memref<128xi32, #tpu.memory_space<vmem>>) semaphore(%dma_start3A_545 : memref<!tpu.dma_semaphore, #tpu.memory_space<semaphore_mem>>)
      } else {
      }
      %add3A_491 = arith.constant 7 : i32
      %add3A_492 = arith.addi %add3A_231, %add3A_491 : i32
      %dma_wait3A_493 = arith.constant 7 : i32
      %dma_wait3A_494 = arith.constant 7 : i32
      %dma_wait3A_495 = arith.constant 0 : i32
      %dma_wait3A_496 = arith.constant 0 : i32
      %dma_wait3A_497 = tpu.memref_slice %arg9[%dma_wait3A_493, %dma_wait3A_495, %dma_wait3A_496] : memref<8x128x32xf32, #tpu.memory_space<vmem>> -> memref<1x128x32xf32, #tpu.memory_space<vmem>>
      %dma_wait3A_498 = tpu.memref_squeeze %dma_wait3A_497 : memref<1x128x32xf32, #tpu.memory_space<vmem>> -> memref<128x32xf32, #tpu.memory_space<vmem>>
      %dma_wait3A_499 = arith.constant 0 : i32
      %dma_wait3A_500 = tpu.memref_slice %arg7[%add3A_492, %dma_wait3A_499] : memref<160x128xi32, #tpu.memory_space<vmem>> -> memref<1x128xi32, #tpu.memory_space<vmem>>
      %dma_wait3A_501 = tpu.memref_squeeze %dma_wait3A_500 : memref<1x128xi32, #tpu.memory_space<vmem>> -> memref<128xi32, #tpu.memory_space<vmem>>
      %dma_wait3A_502 = arith.constant 0 : i32
      %dma_wait3A_503 = arith.constant 0 : i32
      %dma_wait3A_504 = tpu.memref_slice %arg13[%dma_wait3A_502, %dma_wait3A_503] : memref<10000x32xf32, #tpu.memory_space<vmem_shared>> -> memref<10000x32xf32, #tpu.memory_space<vmem_shared>>
      %dma_wait3A_505 = tpu.memref_slice %arg14[%dma_wait3A_494] : memref<8x!tpu.dma_semaphore, #tpu.memory_space<semaphore_mem>> -> memref<1x!tpu.dma_semaphore, #tpu.memory_space<semaphore_mem>>
      %dma_wait3A_506 = tpu.memref_squeeze %dma_wait3A_505 : memref<1x!tpu.dma_semaphore, #tpu.memory_space<semaphore_mem>> -> memref<!tpu.dma_semaphore, #tpu.memory_space<semaphore_mem>>
      tpu.wait_indirect_dma semaphore(%dma_wait3A_506 : memref<!tpu.dma_semaphore, #tpu.memory_space<semaphore_mem>>) src(%dma_wait3A_504 : memref<10000x32xf32, #tpu.memory_space<vmem_shared>>) dst(%dma_wait3A_498 : memref<128x32xf32, #tpu.memory_space<vmem>>)
      %dma_start3A_507 = arith.constant 7 : i32
      %dma_start3A_508 = arith.constant 7 : i32
      %dma_start3A_509 = arith.constant 0 : i32
      %dma_start3A_510 = arith.constant 0 : i32
      %dma_start3A_511 = tpu.memref_slice %arg9[%dma_start3A_507, %dma_start3A_509, %dma_start3A_510] : memref<8x128x32xf32, #tpu.memory_space<vmem>> -> memref<1x128x32xf32, #tpu.memory_space<vmem>>
      %dma_start3A_512 = tpu.memref_squeeze %dma_start3A_511 : memref<1x128x32xf32, #tpu.memory_space<vmem>> -> memref<128x32xf32, #tpu.memory_space<vmem>>
      %dma_start3A_513 = arith.constant 0 : i32
      %dma_start3A_514 = tpu.memref_slice %arg8[%add3A_492, %dma_start3A_513] : memref<160x128xi32, #tpu.memory_space<vmem>> -> memref<1x128xi32, #tpu.memory_space<vmem>>
      %dma_start3A_515 = tpu.memref_squeeze %dma_start3A_514 : memref<1x128xi32, #tpu.memory_space<vmem>> -> memref<128xi32, #tpu.memory_space<vmem>>
      %dma_start3A_516 = arith.constant 0 : i32
      %dma_start3A_517 = arith.constant 0 : i32
      %dma_start3A_518 = tpu.memref_slice %arg12[%dma_start3A_516, %dma_start3A_517] : memref<10240x32xf32, #tpu.memory_space<vmem_shared>> -> memref<10240x32xf32, #tpu.memory_space<vmem_shared>>
      %dma_start3A_519 = tpu.memref_slice %arg15[%dma_start3A_508] : memref<8x!tpu.dma_semaphore, #tpu.memory_space<semaphore_mem>> -> memref<1x!tpu.dma_semaphore, #tpu.memory_space<semaphore_mem>>
      %dma_start3A_520 = tpu.memref_squeeze %dma_start3A_519 : memref<1x!tpu.dma_semaphore, #tpu.memory_space<semaphore_mem>> -> memref<!tpu.dma_semaphore, #tpu.memory_space<semaphore_mem>>
      tpu.enqueue_indirect_dma source(%dma_start3A_512 : memref<128x32xf32, #tpu.memory_space<vmem>>) target(%dma_start3A_518 : memref<10240x32xf32, #tpu.memory_space<vmem_shared>>) offsets(%dma_start3A_515 : memref<128xi32, #tpu.memory_space<vmem>>) semaphore(%dma_start3A_520 : memref<!tpu.dma_semaphore, #tpu.memory_space<semaphore_mem>>) {add = true}
      %add3A_521 = arith.constant 4 : i32
      %add3A_522 = arith.addi %add3A_492, %add3A_521 : i32
      %lt3A_523 = arith.constant 160 : i32
      %lt3A_524 = arith.cmpi slt, %add3A_522, %lt3A_523 : i32
      %convert_element_type3A_525 = arith.extui %lt3A_524 : i1 to i32
      %cond3A_526 = arith.constant 0 : i32
      %cond3A_527 = arith.cmpi ne, %convert_element_type3A_525, %cond3A_526 : i32
      scf.if %cond3A_527 {
        %ge3A = arith.constant 8 : i32
        %ge3A_528 = arith.cmpi sge, %add3A_522, %ge3A : i32
        %convert_element_type3A_529 = arith.extui %ge3A_528 : i1 to i32
        %cond3A_530 = arith.constant 0 : i32
        %cond3A_531 = arith.cmpi ne, %convert_element_type3A_529, %cond3A_530 : i32
        scf.if %cond3A_531 {
          %dma_wait3A_546 = arith.constant 3 : i32
          %dma_wait3A_547 = arith.constant 3 : i32
          %dma_wait3A_548 = arith.constant 0 : i32
          %dma_wait3A_549 = arith.constant 0 : i32
          %dma_wait3A_550 = tpu.memref_slice %arg9[%dma_wait3A_546, %dma_wait3A_548, %dma_wait3A_549] : memref<8x128x32xf32, #tpu.memory_space<vmem>> -> memref<1x128x32xf32, #tpu.memory_space<vmem>>
          %dma_wait3A_551 = tpu.memref_squeeze %dma_wait3A_550 : memref<1x128x32xf32, #tpu.memory_space<vmem>> -> memref<128x32xf32, #tpu.memory_space<vmem>>
          %dma_wait3A_552 = arith.constant 0 : i32
          %dma_wait3A_553 = tpu.memref_slice %arg8[%add3A_492, %dma_wait3A_552] : memref<160x128xi32, #tpu.memory_space<vmem>> -> memref<1x128xi32, #tpu.memory_space<vmem>>
          %dma_wait3A_554 = tpu.memref_squeeze %dma_wait3A_553 : memref<1x128xi32, #tpu.memory_space<vmem>> -> memref<128xi32, #tpu.memory_space<vmem>>
          %dma_wait3A_555 = arith.constant 0 : i32
          %dma_wait3A_556 = arith.constant 0 : i32
          %dma_wait3A_557 = tpu.memref_slice %arg12[%dma_wait3A_555, %dma_wait3A_556] : memref<10240x32xf32, #tpu.memory_space<vmem_shared>> -> memref<10240x32xf32, #tpu.memory_space<vmem_shared>>
          %dma_wait3A_558 = tpu.memref_slice %arg15[%dma_wait3A_547] : memref<8x!tpu.dma_semaphore, #tpu.memory_space<semaphore_mem>> -> memref<1x!tpu.dma_semaphore, #tpu.memory_space<semaphore_mem>>
          %dma_wait3A_559 = tpu.memref_squeeze %dma_wait3A_558 : memref<1x!tpu.dma_semaphore, #tpu.memory_space<semaphore_mem>> -> memref<!tpu.dma_semaphore, #tpu.memory_space<semaphore_mem>>
          tpu.wait_indirect_dma semaphore(%dma_wait3A_559 : memref<!tpu.dma_semaphore, #tpu.memory_space<semaphore_mem>>) src(%dma_wait3A_551 : memref<128x32xf32, #tpu.memory_space<vmem>>) dst(%dma_wait3A_557 : memref<10240x32xf32, #tpu.memory_space<vmem_shared>>)
        } else {
        }
        %dma_start3A_532 = arith.constant 3 : i32
        %dma_start3A_533 = arith.constant 3 : i32
        %dma_start3A_534 = arith.constant 0 : i32
        %dma_start3A_535 = arith.constant 0 : i32
        %dma_start3A_536 = tpu.memref_slice %arg9[%dma_start3A_532, %dma_start3A_534, %dma_start3A_535] : memref<8x128x32xf32, #tpu.memory_space<vmem>> -> memref<1x128x32xf32, #tpu.memory_space<vmem>>
        %dma_start3A_537 = tpu.memref_squeeze %dma_start3A_536 : memref<1x128x32xf32, #tpu.memory_space<vmem>> -> memref<128x32xf32, #tpu.memory_space<vmem>>
        %dma_start3A_538 = arith.constant 0 : i32
        %dma_start3A_539 = tpu.memref_slice %arg7[%add3A_522, %dma_start3A_538] : memref<160x128xi32, #tpu.memory_space<vmem>> -> memref<1x128xi32, #tpu.memory_space<vmem>>
        %dma_start3A_540 = tpu.memref_squeeze %dma_start3A_539 : memref<1x128xi32, #tpu.memory_space<vmem>> -> memref<128xi32, #tpu.memory_space<vmem>>
        %dma_start3A_541 = arith.constant 0 : i32
        %dma_start3A_542 = arith.constant 0 : i32
        %dma_start3A_543 = tpu.memref_slice %arg13[%dma_start3A_541, %dma_start3A_542] : memref<10000x32xf32, #tpu.memory_space<vmem_shared>> -> memref<10000x32xf32, #tpu.memory_space<vmem_shared>>
        %dma_start3A_544 = tpu.memref_slice %arg14[%dma_start3A_533] : memref<8x!tpu.dma_semaphore, #tpu.memory_space<semaphore_mem>> -> memref<1x!tpu.dma_semaphore, #tpu.memory_space<semaphore_mem>>
        %dma_start3A_545 = tpu.memref_squeeze %dma_start3A_544 : memref<1x!tpu.dma_semaphore, #tpu.memory_space<semaphore_mem>> -> memref<!tpu.dma_semaphore, #tpu.memory_space<semaphore_mem>>
        tpu.enqueue_indirect_dma source(%dma_start3A_543 : memref<10000x32xf32, #tpu.memory_space<vmem_shared>>) target(%dma_start3A_537 : memref<128x32xf32, #tpu.memory_space<vmem>>) offsets(%dma_start3A_540 : memref<128xi32, #tpu.memory_space<vmem>>) semaphore(%dma_start3A_545 : memref<!tpu.dma_semaphore, #tpu.memory_space<semaphore_mem>>)
      } else {
      }
    }
    %scan3A_103 = arith.constant 20 : i32
    %dma_wait3A = arith.constant 0 : i32
    %dma_wait3A_104 = arith.constant 152 : i32
    %dma_wait3A_105 = arith.constant 0 : i32
    %dma_wait3A_106 = arith.constant 0 : i32
    %dma_wait3A_107 = arith.constant 0 : i32
    %dma_wait3A_108 = tpu.memref_slice %arg9[%dma_wait3A, %dma_wait3A_106, %dma_wait3A_107] : memref<8x128x32xf32, #tpu.memory_space<vmem>> -> memref<1x128x32xf32, #tpu.memory_space<vmem>>
    %dma_wait3A_109 = tpu.memref_squeeze %dma_wait3A_108 : memref<1x128x32xf32, #tpu.memory_space<vmem>> -> memref<128x32xf32, #tpu.memory_space<vmem>>
    %dma_wait3A_110 = arith.constant 0 : i32
    %dma_wait3A_111 = tpu.memref_slice %arg8[%dma_wait3A_104, %dma_wait3A_110] : memref<160x128xi32, #tpu.memory_space<vmem>> -> memref<1x128xi32, #tpu.memory_space<vmem>>
    %dma_wait3A_112 = tpu.memref_squeeze %dma_wait3A_111 : memref<1x128xi32, #tpu.memory_space<vmem>> -> memref<128xi32, #tpu.memory_space<vmem>>
    %dma_wait3A_113 = arith.constant 0 : i32
    %dma_wait3A_114 = arith.constant 0 : i32
    %dma_wait3A_115 = tpu.memref_slice %arg12[%dma_wait3A_113, %dma_wait3A_114] : memref<10240x32xf32, #tpu.memory_space<vmem_shared>> -> memref<10240x32xf32, #tpu.memory_space<vmem_shared>>
    %dma_wait3A_116 = tpu.memref_slice %arg15[%dma_wait3A_105] : memref<8x!tpu.dma_semaphore, #tpu.memory_space<semaphore_mem>> -> memref<1x!tpu.dma_semaphore, #tpu.memory_space<semaphore_mem>>
    %dma_wait3A_117 = tpu.memref_squeeze %dma_wait3A_116 : memref<1x!tpu.dma_semaphore, #tpu.memory_space<semaphore_mem>> -> memref<!tpu.dma_semaphore, #tpu.memory_space<semaphore_mem>>
    tpu.wait_indirect_dma semaphore(%dma_wait3A_117 : memref<!tpu.dma_semaphore, #tpu.memory_space<semaphore_mem>>) src(%dma_wait3A_109 : memref<128x32xf32, #tpu.memory_space<vmem>>) dst(%dma_wait3A_115 : memref<10240x32xf32, #tpu.memory_space<vmem_shared>>)
    %dma_wait3A_118 = arith.constant 1 : i32
    %dma_wait3A_119 = arith.constant 153 : i32
    %dma_wait3A_120 = arith.constant 1 : i32
    %dma_wait3A_121 = arith.constant 0 : i32
    %dma_wait3A_122 = arith.constant 0 : i32
    %dma_wait3A_123 = tpu.memref_slice %arg9[%dma_wait3A_118, %dma_wait3A_121, %dma_wait3A_122] : memref<8x128x32xf32, #tpu.memory_space<vmem>> -> memref<1x128x32xf32, #tpu.memory_space<vmem>>
    %dma_wait3A_124 = tpu.memref_squeeze %dma_wait3A_123 : memref<1x128x32xf32, #tpu.memory_space<vmem>> -> memref<128x32xf32, #tpu.memory_space<vmem>>
    %dma_wait3A_125 = arith.constant 0 : i32
    %dma_wait3A_126 = tpu.memref_slice %arg8[%dma_wait3A_119, %dma_wait3A_125] : memref<160x128xi32, #tpu.memory_space<vmem>> -> memref<1x128xi32, #tpu.memory_space<vmem>>
    %dma_wait3A_127 = tpu.memref_squeeze %dma_wait3A_126 : memref<1x128xi32, #tpu.memory_space<vmem>> -> memref<128xi32, #tpu.memory_space<vmem>>
    %dma_wait3A_128 = arith.constant 0 : i32
    %dma_wait3A_129 = arith.constant 0 : i32
    %dma_wait3A_130 = tpu.memref_slice %arg12[%dma_wait3A_128, %dma_wait3A_129] : memref<10240x32xf32, #tpu.memory_space<vmem_shared>> -> memref<10240x32xf32, #tpu.memory_space<vmem_shared>>
    %dma_wait3A_131 = tpu.memref_slice %arg15[%dma_wait3A_120] : memref<8x!tpu.dma_semaphore, #tpu.memory_space<semaphore_mem>> -> memref<1x!tpu.dma_semaphore, #tpu.memory_space<semaphore_mem>>
    %dma_wait3A_132 = tpu.memref_squeeze %dma_wait3A_131 : memref<1x!tpu.dma_semaphore, #tpu.memory_space<semaphore_mem>> -> memref<!tpu.dma_semaphore, #tpu.memory_space<semaphore_mem>>
    tpu.wait_indirect_dma semaphore(%dma_wait3A_132 : memref<!tpu.dma_semaphore, #tpu.memory_space<semaphore_mem>>) src(%dma_wait3A_124 : memref<128x32xf32, #tpu.memory_space<vmem>>) dst(%dma_wait3A_130 : memref<10240x32xf32, #tpu.memory_space<vmem_shared>>)
    %dma_wait3A_133 = arith.constant 2 : i32
    %dma_wait3A_134 = arith.constant 154 : i32
    %dma_wait3A_135 = arith.constant 2 : i32
    %dma_wait3A_136 = arith.constant 0 : i32
    %dma_wait3A_137 = arith.constant 0 : i32
    %dma_wait3A_138 = tpu.memref_slice %arg9[%dma_wait3A_133, %dma_wait3A_136, %dma_wait3A_137] : memref<8x128x32xf32, #tpu.memory_space<vmem>> -> memref<1x128x32xf32, #tpu.memory_space<vmem>>
    %dma_wait3A_139 = tpu.memref_squeeze %dma_wait3A_138 : memref<1x128x32xf32, #tpu.memory_space<vmem>> -> memref<128x32xf32, #tpu.memory_space<vmem>>
    %dma_wait3A_140 = arith.constant 0 : i32
    %dma_wait3A_141 = tpu.memref_slice %arg8[%dma_wait3A_134, %dma_wait3A_140] : memref<160x128xi32, #tpu.memory_space<vmem>> -> memref<1x128xi32, #tpu.memory_space<vmem>>
    %dma_wait3A_142 = tpu.memref_squeeze %dma_wait3A_141 : memref<1x128xi32, #tpu.memory_space<vmem>> -> memref<128xi32, #tpu.memory_space<vmem>>
    %dma_wait3A_143 = arith.constant 0 : i32
    %dma_wait3A_144 = arith.constant 0 : i32
    %dma_wait3A_145 = tpu.memref_slice %arg12[%dma_wait3A_143, %dma_wait3A_144] : memref<10240x32xf32, #tpu.memory_space<vmem_shared>> -> memref<10240x32xf32, #tpu.memory_space<vmem_shared>>
    %dma_wait3A_146 = tpu.memref_slice %arg15[%dma_wait3A_135] : memref<8x!tpu.dma_semaphore, #tpu.memory_space<semaphore_mem>> -> memref<1x!tpu.dma_semaphore, #tpu.memory_space<semaphore_mem>>
    %dma_wait3A_147 = tpu.memref_squeeze %dma_wait3A_146 : memref<1x!tpu.dma_semaphore, #tpu.memory_space<semaphore_mem>> -> memref<!tpu.dma_semaphore, #tpu.memory_space<semaphore_mem>>
    tpu.wait_indirect_dma semaphore(%dma_wait3A_147 : memref<!tpu.dma_semaphore, #tpu.memory_space<semaphore_mem>>) src(%dma_wait3A_139 : memref<128x32xf32, #tpu.memory_space<vmem>>) dst(%dma_wait3A_145 : memref<10240x32xf32, #tpu.memory_space<vmem_shared>>)
    %dma_wait3A_148 = arith.constant 3 : i32
    %dma_wait3A_149 = arith.constant 155 : i32
    %dma_wait3A_150 = arith.constant 3 : i32
    %dma_wait3A_151 = arith.constant 0 : i32
    %dma_wait3A_152 = arith.constant 0 : i32
    %dma_wait3A_153 = tpu.memref_slice %arg9[%dma_wait3A_148, %dma_wait3A_151, %dma_wait3A_152] : memref<8x128x32xf32, #tpu.memory_space<vmem>> -> memref<1x128x32xf32, #tpu.memory_space<vmem>>
    %dma_wait3A_154 = tpu.memref_squeeze %dma_wait3A_153 : memref<1x128x32xf32, #tpu.memory_space<vmem>> -> memref<128x32xf32, #tpu.memory_space<vmem>>
    %dma_wait3A_155 = arith.constant 0 : i32
    %dma_wait3A_156 = tpu.memref_slice %arg8[%dma_wait3A_149, %dma_wait3A_155] : memref<160x128xi32, #tpu.memory_space<vmem>> -> memref<1x128xi32, #tpu.memory_space<vmem>>
    %dma_wait3A_157 = tpu.memref_squeeze %dma_wait3A_156 : memref<1x128xi32, #tpu.memory_space<vmem>> -> memref<128xi32, #tpu.memory_space<vmem>>
    %dma_wait3A_158 = arith.constant 0 : i32
    %dma_wait3A_159 = arith.constant 0 : i32
    %dma_wait3A_160 = tpu.memref_slice %arg12[%dma_wait3A_158, %dma_wait3A_159] : memref<10240x32xf32, #tpu.memory_space<vmem_shared>> -> memref<10240x32xf32, #tpu.memory_space<vmem_shared>>
    %dma_wait3A_161 = tpu.memref_slice %arg15[%dma_wait3A_150] : memref<8x!tpu.dma_semaphore, #tpu.memory_space<semaphore_mem>> -> memref<1x!tpu.dma_semaphore, #tpu.memory_space<semaphore_mem>>
    %dma_wait3A_162 = tpu.memref_squeeze %dma_wait3A_161 : memref<1x!tpu.dma_semaphore, #tpu.memory_space<semaphore_mem>> -> memref<!tpu.dma_semaphore, #tpu.memory_space<semaphore_mem>>
    tpu.wait_indirect_dma semaphore(%dma_wait3A_162 : memref<!tpu.dma_semaphore, #tpu.memory_space<semaphore_mem>>) src(%dma_wait3A_154 : memref<128x32xf32, #tpu.memory_space<vmem>>) dst(%dma_wait3A_160 : memref<10240x32xf32, #tpu.memory_space<vmem_shared>>)
    %dma_wait3A_163 = arith.constant 4 : i32
    %dma_wait3A_164 = arith.constant 156 : i32
    %dma_wait3A_165 = arith.constant 4 : i32
    %dma_wait3A_166 = arith.constant 0 : i32
    %dma_wait3A_167 = arith.constant 0 : i32
    %dma_wait3A_168 = tpu.memref_slice %arg9[%dma_wait3A_163, %dma_wait3A_166, %dma_wait3A_167] : memref<8x128x32xf32, #tpu.memory_space<vmem>> -> memref<1x128x32xf32, #tpu.memory_space<vmem>>
    %dma_wait3A_169 = tpu.memref_squeeze %dma_wait3A_168 : memref<1x128x32xf32, #tpu.memory_space<vmem>> -> memref<128x32xf32, #tpu.memory_space<vmem>>
    %dma_wait3A_170 = arith.constant 0 : i32
    %dma_wait3A_171 = tpu.memref_slice %arg8[%dma_wait3A_164, %dma_wait3A_170] : memref<160x128xi32, #tpu.memory_space<vmem>> -> memref<1x128xi32, #tpu.memory_space<vmem>>
    %dma_wait3A_172 = tpu.memref_squeeze %dma_wait3A_171 : memref<1x128xi32, #tpu.memory_space<vmem>> -> memref<128xi32, #tpu.memory_space<vmem>>
    %dma_wait3A_173 = arith.constant 0 : i32
    %dma_wait3A_174 = arith.constant 0 : i32
    %dma_wait3A_175 = tpu.memref_slice %arg12[%dma_wait3A_173, %dma_wait3A_174] : memref<10240x32xf32, #tpu.memory_space<vmem_shared>> -> memref<10240x32xf32, #tpu.memory_space<vmem_shared>>
    %dma_wait3A_176 = tpu.memref_slice %arg15[%dma_wait3A_165] : memref<8x!tpu.dma_semaphore, #tpu.memory_space<semaphore_mem>> -> memref<1x!tpu.dma_semaphore, #tpu.memory_space<semaphore_mem>>
    %dma_wait3A_177 = tpu.memref_squeeze %dma_wait3A_176 : memref<1x!tpu.dma_semaphore, #tpu.memory_space<semaphore_mem>> -> memref<!tpu.dma_semaphore, #tpu.memory_space<semaphore_mem>>
    tpu.wait_indirect_dma semaphore(%dma_wait3A_177 : memref<!tpu.dma_semaphore, #tpu.memory_space<semaphore_mem>>) src(%dma_wait3A_169 : memref<128x32xf32, #tpu.memory_space<vmem>>) dst(%dma_wait3A_175 : memref<10240x32xf32, #tpu.memory_space<vmem_shared>>)
    %dma_wait3A_178 = arith.constant 5 : i32
    %dma_wait3A_179 = arith.constant 157 : i32
    %dma_wait3A_180 = arith.constant 5 : i32
    %dma_wait3A_181 = arith.constant 0 : i32
    %dma_wait3A_182 = arith.constant 0 : i32
    %dma_wait3A_183 = tpu.memref_slice %arg9[%dma_wait3A_178, %dma_wait3A_181, %dma_wait3A_182] : memref<8x128x32xf32, #tpu.memory_space<vmem>> -> memref<1x128x32xf32, #tpu.memory_space<vmem>>
    %dma_wait3A_184 = tpu.memref_squeeze %dma_wait3A_183 : memref<1x128x32xf32, #tpu.memory_space<vmem>> -> memref<128x32xf32, #tpu.memory_space<vmem>>
    %dma_wait3A_185 = arith.constant 0 : i32
    %dma_wait3A_186 = tpu.memref_slice %arg8[%dma_wait3A_179, %dma_wait3A_185] : memref<160x128xi32, #tpu.memory_space<vmem>> -> memref<1x128xi32, #tpu.memory_space<vmem>>
    %dma_wait3A_187 = tpu.memref_squeeze %dma_wait3A_186 : memref<1x128xi32, #tpu.memory_space<vmem>> -> memref<128xi32, #tpu.memory_space<vmem>>
    %dma_wait3A_188 = arith.constant 0 : i32
    %dma_wait3A_189 = arith.constant 0 : i32
    %dma_wait3A_190 = tpu.memref_slice %arg12[%dma_wait3A_188, %dma_wait3A_189] : memref<10240x32xf32, #tpu.memory_space<vmem_shared>> -> memref<10240x32xf32, #tpu.memory_space<vmem_shared>>
    %dma_wait3A_191 = tpu.memref_slice %arg15[%dma_wait3A_180] : memref<8x!tpu.dma_semaphore, #tpu.memory_space<semaphore_mem>> -> memref<1x!tpu.dma_semaphore, #tpu.memory_space<semaphore_mem>>
    %dma_wait3A_192 = tpu.memref_squeeze %dma_wait3A_191 : memref<1x!tpu.dma_semaphore, #tpu.memory_space<semaphore_mem>> -> memref<!tpu.dma_semaphore, #tpu.memory_space<semaphore_mem>>
    tpu.wait_indirect_dma semaphore(%dma_wait3A_192 : memref<!tpu.dma_semaphore, #tpu.memory_space<semaphore_mem>>) src(%dma_wait3A_184 : memref<128x32xf32, #tpu.memory_space<vmem>>) dst(%dma_wait3A_190 : memref<10240x32xf32, #tpu.memory_space<vmem_shared>>)
    %dma_wait3A_193 = arith.constant 6 : i32
    %dma_wait3A_194 = arith.constant 158 : i32
    %dma_wait3A_195 = arith.constant 6 : i32
    %dma_wait3A_196 = arith.constant 0 : i32
    %dma_wait3A_197 = arith.constant 0 : i32
    %dma_wait3A_198 = tpu.memref_slice %arg9[%dma_wait3A_193, %dma_wait3A_196, %dma_wait3A_197] : memref<8x128x32xf32, #tpu.memory_space<vmem>> -> memref<1x128x32xf32, #tpu.memory_space<vmem>>
    %dma_wait3A_199 = tpu.memref_squeeze %dma_wait3A_198 : memref<1x128x32xf32, #tpu.memory_space<vmem>> -> memref<128x32xf32, #tpu.memory_space<vmem>>
    %dma_wait3A_200 = arith.constant 0 : i32
    %dma_wait3A_201 = tpu.memref_slice %arg8[%dma_wait3A_194, %dma_wait3A_200] : memref<160x128xi32, #tpu.memory_space<vmem>> -> memref<1x128xi32, #tpu.memory_space<vmem>>
    %dma_wait3A_202 = tpu.memref_squeeze %dma_wait3A_201 : memref<1x128xi32, #tpu.memory_space<vmem>> -> memref<128xi32, #tpu.memory_space<vmem>>
    %dma_wait3A_203 = arith.constant 0 : i32
    %dma_wait3A_204 = arith.constant 0 : i32
    %dma_wait3A_205 = tpu.memref_slice %arg12[%dma_wait3A_203, %dma_wait3A_204] : memref<10240x32xf32, #tpu.memory_space<vmem_shared>> -> memref<10240x32xf32, #tpu.memory_space<vmem_shared>>
    %dma_wait3A_206 = tpu.memref_slice %arg15[%dma_wait3A_195] : memref<8x!tpu.dma_semaphore, #tpu.memory_space<semaphore_mem>> -> memref<1x!tpu.dma_semaphore, #tpu.memory_space<semaphore_mem>>
    %dma_wait3A_207 = tpu.memref_squeeze %dma_wait3A_206 : memref<1x!tpu.dma_semaphore, #tpu.memory_space<semaphore_mem>> -> memref<!tpu.dma_semaphore, #tpu.memory_space<semaphore_mem>>
    tpu.wait_indirect_dma semaphore(%dma_wait3A_207 : memref<!tpu.dma_semaphore, #tpu.memory_space<semaphore_mem>>) src(%dma_wait3A_199 : memref<128x32xf32, #tpu.memory_space<vmem>>) dst(%dma_wait3A_205 : memref<10240x32xf32, #tpu.memory_space<vmem_shared>>)
    %dma_wait3A_208 = arith.constant 7 : i32
    %dma_wait3A_209 = arith.constant 159 : i32
    %dma_wait3A_210 = arith.constant 7 : i32
    %dma_wait3A_211 = arith.constant 0 : i32
    %dma_wait3A_212 = arith.constant 0 : i32
    %dma_wait3A_213 = tpu.memref_slice %arg9[%dma_wait3A_208, %dma_wait3A_211, %dma_wait3A_212] : memref<8x128x32xf32, #tpu.memory_space<vmem>> -> memref<1x128x32xf32, #tpu.memory_space<vmem>>
    %dma_wait3A_214 = tpu.memref_squeeze %dma_wait3A_213 : memref<1x128x32xf32, #tpu.memory_space<vmem>> -> memref<128x32xf32, #tpu.memory_space<vmem>>
    %dma_wait3A_215 = arith.constant 0 : i32
    %dma_wait3A_216 = tpu.memref_slice %arg8[%dma_wait3A_209, %dma_wait3A_215] : memref<160x128xi32, #tpu.memory_space<vmem>> -> memref<1x128xi32, #tpu.memory_space<vmem>>
    %dma_wait3A_217 = tpu.memref_squeeze %dma_wait3A_216 : memref<1x128xi32, #tpu.memory_space<vmem>> -> memref<128xi32, #tpu.memory_space<vmem>>
    %dma_wait3A_218 = arith.constant 0 : i32
    %dma_wait3A_219 = arith.constant 0 : i32
    %dma_wait3A_220 = tpu.memref_slice %arg12[%dma_wait3A_218, %dma_wait3A_219] : memref<10240x32xf32, #tpu.memory_space<vmem_shared>> -> memref<10240x32xf32, #tpu.memory_space<vmem_shared>>
    %dma_wait3A_221 = tpu.memref_slice %arg15[%dma_wait3A_210] : memref<8x!tpu.dma_semaphore, #tpu.memory_space<semaphore_mem>> -> memref<1x!tpu.dma_semaphore, #tpu.memory_space<semaphore_mem>>
    %dma_wait3A_222 = tpu.memref_squeeze %dma_wait3A_221 : memref<1x!tpu.dma_semaphore, #tpu.memory_space<semaphore_mem>> -> memref<!tpu.dma_semaphore, #tpu.memory_space<semaphore_mem>>
    tpu.wait_indirect_dma semaphore(%dma_wait3A_222 : memref<!tpu.dma_semaphore, #tpu.memory_space<semaphore_mem>>) src(%dma_wait3A_214 : memref<128x32xf32, #tpu.memory_space<vmem>>) dst(%dma_wait3A_220 : memref<10240x32xf32, #tpu.memory_space<vmem_shared>>)
    %barrier3A_223 = arith.constant 0 : index
    tpu.barrier barrier_id(%barrier3A_223)
    %mul3A_224 = arith.constant 640 : i32
    %mul3A_225 = arith.muli %arg1, %mul3A_224 : i32
    %mul3A_226 = arith.constant 640 : i32
    %mul3A_227 = arith.muli %arg1, %mul3A_226 : i32
    "tpu.region"() ({
      %run_scoped3A = tpu.sem_alloc : memref<!tpu.dma_semaphore, #tpu.memory_space<semaphore_mem>>
      %dma_start3A_228 = tpu.memref_slice %arg6[%mul3A_227, %mul3A_0] : memref<10240x128xf32, #tpu.memory_space<hbm>> -> memref<640x32xf32, #tpu.memory_space<hbm>>
      %dma_start3A_229 = arith.constant 0 : i32
      %dma_start3A_230 = tpu.memref_slice %arg12[%mul3A_225, %dma_start3A_229] : memref<10240x32xf32, #tpu.memory_space<vmem_shared>> -> memref<640x32xf32, #tpu.memory_space<vmem_shared>>
      tpu.enqueue_dma source(%dma_start3A_230 : memref<640x32xf32, #tpu.memory_space<vmem_shared>>) target(%dma_start3A_228 : memref<640x32xf32, #tpu.memory_space<hbm>>) target_semaphore(%run_scoped3A : memref<!tpu.dma_semaphore, #tpu.memory_space<semaphore_mem>>)
      %dma_wait3A_231 = tpu.memref_slice %arg6[%mul3A_227, %mul3A_0] : memref<10240x128xf32, #tpu.memory_space<hbm>> -> memref<640x32xf32, #tpu.memory_space<hbm>>
      %dma_wait3A_232 = arith.constant 0 : i32
      %dma_wait3A_233 = tpu.memref_slice %arg12[%mul3A_225, %dma_wait3A_232] : memref<10240x32xf32, #tpu.memory_space<vmem_shared>> -> memref<640x32xf32, #tpu.memory_space<vmem_shared>>
      tpu.wait_dma2 semaphore(%run_scoped3A : memref<!tpu.dma_semaphore, #tpu.memory_space<semaphore_mem>>) src(%dma_wait3A_233 : memref<640x32xf32, #tpu.memory_space<vmem_shared>>) dst(%dma_wait3A_231 : memref<640x32xf32, #tpu.memory_space<hbm>>)
      tpu.yield
    }) : () -> ()
    return
  }
}

module attributes {stable_mosaic.version = 14 : i64} {
  func.func @body(%arg0: i32, %arg1: memref<1000x128xf32, #tpu.memory_space<vmem>>, %arg2: memref<128x64xf32, #tpu.memory_space<vmem>>, %arg3: memref<1000x128xf32, #tpu.memory_space<vmem>>, %arg4: memref<1000x128xf32, #tpu.memory_space<vmem>>) attributes {dimension_semantics = [#tpu.dimension_semantics<arbitrary>], iteration_bounds = array<i64: 10>, scalar_prefetch = 0 : i64, scratch_operands = 0 : i64, tpu.core_type = #tpu.core_type<tc>, window_params = [{transform_indices = @transform_0, window_bounds = array<i64: 1000, 128>}, {pipeline_mode = #tpu.pipeline_mode<synchronous>, transform_indices = @transform_1, window_bounds = array<i64: 128, 64>}, {transform_indices = @transform_2, window_bounds = array<i64: 1000, 128>}, {transform_indices = @transform_3, window_bounds = array<i64: 1000, 128>}]} {
    %get3A = arith.constant 0 : index
    %get3A_0 = arith.constant 0 : index
    %get3A_1 = vector.load %arg3[%get3A, %get3A_0] : memref<1000x128xf32, #tpu.memory_space<vmem>>, vector<1000x1xf32>
    %get3A_2 = arith.constant 0 : index
    %get3A_3 = arith.constant 16 : index
    %get3A_4 = vector.load %arg3[%get3A_2, %get3A_3] : memref<1000x128xf32, #tpu.memory_space<vmem>>, vector<1000x1xf32>
    %add3A = arith.addf %get3A_1, %get3A_4 : vector<1000x1xf32>
    %add3A_5 = arith.constant 1.000000e+00 : f32
    %add3A_6 = vector.broadcast %add3A_5 : f32 to vector<1000x1xf32>
    %add3A_7 = arith.addf %add3A, %add3A_6 : vector<1000x1xf32>
    %rsqrt3A = math.rsqrt %add3A_7 : vector<1000x1xf32>
    %get3A_8 = arith.constant 0 : index
    %get3A_9 = arith.constant 0 : index
    %get3A_10 = vector.load %arg1[%get3A_8, %get3A_9] : memref<1000x128xf32, #tpu.memory_space<vmem>>, vector<1000x128xf32>
    %get3A_11 = arith.constant 0 : index
    %get3A_12 = arith.constant 0 : index
    %get3A_13 = vector.load %arg2[%get3A_11, %get3A_12] : memref<128x64xf32, #tpu.memory_space<vmem>>, vector<128x64xf32>
    %dot_general3A = arith.constant dense<0.000000e+00> : vector<1000x64xf32>
    %dot_general3A_14 = tpu.matmul %get3A_10, %get3A_13, %dot_general3A {dimension_numbers = #tpu.dot_dimension_numbers<[1], [0], [0], [1], [0, 0, 1, 1], [], []>, transpose_lhs_hint = false} : vector<1000x128xf32>, vector<128x64xf32>, vector<1000x64xf32> -> vector<1000x64xf32>
    %mul3A = vector.broadcast %rsqrt3A : vector<1000x1xf32> to vector<1000x64xf32>
    %mul3A_15 = arith.mulf %dot_general3A_14, %mul3A : vector<1000x64xf32>
    %swap3A = arith.constant 0 : index
    %swap3A_16 = arith.constant 0 : index
    %swap3A_17 = vector.load %arg4[%swap3A, %swap3A_16] : memref<1000x128xf32, #tpu.memory_space<vmem>>, vector<1000x64xf32>
    tpu.vector_store %arg4[%swap3A, %swap3A_16], %mul3A_15 {strides = array<i32>} : memref<1000x128xf32, #tpu.memory_space<vmem>>, vector<1000x64xf32>,
    %swap3A_18 = arith.constant 0 : index
    %swap3A_19 = arith.constant 64 : index
    %swap3A_20 = vector.load %arg4[%swap3A_18, %swap3A_19] : memref<1000x128xf32, #tpu.memory_space<vmem>>, vector<1000x1xf32>
    tpu.vector_store %arg4[%swap3A_18, %swap3A_19], %rsqrt3A {strides = array<i32>} : memref<1000x128xf32, #tpu.memory_space<vmem>>, vector<1000x1xf32>,
    return
  }
  func.func @transform_0(%arg0: i32) -> (i32, i32) {
    %c0_i32 = arith.constant 0 : i32
    %c0_i32_0 = arith.constant 0 : i32
    return %arg0, %c0_i32 : i32, i32
  }
  func.func @transform_1(%arg0: i32) -> (i32, i32) {
    %c0_i32 = arith.constant 0 : i32
    %c0_i32_0 = arith.constant 0 : i32
    %c0_i32_1 = arith.constant 0 : i32
    return %c0_i32, %c0_i32_0 : i32, i32
  }
  func.func @transform_2(%arg0: i32) -> (i32, i32) {
    %c0_i32 = arith.constant 0 : i32
    %c0_i32_0 = arith.constant 0 : i32
    return %arg0, %c0_i32 : i32, i32
  }
  func.func @transform_3(%arg0: i32) -> (i32, i32) {
    %c0_i32 = arith.constant 0 : i32
    %c0_i32_0 = arith.constant 0 : i32
    return %arg0, %c0_i32 : i32, i32
  }
}

module attributes {stable_mosaic.version = 14 : i64} {
  func.func @body(%arg0: i32, %arg1: memref<1000x128xf32, #tpu.memory_space<vmem>>, %arg2: memref<1x64xf32, #tpu.memory_space<vmem>>, %arg3: memref<64x64xf32, #tpu.memory_space<vmem>>, %arg4: memref<1000x128xf32, #tpu.memory_space<vmem>>) attributes {dimension_semantics = [#tpu.dimension_semantics<arbitrary>], iteration_bounds = array<i64: 10>, scalar_prefetch = 0 : i64, scratch_operands = 0 : i64, tpu.core_type = #tpu.core_type<tc>, window_params = [{transform_indices = @transform_0, window_bounds = array<i64: 1000, 128>}, {pipeline_mode = #tpu.pipeline_mode<synchronous>, transform_indices = @transform_1, window_bounds = array<i64: 1, 64>}, {pipeline_mode = #tpu.pipeline_mode<synchronous>, transform_indices = @transform_2, window_bounds = array<i64: 64, 64>}, {transform_indices = @transform_3, window_bounds = array<i64: 1000, 128>}]} {
    %get3A = arith.constant 0 : index
    %get3A_0 = arith.constant 64 : index
    %get3A_1 = vector.load %arg1[%get3A, %get3A_0] : memref<1000x128xf32, #tpu.memory_space<vmem>>, vector<1000x1xf32>
    %get3A_2 = arith.constant 0 : index
    %get3A_3 = arith.constant 0 : index
    %get3A_4 = vector.load %arg1[%get3A_2, %get3A_3] : memref<1000x128xf32, #tpu.memory_space<vmem>>, vector<1000x64xf32>
    %mul3A = vector.broadcast %get3A_1 : vector<1000x1xf32> to vector<1000x64xf32>
    %mul3A_5 = arith.mulf %mul3A, %get3A_4 : vector<1000x64xf32>
    %get3A_6 = arith.constant 0 : index
    %get3A_7 = arith.constant 0 : index
    %get3A_8 = vector.load %arg2[%get3A_6, %get3A_7] : memref<1x64xf32, #tpu.memory_space<vmem>>, vector<1x64xf32>
    %add3A = vector.broadcast %get3A_8 : vector<1x64xf32> to vector<1000x64xf32>
    %add3A_9 = arith.addf %mul3A_5, %add3A : vector<1000x64xf32>
    %max3A = arith.constant 0.000000e+00 : f32
    %max3A_10 = vector.broadcast %max3A : f32 to vector<1000x64xf32>
    %max3A_11 = arith.maximumf %add3A_9, %max3A_10 : vector<1000x64xf32>
    %get3A_12 = arith.constant 0 : index
    %get3A_13 = arith.constant 0 : index
    %get3A_14 = vector.load %arg3[%get3A_12, %get3A_13] : memref<64x64xf32, #tpu.memory_space<vmem>>, vector<64x64xf32>
    %dot_general3A = arith.constant dense<0.000000e+00> : vector<1000x64xf32>
    %dot_general3A_15 = tpu.matmul %max3A_11, %get3A_14, %dot_general3A {dimension_numbers = #tpu.dot_dimension_numbers<[1], [0], [0], [1], [0, 0, 1, 1], [], []>, transpose_lhs_hint = false} : vector<1000x64xf32>, vector<64x64xf32>, vector<1000x64xf32> -> vector<1000x64xf32>
    %mul3A_16 = vector.broadcast %get3A_1 : vector<1000x1xf32> to vector<1000x64xf32>
    %mul3A_17 = arith.mulf %dot_general3A_15, %mul3A_16 : vector<1000x64xf32>
    %swap3A = arith.constant 0 : index
    %swap3A_18 = arith.constant 0 : index
    %swap3A_19 = vector.load %arg4[%swap3A, %swap3A_18] : memref<1000x128xf32, #tpu.memory_space<vmem>>, vector<1000x64xf32>
    tpu.vector_store %arg4[%swap3A, %swap3A_18], %mul3A_17 {strides = array<i32>} : memref<1000x128xf32, #tpu.memory_space<vmem>>, vector<1000x64xf32>,
    %swap3A_20 = arith.constant 0 : index
    %swap3A_21 = arith.constant 64 : index
    %swap3A_22 = vector.load %arg4[%swap3A_20, %swap3A_21] : memref<1000x128xf32, #tpu.memory_space<vmem>>, vector<1000x1xf32>
    tpu.vector_store %arg4[%swap3A_20, %swap3A_21], %get3A_1 {strides = array<i32>} : memref<1000x128xf32, #tpu.memory_space<vmem>>, vector<1000x1xf32>,
    return
  }
  func.func @transform_0(%arg0: i32) -> (i32, i32) {
    %c0_i32 = arith.constant 0 : i32
    %c0_i32_0 = arith.constant 0 : i32
    return %arg0, %c0_i32 : i32, i32
  }
  func.func @transform_1(%arg0: i32) -> (i32, i32) {
    %c0_i32 = arith.constant 0 : i32
    %c0_i32_0 = arith.constant 0 : i32
    %c0_i32_1 = arith.constant 0 : i32
    return %c0_i32, %c0_i32_0 : i32, i32
  }
  func.func @transform_2(%arg0: i32) -> (i32, i32) {
    %c0_i32 = arith.constant 0 : i32
    %c0_i32_0 = arith.constant 0 : i32
    %c0_i32_1 = arith.constant 0 : i32
    return %c0_i32, %c0_i32_0 : i32, i32
  }
  func.func @transform_3(%arg0: i32) -> (i32, i32) {
    %c0_i32 = arith.constant 0 : i32
    %c0_i32_0 = arith.constant 0 : i32
    return %arg0, %c0_i32 : i32, i32
  }
}

module attributes {stable_mosaic.version = 14 : i64} {
  func.func @body(%arg0: i32, %arg1: memref<1000x128xf32, #tpu.memory_space<vmem>>, %arg2: memref<1x64xf32, #tpu.memory_space<vmem>>, %arg3: memref<64x16xf32, #tpu.memory_space<vmem>>, %arg4: memref<1x16xf32, #tpu.memory_space<vmem>>, %arg5: memref<1000x16xf32, #tpu.memory_space<vmem>>) attributes {dimension_semantics = [#tpu.dimension_semantics<arbitrary>], iteration_bounds = array<i64: 10>, scalar_prefetch = 0 : i64, scratch_operands = 0 : i64, tpu.core_type = #tpu.core_type<tc>, window_params = [{transform_indices = @transform_0, window_bounds = array<i64: 1000, 128>}, {pipeline_mode = #tpu.pipeline_mode<synchronous>, transform_indices = @transform_1, window_bounds = array<i64: 1, 64>}, {pipeline_mode = #tpu.pipeline_mode<synchronous>, transform_indices = @transform_2, window_bounds = array<i64: 64, 16>}, {pipeline_mode = #tpu.pipeline_mode<synchronous>, transform_indices = @transform_3, window_bounds = array<i64: 1, 16>}, {transform_indices = @transform_4, window_bounds = array<i64: 1000, 16>}]} {
    %get3A = arith.constant 0 : index
    %get3A_0 = arith.constant 64 : index
    %get3A_1 = vector.load %arg1[%get3A, %get3A_0] : memref<1000x128xf32, #tpu.memory_space<vmem>>, vector<1000x1xf32>
    %get3A_2 = arith.constant 0 : index
    %get3A_3 = arith.constant 0 : index
    %get3A_4 = vector.load %arg1[%get3A_2, %get3A_3] : memref<1000x128xf32, #tpu.memory_space<vmem>>, vector<1000x64xf32>
    %mul3A = vector.broadcast %get3A_1 : vector<1000x1xf32> to vector<1000x64xf32>
    %mul3A_5 = arith.mulf %mul3A, %get3A_4 : vector<1000x64xf32>
    %get3A_6 = arith.constant 0 : index
    %get3A_7 = arith.constant 0 : index
    %get3A_8 = vector.load %arg2[%get3A_6, %get3A_7] : memref<1x64xf32, #tpu.memory_space<vmem>>, vector<1x64xf32>
    %add3A = vector.broadcast %get3A_8 : vector<1x64xf32> to vector<1000x64xf32>
    %add3A_9 = arith.addf %mul3A_5, %add3A : vector<1000x64xf32>
    %max3A = arith.constant 0.000000e+00 : f32
    %max3A_10 = vector.broadcast %max3A : f32 to vector<1000x64xf32>
    %max3A_11 = arith.maximumf %add3A_9, %max3A_10 : vector<1000x64xf32>
    %get3A_12 = arith.constant 0 : index
    %get3A_13 = arith.constant 0 : index
    %get3A_14 = vector.load %arg3[%get3A_12, %get3A_13] : memref<64x16xf32, #tpu.memory_space<vmem>>, vector<64x16xf32>
    %dot_general3A = arith.constant dense<0.000000e+00> : vector<1000x16xf32>
    %dot_general3A_15 = tpu.matmul %max3A_11, %get3A_14, %dot_general3A {dimension_numbers = #tpu.dot_dimension_numbers<[1], [0], [0], [1], [0, 0, 1, 1], [], []>, transpose_lhs_hint = false} : vector<1000x64xf32>, vector<64x16xf32>, vector<1000x16xf32> -> vector<1000x16xf32>
    %get3A_16 = arith.constant 0 : index
    %get3A_17 = arith.constant 0 : index
    %get3A_18 = vector.load %arg4[%get3A_16, %get3A_17] : memref<1x16xf32, #tpu.memory_space<vmem>>, vector<1x16xf32>
    %add3A_19 = vector.broadcast %get3A_18 : vector<1x16xf32> to vector<1000x16xf32>
    %add3A_20 = arith.addf %dot_general3A_15, %add3A_19 : vector<1000x16xf32>
    %reduce_max3A = arith.constant dense<0xFF800000> : vector<1000xf32>
    %reduce_max3A_21 = vector.multi_reduction <maximumf>, %add3A_20, %reduce_max3A [1] : vector<1000x16xf32> to vector<1000xf32>
    %broadcast_in_dim3A = vector.shape_cast %reduce_max3A_21 : vector<1000xf32> to vector<1000x1xf32>
    %sub3A = vector.broadcast %broadcast_in_dim3A : vector<1000x1xf32> to vector<1000x16xf32>
    %sub3A_22 = arith.subf %add3A_20, %sub3A : vector<1000x16xf32>
    %exp3A = math.exp %sub3A_22 : vector<1000x16xf32>
    %reduce_sum3A = arith.constant dense<0.000000e+00> : vector<1000xf32>
    %reduce_sum3A_23 = vector.multi_reduction <add>, %exp3A, %reduce_sum3A [1] : vector<1000x16xf32> to vector<1000xf32>
    %broadcast_in_dim3A_24 = vector.shape_cast %reduce_sum3A_23 : vector<1000xf32> to vector<1000x1xf32>
    %log3A = math.log %broadcast_in_dim3A_24 : vector<1000x1xf32>
    %add3A_25 = arith.addf %log3A, %broadcast_in_dim3A : vector<1000x1xf32>
    %sub3A_26 = vector.broadcast %add3A_25 : vector<1000x1xf32> to vector<1000x16xf32>
    %sub3A_27 = arith.subf %add3A_20, %sub3A_26 : vector<1000x16xf32>
    %swap3A = arith.constant 0 : index
    %swap3A_28 = arith.constant 0 : index
    %swap3A_29 = vector.load %arg5[%swap3A, %swap3A_28] : memref<1000x16xf32, #tpu.memory_space<vmem>>, vector<1000x16xf32>
    tpu.vector_store %arg5[%swap3A, %swap3A_28], %sub3A_27 {strides = array<i32>} : memref<1000x16xf32, #tpu.memory_space<vmem>>, vector<1000x16xf32>,
    return
  }
  func.func @transform_0(%arg0: i32) -> (i32, i32) {
    %c0_i32 = arith.constant 0 : i32
    %c0_i32_0 = arith.constant 0 : i32
    return %arg0, %c0_i32 : i32, i32
  }
  func.func @transform_1(%arg0: i32) -> (i32, i32) {
    %c0_i32 = arith.constant 0 : i32
    %c0_i32_0 = arith.constant 0 : i32
    %c0_i32_1 = arith.constant 0 : i32
    return %c0_i32, %c0_i32_0 : i32, i32
  }
  func.func @transform_2(%arg0: i32) -> (i32, i32) {
    %c0_i32 = arith.constant 0 : i32
    %c0_i32_0 = arith.constant 0 : i32
    %c0_i32_1 = arith.constant 0 : i32
    return %c0_i32, %c0_i32_0 : i32, i32
  }
  func.func @transform_3(%arg0: i32) -> (i32, i32) {
    %c0_i32 = arith.constant 0 : i32
    %c0_i32_0 = arith.constant 0 : i32
    %c0_i32_1 = arith.constant 0 : i32
    return %c0_i32, %c0_i32_0 : i32, i32
  }
  func.func @transform_4(%arg0: i32) -> (i32, i32) {
    %c0_i32 = arith.constant 0 : i32
    %c0_i32_0 = arith.constant 0 : i32
    return %arg0, %c0_i32 : i32, i32
  }
}

</mosaic_0001>

<sc_bundles>
// kernel: kernel.11.cloned.1.call-start
scs
__scs_entry_jumppad:
0x0: {  	(pc) =	sbr.rel $0x88, $3  }
0x1: {  	(tag) =	ssettag $0x0;
	lr =	simm.s32 $0x1  }
0x2: {  	[smem:$0x3F99] =	sst lr;
	_ =	strace $0xD0000000  }
0x3: {  	_ = 	snop  }
0x4: {  	_ = 	snop  }
0x5: {  	_ = 	snop  }
0x6: {  	_ = 	snop  }
0x7: {  	_ = 	snop  }
__scs_overlays_trampoline_lowered:
0x8: {  	[smem:$0x3FA8] =	sst s0  }
0x9: {  	[smem:$0x3FA9] =	sst s1  }
0xa: {  	[smem:$0x3FAA] =	sst s2  }
0xb: {  	[smem:$0x3FAB] =	sst s3  }
0xc: {  	[smem:$0x3FAC] =	sst s4  }
0xd: {  	[smem:$0x3FAD] =	sst s5  }
0xe: {  	[smem:$0x3FAE] =	sst s6  }
0xf: {  	[smem:$0x3FAF] =	sst s7  }
0x10: {  	[smem:$0x3FB0] =	sst s8  }
0x11: {  	[smem:$0x3FB1] =	sst s9;
	s0 =	simm.s32 @!p0 $0x0  }
0x12: {  	s1 =	sld [smem:$0x3F97];
	s0 =	simm.s32 @p0 $0x1  }
0x13: {  	[smem:$0x3FB2] =	sst s0;
	s0 =	simm.s32 @!p1 $0x0  }
0x14: {  	s2 =	sld [smem:$0x3F96];
	s0 =	simm.s32 @p1 $0x1  }
0x15: {  	[smem:$0x3FB3] =	sst s0;
	s0 =	simm.s32 @!p2 $0x0  }
0x16: {  	s3 =	sld [smem:$0x3FDB];
	s0 =	simm.s32 @p2 $0x1  }
0x17: {  	s4 =	simm.s32 $0x1BF5;
	[smem:$0x3FB5] =	sst s0  }
0x18: {  	s0 =	sld [smem:$0x3F98];
	_ =	swait.ge [sflag:s4], $0x0  }
0x19: {  	s7 =	sld [smem:$0x3F99]  }
0x1a: {  	s8 =	sadd.s32 $0xFFFFE003, lr  }
0x1b: {  	s9 =	sadd.s32 $0xFFFFFEF7, lr;
	s5 =	simm.s32 $0xFFFFFFFF;
	p2 =	slt.u32 s8, $0xFFFFF086  }
0x1c: {  	p1 =	slt.u32 s9, $0xF7A;
	s5 =	simm.s32 @!p2 $0x0  }
0x1d: {  	s5 =	simm.s32 @p1 $0x1;
	p0 =	seq.s32 s7, s2  }
0x1e: {  	s7 =	smul.u32 @!p0 $0xF7A, s2;
	p2 =	seq.s32 @!p0 s5, $0x0  }
0x1f: {  	s9 =	smul.u32 $0xF7A, s1;
	s8 =	simm.s32 @!p0 $0x1BF5;
	p2 =	por !p2, p0  }
0x20: {  	[sflag:s8] =	ssyncset.s32 @!p0 $0xFFFFF086;
	s6 =	sadd.s32 @!p0 s3, s7;
	s7 =	simm.s32 @!p0 $0x108  }
0x21: {  	s3 =	sadd.s32 s3, s9;
	s6 =	sadd.s32 @!p0 $0x88, s6;
	s7 =	simm.s32 @p2 $0x1082  }
0x22: {  	[simem:s7], [sflag:s8] =	dma.local @!p0 [hbm:s6], $0xF7A  }
0x23: {  	s9 =	sor.u32 $0xD0000000, s2;
	s6 =	simm.s32 $0x108;
	_ =	swait.ge @!p0 [sflag:s8], $0x0  }
0x24: {  	s3 =	sadd.s32 $0x88, s3;
	s6 =	simm.s32 @!p1 $0x1082;
	[sflag:s4] =	ssyncset.s32 $0xFFFFF086  }
0x25: {  	[simem:s6], [sflag:s4] =	dma.local [hbm:s3], $0xF7A  }
0x26: {  	[smem:$0x3F99] =	sst s1;
	(tag) =	ssettag s2;
	_ =	strace s9  }
0x27: {  	s1 =	sld [smem:$0x3FA9]  }
0x28: {  	s2 =	sld [smem:$0x3FAA]  }
0x29: {  	s4 =	sld [smem:$0x3FAC]  }
0x2a: {  	p0 =	seq.s32 s5, $0x0;
	s5 =	sld [smem:$0x3FAD]  }
0x2b: {  	s6 =	sld [smem:$0x3FAE]  }
0x2c: {  	s7 =	sld [smem:$0x3FAF]  }
0x2d: {  	s3 =	simm.s32 $0x108;
	s8 =	sld [smem:$0x3FB0]  }
0x2e: {  	s3 =	simm.s32 @!p0 $0x1082;
	s9 =	sld [smem:$0x3FB1]  }
0x2f: {  	lr =	sadd.s32 s0, s3;
	s0 =	sld [smem:$0x3FA8]  }
0x30: {  	s3 =	sld [smem:$0x3FAB]  }
0x31: {  	[smem:$0x3FB4] =	sst s10  }
0x32: {  	s10 =	sld [smem:$0x3FB2];
	_ =	sdelay $0x3  }
0x33: {  	p0 =	seq.s32 s10, $0x1;
	s10 =	sld [smem:$0x3FB4];
	_ =	sdelay $0x3  }
0x34: {  	[smem:$0x3FB4] =	sst s10  }
0x35: {  	s10 =	sld [smem:$0x3FB3];
	_ =	sdelay $0x3  }
0x36: {  	p1 =	seq.s32 s10, $0x1;
	s10 =	sld [smem:$0x3FB4];
	_ =	sdelay $0x3  }
0x37: {  	[smem:$0x3FB4] =	sst s10  }
0x38: {  	s10 =	sld [smem:$0x3FB5]  }
0x39: {  	_ = 	snop;
	(pc) =	sbr.ind lr, $3  }
0x3a: {  	_ = 	snop  }
0x3b: {  	_ = 	snop  }
0x3c: {  	p2 =	seq.s32 s10, $0x1;
	s10 =	sld [smem:$0x3FB4]  }
0x3d: {  	_ =	shalt  }
0x3e: {  	_ =	shalt  }
0x3f: {  	_ =	shalt  }
0x40: {  	_ =	shalt  }
0x41: {  	_ =	shalt  }
0x42: {  	_ =	shalt  }
0x43: {  	_ =	shalt  }
0x44: {  	_ =	shalt  }
0x45: {  	_ =	shalt  }
0x46: {  	_ =	shalt  }
0x47: {  	_ =	shalt  }
0x48: {  	_ =	shalt  }
0x49: {  	_ =	shalt  }
0x4a: {  	_ =	shalt  }
0x4b: {  	_ =	shalt  }
0x4c: {  	_ =	shalt  }
0x4d: {  	_ =	shalt  }
0x4e: {  	_ =	shalt  }
0x4f: {  	_ =	shalt  }
0x50: {  	_ =	shalt  }
0x51: {  	_ =	shalt  }
0x52: {  	_ =	shalt  }
0x53: {  	_ =	shalt  }
0x54: {  	_ =	shalt  }
0x55: {  	_ =	shalt  }
0x56: {  	_ =	shalt  }
0x57: {  	_ =	shalt  }
0x58: {  	_ =	shalt  }
0x59: {  	_ =	shalt  }
0x5a: {  	_ =	shalt  }
0x5b: {  	_ =	shalt  }
0x5c: {  	_ =	shalt  }
0x5d: {  	_ =	shalt  }
0x5e: {  	_ =	shalt  }
0x5f: {  	_ =	shalt  }
0x60: {  	_ =	shalt  }
0x61: {  	_ =	shalt  }
0x62: {  	_ =	shalt  }
0x63: {  	_ =	shalt  }
0x64: {  	_ =	shalt  }
0x65: {  	_ =	shalt  }
0x66: {  	_ =	shalt  }
0x67: {  	_ =	shalt  }
0x68: {  	_ =	shalt  }
0x69: {  	_ =	shalt  }
0x6a: {  	_ =	shalt  }
0x6b: {  	_ =	shalt  }
0x6c: {  	_ =	shalt  }
0x6d: {  	_ =	shalt  }
0x6e: {  	_ =	shalt  }
0x6f: {  	_ =	shalt  }
0x70: {  	_ =	shalt  }
0x71: {  	_ =	shalt  }
0x72: {  	_ =	shalt  }
0x73: {  	_ =	shalt  }
0x74: {  	_ =	shalt  }
0x75: {  	_ =	shalt  }
0x76: {  	_ =	shalt  }
0x77: {  	_ =	shalt  }
0x78: {  	_ =	shalt  }
0x79: {  	_ =	shalt  }
0x7a: {  	_ =	shalt  }
0x7b: {  	_ =	shalt  }
0x7c: {  	_ =	shalt  }
0x7d: {  	_ =	shalt  }
0x7e: {  	_ =	shalt  }
0x7f: {  	_ =	shalt  }
0x80: {  	_ =	shalt  }
0x81: {  	_ =	shalt  }
0x82: {  	_ =	shalt  }
0x83: {  	_ =	shalt  }
0x84: {  	_ =	shalt  }
0x85: {  	_ =	shalt  }
0x86: {  	_ =	shalt  }
0x87: {  	_ =	shalt  }
.Lfunc_end0:
.L_simem_size_0:
called_computation.1_lowered:
.L_overlay_start_0:
0x88: {  	s2 =	sld [smem:$0x3FD9]  }
0x89: {  	s3 =	sld [smem:$0x3FFE];
	_ =	sdelay $0x1  }
0x8a: {  	s1 =	srdreg.scid  }
0x8b: {  	s0 =	sand.u32 $0x1, s1  }
0x8c: {  	s17 =	sshll.u32 s0, $0xA;
	s2 =	sadd.s32 s3, s2  }
0x8d: {  	s2 =	sadd.s32 s2, s17  }
0x8e: {  	[smem:$0x3FC0] =	sst s2  }
0x8f: {  	_ = 	snop  }
0x90: {  	s2 =	sld [smem:$0x3FD0];
	(tm) =	ssettm $0x1  }
0x91: {  	s18 =	sld [smem:$0x3FFB];
	_ =	sdelay $0x3  }
0x92: {  	_ =	strace s18  }
0x93: {  	s3 =	sld [smem:$0x3FFC];
	_ =	sdelay $0x3  }
0x94: {  	_ =	strace s3  }
0x95: {  	s3 =	sld [smem:$0x3FFD];
	_ =	sdelay $0x3  }
0x96: {  	_ =	strace s3  }
0x97: {  	_ =	strace $0x8FFFFFFF  }
0x98: {  	s19 =	sld [smem:$0x3FDB];
	_ =	sdelay $0x1  }
0x99: {  	s4 =	simm.s32 $_scs_section_size  }
0x9a: {  	s5 =	simm.s32 $_size__tile_overlayer_lowered;
	s6 =	simm.s32 $_tile_overlayer_lowered  }
0x9b: {  	s22 =	simm.s32 $0x1BFF;
	s21 =	sshll.u32 s6, $0x1;
	s3 =	sadd.s32 s4, s19  }
0x9c: {  	s7 =	simm.s32 $0x0;
	s20 =	sshll.u32 s5, $0x1;
	s5 =	sadd.s32 s21, s3  }
0x9d: {  	[timem:s7], [sflag:s22] =	dma.local [hbm:s5], s20  }
0x9e: {  	_ =	swait.ge [sflag:s22], s20  }
0x9f: {  	s4 =	ssub.s32 $0x0, s20;
	[sflag:s22] =	ssyncset.done $0x0  }
0xa0: {  	[sflag:s22] =	ssyncadd.s32 s4;
	_ =	sdelay $0x1  }
0xa1: {  	s23 =	simm.s32 $0x1B8B  }
0xa2: {  	_ =	swait.ge [sflag:s23], $0x1  }
0xa3: {  	[sflag:s23] =	ssyncset.done $0x0  }
0xa4: {  	s25 =	simm.s32 $0x1B8E;
	s24 =	sld [smem:$0x3FFE];
	[sflag:s23] =	ssyncadd.s32 $0xFFFFFFFF  }
0xa5: {  	s26 =	simm.s32 $execute0_lowered;
	[smem:$0x3FD2] =	sst s25  }
0xa6: {  	s5 =	sshll.u32 s26, $0x1;
	_ =	strace $0x80000049;
	[dreg:$0x1] =	wrdreg $0xFFFFFFFF  }
0xa7: {  	s28 =	simm.s32 $_size_execute0_lowered;
	s3 =	sadd.s32 s3, s5;
	[dreg:$0x0] =	wrdreg $0x0  }
0xa8: {  	s5 =	sshll.u32 s28, $0x1;
	[dreg:$0x2] =	wrdreg s3  }
0xa9: {  	[dreg:$0x3] =	wrdreg s5  }
0xaa: {  	[dreg:$0x4] =	wrdreg $0xC0  }
0xab: {  	_ =	task [dreg:s7], $0x5FFFF  }
0xac: {  	[dreg:$0x1] =	wrdreg $0xFFFFFFFF  }
0xad: {  	[dreg:$0x0] =	wrdreg $0x60  }
0xae: {  	[dreg:$0x2] =	wrdreg s24  }
0xaf: {  	[dreg:$0x3] =	wrdreg s2  }
0xb0: {  	[dreg:$0x4] =	wrdreg $0x19A000  }
0xb1: {  	[dreg:$0x5] =	wrdreg $0x14A000  }
0xb2: {  	[dreg:$0x6] =	wrdreg $0x9  }
0xb3: {  	_ =	task.clear_ibuf [dreg:s7], $0x7FFFF;
	_ =	strace $0x90000049  }
0xb4: {  	s29 =	simm.s32 $0x9;
	_ =	strace $0x8000004B  }
0xb5: {  	_ =	swait.ge [sflag:s29], $0x1  }
0xb6: {  	[sflag:s29] =	ssyncadd.s32 $0xFFFFFFFF  }
0xb7: {  	_ =	strace $0x9000004B  }
0xb8: {  	_ =	sfence  }
0xb9: {  	s30 =	sld [smem:$0x0];
	_ =	sdelay $0x2  }
0xba: {  	s31 =	sshll.u32 s1, $0xD;
	s1 =	sshrl.u32 s1, $0x2  }
0xbb: {  	s3 =	sand.u32 $0x4000, s31;
	s1 =	sadd.s32 s1, s30  }
0xbc: {  	s0 =	sor.u32 s3, s0;
	s1 =	sshll.u32 s1, $0x11  }
0xbd: {  	s0 =	sor.u32 s1, s0  }
0xbe: {  	s0 =	sadd.s32 $0x8F2B, s0  }
0xbf: {  	[sflag:s0] =	ssyncadd.remote.s32 $0x1  }
0xc0: {  	_ =	sfence.sel $0xFFFF  }
0xc1: {  	[dreg:$0x0] =	wrdreg $0xFFFFFFFF;
	(pc) =	sbr.abs _section_cstart, $3  }
0xc2: {  	[dreg:$0x1] =	wrdreg $0xFFFFFFFF  }
0xc3: {  	_ =	task.clear_ibuf [dreg:s7], $0x2FFFF;
	_ =	strace $0x9FFFFFFF  }
0xc4: {  	(tm) =	ssettm $0x7FFFFFFF  }
0xc5: {  	_ =	shalt  }
tec
execute0_lowered:
.L_overlay_start_1:
0x0: {  	(tag) =	ssettag $0x1  }
0x1: {  	s0 =	rddreg [dreg:$0x0]  }
0x2: {  	s3 =	rddreg [dreg:$0x2]  }
0x3: {  	s4 =	rddreg [dreg:$0x3];
	s13 =	stileid.u32;
	s5 =	simm.s32 $0x0  }
0x4: {  	s2 =	srdreg.scid;
	s28 =	simm.s32 $0x80;
	s29 =	simm.s32 $0xA000  }
0x5: {  	s30 =	simm.s32 $0xB000;
	s31 =	simm.s32 $0x2;
	s1 =	smul.u32 $0x5000, s13  }
0x6: {  	[smem:$0x7FF] =	sst s5;
	s2 =	sand.u32 $0x1, s2;
	s7 =	sadd.s32 $0x16400, s0  }
0x7: {  	s9 =	sadd.s32 $0x3D600, s0;
	s15 =	sadd.s32 $0x3DA00, s0;
	p0 =	seq.s32 s13, $0xF  }
0x8: {  	p1 =	sne.s32 s13, $0xF;
	s16 =	smul.u32 $0x13880, s13;
	s10 =	sadd.s32 $0xC000, s0  }
0x9: {  	s17 =	sadd.s32 $0x15C40, s0;
	s12 =	smul.u32 $0x14000, s13;
	s21 =	sadd.s32 $0x4B000, s4  }
0xa: {  	s23 =	smul.u32 $0x2800, s13;
	_ =	strace $0x8000004A;
	[dreg:$0x5] =	wrdreg s9  }
0xb: {  	s26 =	sadd.s32 $0x3BC08, s0;
	s6 =	ssub.s32 $0x2, s2;
	[dreg:$0x6] =	wrdreg s10  }
0xc: {  	[dreg:$0x7] =	wrdreg s17;
	s19 =	sshll.u32 s2, $0x5;
	s11 =	sshll.u32 s2, $0x2  }
0xd: {  	p3 =	seq.s32 s2, $0x0;
	[dreg:$0x10] =	wrdreg s26;
	s9 =	sadd.s32 $0x4E200, s4  }
0xe: {  	s14 =	sshrl.u32 s21, $0x3;
	s17 =	sadd.s32 $0x4EC00, s4;
	s21 =	sadd.s32 $0x4F400, s4  }
0xf: {  	s26 =	sadd.s32 $0x4FE00, s4;
	s1 =	sshrl.u32 s1, $0x3;
	[dreg:$0x14] =	wrdreg s9  }
0x10: {  	s8 =	sshrl.u32 s6, $0x1;
	s20 =	sshrl.u32 s16, $0x2;
	[dreg:$0x18] =	wrdreg s14  }
0x11: {  	s11 =	sadd.s32 s11, s7;
	s22 =	sshrl.u32 s12, $0x2;
	[dreg:$0x1b] =	wrdreg s17  }
0x12: {  	p2 =	por !p3, !p1;
	s25 =	sor.u32 $0x8, s23;
	[dreg:$0x1f] =	wrdreg s21  }
0x13: {  	p3 =	por !p3, !p0;
	s23 =	sadd.s32 $0x4F800, s4;
	[smem:$0x7FD] =	sst s26  }
0x14: {  	s26 =	simm.s32 $0x11;
	s11 =	sadd.s32 $0x25800, s11;
	[smem:$0x7FA] =	sst s23  }
0x15: {  	s1 =	sadd.s32 s1, s0;
	s2 =	sadd.s32 s15, s25;
	[dreg:$0xb] =	wrdreg s11  }
0x16: {  	s6 =	ssub.s32 s6, s8;
	s0 =	sadd.s32 $0x63208, s0;
	[dreg:$0xf] =	wrdreg s2  }
0x17: {  	s8 =	sor.u32 s19, s16;
	s16 =	sadd.s32 $0x4EA00, s4;
	[dreg:$0x11] =	wrdreg s0  }
0x18: {  	s10 =	sadd.s32 s20, s3;
	s20 =	sadd.s32 $0x4F200, s4;
	[dreg:$0x1a] =	wrdreg s16  }
0x19: {  	s14 =	simm.s32 $0xF000;
	s18 =	sadd.s32 $0x2A00, s1;
	[dreg:$0x1e] =	wrdreg s20  }
0x1a: {  	s21 =	simm.s32 $0x5;
	s1 =	sadd.s32 $0xC640, s1;
	[dreg:$0x8] =	wrdreg s18  }
0x1b: {  	p2 =	por !p2, !p2;
	s11 =	sadd.s32 s22, s4;
	[dreg:$0x9] =	wrdreg s1  }
0x1c: {  	p3 =	por !p3, !p3;
	s13 =	sshrl.u32 s10, $0x3;
	[dreg:$0xc] =	wrdreg s11  }
0x1d: {  	s8 =	sshrl.u32 s8, $0x3;
	s22 =	sadd.s32 $0x4F600, s4;
	[dreg:$0x17] =	wrdreg s13  }
0x1e: {  	s23 =	simm.s32 $0x4;
	s8 =	sadd.s32 s7, s8;
	[smem:$0x7F9] =	sst s22  }
0x1f: {  	s0 =	simm.s32 $0xC000;
	s11 =	sadd.s32 $0x4E400, s4;
	[dreg:$0xa] =	wrdreg s8  }
0x20: {  	s1 =	sor.u32 s19, s12;
	s12 =	sadd.s32 $0x4E600, s4;
	[dreg:$0x15] =	wrdreg s11  }
0x21: {  	s16 =	simm.s32 $0x11000;
	s18 =	sadd.s32 $0x4EE00, s4;
	[dreg:$0x16] =	wrdreg s12  }
0x22: {  	s10 =	simm.s32 $0xB;
	s19 =	sadd.s32 $0x4F000, s4;
	[dreg:$0x1c] =	wrdreg s18  }
0x23: {  	s22 =	simm.s32 $0x1;
	s1 =	sshrl.u32 s1, $0x3;
	[dreg:$0x1d] =	wrdreg s19  }
0x24: {  	s18 =	simm.s32 $0x10;
	s12 =	simm.s32 $0xD000;
	s24 =	sadd.s32 s7, s1  }
0x25: {  	s11 =	simm.s32 $0xC;
	s7 =	sadd.s32 s7, s25;
	[dreg:$0xd] =	wrdreg s24  }
0x26: {  	s19 =	simm.s32 $0x12000;
	s2 =	sadd.s32 s15, s1;
	[dreg:$0xe] =	wrdreg s7  }
.Ltmp0:
0x27: {  	s15 =	sadd.s32 $0x4E800, s4;
	[dreg:$0x12] =	wrdreg s2;
	(pc) =	sbr.rel .LBB2_1-.Ltmp0, $4  }
0x28: {  	s25 =	sadd.s32 $0x4FC00, s4;
	s1 =	simm.s32 $0xE000;
	[dreg:$0x19] =	wrdreg s15  }
0x29: {  	s7 =	smax.u32 s6, $0x1;
	s24 =	sadd.s32 $0x4FA00, s4;
	[smem:$0x7FC] =	sst s25  }
0x2a: {  	s15 =	simm.s32 $0x3;
	s2 =	simm.s32 $0x10000;
	[dreg:$0x13] =	wrdreg s7  }
0x2b: {  	v0 =	vimm.f32 $0.0e+00;
	s6 =	simm.s32 $0x7;
	[smem:$0x7FB] =	sst s24;
	s7 =	simm.s32 $0x8  }
.LBB2_7:
0x2c: {  	_ =	swait.ge [sflag:s7], $0x1000  }
0x2d: {  	[sflag:s7] =	ssyncset.done $0x0  }
0x2e: {  	s8 =	simm.s32 $0x9;
	[sflag:s7] =	ssyncadd.s32 $0xFFFFF000  }
0x2f: {  	[spmem:s4] =	stream.indirect.scatter.add.f32 [tilespmem:s16], [sflag:$0x10], $0x20, s13, s28, $0xb8;
	[tilespmem:$0x1E820] =	vst v63  }
0x30: {  	_ =	swait.ge [sflag:s8], $0x1000  }
0x31: {  	[sflag:s8] =	ssyncset.done $0x0  }
0x32: {  	s18 =	simm.s32 $0xA;
	[sflag:s8] =	ssyncadd.s32 $0xFFFFF000  }
0x33: {  	_ =	swait.ge [sflag:s18], $0x1000  }
0x34: {  	[sflag:s18] =	ssyncset.done $0x0  }
0x35: {  	[sflag:s18] =	ssyncadd.s32 $0xFFFFF000  }
0x36: {  	_ =	swait.ge [sflag:s10], $0x1000  }
0x37: {  	[sflag:s10] =	ssyncset.done $0x0  }
0x38: {  	[sflag:s10] =	ssyncadd.s32 $0xFFFFF000  }
0x39: {  	_ =	swait.ge [sflag:s11], $0x1000  }
0x3a: {  	[sflag:s11] =	ssyncset.done $0x0  }
0x3b: {  	s25 =	simm.s32 $0xD;
	[sflag:s11] =	ssyncadd.s32 $0xFFFFF000  }
0x3c: {  	_ =	swait.ge [sflag:s25], $0x1000  }
0x3d: {  	[sflag:s25] =	ssyncset.done $0x0  }
0x3e: {  	s9 =	simm.s32 $0xE;
	[sflag:s25] =	ssyncadd.s32 $0xFFFFF000  }
0x3f: {  	_ =	swait.ge [sflag:s9], $0x1000  }
0x40: {  	[sflag:s9] =	ssyncset.done $0x0  }
0x41: {  	s13 =	simm.s32 $0xF;
	[sflag:s9] =	ssyncadd.s32 $0xFFFFF000  }
0x42: {  	_ =	swait.ge [sflag:s13], $0x1000  }
0x43: {  	[sflag:s13] =	ssyncset.done $0x0  }
0x44: {  	s18 =	simm.s32 $0x10;
	[sflag:s13] =	ssyncadd.s32 $0xFFFFF000  }
0x45: {  	_ =	swait.ge [sflag:s18], $0x1000  }
0x46: {  	[sflag:s18] =	ssyncset.done $0x0  }
0x47: {  	[sflag:s18] =	ssyncadd.s32 $0xFFFFF000  }
0x48: {  	[bflag:$0x0] =	sbarrier.arrive $0xFFFF  }
0x49: {  	s17 =	rddreg [dreg:$0x12]  }
0x4a: {  	[hbm:s17@s18], [sflag:s20] =	dma.strided [spmem:s24@s23], $0xA00, s22, $0x4   }
0x4b: {  	_ =	swait.ge [sflag:s26], $0xA00  }
0x4c: {  	s5 =	sadd.s32 $0x1, s5;
	s25 =	rddreg [dreg:$0x13]  }
0x4d: {  	p4 =	sne.s32 s5, s25  }
.Ltmp1:
0x4e: {  	_ = 	snop;
	(pc) =	sbr.rel @!p4 .LBB2_8-.Ltmp1, $3  }
0x4f: {  	_ =	sdelay $0x1  }
0x50: {  	[sflag:s26] =	ssyncset.done $0x0  }
0x51: {  	[sflag:s26] =	ssyncadd.s32 $0xFFFFF600  }
.LBB2_1:
0x52: {  	s8 =	simm.s32 @p0 $0x0;
	s9 =	rddreg [dreg:$0x6]  }
0x53: {  	[tilespmem:s8], [sflag:$0x11] =	stream.linear.gather @p0 [hbm4b:s9+s8], $0x3200, $0x38;
	[tilespmem:$0x1E820] =	vst v63  }
0x54: {  	s9 =	simm.s32 @p0 $0x11  }
0x55: {  	_ =	swait.ge @p0 [sflag:s9], $0x3200  }
0x56: {  	[sflag:s9] =	ssyncset.done @p0 $0x0  }
0x57: {  	s13 =	simm.s32 @p0 $0x5000;
	s17 =	rddreg [dreg:$0x7];
	[sflag:s9] =	ssyncadd.s32 @p0 $0xFFFFCE00  }
0x58: {  	[tilespmem:s13], [sflag:$0x11] =	stream.linear.gather @p0 [hbm4b:s17+s8], $0x3200, $0x38;
	[tilespmem:$0x1E820] =	vst v63  }
0x59: {  	_ =	swait.ge @p0 [sflag:s9], $0x3200  }
0x5a: {  	[sflag:s9] =	ssyncset.done @p0 $0x0  }
0x5b: {  	s13 =	simm.s32 @p0 $0x3200;
	s17 =	rddreg [dreg:$0x5];
	[sflag:s9] =	ssyncadd.s32 @p0 $0xFFFFCE00  }
0x5c: {  	[tilespmem:s13], [sflag:$0x11] =	stream.linear.gather @p0 [hbm4b:s17+s8], $0x1E00, $0x38;
	[tilespmem:$0x1E820] =	vst v63  }
0x5d: {  	_ =	swait.ge @p0 [sflag:s9], $0x1E00  }
0x5e: {  	[sflag:s9] =	ssyncset.done @p0 $0x0  }
0x5f: {  	[sflag:s9] =	ssyncadd.s32 @p0 $0xFFFFE200  }
0x60: {  	s13 =	simm.s32 @p0 $0x8200;
	s17 =	rddreg [dreg:$0x1]  }
0x61: {  	[tilespmem:s13], [sflag:$0x11] =	stream.linear.gather @p0 [hbm4b:s17+s8], $0x1E00, $0x38;
	[tilespmem:$0x1E820] =	vst v63  }
0x62: {  	_ =	swait.ge @p0 [sflag:s9], $0x1E00  }
0x63: {  	[sflag:s9] =	ssyncset.done @p0 $0x0  }
0x64: {  	s8 =	simm.s32 @!p0 $0x0;
	[sflag:s9] =	ssyncadd.s32 @p0 $0xFFFFE200;
	s9 =	rddreg [dreg:$0x8]  }
0x65: {  	[tilespmem:s8], [sflag:$0x11] =	stream.linear.gather @!p0 [hbm4b:s9+s8], $0x5000, $0x38;
	[tilespmem:$0x1E820] =	vst v63  }
0x66: {  	s9 =	simm.s32 @!p0 $0x11  }
0x67: {  	_ =	swait.ge @!p0 [sflag:s9], $0x5000  }
0x68: {  	[sflag:s9] =	ssyncset.done @!p0 $0x0  }
0x69: {  	s13 =	simm.s32 @!p0 $0x5000;
	s17 =	rddreg [dreg:$0x9];
	[sflag:s9] =	ssyncadd.s32 @!p0 $0xFFFFB000  }
0x6a: {  	[tilespmem:s13], [sflag:$0x11] =	stream.linear.gather @!p0 [hbm4b:s17+s8], $0x5000, $0x38;
	[tilespmem:$0x1E820] =	vst v63  }
0x6b: {  	s13 =	stileid.u32;
	_ =	swait.ge @!p0 [sflag:s9], $0x5000  }
0x6c: {  	s8 =	sshll.u32 s13, $0x6;
	[sflag:s9] =	ssyncset.done @!p0 $0x0;
	s17 =	rddreg [dreg:$0xa]  }
0x6d: {  	s20 =	sor.u32 $0x1C11, s8;
	s24 =	rddreg [dreg:$0x17];
	[sflag:s9] =	ssyncadd.s32 @!p0 $0xFFFFB000  }
0x6e: {  	[spmem:s24@s23], [sflag:s20] =	dma.strided [hbm:s17@s18], $0x9C4, s22, $0x4   }
0x6f: {  	_ =	swait.ge [sflag:s26], $0x9C4  }
0x70: {  	[sflag:s26] =	ssyncset.done $0x0  }
0x71: {  	[sflag:s26] =	ssyncadd.s32 $0xFFFFF63C  }
0x72: {  	[tilespmem:$0x12000] =	vst v0  }
0x73: {  	[tilespmem:$0x12010] =	vst v0  }
0x74: {  	[tilespmem:$0x12020] =	vst v0  }
0x75: {  	[tilespmem:$0x12030] =	vst v0  }
0x76: {  	[tilespmem:$0x12040] =	vst v0  }
0x77: {  	[tilespmem:$0x12050] =	vst v0  }
0x78: {  	[tilespmem:$0x12060] =	vst v0  }
0x79: {  	[tilespmem:$0x12070] =	vst v0  }
0x7a: {  	[tilespmem:$0x12080] =	vst v0  }
0x7b: {  	[tilespmem:$0x12090] =	vst v0  }
0x7c: {  	[tilespmem:$0x120A0] =	vst v0  }
0x7d: {  	[tilespmem:$0x120B0] =	vst v0  }
0x7e: {  	[tilespmem:$0x120C0] =	vst v0  }
0x7f: {  	[tilespmem:$0x120D0] =	vst v0  }
0x80: {  	[tilespmem:$0x120E0] =	vst v0  }
0x81: {  	[tilespmem:$0x120F0] =	vst v0  }
0x82: {  	[tilespmem:$0x12100] =	vst v0  }
0x83: {  	[tilespmem:$0x12110] =	vst v0  }
0x84: {  	[tilespmem:$0x12120] =	vst v0  }
0x85: {  	[tilespmem:$0x12130] =	vst v0  }
0x86: {  	[tilespmem:$0x12140] =	vst v0  }
0x87: {  	[tilespmem:$0x12150] =	vst v0  }
0x88: {  	[tilespmem:$0x12160] =	vst v0  }
0x89: {  	[tilespmem:$0x12170] =	vst v0  }
0x8a: {  	[tilespmem:$0x12180] =	vst v0  }
0x8b: {  	[tilespmem:$0x12190] =	vst v0  }
0x8c: {  	[tilespmem:$0x121A0] =	vst v0  }
.Ltmp2:
0x8d: {  	[tilespmem:$0x121B0] =	vst v0;
	(pc) =	sbr.rel @!p1 .LBB2_2-.Ltmp2, $4  }
0x8e: {  	[tilespmem:$0x121C0] =	vst v0  }
0x8f: {  	[tilespmem:$0x121D0] =	vst v0  }
0x90: {  	s25 =	rddreg [dreg:$0xc];
	[tilespmem:$0x121E0] =	vst v0  }
0x91: {  	s24 =	sshrl.u32 s25, $0x3;
	[tilespmem:$0x121F0] =	vst v0  }
0x92: {  	s8 =	rddreg [dreg:$0xd]  }
0x93: {  	[spmem:s24@s23], [sflag:s20] =	dma.strided [hbm:s8@s18], $0xA00, s22, $0x4   }
0x94: {  	_ =	swait.ge [sflag:s26], $0xA00  }
0x95: {  	s9 =	simm.s32 @p2 $0x80;
	s13 =	simm.s32 @p2 $0x12200;
	[sflag:s26] =	ssyncset.done $0x0  }
0x96: {  	s8 =	simm.s32 @p2 $0x10;
	s17 =	rddreg [dreg:$0xe];
	[sflag:s26] =	ssyncadd.s32 $0xFFFFF600  }
0x97: {  	[tilespmem:s13], [sflag:$0x11] =	stream.strided.gather @p2 [hbm4b:s17+s8], $0x2800, s9, s8, $0x38;
	[tilespmem:$0x1E820] =	vst v63  }
0x98: {  	s17 =	simm.s32 @p2 $0x11  }
0x99: {  	_ =	swait.ge @p2 [sflag:s17], $0x2800  }
0x9a: {  	[sflag:s17] =	ssyncset.done @p2 $0x0  }
.Ltmp3:
0x9b: {  	s18 =	rddreg [dreg:$0xf];
	[sflag:s17] =	ssyncadd.s32 @p2 $0xFFFFD800;
	(pc) =	sbr.rel .LBB2_4-.Ltmp3, $4  }
0x9c: {  	[hbm4b:s18+s8] =	stream.strided.scatter @p2 [tilespmem:s13], [sflag:$0x11], $0x2800, s9, s8, $0x38;
	[tilespmem:$0x1E820] =	vst v63  }
0x9d: {  	_ =	swait.ge @p2 [sflag:s17], $0x2800  }
0x9e: {  	[sflag:s17] =	ssyncset.done @p2 $0x0  }
0x9f: {  	[sflag:s17] =	ssyncadd.s32 @p2 $0xFFFFD800  }
.LBB2_2:
0xa0: {  	s8 =	rddreg [dreg:$0xb]  }
0xa1: {  	s9 =	rddreg [dreg:$0x18]  }
0xa2: {  	[spmem:s9@s23], [sflag:s20] =	dma.strided [hbm:s8@s18], $0x640, s22, $0x4   }
0xa3: {  	_ =	swait.ge [sflag:s26], $0x640  }
0xa4: {  	[sflag:s26] =	ssyncset.done $0x0  }
0xa5: {  	s9 =	rddreg [dreg:$0x14];
	[sflag:s26] =	ssyncadd.s32 $0xFFFFF9C0  }
0xa6: {  	[spmem:s9] =	stream.linear.scatter [tilespmem:s19], [sflag:$0x11], $0x200, $0x38;
	[tilespmem:$0x1E820] =	vst v63  }
0xa7: {  	_ =	swait.ge [sflag:s26], $0x200  }
0xa8: {  	[sflag:s26] =	ssyncset.done $0x0  }
0xa9: {  	s13 =	rddreg [dreg:$0x15];
	[sflag:s26] =	ssyncadd.s32 $0xFFFFFE00  }
0xaa: {  	[spmem:s13] =	stream.linear.scatter [tilespmem:s19], [sflag:$0x11], $0x200, $0x38;
	[tilespmem:$0x1E820] =	vst v63  }
0xab: {  	_ =	swait.ge [sflag:s26], $0x200  }
0xac: {  	[sflag:s26] =	ssyncset.done $0x0  }
0xad: {  	s17 =	rddreg [dreg:$0x16];
	[sflag:s26] =	ssyncadd.s32 $0xFFFFFE00  }
0xae: {  	[spmem:s17] =	stream.linear.scatter [tilespmem:s19], [sflag:$0x11], $0x200, $0x38;
	[tilespmem:$0x1E820] =	vst v63  }
0xaf: {  	_ =	swait.ge [sflag:s26], $0x200  }
0xb0: {  	[sflag:s26] =	ssyncset.done $0x0  }
0xb1: {  	s18 =	rddreg [dreg:$0x19];
	[sflag:s26] =	ssyncadd.s32 $0xFFFFFE00  }
0xb2: {  	[spmem:s18] =	stream.linear.scatter [tilespmem:s19], [sflag:$0x11], $0x200, $0x38;
	[tilespmem:$0x1E820] =	vst v63  }
0xb3: {  	_ =	swait.ge [sflag:s26], $0x200  }
0xb4: {  	[sflag:s26] =	ssyncset.done $0x0  }
0xb5: {  	s25 =	rddreg [dreg:$0x1a];
	[sflag:s26] =	ssyncadd.s32 $0xFFFFFE00  }
0xb6: {  	[spmem:s25] =	stream.linear.scatter [tilespmem:s19], [sflag:$0x11], $0x200, $0x38;
	[tilespmem:$0x1E820] =	vst v63  }
0xb7: {  	_ =	swait.ge [sflag:s26], $0x200  }
0xb8: {  	[sflag:s26] =	ssyncset.done $0x0  }
0xb9: {  	s9 =	rddreg [dreg:$0x1b];
	[sflag:s26] =	ssyncadd.s32 $0xFFFFFE00  }
0xba: {  	[spmem:s9] =	stream.linear.scatter [tilespmem:s19], [sflag:$0x11], $0x200, $0x38;
	[tilespmem:$0x1E820] =	vst v63  }
0xbb: {  	_ =	swait.ge [sflag:s26], $0x200  }
0xbc: {  	[sflag:s26] =	ssyncset.done $0x0  }
0xbd: {  	s13 =	rddreg [dreg:$0x1c];
	[sflag:s26] =	ssyncadd.s32 $0xFFFFFE00  }
0xbe: {  	[spmem:s13] =	stream.linear.scatter [tilespmem:s19], [sflag:$0x11], $0x200, $0x38;
	[tilespmem:$0x1E820] =	vst v63  }
0xbf: {  	_ =	swait.ge [sflag:s26], $0x200  }
0xc0: {  	[sflag:s26] =	ssyncset.done $0x0  }
0xc1: {  	s17 =	rddreg [dreg:$0x1d];
	[sflag:s26] =	ssyncadd.s32 $0xFFFFFE00  }
0xc2: {  	[spmem:s17] =	stream.linear.scatter [tilespmem:s19], [sflag:$0x11], $0x200, $0x38;
	[tilespmem:$0x1E820] =	vst v63  }
0xc3: {  	_ =	swait.ge [sflag:s26], $0x200  }
0xc4: {  	[sflag:s26] =	ssyncset.done $0x0  }
0xc5: {  	s18 =	rddreg [dreg:$0x1e];
	[sflag:s26] =	ssyncadd.s32 $0xFFFFFE00  }
0xc6: {  	[spmem:s18] =	stream.linear.scatter [tilespmem:s19], [sflag:$0x11], $0x200, $0x38;
	[tilespmem:$0x1E820] =	vst v63  }
0xc7: {  	_ =	swait.ge [sflag:s26], $0x200  }
0xc8: {  	[sflag:s26] =	ssyncset.done $0x0  }
0xc9: {  	s25 =	rddreg [dreg:$0x1f];
	[sflag:s26] =	ssyncadd.s32 $0xFFFFFE00  }
0xca: {  	[spmem:s25] =	stream.linear.scatter [tilespmem:s19], [sflag:$0x11], $0x200, $0x38;
	[tilespmem:$0x1E820] =	vst v63  }
0xcb: {  	_ =	swait.ge [sflag:s26], $0x200  }
0xcc: {  	s9 =	sld [smem:$0x7F9]  }
0xcd: {  	[sflag:s26] =	ssyncset.done $0x0  }
0xce: {  	[sflag:s26] =	ssyncadd.s32 $0xFFFFFE00  }
0xcf: {  	[spmem:s9] =	stream.linear.scatter [tilespmem:s19], [sflag:$0x11], $0x200, $0x38;
	[tilespmem:$0x1E820] =	vst v63  }
0xd0: {  	_ =	swait.ge [sflag:s26], $0x200  }
0xd1: {  	s13 =	sld [smem:$0x7FA]  }
0xd2: {  	[sflag:s26] =	ssyncset.done $0x0  }
0xd3: {  	[sflag:s26] =	ssyncadd.s32 $0xFFFFFE00  }
0xd4: {  	[spmem:s13] =	stream.linear.scatter [tilespmem:s19], [sflag:$0x11], $0x200, $0x38;
	[tilespmem:$0x1E820] =	vst v63  }
0xd5: {  	_ =	swait.ge [sflag:s26], $0x200  }
0xd6: {  	s17 =	sld [smem:$0x7FB]  }
0xd7: {  	[sflag:s26] =	ssyncset.done $0x0  }
0xd8: {  	[sflag:s26] =	ssyncadd.s32 $0xFFFFFE00  }
0xd9: {  	[spmem:s17] =	stream.linear.scatter [tilespmem:s19], [sflag:$0x11], $0x200, $0x38;
	[tilespmem:$0x1E820] =	vst v63  }
0xda: {  	_ =	swait.ge [sflag:s26], $0x200  }
0xdb: {  	s18 =	sld [smem:$0x7FC]  }
0xdc: {  	[sflag:s26] =	ssyncset.done $0x0  }
0xdd: {  	[sflag:s26] =	ssyncadd.s32 $0xFFFFFE00  }
0xde: {  	[spmem:s18] =	stream.linear.scatter [tilespmem:s19], [sflag:$0x11], $0x200, $0x38;
	[tilespmem:$0x1E820] =	vst v63  }
0xdf: {  	_ =	swait.ge [sflag:s26], $0x200  }
0xe0: {  	s25 =	sld [smem:$0x7FD]  }
0xe1: {  	[sflag:s26] =	ssyncset.done $0x0  }
0xe2: {  	[sflag:s26] =	ssyncadd.s32 $0xFFFFFE00  }
0xe3: {  	[spmem:s25] =	stream.linear.scatter [tilespmem:s19], [sflag:$0x11], $0x200, $0x38;
	[tilespmem:$0x1E820] =	vst v63  }
0xe4: {  	_ =	swait.ge [sflag:s26], $0x200  }
0xe5: {  	[sflag:s26] =	ssyncset.done $0x0  }
0xe6: {  	[sflag:s26] =	ssyncadd.s32 $0xFFFFFE00  }
.LBB2_4:
0xe7: {  	s8 =	simm.s32 @p3 $0x10  }
0xe8: {  	s9 =	simm.s32 @p3 $0x80;
	s13 =	simm.s32 @p3 $0x12200;
	s17 =	rddreg [dreg:$0x10]  }
0xe9: {  	[tilespmem:s13], [sflag:$0x11] =	stream.strided.gather @p3 [hbm4b:s17+s8], $0x1900, s9, s8, $0x38;
	[tilespmem:$0x1E820] =	vst v63  }
0xea: {  	s17 =	simm.s32 @p3 $0x11  }
0xeb: {  	_ =	swait.ge @p3 [sflag:s17], $0x1900  }
0xec: {  	[sflag:s17] =	ssyncset.done @p3 $0x0  }
0xed: {  	s18 =	rddreg [dreg:$0x11];
	[sflag:s17] =	ssyncadd.s32 @p3 $0xFFFFE700  }
0xee: {  	[hbm4b:s18+s8] =	stream.strided.scatter @p3 [tilespmem:s13], [sflag:$0x11], $0x1900, s9, s8, $0x38;
	[tilespmem:$0x1E820] =	vst v63  }
0xef: {  	_ =	swait.ge @p3 [sflag:s17], $0x1900  }
0xf0: {  	[sflag:s17] =	ssyncset.done @p3 $0x0  }
0xf1: {  	[sflag:s17] =	ssyncadd.s32 @p3 $0xFFFFE700  }
0xf2: {  	s8 =	simm.s32 $0x0;
	[bflag:$0x0] =	sbarrier.arrive $0xFFFF  }
0xf3: {  	[tilespmem:s29], [sflag:$0x1] =	stream.indirect.gather [spmem:s3], $0x20, s8, s28, $0xb8;
	[tilespmem:$0x1E820] =	vst v63  }
0xf4: {  	_ = 	snop  }
0xf5: {  	[tilespmem:s30], [sflag:$0x2] =	stream.indirect.gather [spmem:s3], $0x20, s28, s28, $0xb8;
	[tilespmem:$0x1E820] =	vst v63  }
0xf6: {  	s18 =	simm.s32 $0x100  }
0xf7: {  	[tilespmem:s0], [sflag:$0x3] =	stream.indirect.gather [spmem:s3], $0x20, s18, s28, $0xb8;
	[tilespmem:$0x1E820] =	vst v63  }
0xf8: {  	s25 =	simm.s32 $0x180  }
0xf9: {  	[tilespmem:s12], [sflag:$0x4] =	stream.indirect.gather [spmem:s3], $0x20, s25, s28, $0xb8;
	[tilespmem:$0x1E820] =	vst v63  }
.LBB2_5:
0xfa: {  	_ =	swait.ge [sflag:s22], $0x1000  }
0xfb: {  	s9 =	sshra.s32 s8, $0x2;
	[sflag:s22] =	ssyncset.done $0x0  }
0xfc: {  	p4 =	seq.s32 s8, $0x0;
	s13 =	sadd.s32 $0x5000, s9;
	[sflag:s22] =	ssyncadd.s32 $0xFFFFF000  }
0xfd: {  	[spmem:s4] =	stream.indirect.scatter.add.f32 [tilespmem:s29], [sflag:$0x9], $0x20, s13, s28, $0xb8;
	[tilespmem:$0x1E820] =	vst v63  }
0xfe: {  	s13 =	simm.s32 @!p4 $0xD  }
0xff: {  	_ =	swait.ge @!p4 [sflag:s13], $0x1000  }
0x100: {  	[sflag:s13] =	ssyncset.done @!p4 $0x0  }
0x101: {  	s17 =	sadd.s32 $0x200, s9;
	[sflag:s13] =	ssyncadd.s32 @!p4 $0xFFFFF000  }
0x102: {  	[tilespmem:s1], [sflag:$0x5] =	stream.indirect.gather [spmem:s3], $0x20, s17, s28, $0xb8;
	[tilespmem:$0x1E820] =	vst v63  }
0x103: {  	_ =	swait.ge [sflag:s31], $0x1000  }
0x104: {  	[sflag:s31] =	ssyncset.done $0x0  }
0x105: {  	s18 =	sadd.s32 $0x5080, s9;
	s13 =	simm.s32 @!p4 $0xE;
	[sflag:s31] =	ssyncadd.s32 $0xFFFFF000  }
0x106: {  	[spmem:s4] =	stream.indirect.scatter.add.f32 [tilespmem:s30], [sflag:$0xA], $0x20, s18, s28, $0xb8;
	[tilespmem:$0x1E820] =	vst v63  }
0x107: {  	_ =	swait.ge @!p4 [sflag:s13], $0x1000  }
0x108: {  	[sflag:s13] =	ssyncset.done @!p4 $0x0  }
0x109: {  	s25 =	sadd.s32 $0x280, s9;
	[sflag:s13] =	ssyncadd.s32 @!p4 $0xFFFFF000  }
0x10a: {  	[tilespmem:s14], [sflag:$0x6] =	stream.indirect.gather [spmem:s3], $0x20, s25, s28, $0xb8;
	[tilespmem:$0x1E820] =	vst v63  }
0x10b: {  	_ =	swait.ge [sflag:s15], $0x1000  }
0x10c: {  	[sflag:s15] =	ssyncset.done $0x0  }
0x10d: {  	s17 =	sadd.s32 $0x5100, s9;
	s13 =	simm.s32 @!p4 $0xF;
	[sflag:s15] =	ssyncadd.s32 $0xFFFFF000  }
0x10e: {  	[spmem:s4] =	stream.indirect.scatter.add.f32 [tilespmem:s0], [sflag:$0xB], $0x20, s17, s28, $0xb8;
	[tilespmem:$0x1E820] =	vst v63  }
0x10f: {  	_ =	swait.ge @!p4 [sflag:s13], $0x1000  }
0x110: {  	[sflag:s13] =	ssyncset.done @!p4 $0x0  }
0x111: {  	s18 =	sadd.s32 $0x300, s9;
	[sflag:s13] =	ssyncadd.s32 @!p4 $0xFFFFF000  }
0x112: {  	[tilespmem:s2], [sflag:$0x7] =	stream.indirect.gather [spmem:s3], $0x20, s18, s28, $0xb8;
	[tilespmem:$0x1E820] =	vst v63  }
0x113: {  	_ =	swait.ge [sflag:s23], $0x1000  }
0x114: {  	[sflag:s23] =	ssyncset.done $0x0  }
0x115: {  	s25 =	sadd.s32 $0x5180, s9;
	s13 =	simm.s32 @!p4 $0x10;
	[sflag:s23] =	ssyncadd.s32 $0xFFFFF000  }
0x116: {  	[spmem:s4] =	stream.indirect.scatter.add.f32 [tilespmem:s12], [sflag:$0xC], $0x20, s25, s28, $0xb8;
	[tilespmem:$0x1E820] =	vst v63  }
0x117: {  	_ =	swait.ge @!p4 [sflag:s13], $0x1000  }
0x118: {  	[sflag:s13] =	ssyncset.done @!p4 $0x0  }
0x119: {  	s17 =	sadd.s32 $0x380, s9;
	[sflag:s13] =	ssyncadd.s32 @!p4 $0xFFFFF000  }
0x11a: {  	[tilespmem:s16], [sflag:$0x8] =	stream.indirect.gather [spmem:s3], $0x20, s17, s28, $0xb8;
	[tilespmem:$0x1E820] =	vst v63  }
0x11b: {  	_ =	swait.ge [sflag:s21], $0x1000  }
0x11c: {  	p4 =	seq.s32 s8, $0x13000;
	[sflag:s21] =	ssyncset.done $0x0  }
0x11d: {  	s18 =	sadd.s32 $0x5200, s9;
	s13 =	simm.s32 @p4 $0x6;
	[sflag:s21] =	ssyncadd.s32 $0xFFFFF000  }
0x11e: {  	[spmem:s4] =	stream.indirect.scatter.add.f32 [tilespmem:s1], [sflag:$0xD], $0x20, s18, s28, $0xb8;
	[tilespmem:$0x1E820] =	vst v63  }
0x11f: {  	_ =	swait.ge @p4 [sflag:s13], $0x1000  }
0x120: {  	[sflag:s13] =	ssyncset.done @p4 $0x0  }
0x121: {  	[sflag:s13] =	ssyncadd.s32 @p4 $0xFFFFF000;
	s13 =	sshra.s32 @p4 s8, $0x2  }
0x122: {  	s17 =	simm.s32 @p4 $0x80;
	s18 =	simm.s32 @p4 $0xF000;
	s13 =	sadd.s32 @p4 $0x5280, s13  }
0x123: {  	[spmem:s4] =	stream.indirect.scatter.add.f32 @p4 [tilespmem:s18], [sflag:$0xE], $0x20, s13, s17, $0xb8;
	[tilespmem:$0x1E820] =	vst v63  }
0x124: {  	s13 =	simm.s32 @!p4 $0x9  }
0x125: {  	_ =	swait.ge @!p4 [sflag:s13], $0x1000  }
0x126: {  	[sflag:s13] =	ssyncset.done @!p4 $0x0  }
0x127: {  	[sflag:s13] =	ssyncadd.s32 @!p4 $0xFFFFF000;
	s13 =	sshra.s32 @!p4 s8, $0x2  }
0x128: {  	s25 =	simm.s32 @!p4 $0xA000;
	s18 =	simm.s32 @!p4 $0x80;
	s17 =	sadd.s32 @!p4 $0x400, s13  }
0x129: {  	[tilespmem:s25], [sflag:$0x1] =	stream.indirect.gather @!p4 [spmem:s3], $0x20, s17, s18, $0xb8;
	[tilespmem:$0x1E820] =	vst v63  }
0x12a: {  	s17 =	simm.s32 @!p4 $0x6  }
0x12b: {  	_ =	swait.ge @!p4 [sflag:s17], $0x1000  }
0x12c: {  	[sflag:s17] =	ssyncset.done @!p4 $0x0  }
0x12d: {  	s25 =	simm.s32 @!p4 $0xF000;
	[sflag:s17] =	ssyncadd.s32 @!p4 $0xFFFFF000;
	s17 =	sadd.s32 @!p4 $0x5280, s13  }
0x12e: {  	[spmem:s4] =	stream.indirect.scatter.add.f32 @!p4 [tilespmem:s25], [sflag:$0xE], $0x20, s17, s18, $0xb8;
	[tilespmem:$0x1E820] =	vst v63  }
0x12f: {  	s17 =	simm.s32 @!p4 $0xA  }
0x130: {  	_ =	swait.ge @!p4 [sflag:s17], $0x1000  }
0x131: {  	[sflag:s17] =	ssyncset.done @!p4 $0x0  }
0x132: {  	s13 =	sadd.s32 @!p4 $0x480, s13;
	[sflag:s17] =	ssyncadd.s32 @!p4 $0xFFFFF000;
	s17 =	simm.s32 @!p4 $0xB000  }
0x133: {  	[tilespmem:s17], [sflag:$0x2] =	stream.indirect.gather @!p4 [spmem:s3], $0x20, s13, s18, $0xb8;
	[tilespmem:$0x1E820] =	vst v63  }
.Ltmp4:
0x134: {  	_ = 	snop;
	(pc) =	sbr.rel @p4 .LBB2_7-.Ltmp4, $4  }
0x135: {  	_ =	swait.ge [sflag:s6], $0x1000  }
0x136: {  	[sflag:s6] =	ssyncset.done $0x0  }
0x137: {  	s25 =	sadd.s32 $0x5300, s9;
	s13 =	sadd.s32 $0x5380, s9;
	[sflag:s6] =	ssyncadd.s32 $0xFFFFF000  }
0x138: {  	[spmem:s4] =	stream.indirect.scatter.add.f32 [tilespmem:s2], [sflag:$0xF], $0x20, s25, s28, $0xb8;
	[tilespmem:$0x1E820] =	vst v63  }
0x139: {  	_ =	swait.ge [sflag:s10], $0x1000  }
0x13a: {  	[sflag:s10] =	ssyncset.done $0x0  }
0x13b: {  	s17 =	sadd.s32 $0x500, s9;
	[sflag:s10] =	ssyncadd.s32 $0xFFFFF000  }
0x13c: {  	[tilespmem:s0], [sflag:$0x3] =	stream.indirect.gather [spmem:s3], $0x20, s17, s28, $0xb8;
	[tilespmem:$0x1E820] =	vst v63  }
0x13d: {  	_ =	swait.ge [sflag:s7], $0x1000  }
0x13e: {  	[sflag:s7] =	ssyncset.done $0x0  }
0x13f: {  	[sflag:s7] =	ssyncadd.s32 $0xFFFFF000  }
0x140: {  	[spmem:s4] =	stream.indirect.scatter.add.f32 [tilespmem:s16], [sflag:$0x10], $0x20, s13, s28, $0xb8;
	[tilespmem:$0x1E820] =	vst v63  }
.Ltmp5:
0x141: {  	_ = 	snop;
	(pc) =	sbr.rel .LBB2_5-.Ltmp5, $4  }
0x142: {  	_ =	swait.ge [sflag:s11], $0x1000  }
0x143: {  	[sflag:s11] =	ssyncset.done $0x0  }
0x144: {  	s25 =	sadd.s32 $0x580, s9;
	s8 =	sadd.s32 $0x1000, s8;
	[sflag:s11] =	ssyncadd.s32 $0xFFFFF000  }
0x145: {  	[tilespmem:s12], [sflag:$0x4] =	stream.indirect.gather [spmem:s3], $0x20, s25, s28, $0xb8;
	[tilespmem:$0x1E820] =	vst v63  }
.LBB2_8:
0x146: {  	_ =	sfence.sel $0x180000  }
0x147: {  	[bflag:$0x0] =	sbarrier.arrive $0xFFFF  }
0x148: {  	_ =	strace $0x9000004A  }
0x149: {  	s0 =	stileid.u32;
	[bflag:$0x2] =	sbarrier.arrive $0xFFFF  }
0x14a: {  	p0 =	sne.s32 s0, $0x0;
	s0 =	rddreg [dreg:$0x4]  }
0x14b: {  	s0 =	sadd.s32 @!p0 $0x100000, s0  }
0x14c: {  	[sflag:s0] =	ssyncadd.tile.s32 @!p0 $0x1;
	_ =	shalt  }
.Lfunc_end2:
_tile_overlayer_lowered:
.L_overlay_start_2:
0x14d: {  	(tag) =	ssettag $0x2  }
0x14e: {  	s0 =	rddreg [dreg:$0x0];
	s2 =	stileid.u32  }
0x14f: {  	s1 =	rddreg [dreg:$0x1];
	p0 =	sne.s32 s2, $0x0  }
0x150: {  	s3 =	rddreg [dreg:$0x2];
	[bflag:$0x3] =	sbarrier.arrive $0xFFFF;
	s2 =	simm.s32 @!p0 $0x1C11  }
0x151: {  	[timem:s3], [sflag:s2] =	dma.local @!p0 [hbm:s0], s1  }
0x152: {  	s0 =	simm.s32 @!p0 $0x11  }
0x153: {  	_ =	swait.ge @!p0 [sflag:s0], s1  }
0x154: {  	s1 =	ssub.s32 @!p0 $0x0, s1;
	[sflag:s0] =	ssyncset.done @!p0 $0x0  }
0x155: {  	[sflag:s0] =	ssyncadd.s32 @!p0 s1  }
0x156: {  	[bflag:$0x3] =	sbarrier.arrive $0xFFFF  }
0x157: {  	_ =	shalt  }

// kernel: kernel.14.cloned.1.call-start
scs
__scs_entry_jumppad:
0x0: {  	(pc) =	sbr.rel $0x88, $3  }
0x1: {  	(tag) =	ssettag $0x0;
	lr =	simm.s32 $0x1  }
0x2: {  	[smem:$0x3F99] =	sst lr;
	_ =	strace $0xD0000000  }
0x3: {  	_ = 	snop  }
0x4: {  	_ = 	snop  }
0x5: {  	_ = 	snop  }
0x6: {  	_ = 	snop  }
0x7: {  	_ = 	snop  }
__scs_overlays_trampoline_lowered:
0x8: {  	[smem:$0x3FA8] =	sst s0  }
0x9: {  	[smem:$0x3FA9] =	sst s1  }
0xa: {  	[smem:$0x3FAA] =	sst s2  }
0xb: {  	[smem:$0x3FAB] =	sst s3  }
0xc: {  	[smem:$0x3FAC] =	sst s4  }
0xd: {  	[smem:$0x3FAD] =	sst s5  }
0xe: {  	[smem:$0x3FAE] =	sst s6  }
0xf: {  	[smem:$0x3FAF] =	sst s7  }
0x10: {  	[smem:$0x3FB0] =	sst s8  }
0x11: {  	[smem:$0x3FB1] =	sst s9;
	s0 =	simm.s32 @!p0 $0x0  }
0x12: {  	s1 =	sld [smem:$0x3F97];
	s0 =	simm.s32 @p0 $0x1  }
0x13: {  	[smem:$0x3FB2] =	sst s0;
	s0 =	simm.s32 @!p1 $0x0  }
0x14: {  	s2 =	sld [smem:$0x3F96];
	s0 =	simm.s32 @p1 $0x1  }
0x15: {  	[smem:$0x3FB3] =	sst s0;
	s0 =	simm.s32 @!p2 $0x0  }
0x16: {  	s3 =	sld [smem:$0x3FDB];
	s0 =	simm.s32 @p2 $0x1  }
0x17: {  	s4 =	simm.s32 $0x1BF5;
	[smem:$0x3FB5] =	sst s0  }
0x18: {  	s0 =	sld [smem:$0x3F98];
	_ =	swait.ge [sflag:s4], $0x0  }
0x19: {  	s7 =	sld [smem:$0x3F99]  }
0x1a: {  	s8 =	sadd.s32 $0xFFFFE003, lr  }
0x1b: {  	s9 =	sadd.s32 $0xFFFFFEF7, lr;
	s5 =	simm.s32 $0xFFFFFFFF;
	p2 =	slt.u32 s8, $0xFFFFF086  }
0x1c: {  	p1 =	slt.u32 s9, $0xF7A;
	s5 =	simm.s32 @!p2 $0x0  }
0x1d: {  	s5 =	simm.s32 @p1 $0x1;
	p0 =	seq.s32 s7, s2  }
0x1e: {  	s7 =	smul.u32 @!p0 $0xF7A, s2;
	p2 =	seq.s32 @!p0 s5, $0x0  }
0x1f: {  	s9 =	smul.u32 $0xF7A, s1;
	s8 =	simm.s32 @!p0 $0x1BF5;
	p2 =	por !p2, p0  }
0x20: {  	[sflag:s8] =	ssyncset.s32 @!p0 $0xFFFFF086;
	s6 =	sadd.s32 @!p0 s3, s7;
	s7 =	simm.s32 @!p0 $0x108  }
0x21: {  	s3 =	sadd.s32 s3, s9;
	s6 =	sadd.s32 @!p0 $0x88, s6;
	s7 =	simm.s32 @p2 $0x1082  }
0x22: {  	[simem:s7], [sflag:s8] =	dma.local @!p0 [hbm:s6], $0xF7A  }
0x23: {  	s9 =	sor.u32 $0xD0000000, s2;
	s6 =	simm.s32 $0x108;
	_ =	swait.ge @!p0 [sflag:s8], $0x0  }
0x24: {  	s3 =	sadd.s32 $0x88, s3;
	s6 =	simm.s32 @!p1 $0x1082;
	[sflag:s4] =	ssyncset.s32 $0xFFFFF086  }
0x25: {  	[simem:s6], [sflag:s4] =	dma.local [hbm:s3], $0xF7A  }
0x26: {  	[smem:$0x3F99] =	sst s1;
	(tag) =	ssettag s2;
	_ =	strace s9  }
0x27: {  	s1 =	sld [smem:$0x3FA9]  }
0x28: {  	s2 =	sld [smem:$0x3FAA]  }
0x29: {  	s4 =	sld [smem:$0x3FAC]  }
0x2a: {  	p0 =	seq.s32 s5, $0x0;
	s5 =	sld [smem:$0x3FAD]  }
0x2b: {  	s6 =	sld [smem:$0x3FAE]  }
0x2c: {  	s7 =	sld [smem:$0x3FAF]  }
0x2d: {  	s3 =	simm.s32 $0x108;
	s8 =	sld [smem:$0x3FB0]  }
0x2e: {  	s3 =	simm.s32 @!p0 $0x1082;
	s9 =	sld [smem:$0x3FB1]  }
0x2f: {  	lr =	sadd.s32 s0, s3;
	s0 =	sld [smem:$0x3FA8]  }
0x30: {  	s3 =	sld [smem:$0x3FAB]  }
0x31: {  	[smem:$0x3FB4] =	sst s10  }
0x32: {  	s10 =	sld [smem:$0x3FB2];
	_ =	sdelay $0x3  }
0x33: {  	p0 =	seq.s32 s10, $0x1;
	s10 =	sld [smem:$0x3FB4];
	_ =	sdelay $0x3  }
0x34: {  	[smem:$0x3FB4] =	sst s10  }
0x35: {  	s10 =	sld [smem:$0x3FB3];
	_ =	sdelay $0x3  }
0x36: {  	p1 =	seq.s32 s10, $0x1;
	s10 =	sld [smem:$0x3FB4];
	_ =	sdelay $0x3  }
0x37: {  	[smem:$0x3FB4] =	sst s10  }
0x38: {  	s10 =	sld [smem:$0x3FB5]  }
0x39: {  	_ = 	snop;
	(pc) =	sbr.ind lr, $3  }
0x3a: {  	_ = 	snop  }
0x3b: {  	_ = 	snop  }
0x3c: {  	p2 =	seq.s32 s10, $0x1;
	s10 =	sld [smem:$0x3FB4]  }
0x3d: {  	_ =	shalt  }
0x3e: {  	_ =	shalt  }
0x3f: {  	_ =	shalt  }
0x40: {  	_ =	shalt  }
0x41: {  	_ =	shalt  }
0x42: {  	_ =	shalt  }
0x43: {  	_ =	shalt  }
0x44: {  	_ =	shalt  }
0x45: {  	_ =	shalt  }
0x46: {  	_ =	shalt  }
0x47: {  	_ =	shalt  }
0x48: {  	_ =	shalt  }
0x49: {  	_ =	shalt  }
0x4a: {  	_ =	shalt  }
0x4b: {  	_ =	shalt  }
0x4c: {  	_ =	shalt  }
0x4d: {  	_ =	shalt  }
0x4e: {  	_ =	shalt  }
0x4f: {  	_ =	shalt  }
0x50: {  	_ =	shalt  }
0x51: {  	_ =	shalt  }
0x52: {  	_ =	shalt  }
0x53: {  	_ =	shalt  }
0x54: {  	_ =	shalt  }
0x55: {  	_ =	shalt  }
0x56: {  	_ =	shalt  }
0x57: {  	_ =	shalt  }
0x58: {  	_ =	shalt  }
0x59: {  	_ =	shalt  }
0x5a: {  	_ =	shalt  }
0x5b: {  	_ =	shalt  }
0x5c: {  	_ =	shalt  }
0x5d: {  	_ =	shalt  }
0x5e: {  	_ =	shalt  }
0x5f: {  	_ =	shalt  }
0x60: {  	_ =	shalt  }
0x61: {  	_ =	shalt  }
0x62: {  	_ =	shalt  }
0x63: {  	_ =	shalt  }
0x64: {  	_ =	shalt  }
0x65: {  	_ =	shalt  }
0x66: {  	_ =	shalt  }
0x67: {  	_ =	shalt  }
0x68: {  	_ =	shalt  }
0x69: {  	_ =	shalt  }
0x6a: {  	_ =	shalt  }
0x6b: {  	_ =	shalt  }
0x6c: {  	_ =	shalt  }
0x6d: {  	_ =	shalt  }
0x6e: {  	_ =	shalt  }
0x6f: {  	_ =	shalt  }
0x70: {  	_ =	shalt  }
0x71: {  	_ =	shalt  }
0x72: {  	_ =	shalt  }
0x73: {  	_ =	shalt  }
0x74: {  	_ =	shalt  }
0x75: {  	_ =	shalt  }
0x76: {  	_ =	shalt  }
0x77: {  	_ =	shalt  }
0x78: {  	_ =	shalt  }
0x79: {  	_ =	shalt  }
0x7a: {  	_ =	shalt  }
0x7b: {  	_ =	shalt  }
0x7c: {  	_ =	shalt  }
0x7d: {  	_ =	shalt  }
0x7e: {  	_ =	shalt  }
0x7f: {  	_ =	shalt  }
0x80: {  	_ =	shalt  }
0x81: {  	_ =	shalt  }
0x82: {  	_ =	shalt  }
0x83: {  	_ =	shalt  }
0x84: {  	_ =	shalt  }
0x85: {  	_ =	shalt  }
0x86: {  	_ =	shalt  }
0x87: {  	_ =	shalt  }
.Lfunc_end0:
.L_simem_size_0:
called_computation.2_lowered:
.L_overlay_start_0:
0x88: {  	s2 =	sld [smem:$0x3FD9]  }
0x89: {  	s3 =	sld [smem:$0x3FFE];
	_ =	sdelay $0x1  }
0x8a: {  	s1 =	srdreg.scid  }
0x8b: {  	s0 =	sand.u32 $0x1, s1  }
0x8c: {  	s17 =	sshll.u32 s0, $0xA;
	s2 =	sadd.s32 s3, s2  }
0x8d: {  	s2 =	sadd.s32 s2, s17  }
0x8e: {  	[smem:$0x3FC0] =	sst s2  }
0x8f: {  	_ = 	snop  }
0x90: {  	s2 =	sld [smem:$0x3FD0];
	(tm) =	ssettm $0x1  }
0x91: {  	s18 =	sld [smem:$0x3FFB];
	_ =	sdelay $0x3  }
0x92: {  	_ =	strace s18  }
0x93: {  	s3 =	sld [smem:$0x3FFC];
	_ =	sdelay $0x3  }
0x94: {  	_ =	strace s3  }
0x95: {  	s3 =	sld [smem:$0x3FFD];
	_ =	sdelay $0x3  }
0x96: {  	_ =	strace s3  }
0x97: {  	_ =	strace $0x8FFFFFFF  }
0x98: {  	s19 =	sld [smem:$0x3FDB];
	_ =	sdelay $0x1  }
0x99: {  	s4 =	simm.s32 $_scs_section_size  }
0x9a: {  	s5 =	simm.s32 $_size__tile_overlayer_lowered;
	s6 =	simm.s32 $_tile_overlayer_lowered  }
0x9b: {  	s22 =	simm.s32 $0x1BFF;
	s21 =	sshll.u32 s6, $0x1;
	s3 =	sadd.s32 s4, s19  }
0x9c: {  	s7 =	simm.s32 $0x0;
	s20 =	sshll.u32 s5, $0x1;
	s5 =	sadd.s32 s21, s3  }
0x9d: {  	[timem:s7], [sflag:s22] =	dma.local [hbm:s5], s20  }
0x9e: {  	_ =	swait.ge [sflag:s22], s20  }
0x9f: {  	s4 =	ssub.s32 $0x0, s20;
	[sflag:s22] =	ssyncset.done $0x0  }
0xa0: {  	[sflag:s22] =	ssyncadd.s32 s4;
	_ =	sdelay $0x1  }
0xa1: {  	s23 =	simm.s32 $0x1B8B  }
0xa2: {  	_ =	swait.ge [sflag:s23], $0x1  }
0xa3: {  	[sflag:s23] =	ssyncset.done $0x0  }
0xa4: {  	s25 =	simm.s32 $0x1B8E;
	s24 =	sld [smem:$0x3FFE];
	[sflag:s23] =	ssyncadd.s32 $0xFFFFFFFF  }
0xa5: {  	s26 =	simm.s32 $execute0_lowered;
	[smem:$0x3FD2] =	sst s25  }
0xa6: {  	s5 =	sshll.u32 s26, $0x1;
	_ =	strace $0x8000004C;
	[dreg:$0x1] =	wrdreg $0xFFFFFFFF  }
0xa7: {  	s28 =	simm.s32 $_size_execute0_lowered;
	s3 =	sadd.s32 s3, s5;
	[dreg:$0x0] =	wrdreg $0x0  }
0xa8: {  	s5 =	sshll.u32 s28, $0x1;
	[dreg:$0x2] =	wrdreg s3  }
0xa9: {  	[dreg:$0x3] =	wrdreg s5  }
0xaa: {  	[dreg:$0x4] =	wrdreg $0xC0  }
0xab: {  	_ =	task [dreg:s7], $0x5FFFF  }
0xac: {  	[dreg:$0x1] =	wrdreg $0xFFFFFFFF  }
0xad: {  	[dreg:$0x0] =	wrdreg $0x60  }
0xae: {  	[dreg:$0x2] =	wrdreg s24  }
0xaf: {  	[dreg:$0x3] =	wrdreg s2  }
0xb0: {  	[dreg:$0x4] =	wrdreg $0x19A000  }
0xb1: {  	[dreg:$0x5] =	wrdreg $0x14A000  }
0xb2: {  	[dreg:$0x6] =	wrdreg $0x9  }
0xb3: {  	_ =	task.clear_ibuf [dreg:s7], $0x7FFFF;
	_ =	strace $0x9000004C  }
0xb4: {  	s29 =	simm.s32 $0x9;
	_ =	strace $0x8000004E  }
0xb5: {  	_ =	swait.ge [sflag:s29], $0x1  }
0xb6: {  	[sflag:s29] =	ssyncadd.s32 $0xFFFFFFFF  }
0xb7: {  	_ =	strace $0x9000004E  }
0xb8: {  	_ =	sfence  }
0xb9: {  	s30 =	sld [smem:$0x0];
	_ =	sdelay $0x2  }
0xba: {  	s31 =	sshll.u32 s1, $0xD;
	s1 =	sshrl.u32 s1, $0x2  }
0xbb: {  	s3 =	sand.u32 $0x4000, s31;
	s1 =	sadd.s32 s1, s30  }
0xbc: {  	s0 =	sor.u32 s3, s0;
	s1 =	sshll.u32 s1, $0x11  }
0xbd: {  	s0 =	sor.u32 s1, s0  }
0xbe: {  	s0 =	sadd.s32 $0x8F2B, s0  }
0xbf: {  	[sflag:s0] =	ssyncadd.remote.s32 $0x1  }
0xc0: {  	_ =	sfence.sel $0xFFFF  }
0xc1: {  	[dreg:$0x0] =	wrdreg $0xFFFFFFFF;
	(pc) =	sbr.abs _section_cstart, $3  }
0xc2: {  	[dreg:$0x1] =	wrdreg $0xFFFFFFFF  }
0xc3: {  	_ =	task.clear_ibuf [dreg:s7], $0x2FFFF;
	_ =	strace $0x9FFFFFFF  }
0xc4: {  	(tm) =	ssettm $0x7FFFFFFF  }
0xc5: {  	_ =	shalt  }
tec
execute0_lowered:
.L_overlay_start_1:
0x0: {  	(tag) =	ssettag $0x1  }
0x1: {  	s0 =	rddreg [dreg:$0x0]  }
0x2: {  	s3 =	rddreg [dreg:$0x2]  }
0x3: {  	s4 =	rddreg [dreg:$0x3];
	s13 =	stileid.u32;
	s5 =	simm.s32 $0x0  }
0x4: {  	s2 =	srdreg.scid;
	s28 =	simm.s32 $0x80;
	s29 =	simm.s32 $0xA000  }
0x5: {  	s30 =	simm.s32 $0xB000;
	s31 =	simm.s32 $0x2;
	s1 =	smul.u32 $0x5000, s13  }
0x6: {  	[smem:$0x7FF] =	sst s5;
	s2 =	sand.u32 $0x1, s2;
	s7 =	sadd.s32 $0x16400, s0  }
0x7: {  	s9 =	sadd.s32 $0x3D600, s0;
	s15 =	sadd.s32 $0x3DA00, s0;
	p0 =	seq.s32 s13, $0xF  }
0x8: {  	p1 =	sne.s32 s13, $0xF;
	s16 =	smul.u32 $0x13880, s13;
	s10 =	sadd.s32 $0xC000, s0  }
0x9: {  	s17 =	sadd.s32 $0x15C40, s0;
	s12 =	smul.u32 $0x14000, s13;
	s21 =	sadd.s32 $0x4B000, s4  }
0xa: {  	s23 =	smul.u32 $0x2800, s13;
	_ =	strace $0x8000004D;
	[dreg:$0x5] =	wrdreg s9  }
0xb: {  	s26 =	sadd.s32 $0x3BC08, s0;
	s6 =	ssub.s32 $0x2, s2;
	[dreg:$0x6] =	wrdreg s10  }
0xc: {  	[dreg:$0x7] =	wrdreg s17;
	s19 =	sshll.u32 s2, $0x5;
	s11 =	sshll.u32 s2, $0x2  }
0xd: {  	p3 =	seq.s32 s2, $0x0;
	[dreg:$0x10] =	wrdreg s26;
	s9 =	sadd.s32 $0x4E200, s4  }
0xe: {  	s14 =	sshrl.u32 s21, $0x3;
	s17 =	sadd.s32 $0x4EC00, s4;
	s21 =	sadd.s32 $0x4F400, s4  }
0xf: {  	s26 =	sadd.s32 $0x4FE00, s4;
	s1 =	sshrl.u32 s1, $0x3;
	[dreg:$0x14] =	wrdreg s9  }
0x10: {  	s8 =	sshrl.u32 s6, $0x1;
	s20 =	sshrl.u32 s16, $0x2;
	[dreg:$0x18] =	wrdreg s14  }
0x11: {  	s11 =	sadd.s32 s11, s7;
	s22 =	sshrl.u32 s12, $0x2;
	[dreg:$0x1b] =	wrdreg s17  }
0x12: {  	p2 =	por !p3, !p1;
	s25 =	sor.u32 $0x8, s23;
	[dreg:$0x1f] =	wrdreg s21  }
0x13: {  	p3 =	por !p3, !p0;
	s23 =	sadd.s32 $0x4F800, s4;
	[smem:$0x7FD] =	sst s26  }
0x14: {  	s26 =	simm.s32 $0x11;
	s11 =	sadd.s32 $0x25800, s11;
	[smem:$0x7FA] =	sst s23  }
0x15: {  	s1 =	sadd.s32 s1, s0;
	s2 =	sadd.s32 s15, s25;
	[dreg:$0xb] =	wrdreg s11  }
0x16: {  	s6 =	ssub.s32 s6, s8;
	s0 =	sadd.s32 $0x63208, s0;
	[dreg:$0xf] =	wrdreg s2  }
0x17: {  	s8 =	sor.u32 s19, s16;
	s16 =	sadd.s32 $0x4EA00, s4;
	[dreg:$0x11] =	wrdreg s0  }
0x18: {  	s10 =	sadd.s32 s20, s3;
	s20 =	sadd.s32 $0x4F200, s4;
	[dreg:$0x1a] =	wrdreg s16  }
0x19: {  	s14 =	simm.s32 $0xF000;
	s18 =	sadd.s32 $0x2A00, s1;
	[dreg:$0x1e] =	wrdreg s20  }
0x1a: {  	s21 =	simm.s32 $0x5;
	s1 =	sadd.s32 $0xC640, s1;
	[dreg:$0x8] =	wrdreg s18  }
0x1b: {  	p2 =	por !p2, !p2;
	s11 =	sadd.s32 s22, s4;
	[dreg:$0x9] =	wrdreg s1  }
0x1c: {  	p3 =	por !p3, !p3;
	s13 =	sshrl.u32 s10, $0x3;
	[dreg:$0xc] =	wrdreg s11  }
0x1d: {  	s8 =	sshrl.u32 s8, $0x3;
	s22 =	sadd.s32 $0x4F600, s4;
	[dreg:$0x17] =	wrdreg s13  }
0x1e: {  	s23 =	simm.s32 $0x4;
	s8 =	sadd.s32 s7, s8;
	[smem:$0x7F9] =	sst s22  }
0x1f: {  	s0 =	simm.s32 $0xC000;
	s11 =	sadd.s32 $0x4E400, s4;
	[dreg:$0xa] =	wrdreg s8  }
0x20: {  	s1 =	sor.u32 s19, s12;
	s12 =	sadd.s32 $0x4E600, s4;
	[dreg:$0x15] =	wrdreg s11  }
0x21: {  	s16 =	simm.s32 $0x11000;
	s18 =	sadd.s32 $0x4EE00, s4;
	[dreg:$0x16] =	wrdreg s12  }
0x22: {  	s10 =	simm.s32 $0xB;
	s19 =	sadd.s32 $0x4F000, s4;
	[dreg:$0x1c] =	wrdreg s18  }
0x23: {  	s22 =	simm.s32 $0x1;
	s1 =	sshrl.u32 s1, $0x3;
	[dreg:$0x1d] =	wrdreg s19  }
0x24: {  	s18 =	simm.s32 $0x10;
	s12 =	simm.s32 $0xD000;
	s24 =	sadd.s32 s7, s1  }
0x25: {  	s11 =	simm.s32 $0xC;
	s7 =	sadd.s32 s7, s25;
	[dreg:$0xd] =	wrdreg s24  }
0x26: {  	s19 =	simm.s32 $0x12000;
	s2 =	sadd.s32 s15, s1;
	[dreg:$0xe] =	wrdreg s7  }
.Ltmp0:
0x27: {  	s15 =	sadd.s32 $0x4E800, s4;
	[dreg:$0x12] =	wrdreg s2;
	(pc) =	sbr.rel .LBB2_1-.Ltmp0, $4  }
0x28: {  	s25 =	sadd.s32 $0x4FC00, s4;
	s1 =	simm.s32 $0xE000;
	[dreg:$0x19] =	wrdreg s15  }
0x29: {  	s7 =	smax.u32 s6, $0x1;
	s24 =	sadd.s32 $0x4FA00, s4;
	[smem:$0x7FC] =	sst s25  }
0x2a: {  	s15 =	simm.s32 $0x3;
	s2 =	simm.s32 $0x10000;
	[dreg:$0x13] =	wrdreg s7  }
0x2b: {  	v0 =	vimm.f32 $0.0e+00;
	s6 =	simm.s32 $0x7;
	[smem:$0x7FB] =	sst s24;
	s7 =	simm.s32 $0x8  }
.LBB2_7:
0x2c: {  	_ =	swait.ge [sflag:s7], $0x1000  }
0x2d: {  	[sflag:s7] =	ssyncset.done $0x0  }
0x2e: {  	s8 =	simm.s32 $0x9;
	[sflag:s7] =	ssyncadd.s32 $0xFFFFF000  }
0x2f: {  	[spmem:s4] =	stream.indirect.scatter.add.f32 [tilespmem:s16], [sflag:$0x10], $0x20, s13, s28, $0xb8;
	[tilespmem:$0x1E820] =	vst v63  }
0x30: {  	_ =	swait.ge [sflag:s8], $0x1000  }
0x31: {  	[sflag:s8] =	ssyncset.done $0x0  }
0x32: {  	s18 =	simm.s32 $0xA;
	[sflag:s8] =	ssyncadd.s32 $0xFFFFF000  }
0x33: {  	_ =	swait.ge [sflag:s18], $0x1000  }
0x34: {  	[sflag:s18] =	ssyncset.done $0x0  }
0x35: {  	[sflag:s18] =	ssyncadd.s32 $0xFFFFF000  }
0x36: {  	_ =	swait.ge [sflag:s10], $0x1000  }
0x37: {  	[sflag:s10] =	ssyncset.done $0x0  }
0x38: {  	[sflag:s10] =	ssyncadd.s32 $0xFFFFF000  }
0x39: {  	_ =	swait.ge [sflag:s11], $0x1000  }
0x3a: {  	[sflag:s11] =	ssyncset.done $0x0  }
0x3b: {  	s25 =	simm.s32 $0xD;
	[sflag:s11] =	ssyncadd.s32 $0xFFFFF000  }
0x3c: {  	_ =	swait.ge [sflag:s25], $0x1000  }
0x3d: {  	[sflag:s25] =	ssyncset.done $0x0  }
0x3e: {  	s9 =	simm.s32 $0xE;
	[sflag:s25] =	ssyncadd.s32 $0xFFFFF000  }
0x3f: {  	_ =	swait.ge [sflag:s9], $0x1000  }
0x40: {  	[sflag:s9] =	ssyncset.done $0x0  }
0x41: {  	s13 =	simm.s32 $0xF;
	[sflag:s9] =	ssyncadd.s32 $0xFFFFF000  }
0x42: {  	_ =	swait.ge [sflag:s13], $0x1000  }
0x43: {  	[sflag:s13] =	ssyncset.done $0x0  }
0x44: {  	s18 =	simm.s32 $0x10;
	[sflag:s13] =	ssyncadd.s32 $0xFFFFF000  }
0x45: {  	_ =	swait.ge [sflag:s18], $0x1000  }
0x46: {  	[sflag:s18] =	ssyncset.done $0x0  }
0x47: {  	[sflag:s18] =	ssyncadd.s32 $0xFFFFF000  }
0x48: {  	[bflag:$0x0] =	sbarrier.arrive $0xFFFF  }
0x49: {  	s17 =	rddreg [dreg:$0x12]  }
0x4a: {  	[hbm:s17@s18], [sflag:s20] =	dma.strided [spmem:s24@s23], $0xA00, s22, $0x4   }
0x4b: {  	_ =	swait.ge [sflag:s26], $0xA00  }
0x4c: {  	s5 =	sadd.s32 $0x1, s5;
	s25 =	rddreg [dreg:$0x13]  }
0x4d: {  	p4 =	sne.s32 s5, s25  }
.Ltmp1:
0x4e: {  	_ = 	snop;
	(pc) =	sbr.rel @!p4 .LBB2_8-.Ltmp1, $3  }
0x4f: {  	_ =	sdelay $0x1  }
0x50: {  	[sflag:s26] =	ssyncset.done $0x0  }
0x51: {  	[sflag:s26] =	ssyncadd.s32 $0xFFFFF600  }
.LBB2_1:
0x52: {  	s8 =	simm.s32 @p0 $0x0;
	s9 =	rddreg [dreg:$0x6]  }
0x53: {  	[tilespmem:s8], [sflag:$0x11] =	stream.linear.gather @p0 [hbm4b:s9+s8], $0x3200, $0x38;
	[tilespmem:$0x1E820] =	vst v63  }
0x54: {  	s9 =	simm.s32 @p0 $0x11  }
0x55: {  	_ =	swait.ge @p0 [sflag:s9], $0x3200  }
0x56: {  	[sflag:s9] =	ssyncset.done @p0 $0x0  }
0x57: {  	s13 =	simm.s32 @p0 $0x5000;
	s17 =	rddreg [dreg:$0x7];
	[sflag:s9] =	ssyncadd.s32 @p0 $0xFFFFCE00  }
0x58: {  	[tilespmem:s13], [sflag:$0x11] =	stream.linear.gather @p0 [hbm4b:s17+s8], $0x3200, $0x38;
	[tilespmem:$0x1E820] =	vst v63  }
0x59: {  	_ =	swait.ge @p0 [sflag:s9], $0x3200  }
0x5a: {  	[sflag:s9] =	ssyncset.done @p0 $0x0  }
0x5b: {  	s13 =	simm.s32 @p0 $0x3200;
	s17 =	rddreg [dreg:$0x5];
	[sflag:s9] =	ssyncadd.s32 @p0 $0xFFFFCE00  }
0x5c: {  	[tilespmem:s13], [sflag:$0x11] =	stream.linear.gather @p0 [hbm4b:s17+s8], $0x1E00, $0x38;
	[tilespmem:$0x1E820] =	vst v63  }
0x5d: {  	_ =	swait.ge @p0 [sflag:s9], $0x1E00  }
0x5e: {  	[sflag:s9] =	ssyncset.done @p0 $0x0  }
0x5f: {  	[sflag:s9] =	ssyncadd.s32 @p0 $0xFFFFE200  }
0x60: {  	s13 =	simm.s32 @p0 $0x8200;
	s17 =	rddreg [dreg:$0x1]  }
0x61: {  	[tilespmem:s13], [sflag:$0x11] =	stream.linear.gather @p0 [hbm4b:s17+s8], $0x1E00, $0x38;
	[tilespmem:$0x1E820] =	vst v63  }
0x62: {  	_ =	swait.ge @p0 [sflag:s9], $0x1E00  }
0x63: {  	[sflag:s9] =	ssyncset.done @p0 $0x0  }
0x64: {  	s8 =	simm.s32 @!p0 $0x0;
	[sflag:s9] =	ssyncadd.s32 @p0 $0xFFFFE200;
	s9 =	rddreg [dreg:$0x8]  }
0x65: {  	[tilespmem:s8], [sflag:$0x11] =	stream.linear.gather @!p0 [hbm4b:s9+s8], $0x5000, $0x38;
	[tilespmem:$0x1E820] =	vst v63  }
0x66: {  	s9 =	simm.s32 @!p0 $0x11  }
0x67: {  	_ =	swait.ge @!p0 [sflag:s9], $0x5000  }
0x68: {  	[sflag:s9] =	ssyncset.done @!p0 $0x0  }
0x69: {  	s13 =	simm.s32 @!p0 $0x5000;
	s17 =	rddreg [dreg:$0x9];
	[sflag:s9] =	ssyncadd.s32 @!p0 $0xFFFFB000  }
0x6a: {  	[tilespmem:s13], [sflag:$0x11] =	stream.linear.gather @!p0 [hbm4b:s17+s8], $0x5000, $0x38;
	[tilespmem:$0x1E820] =	vst v63  }
0x6b: {  	s13 =	stileid.u32;
	_ =	swait.ge @!p0 [sflag:s9], $0x5000  }
0x6c: {  	s8 =	sshll.u32 s13, $0x6;
	[sflag:s9] =	ssyncset.done @!p0 $0x0;
	s17 =	rddreg [dreg:$0xa]  }
0x6d: {  	s20 =	sor.u32 $0x1C11, s8;
	s24 =	rddreg [dreg:$0x17];
	[sflag:s9] =	ssyncadd.s32 @!p0 $0xFFFFB000  }
0x6e: {  	[spmem:s24@s23], [sflag:s20] =	dma.strided [hbm:s17@s18], $0x9C4, s22, $0x4   }
0x6f: {  	_ =	swait.ge [sflag:s26], $0x9C4  }
0x70: {  	[sflag:s26] =	ssyncset.done $0x0  }
0x71: {  	[sflag:s26] =	ssyncadd.s32 $0xFFFFF63C  }
0x72: {  	[tilespmem:$0x12000] =	vst v0  }
0x73: {  	[tilespmem:$0x12010] =	vst v0  }
0x74: {  	[tilespmem:$0x12020] =	vst v0  }
0x75: {  	[tilespmem:$0x12030] =	vst v0  }
0x76: {  	[tilespmem:$0x12040] =	vst v0  }
0x77: {  	[tilespmem:$0x12050] =	vst v0  }
0x78: {  	[tilespmem:$0x12060] =	vst v0  }
0x79: {  	[tilespmem:$0x12070] =	vst v0  }
0x7a: {  	[tilespmem:$0x12080] =	vst v0  }
0x7b: {  	[tilespmem:$0x12090] =	vst v0  }
0x7c: {  	[tilespmem:$0x120A0] =	vst v0  }
0x7d: {  	[tilespmem:$0x120B0] =	vst v0  }
0x7e: {  	[tilespmem:$0x120C0] =	vst v0  }
0x7f: {  	[tilespmem:$0x120D0] =	vst v0  }
0x80: {  	[tilespmem:$0x120E0] =	vst v0  }
0x81: {  	[tilespmem:$0x120F0] =	vst v0  }
0x82: {  	[tilespmem:$0x12100] =	vst v0  }
0x83: {  	[tilespmem:$0x12110] =	vst v0  }
0x84: {  	[tilespmem:$0x12120] =	vst v0  }
0x85: {  	[tilespmem:$0x12130] =	vst v0  }
0x86: {  	[tilespmem:$0x12140] =	vst v0  }
0x87: {  	[tilespmem:$0x12150] =	vst v0  }
0x88: {  	[tilespmem:$0x12160] =	vst v0  }
0x89: {  	[tilespmem:$0x12170] =	vst v0  }
0x8a: {  	[tilespmem:$0x12180] =	vst v0  }
0x8b: {  	[tilespmem:$0x12190] =	vst v0  }
0x8c: {  	[tilespmem:$0x121A0] =	vst v0  }
.Ltmp2:
0x8d: {  	[tilespmem:$0x121B0] =	vst v0;
	(pc) =	sbr.rel @!p1 .LBB2_2-.Ltmp2, $4  }
0x8e: {  	[tilespmem:$0x121C0] =	vst v0  }
0x8f: {  	[tilespmem:$0x121D0] =	vst v0  }
0x90: {  	s25 =	rddreg [dreg:$0xc];
	[tilespmem:$0x121E0] =	vst v0  }
0x91: {  	s24 =	sshrl.u32 s25, $0x3;
	[tilespmem:$0x121F0] =	vst v0  }
0x92: {  	s8 =	rddreg [dreg:$0xd]  }
0x93: {  	[spmem:s24@s23], [sflag:s20] =	dma.strided [hbm:s8@s18], $0xA00, s22, $0x4   }
0x94: {  	_ =	swait.ge [sflag:s26], $0xA00  }
0x95: {  	s9 =	simm.s32 @p2 $0x80;
	s13 =	simm.s32 @p2 $0x12200;
	[sflag:s26] =	ssyncset.done $0x0  }
0x96: {  	s8 =	simm.s32 @p2 $0x10;
	s17 =	rddreg [dreg:$0xe];
	[sflag:s26] =	ssyncadd.s32 $0xFFFFF600  }
0x97: {  	[tilespmem:s13], [sflag:$0x11] =	stream.strided.gather @p2 [hbm4b:s17+s8], $0x2800, s9, s8, $0x38;
	[tilespmem:$0x1E820] =	vst v63  }
0x98: {  	s17 =	simm.s32 @p2 $0x11  }
0x99: {  	_ =	swait.ge @p2 [sflag:s17], $0x2800  }
0x9a: {  	[sflag:s17] =	ssyncset.done @p2 $0x0  }
.Ltmp3:
0x9b: {  	s18 =	rddreg [dreg:$0xf];
	[sflag:s17] =	ssyncadd.s32 @p2 $0xFFFFD800;
	(pc) =	sbr.rel .LBB2_4-.Ltmp3, $4  }
0x9c: {  	[hbm4b:s18+s8] =	stream.strided.scatter @p2 [tilespmem:s13], [sflag:$0x11], $0x2800, s9, s8, $0x38;
	[tilespmem:$0x1E820] =	vst v63  }
0x9d: {  	_ =	swait.ge @p2 [sflag:s17], $0x2800  }
0x9e: {  	[sflag:s17] =	ssyncset.done @p2 $0x0  }
0x9f: {  	[sflag:s17] =	ssyncadd.s32 @p2 $0xFFFFD800  }
.LBB2_2:
0xa0: {  	s8 =	rddreg [dreg:$0xb]  }
0xa1: {  	s9 =	rddreg [dreg:$0x18]  }
0xa2: {  	[spmem:s9@s23], [sflag:s20] =	dma.strided [hbm:s8@s18], $0x640, s22, $0x4   }
0xa3: {  	_ =	swait.ge [sflag:s26], $0x640  }
0xa4: {  	[sflag:s26] =	ssyncset.done $0x0  }
0xa5: {  	s9 =	rddreg [dreg:$0x14];
	[sflag:s26] =	ssyncadd.s32 $0xFFFFF9C0  }
0xa6: {  	[spmem:s9] =	stream.linear.scatter [tilespmem:s19], [sflag:$0x11], $0x200, $0x38;
	[tilespmem:$0x1E820] =	vst v63  }
0xa7: {  	_ =	swait.ge [sflag:s26], $0x200  }
0xa8: {  	[sflag:s26] =	ssyncset.done $0x0  }
0xa9: {  	s13 =	rddreg [dreg:$0x15];
	[sflag:s26] =	ssyncadd.s32 $0xFFFFFE00  }
0xaa: {  	[spmem:s13] =	stream.linear.scatter [tilespmem:s19], [sflag:$0x11], $0x200, $0x38;
	[tilespmem:$0x1E820] =	vst v63  }
0xab: {  	_ =	swait.ge [sflag:s26], $0x200  }
0xac: {  	[sflag:s26] =	ssyncset.done $0x0  }
0xad: {  	s17 =	rddreg [dreg:$0x16];
	[sflag:s26] =	ssyncadd.s32 $0xFFFFFE00  }
0xae: {  	[spmem:s17] =	stream.linear.scatter [tilespmem:s19], [sflag:$0x11], $0x200, $0x38;
	[tilespmem:$0x1E820] =	vst v63  }
0xaf: {  	_ =	swait.ge [sflag:s26], $0x200  }
0xb0: {  	[sflag:s26] =	ssyncset.done $0x0  }
0xb1: {  	s18 =	rddreg [dreg:$0x19];
	[sflag:s26] =	ssyncadd.s32 $0xFFFFFE00  }
0xb2: {  	[spmem:s18] =	stream.linear.scatter [tilespmem:s19], [sflag:$0x11], $0x200, $0x38;
	[tilespmem:$0x1E820] =	vst v63  }
0xb3: {  	_ =	swait.ge [sflag:s26], $0x200  }
0xb4: {  	[sflag:s26] =	ssyncset.done $0x0  }
0xb5: {  	s25 =	rddreg [dreg:$0x1a];
	[sflag:s26] =	ssyncadd.s32 $0xFFFFFE00  }
0xb6: {  	[spmem:s25] =	stream.linear.scatter [tilespmem:s19], [sflag:$0x11], $0x200, $0x38;
	[tilespmem:$0x1E820] =	vst v63  }
0xb7: {  	_ =	swait.ge [sflag:s26], $0x200  }
0xb8: {  	[sflag:s26] =	ssyncset.done $0x0  }
0xb9: {  	s9 =	rddreg [dreg:$0x1b];
	[sflag:s26] =	ssyncadd.s32 $0xFFFFFE00  }
0xba: {  	[spmem:s9] =	stream.linear.scatter [tilespmem:s19], [sflag:$0x11], $0x200, $0x38;
	[tilespmem:$0x1E820] =	vst v63  }
0xbb: {  	_ =	swait.ge [sflag:s26], $0x200  }
0xbc: {  	[sflag:s26] =	ssyncset.done $0x0  }
0xbd: {  	s13 =	rddreg [dreg:$0x1c];
	[sflag:s26] =	ssyncadd.s32 $0xFFFFFE00  }
0xbe: {  	[spmem:s13] =	stream.linear.scatter [tilespmem:s19], [sflag:$0x11], $0x200, $0x38;
	[tilespmem:$0x1E820] =	vst v63  }
0xbf: {  	_ =	swait.ge [sflag:s26], $0x200  }
0xc0: {  	[sflag:s26] =	ssyncset.done $0x0  }
0xc1: {  	s17 =	rddreg [dreg:$0x1d];
	[sflag:s26] =	ssyncadd.s32 $0xFFFFFE00  }
0xc2: {  	[spmem:s17] =	stream.linear.scatter [tilespmem:s19], [sflag:$0x11], $0x200, $0x38;
	[tilespmem:$0x1E820] =	vst v63  }
0xc3: {  	_ =	swait.ge [sflag:s26], $0x200  }
0xc4: {  	[sflag:s26] =	ssyncset.done $0x0  }
0xc5: {  	s18 =	rddreg [dreg:$0x1e];
	[sflag:s26] =	ssyncadd.s32 $0xFFFFFE00  }
0xc6: {  	[spmem:s18] =	stream.linear.scatter [tilespmem:s19], [sflag:$0x11], $0x200, $0x38;
	[tilespmem:$0x1E820] =	vst v63  }
0xc7: {  	_ =	swait.ge [sflag:s26], $0x200  }
0xc8: {  	[sflag:s26] =	ssyncset.done $0x0  }
0xc9: {  	s25 =	rddreg [dreg:$0x1f];
	[sflag:s26] =	ssyncadd.s32 $0xFFFFFE00  }
0xca: {  	[spmem:s25] =	stream.linear.scatter [tilespmem:s19], [sflag:$0x11], $0x200, $0x38;
	[tilespmem:$0x1E820] =	vst v63  }
0xcb: {  	_ =	swait.ge [sflag:s26], $0x200  }
0xcc: {  	s9 =	sld [smem:$0x7F9]  }
0xcd: {  	[sflag:s26] =	ssyncset.done $0x0  }
0xce: {  	[sflag:s26] =	ssyncadd.s32 $0xFFFFFE00  }
0xcf: {  	[spmem:s9] =	stream.linear.scatter [tilespmem:s19], [sflag:$0x11], $0x200, $0x38;
	[tilespmem:$0x1E820] =	vst v63  }
0xd0: {  	_ =	swait.ge [sflag:s26], $0x200  }
0xd1: {  	s13 =	sld [smem:$0x7FA]  }
0xd2: {  	[sflag:s26] =	ssyncset.done $0x0  }
0xd3: {  	[sflag:s26] =	ssyncadd.s32 $0xFFFFFE00  }
0xd4: {  	[spmem:s13] =	stream.linear.scatter [tilespmem:s19], [sflag:$0x11], $0x200, $0x38;
	[tilespmem:$0x1E820] =	vst v63  }
0xd5: {  	_ =	swait.ge [sflag:s26], $0x200  }
0xd6: {  	s17 =	sld [smem:$0x7FB]  }
0xd7: {  	[sflag:s26] =	ssyncset.done $0x0  }
0xd8: {  	[sflag:s26] =	ssyncadd.s32 $0xFFFFFE00  }
0xd9: {  	[spmem:s17] =	stream.linear.scatter [tilespmem:s19], [sflag:$0x11], $0x200, $0x38;
	[tilespmem:$0x1E820] =	vst v63  }
0xda: {  	_ =	swait.ge [sflag:s26], $0x200  }
0xdb: {  	s18 =	sld [smem:$0x7FC]  }
0xdc: {  	[sflag:s26] =	ssyncset.done $0x0  }
0xdd: {  	[sflag:s26] =	ssyncadd.s32 $0xFFFFFE00  }
0xde: {  	[spmem:s18] =	stream.linear.scatter [tilespmem:s19], [sflag:$0x11], $0x200, $0x38;
	[tilespmem:$0x1E820] =	vst v63  }
0xdf: {  	_ =	swait.ge [sflag:s26], $0x200  }
0xe0: {  	s25 =	sld [smem:$0x7FD]  }
0xe1: {  	[sflag:s26] =	ssyncset.done $0x0  }
0xe2: {  	[sflag:s26] =	ssyncadd.s32 $0xFFFFFE00  }
0xe3: {  	[spmem:s25] =	stream.linear.scatter [tilespmem:s19], [sflag:$0x11], $0x200, $0x38;
	[tilespmem:$0x1E820] =	vst v63  }
0xe4: {  	_ =	swait.ge [sflag:s26], $0x200  }
0xe5: {  	[sflag:s26] =	ssyncset.done $0x0  }
0xe6: {  	[sflag:s26] =	ssyncadd.s32 $0xFFFFFE00  }
.LBB2_4:
0xe7: {  	s8 =	simm.s32 @p3 $0x10  }
0xe8: {  	s9 =	simm.s32 @p3 $0x80;
	s13 =	simm.s32 @p3 $0x12200;
	s17 =	rddreg [dreg:$0x10]  }
0xe9: {  	[tilespmem:s13], [sflag:$0x11] =	stream.strided.gather @p3 [hbm4b:s17+s8], $0x1900, s9, s8, $0x38;
	[tilespmem:$0x1E820] =	vst v63  }
0xea: {  	s17 =	simm.s32 @p3 $0x11  }
0xeb: {  	_ =	swait.ge @p3 [sflag:s17], $0x1900  }
0xec: {  	[sflag:s17] =	ssyncset.done @p3 $0x0  }
0xed: {  	s18 =	rddreg [dreg:$0x11];
	[sflag:s17] =	ssyncadd.s32 @p3 $0xFFFFE700  }
0xee: {  	[hbm4b:s18+s8] =	stream.strided.scatter @p3 [tilespmem:s13], [sflag:$0x11], $0x1900, s9, s8, $0x38;
	[tilespmem:$0x1E820] =	vst v63  }
0xef: {  	_ =	swait.ge @p3 [sflag:s17], $0x1900  }
0xf0: {  	[sflag:s17] =	ssyncset.done @p3 $0x0  }
0xf1: {  	[sflag:s17] =	ssyncadd.s32 @p3 $0xFFFFE700  }
0xf2: {  	s8 =	simm.s32 $0x0;
	[bflag:$0x0] =	sbarrier.arrive $0xFFFF  }
0xf3: {  	[tilespmem:s29], [sflag:$0x1] =	stream.indirect.gather [spmem:s3], $0x20, s8, s28, $0xb8;
	[tilespmem:$0x1E820] =	vst v63  }
0xf4: {  	_ = 	snop  }
0xf5: {  	[tilespmem:s30], [sflag:$0x2] =	stream.indirect.gather [spmem:s3], $0x20, s28, s28, $0xb8;
	[tilespmem:$0x1E820] =	vst v63  }
0xf6: {  	s18 =	simm.s32 $0x100  }
0xf7: {  	[tilespmem:s0], [sflag:$0x3] =	stream.indirect.gather [spmem:s3], $0x20, s18, s28, $0xb8;
	[tilespmem:$0x1E820] =	vst v63  }
0xf8: {  	s25 =	simm.s32 $0x180  }
0xf9: {  	[tilespmem:s12], [sflag:$0x4] =	stream.indirect.gather [spmem:s3], $0x20, s25, s28, $0xb8;
	[tilespmem:$0x1E820] =	vst v63  }
.LBB2_5:
0xfa: {  	_ =	swait.ge [sflag:s22], $0x1000  }
0xfb: {  	s9 =	sshra.s32 s8, $0x2;
	[sflag:s22] =	ssyncset.done $0x0  }
0xfc: {  	p4 =	seq.s32 s8, $0x0;
	s13 =	sadd.s32 $0x5000, s9;
	[sflag:s22] =	ssyncadd.s32 $0xFFFFF000  }
0xfd: {  	[spmem:s4] =	stream.indirect.scatter.add.f32 [tilespmem:s29], [sflag:$0x9], $0x20, s13, s28, $0xb8;
	[tilespmem:$0x1E820] =	vst v63  }
0xfe: {  	s13 =	simm.s32 @!p4 $0xD  }
0xff: {  	_ =	swait.ge @!p4 [sflag:s13], $0x1000  }
0x100: {  	[sflag:s13] =	ssyncset.done @!p4 $0x0  }
0x101: {  	s17 =	sadd.s32 $0x200, s9;
	[sflag:s13] =	ssyncadd.s32 @!p4 $0xFFFFF000  }
0x102: {  	[tilespmem:s1], [sflag:$0x5] =	stream.indirect.gather [spmem:s3], $0x20, s17, s28, $0xb8;
	[tilespmem:$0x1E820] =	vst v63  }
0x103: {  	_ =	swait.ge [sflag:s31], $0x1000  }
0x104: {  	[sflag:s31] =	ssyncset.done $0x0  }
0x105: {  	s18 =	sadd.s32 $0x5080, s9;
	s13 =	simm.s32 @!p4 $0xE;
	[sflag:s31] =	ssyncadd.s32 $0xFFFFF000  }
0x106: {  	[spmem:s4] =	stream.indirect.scatter.add.f32 [tilespmem:s30], [sflag:$0xA], $0x20, s18, s28, $0xb8;
	[tilespmem:$0x1E820] =	vst v63  }
0x107: {  	_ =	swait.ge @!p4 [sflag:s13], $0x1000  }
0x108: {  	[sflag:s13] =	ssyncset.done @!p4 $0x0  }
0x109: {  	s25 =	sadd.s32 $0x280, s9;
	[sflag:s13] =	ssyncadd.s32 @!p4 $0xFFFFF000  }
0x10a: {  	[tilespmem:s14], [sflag:$0x6] =	stream.indirect.gather [spmem:s3], $0x20, s25, s28, $0xb8;
	[tilespmem:$0x1E820] =	vst v63  }
0x10b: {  	_ =	swait.ge [sflag:s15], $0x1000  }
0x10c: {  	[sflag:s15] =	ssyncset.done $0x0  }
0x10d: {  	s17 =	sadd.s32 $0x5100, s9;
	s13 =	simm.s32 @!p4 $0xF;
	[sflag:s15] =	ssyncadd.s32 $0xFFFFF000  }
0x10e: {  	[spmem:s4] =	stream.indirect.scatter.add.f32 [tilespmem:s0], [sflag:$0xB], $0x20, s17, s28, $0xb8;
	[tilespmem:$0x1E820] =	vst v63  }
0x10f: {  	_ =	swait.ge @!p4 [sflag:s13], $0x1000  }
0x110: {  	[sflag:s13] =	ssyncset.done @!p4 $0x0  }
0x111: {  	s18 =	sadd.s32 $0x300, s9;
	[sflag:s13] =	ssyncadd.s32 @!p4 $0xFFFFF000  }
0x112: {  	[tilespmem:s2], [sflag:$0x7] =	stream.indirect.gather [spmem:s3], $0x20, s18, s28, $0xb8;
	[tilespmem:$0x1E820] =	vst v63  }
0x113: {  	_ =	swait.ge [sflag:s23], $0x1000  }
0x114: {  	[sflag:s23] =	ssyncset.done $0x0  }
0x115: {  	s25 =	sadd.s32 $0x5180, s9;
	s13 =	simm.s32 @!p4 $0x10;
	[sflag:s23] =	ssyncadd.s32 $0xFFFFF000  }
0x116: {  	[spmem:s4] =	stream.indirect.scatter.add.f32 [tilespmem:s12], [sflag:$0xC], $0x20, s25, s28, $0xb8;
	[tilespmem:$0x1E820] =	vst v63  }
0x117: {  	_ =	swait.ge @!p4 [sflag:s13], $0x1000  }
0x118: {  	[sflag:s13] =	ssyncset.done @!p4 $0x0  }
0x119: {  	s17 =	sadd.s32 $0x380, s9;
	[sflag:s13] =	ssyncadd.s32 @!p4 $0xFFFFF000  }
0x11a: {  	[tilespmem:s16], [sflag:$0x8] =	stream.indirect.gather [spmem:s3], $0x20, s17, s28, $0xb8;
	[tilespmem:$0x1E820] =	vst v63  }
0x11b: {  	_ =	swait.ge [sflag:s21], $0x1000  }
0x11c: {  	p4 =	seq.s32 s8, $0x13000;
	[sflag:s21] =	ssyncset.done $0x0  }
0x11d: {  	s18 =	sadd.s32 $0x5200, s9;
	s13 =	simm.s32 @p4 $0x6;
	[sflag:s21] =	ssyncadd.s32 $0xFFFFF000  }
0x11e: {  	[spmem:s4] =	stream.indirect.scatter.add.f32 [tilespmem:s1], [sflag:$0xD], $0x20, s18, s28, $0xb8;
	[tilespmem:$0x1E820] =	vst v63  }
0x11f: {  	_ =	swait.ge @p4 [sflag:s13], $0x1000  }
0x120: {  	[sflag:s13] =	ssyncset.done @p4 $0x0  }
0x121: {  	[sflag:s13] =	ssyncadd.s32 @p4 $0xFFFFF000;
	s13 =	sshra.s32 @p4 s8, $0x2  }
0x122: {  	s17 =	simm.s32 @p4 $0x80;
	s18 =	simm.s32 @p4 $0xF000;
	s13 =	sadd.s32 @p4 $0x5280, s13  }
0x123: {  	[spmem:s4] =	stream.indirect.scatter.add.f32 @p4 [tilespmem:s18], [sflag:$0xE], $0x20, s13, s17, $0xb8;
	[tilespmem:$0x1E820] =	vst v63  }
0x124: {  	s13 =	simm.s32 @!p4 $0x9  }
0x125: {  	_ =	swait.ge @!p4 [sflag:s13], $0x1000  }
0x126: {  	[sflag:s13] =	ssyncset.done @!p4 $0x0  }
0x127: {  	[sflag:s13] =	ssyncadd.s32 @!p4 $0xFFFFF000;
	s13 =	sshra.s32 @!p4 s8, $0x2  }
0x128: {  	s25 =	simm.s32 @!p4 $0xA000;
	s18 =	simm.s32 @!p4 $0x80;
	s17 =	sadd.s32 @!p4 $0x400, s13  }
0x129: {  	[tilespmem:s25], [sflag:$0x1] =	stream.indirect.gather @!p4 [spmem:s3], $0x20, s17, s18, $0xb8;
	[tilespmem:$0x1E820] =	vst v63  }
0x12a: {  	s17 =	simm.s32 @!p4 $0x6  }
0x12b: {  	_ =	swait.ge @!p4 [sflag:s17], $0x1000  }
0x12c: {  	[sflag:s17] =	ssyncset.done @!p4 $0x0  }
0x12d: {  	s25 =	simm.s32 @!p4 $0xF000;
	[sflag:s17] =	ssyncadd.s32 @!p4 $0xFFFFF000;
	s17 =	sadd.s32 @!p4 $0x5280, s13  }
0x12e: {  	[spmem:s4] =	stream.indirect.scatter.add.f32 @!p4 [tilespmem:s25], [sflag:$0xE], $0x20, s17, s18, $0xb8;
	[tilespmem:$0x1E820] =	vst v63  }
0x12f: {  	s17 =	simm.s32 @!p4 $0xA  }
0x130: {  	_ =	swait.ge @!p4 [sflag:s17], $0x1000  }
0x131: {  	[sflag:s17] =	ssyncset.done @!p4 $0x0  }
0x132: {  	s13 =	sadd.s32 @!p4 $0x480, s13;
	[sflag:s17] =	ssyncadd.s32 @!p4 $0xFFFFF000;
	s17 =	simm.s32 @!p4 $0xB000  }
0x133: {  	[tilespmem:s17], [sflag:$0x2] =	stream.indirect.gather @!p4 [spmem:s3], $0x20, s13, s18, $0xb8;
	[tilespmem:$0x1E820] =	vst v63  }
.Ltmp4:
0x134: {  	_ = 	snop;
	(pc) =	sbr.rel @p4 .LBB2_7-.Ltmp4, $4  }
0x135: {  	_ =	swait.ge [sflag:s6], $0x1000  }
0x136: {  	[sflag:s6] =	ssyncset.done $0x0  }
0x137: {  	s25 =	sadd.s32 $0x5300, s9;
	s13 =	sadd.s32 $0x5380, s9;
	[sflag:s6] =	ssyncadd.s32 $0xFFFFF000  }
0x138: {  	[spmem:s4] =	stream.indirect.scatter.add.f32 [tilespmem:s2], [sflag:$0xF], $0x20, s25, s28, $0xb8;
	[tilespmem:$0x1E820] =	vst v63  }
0x139: {  	_ =	swait.ge [sflag:s10], $0x1000  }
0x13a: {  	[sflag:s10] =	ssyncset.done $0x0  }
0x13b: {  	s17 =	sadd.s32 $0x500, s9;
	[sflag:s10] =	ssyncadd.s32 $0xFFFFF000  }
0x13c: {  	[tilespmem:s0], [sflag:$0x3] =	stream.indirect.gather [spmem:s3], $0x20, s17, s28, $0xb8;
	[tilespmem:$0x1E820] =	vst v63  }
0x13d: {  	_ =	swait.ge [sflag:s7], $0x1000  }
0x13e: {  	[sflag:s7] =	ssyncset.done $0x0  }
0x13f: {  	[sflag:s7] =	ssyncadd.s32 $0xFFFFF000  }
0x140: {  	[spmem:s4] =	stream.indirect.scatter.add.f32 [tilespmem:s16], [sflag:$0x10], $0x20, s13, s28, $0xb8;
	[tilespmem:$0x1E820] =	vst v63  }
.Ltmp5:
0x141: {  	_ = 	snop;
	(pc) =	sbr.rel .LBB2_5-.Ltmp5, $4  }
0x142: {  	_ =	swait.ge [sflag:s11], $0x1000  }
0x143: {  	[sflag:s11] =	ssyncset.done $0x0  }
0x144: {  	s25 =	sadd.s32 $0x580, s9;
	s8 =	sadd.s32 $0x1000, s8;
	[sflag:s11] =	ssyncadd.s32 $0xFFFFF000  }
0x145: {  	[tilespmem:s12], [sflag:$0x4] =	stream.indirect.gather [spmem:s3], $0x20, s25, s28, $0xb8;
	[tilespmem:$0x1E820] =	vst v63  }
.LBB2_8:
0x146: {  	_ =	sfence.sel $0x180000  }
0x147: {  	[bflag:$0x0] =	sbarrier.arrive $0xFFFF  }
0x148: {  	_ =	strace $0x9000004D  }
0x149: {  	s0 =	stileid.u32;
	[bflag:$0x2] =	sbarrier.arrive $0xFFFF  }
0x14a: {  	p0 =	sne.s32 s0, $0x0;
	s0 =	rddreg [dreg:$0x4]  }
0x14b: {  	s0 =	sadd.s32 @!p0 $0x100000, s0  }
0x14c: {  	[sflag:s0] =	ssyncadd.tile.s32 @!p0 $0x1;
	_ =	shalt  }
.Lfunc_end2:
_tile_overlayer_lowered:
.L_overlay_start_2:
0x14d: {  	(tag) =	ssettag $0x2  }
0x14e: {  	s0 =	rddreg [dreg:$0x0];
	s2 =	stileid.u32  }
0x14f: {  	s1 =	rddreg [dreg:$0x1];
	p0 =	sne.s32 s2, $0x0  }
0x150: {  	s3 =	rddreg [dreg:$0x2];
	[bflag:$0x3] =	sbarrier.arrive $0xFFFF;
	s2 =	simm.s32 @!p0 $0x1C11  }
0x151: {  	[timem:s3], [sflag:s2] =	dma.local @!p0 [hbm:s0], s1  }
0x152: {  	s0 =	simm.s32 @!p0 $0x11  }
0x153: {  	_ =	swait.ge @!p0 [sflag:s0], s1  }
0x154: {  	s1 =	ssub.s32 @!p0 $0x0, s1;
	[sflag:s0] =	ssyncset.done @!p0 $0x0  }
0x155: {  	[sflag:s0] =	ssyncadd.s32 @!p0 s1  }
0x156: {  	[bflag:$0x3] =	sbarrier.arrive $0xFFFF  }
0x157: {  	_ =	shalt  }

// kernel: kernel.8.cloned.1.call-start
scs
__scs_entry_jumppad:
0x0: {  	(pc) =	sbr.rel $0x88, $3  }
0x1: {  	(tag) =	ssettag $0x0;
	lr =	simm.s32 $0x1  }
0x2: {  	[smem:$0x3F99] =	sst lr;
	_ =	strace $0xD0000000  }
0x3: {  	_ = 	snop  }
0x4: {  	_ = 	snop  }
0x5: {  	_ = 	snop  }
0x6: {  	_ = 	snop  }
0x7: {  	_ = 	snop  }
__scs_overlays_trampoline_lowered:
0x8: {  	[smem:$0x3FA8] =	sst s0  }
0x9: {  	[smem:$0x3FA9] =	sst s1  }
0xa: {  	[smem:$0x3FAA] =	sst s2  }
0xb: {  	[smem:$0x3FAB] =	sst s3  }
0xc: {  	[smem:$0x3FAC] =	sst s4  }
0xd: {  	[smem:$0x3FAD] =	sst s5  }
0xe: {  	[smem:$0x3FAE] =	sst s6  }
0xf: {  	[smem:$0x3FAF] =	sst s7  }
0x10: {  	[smem:$0x3FB0] =	sst s8  }
0x11: {  	[smem:$0x3FB1] =	sst s9;
	s0 =	simm.s32 @!p0 $0x0  }
0x12: {  	s1 =	sld [smem:$0x3F97];
	s0 =	simm.s32 @p0 $0x1  }
0x13: {  	[smem:$0x3FB2] =	sst s0;
	s0 =	simm.s32 @!p1 $0x0  }
0x14: {  	s2 =	sld [smem:$0x3F96];
	s0 =	simm.s32 @p1 $0x1  }
0x15: {  	[smem:$0x3FB3] =	sst s0;
	s0 =	simm.s32 @!p2 $0x0  }
0x16: {  	s3 =	sld [smem:$0x3FDB];
	s0 =	simm.s32 @p2 $0x1  }
0x17: {  	s4 =	simm.s32 $0x1BF5;
	[smem:$0x3FB5] =	sst s0  }
0x18: {  	s0 =	sld [smem:$0x3F98];
	_ =	swait.ge [sflag:s4], $0x0  }
0x19: {  	s7 =	sld [smem:$0x3F99]  }
0x1a: {  	s8 =	sadd.s32 $0xFFFFE003, lr  }
0x1b: {  	s9 =	sadd.s32 $0xFFFFFEF7, lr;
	s5 =	simm.s32 $0xFFFFFFFF;
	p2 =	slt.u32 s8, $0xFFFFF086  }
0x1c: {  	p1 =	slt.u32 s9, $0xF7A;
	s5 =	simm.s32 @!p2 $0x0  }
0x1d: {  	s5 =	simm.s32 @p1 $0x1;
	p0 =	seq.s32 s7, s2  }
0x1e: {  	s7 =	smul.u32 @!p0 $0xF7A, s2;
	p2 =	seq.s32 @!p0 s5, $0x0  }
0x1f: {  	s9 =	smul.u32 $0xF7A, s1;
	s8 =	simm.s32 @!p0 $0x1BF5;
	p2 =	por !p2, p0  }
0x20: {  	[sflag:s8] =	ssyncset.s32 @!p0 $0xFFFFF086;
	s6 =	sadd.s32 @!p0 s3, s7;
	s7 =	simm.s32 @!p0 $0x108  }
0x21: {  	s3 =	sadd.s32 s3, s9;
	s6 =	sadd.s32 @!p0 $0x88, s6;
	s7 =	simm.s32 @p2 $0x1082  }
0x22: {  	[simem:s7], [sflag:s8] =	dma.local @!p0 [hbm:s6], $0xF7A  }
0x23: {  	s9 =	sor.u32 $0xD0000000, s2;
	s6 =	simm.s32 $0x108;
	_ =	swait.ge @!p0 [sflag:s8], $0x0  }
0x24: {  	s3 =	sadd.s32 $0x88, s3;
	s6 =	simm.s32 @!p1 $0x1082;
	[sflag:s4] =	ssyncset.s32 $0xFFFFF086  }
0x25: {  	[simem:s6], [sflag:s4] =	dma.local [hbm:s3], $0xF7A  }
0x26: {  	[smem:$0x3F99] =	sst s1;
	(tag) =	ssettag s2;
	_ =	strace s9  }
0x27: {  	s1 =	sld [smem:$0x3FA9]  }
0x28: {  	s2 =	sld [smem:$0x3FAA]  }
0x29: {  	s4 =	sld [smem:$0x3FAC]  }
0x2a: {  	p0 =	seq.s32 s5, $0x0;
	s5 =	sld [smem:$0x3FAD]  }
0x2b: {  	s6 =	sld [smem:$0x3FAE]  }
0x2c: {  	s7 =	sld [smem:$0x3FAF]  }
0x2d: {  	s3 =	simm.s32 $0x108;
	s8 =	sld [smem:$0x3FB0]  }
0x2e: {  	s3 =	simm.s32 @!p0 $0x1082;
	s9 =	sld [smem:$0x3FB1]  }
0x2f: {  	lr =	sadd.s32 s0, s3;
	s0 =	sld [smem:$0x3FA8]  }
0x30: {  	s3 =	sld [smem:$0x3FAB]  }
0x31: {  	[smem:$0x3FB4] =	sst s10  }
0x32: {  	s10 =	sld [smem:$0x3FB2];
	_ =	sdelay $0x3  }
0x33: {  	p0 =	seq.s32 s10, $0x1;
	s10 =	sld [smem:$0x3FB4];
	_ =	sdelay $0x3  }
0x34: {  	[smem:$0x3FB4] =	sst s10  }
0x35: {  	s10 =	sld [smem:$0x3FB3];
	_ =	sdelay $0x3  }
0x36: {  	p1 =	seq.s32 s10, $0x1;
	s10 =	sld [smem:$0x3FB4];
	_ =	sdelay $0x3  }
0x37: {  	[smem:$0x3FB4] =	sst s10  }
0x38: {  	s10 =	sld [smem:$0x3FB5]  }
0x39: {  	_ = 	snop;
	(pc) =	sbr.ind lr, $3  }
0x3a: {  	_ = 	snop  }
0x3b: {  	_ = 	snop  }
0x3c: {  	p2 =	seq.s32 s10, $0x1;
	s10 =	sld [smem:$0x3FB4]  }
0x3d: {  	_ =	shalt  }
0x3e: {  	_ =	shalt  }
0x3f: {  	_ =	shalt  }
0x40: {  	_ =	shalt  }
0x41: {  	_ =	shalt  }
0x42: {  	_ =	shalt  }
0x43: {  	_ =	shalt  }
0x44: {  	_ =	shalt  }
0x45: {  	_ =	shalt  }
0x46: {  	_ =	shalt  }
0x47: {  	_ =	shalt  }
0x48: {  	_ =	shalt  }
0x49: {  	_ =	shalt  }
0x4a: {  	_ =	shalt  }
0x4b: {  	_ =	shalt  }
0x4c: {  	_ =	shalt  }
0x4d: {  	_ =	shalt  }
0x4e: {  	_ =	shalt  }
0x4f: {  	_ =	shalt  }
0x50: {  	_ =	shalt  }
0x51: {  	_ =	shalt  }
0x52: {  	_ =	shalt  }
0x53: {  	_ =	shalt  }
0x54: {  	_ =	shalt  }
0x55: {  	_ =	shalt  }
0x56: {  	_ =	shalt  }
0x57: {  	_ =	shalt  }
0x58: {  	_ =	shalt  }
0x59: {  	_ =	shalt  }
0x5a: {  	_ =	shalt  }
0x5b: {  	_ =	shalt  }
0x5c: {  	_ =	shalt  }
0x5d: {  	_ =	shalt  }
0x5e: {  	_ =	shalt  }
0x5f: {  	_ =	shalt  }
0x60: {  	_ =	shalt  }
0x61: {  	_ =	shalt  }
0x62: {  	_ =	shalt  }
0x63: {  	_ =	shalt  }
0x64: {  	_ =	shalt  }
0x65: {  	_ =	shalt  }
0x66: {  	_ =	shalt  }
0x67: {  	_ =	shalt  }
0x68: {  	_ =	shalt  }
0x69: {  	_ =	shalt  }
0x6a: {  	_ =	shalt  }
0x6b: {  	_ =	shalt  }
0x6c: {  	_ =	shalt  }
0x6d: {  	_ =	shalt  }
0x6e: {  	_ =	shalt  }
0x6f: {  	_ =	shalt  }
0x70: {  	_ =	shalt  }
0x71: {  	_ =	shalt  }
0x72: {  	_ =	shalt  }
0x73: {  	_ =	shalt  }
0x74: {  	_ =	shalt  }
0x75: {  	_ =	shalt  }
0x76: {  	_ =	shalt  }
0x77: {  	_ =	shalt  }
0x78: {  	_ =	shalt  }
0x79: {  	_ =	shalt  }
0x7a: {  	_ =	shalt  }
0x7b: {  	_ =	shalt  }
0x7c: {  	_ =	shalt  }
0x7d: {  	_ =	shalt  }
0x7e: {  	_ =	shalt  }
0x7f: {  	_ =	shalt  }
0x80: {  	_ =	shalt  }
0x81: {  	_ =	shalt  }
0x82: {  	_ =	shalt  }
0x83: {  	_ =	shalt  }
0x84: {  	_ =	shalt  }
0x85: {  	_ =	shalt  }
0x86: {  	_ =	shalt  }
0x87: {  	_ =	shalt  }
.Lfunc_end0:
.L_simem_size_0:
called_computation_lowered:
.L_overlay_start_0:
0x88: {  	s2 =	sld [smem:$0x3FD9]  }
0x89: {  	s3 =	sld [smem:$0x3FFE];
	_ =	sdelay $0x1  }
0x8a: {  	s1 =	srdreg.scid  }
0x8b: {  	s0 =	sand.u32 $0x1, s1  }
0x8c: {  	s17 =	sshll.u32 s0, $0xA;
	s2 =	sadd.s32 s3, s2  }
0x8d: {  	s2 =	sadd.s32 s2, s17  }
0x8e: {  	[smem:$0x3FC0] =	sst s2  }
0x8f: {  	_ = 	snop  }
0x90: {  	s2 =	sld [smem:$0x3FD0];
	(tm) =	ssettm $0x1  }
0x91: {  	s18 =	sld [smem:$0x3FFB];
	_ =	sdelay $0x3  }
0x92: {  	_ =	strace s18  }
0x93: {  	s3 =	sld [smem:$0x3FFC];
	_ =	sdelay $0x3  }
0x94: {  	_ =	strace s3  }
0x95: {  	s3 =	sld [smem:$0x3FFD];
	_ =	sdelay $0x3  }
0x96: {  	_ =	strace s3  }
0x97: {  	_ =	strace $0x8FFFFFFF  }
0x98: {  	s19 =	sld [smem:$0x3FDB];
	_ =	sdelay $0x1  }
0x99: {  	s4 =	simm.s32 $_scs_section_size  }
0x9a: {  	s5 =	simm.s32 $_size__tile_overlayer_lowered;
	s6 =	simm.s32 $_tile_overlayer_lowered  }
0x9b: {  	s22 =	simm.s32 $0x1BFF;
	s21 =	sshll.u32 s6, $0x1;
	s3 =	sadd.s32 s4, s19  }
0x9c: {  	s7 =	simm.s32 $0x0;
	s20 =	sshll.u32 s5, $0x1;
	s5 =	sadd.s32 s21, s3  }
0x9d: {  	[timem:s7], [sflag:s22] =	dma.local [hbm:s5], s20  }
0x9e: {  	_ =	swait.ge [sflag:s22], s20  }
0x9f: {  	s4 =	ssub.s32 $0x0, s20;
	[sflag:s22] =	ssyncset.done $0x0  }
0xa0: {  	[sflag:s22] =	ssyncadd.s32 s4;
	_ =	sdelay $0x1  }
0xa1: {  	s23 =	simm.s32 $0x1B8B  }
0xa2: {  	_ =	swait.ge [sflag:s23], $0x1  }
0xa3: {  	[sflag:s23] =	ssyncset.done $0x0  }
0xa4: {  	s25 =	simm.s32 $0x1B8E;
	s24 =	sld [smem:$0x3FFE];
	[sflag:s23] =	ssyncadd.s32 $0xFFFFFFFF  }
0xa5: {  	s26 =	simm.s32 $execute0_lowered;
	[smem:$0x3FD2] =	sst s25  }
0xa6: {  	s5 =	sshll.u32 s26, $0x1;
	_ =	strace $0x80000046;
	[dreg:$0x1] =	wrdreg $0xFFFFFFFF  }
0xa7: {  	s28 =	simm.s32 $_size_execute0_lowered;
	s3 =	sadd.s32 s3, s5;
	[dreg:$0x0] =	wrdreg $0x0  }
0xa8: {  	s5 =	sshll.u32 s28, $0x1;
	[dreg:$0x2] =	wrdreg s3  }
0xa9: {  	[dreg:$0x3] =	wrdreg s5  }
0xaa: {  	[dreg:$0x4] =	wrdreg $0xC0  }
0xab: {  	_ =	task [dreg:s7], $0x5FFFF  }
0xac: {  	[dreg:$0x1] =	wrdreg $0xFFFFFFFF  }
0xad: {  	[dreg:$0x0] =	wrdreg $0x60  }
0xae: {  	[dreg:$0x2] =	wrdreg s24  }
0xaf: {  	[dreg:$0x3] =	wrdreg s2  }
0xb0: {  	[dreg:$0x4] =	wrdreg $0x30000  }
0xb1: {  	[dreg:$0x5] =	wrdreg $0x9  }
0xb2: {  	_ =	task.clear_ibuf [dreg:s7], $0x6FFFF;
	_ =	strace $0x90000046  }
0xb3: {  	s29 =	simm.s32 $0x9;
	_ =	strace $0x80000048  }
0xb4: {  	_ =	swait.ge [sflag:s29], $0x1  }
0xb5: {  	[sflag:s29] =	ssyncadd.s32 $0xFFFFFFFF  }
0xb6: {  	_ =	strace $0x90000048  }
0xb7: {  	_ =	sfence  }
0xb8: {  	s30 =	sld [smem:$0x0];
	_ =	sdelay $0x2  }
0xb9: {  	s31 =	sshll.u32 s1, $0xD;
	s1 =	sshrl.u32 s1, $0x2  }
0xba: {  	s3 =	sand.u32 $0x4000, s31;
	s1 =	sadd.s32 s1, s30  }
0xbb: {  	s0 =	sor.u32 s3, s0;
	s1 =	sshll.u32 s1, $0x11  }
0xbc: {  	s0 =	sor.u32 s1, s0  }
0xbd: {  	s0 =	sadd.s32 $0x8F2B, s0  }
0xbe: {  	[sflag:s0] =	ssyncadd.remote.s32 $0x1  }
0xbf: {  	_ =	sfence.sel $0xFFFF  }
0xc0: {  	[dreg:$0x0] =	wrdreg $0xFFFFFFFF;
	(pc) =	sbr.abs _section_cstart, $3  }
0xc1: {  	[dreg:$0x1] =	wrdreg $0xFFFFFFFF  }
0xc2: {  	_ =	task.clear_ibuf [dreg:s7], $0x2FFFF;
	_ =	strace $0x9FFFFFFF  }
0xc3: {  	(tm) =	ssettm $0x7FFFFFFF  }
tec
execute0_lowered:
.L_overlay_start_1:
0x0: {  	(tag) =	ssettag $0x1  }
0x1: {  	s0 =	rddreg [dreg:$0x0]  }
0x2: {  	s1 =	srdreg.scid;
	s6 =	stileid.u32  }
0x3: {  	s3 =	rddreg [dreg:$0x2];
	s4 =	simm.s32 $0x0;
	s15 =	simm.s32 $0x9  }
0x4: {  	s16 =	simm.s32 $0x80;
	s19 =	simm.s32 $0x200;
	s20 =	simm.s32 $0x280  }
0x5: {  	s21 =	simm.s32 $0x300;
	s22 =	simm.s32 $0x380;
	s23 =	simm.s32 $0x1  }
0x6: {  	s24 =	simm.s32 $0x2;
	s28 =	simm.s32 $0x5;
	s29 =	simm.s32 $0x6  }
0x7: {  	s30 =	simm.s32 $0x7;
	s31 =	simm.s32 $0x8;
	s1 =	sand.u32 $0x1, s1  }
0x8: {  	s5 =	smul.u32 $0x14000, s6;
	[smem:$0x7FF] =	sst s4;
	s2 =	sshll.u32 s1, $0x4  }
0x9: {  	_ =	strace $0x80000047;
	s1 =	ssub.s32 $0x2, s1;
	s14 =	sor.u32 s6, s2  }
0xa: {  	s2 =	sor.u32 s2, s5;
	s6 =	smul.u32 $0xA000, s6;
	s7 =	sshrl.u32 s1, $0x1  }
0xb: {  	s25 =	smul.u32 $0x2800, s14;
	s2 =	sshrl.u32 s2, $0x3;
	s1 =	ssub.s32 s1, s7  }
0xc: {  	p0 =	seq.s32 s14, $0x1F;
	s14 =	simm.s32 $0x2800;
	s2 =	sadd.s32 s2, s0  }
0xd: {  	s26 =	sshrl.u32 s6, $0x2;
	s6 =	sadd.s32 $0x16140, s0;
	s9 =	smax.u32 s1, $0x1  }
0xe: {  	s1 =	simm.s32 $0x10;
	s5 =	sshrl.u32 s25, $0x3;
	s7 =	sadd.s32 s26, s3  }
0xf: {  	s8 =	sadd.s32 $0x16400, s2;
	s25 =	simm.s32 $0x3;
	s26 =	simm.s32 $0x4  }
0x10: {  	s5 =	sadd.s32 s0, s5;
	s10 =	sadd.s32 $0x800, s7;
	s11 =	sadd.s32 $0x1000, s7  }
0x11: {  	v0 =	vimm.f32 $0.0e+00;
	v1 =	vimm.f32 $1.000000000e+00;
	s12 =	sadd.s32 $0x1800, s7;
	s13 =	sadd.s32 $0x2000, s7;
	s5 =	sadd.s32 $0xC640, s5  }
.LBB2_1:
0x12: {  	s0 =	simm.s32 @p0 $0x0;
	s2 =	simm.s32 @p0 $0x9  }
0x13: {  	[tilespmem:s0], [sflag:$0x9] =	stream.linear.gather @p0 [hbm4b:s6+s0], $0xA00, $0x38;
	[tilespmem:$0x5800] =	vst v63  }
0x14: {  	_ =	swait.ge @p0 [sflag:s2], $0xA00  }
0x15: {  	[sflag:s2] =	ssyncset.done @p0 $0x0  }
0x16: {  	[sflag:s2] =	ssyncadd.s32 @p0 $0xFFFFF600  }
0x17: {  	s17 =	simm.s32 @p0 $0xA00;
	s18 =	rddreg [dreg:$0x1]  }
0x18: {  	[tilespmem:s17], [sflag:$0x9] =	stream.linear.gather @p0 [hbm4b:s18+s0], $0x1E00, $0x38;
	[tilespmem:$0x5800] =	vst v63  }
0x19: {  	_ =	swait.ge @p0 [sflag:s2], $0x1E00  }
0x1a: {  	[sflag:s2] =	ssyncset.done @p0 $0x0  }
0x1b: {  	s0 =	simm.s32 @!p0 $0x0;
	[sflag:s2] =	ssyncadd.s32 @p0 $0xFFFFE200;
	s2 =	simm.s32 @!p0 $0x9  }
0x1c: {  	[tilespmem:s0], [sflag:$0x9] =	stream.linear.gather @!p0 [hbm4b:s5+s0], $0x2800, $0x38;
	[tilespmem:$0x5800] =	vst v63  }
0x1d: {  	_ =	swait.ge @!p0 [sflag:s2], $0x2800  }
0x1e: {  	[sflag:s2] =	ssyncset.done @!p0 $0x0  }
0x1f: {  	s0 =	simm.s32 @p0 $0x0;
	[sflag:s2] =	ssyncadd.s32 @!p0 $0xFFFFD800  }
.LBB2_2:
0x20: {  	p1 =	seq.s32 s0, $0x1FC0  }
.Ltmp0:
0x21: {  	_ = 	snop;
	(pc) =	sbr.rel @!p1 .LBB2_2-.Ltmp0, $3  }
0x22: {  	_ =	sdelay $0x1  }
0x23: {  	s2 =	sshra.s32 s0, $0x2  }
0x24: {  	s0 =	sadd.s32 $0x40, s0;
	[tilespmem:s2+$0x2800] =	vst v0  }
0x25: {  	[spmem:s7] =	stream.linear.scatter [tilespmem:s14], [sflag:$0x9], $0x800, $0x38;
	[tilespmem:$0x5800] =	vst v63  }
0x26: {  	_ =	swait.ge [sflag:s15], $0x800  }
0x27: {  	[sflag:s15] =	ssyncset.done $0x0  }
0x28: {  	[sflag:s15] =	ssyncadd.s32 $0xFFFFF800  }
0x29: {  	[spmem:s10] =	stream.linear.scatter [tilespmem:s14], [sflag:$0x9], $0x800, $0x38;
	[tilespmem:$0x5800] =	vst v63  }
0x2a: {  	_ =	swait.ge [sflag:s15], $0x800  }
0x2b: {  	[sflag:s15] =	ssyncset.done $0x0  }
0x2c: {  	[sflag:s15] =	ssyncadd.s32 $0xFFFFF800  }
0x2d: {  	[spmem:s11] =	stream.linear.scatter [tilespmem:s14], [sflag:$0x9], $0x800, $0x38;
	[tilespmem:$0x5800] =	vst v63  }
0x2e: {  	_ =	swait.ge [sflag:s15], $0x800  }
0x2f: {  	[sflag:s15] =	ssyncset.done $0x0  }
0x30: {  	[sflag:s15] =	ssyncadd.s32 $0xFFFFF800  }
0x31: {  	[spmem:s12] =	stream.linear.scatter [tilespmem:s14], [sflag:$0x9], $0x800, $0x38;
	[tilespmem:$0x5800] =	vst v63  }
0x32: {  	_ =	swait.ge [sflag:s15], $0x800  }
0x33: {  	[sflag:s15] =	ssyncset.done $0x0  }
0x34: {  	[sflag:s15] =	ssyncadd.s32 $0xFFFFF800  }
0x35: {  	[spmem:s13] =	stream.linear.scatter [tilespmem:s14], [sflag:$0x9], $0x800, $0x38;
	[tilespmem:$0x5800] =	vst v63  }
0x36: {  	_ =	swait.ge [sflag:s15], $0x800  }
0x37: {  	[sflag:s15] =	ssyncset.done $0x0  }
0x38: {  	s0 =	simm.s32 $0x40;
	s2 =	simm.s32 $0x0;
	[sflag:s15] =	ssyncadd.s32 $0xFFFFF800  }
.LBB2_4:
0x39: {  	p1 =	sne.s32 s0, $0x1FC0;
	[tilespmem:s2+$0x2800] =	vst v1;
	s2 =	smov.u32 s0;
	s0 =	sadd.s32 $0x40, s0  }
.Ltmp1:
0x3a: {  	(pc) =	sbr.rel @p1 .LBB2_4-.Ltmp1, $2  }
0x3b: {  	_ =	sdelay $0x2  }
0x3c: {  	s2 =	sshra.s32 s2, $0x2  }
0x3d: {  	[tilespmem:s2+$0x2800] =	vst v1  }
0x3e: {  	s0 =	simm.s32 $0x0;
	[bflag:$0x0] =	sbarrier.arrive $0xFFFF  }
0x3f: {  	[spmem:s3] =	stream.indirect.scatter.add.f32 [tilespmem:s14], [sflag:$0x1], $0x10, s0, s16, $0xb8;
	[tilespmem:$0x5800] =	vst v63  }
0x40: {  	_ = 	snop  }
0x41: {  	[spmem:s3] =	stream.indirect.scatter.add.f32 [tilespmem:s14], [sflag:$0x2], $0x10, s16, s16, $0xb8;
	[tilespmem:$0x5800] =	vst v63  }
0x42: {  	s2 =	simm.s32 $0x100  }
0x43: {  	[spmem:s3] =	stream.indirect.scatter.add.f32 [tilespmem:s14], [sflag:$0x3], $0x10, s2, s16, $0xb8;
	[tilespmem:$0x5800] =	vst v63  }
0x44: {  	s17 =	simm.s32 $0x180  }
0x45: {  	[spmem:s3] =	stream.indirect.scatter.add.f32 [tilespmem:s14], [sflag:$0x4], $0x10, s17, s16, $0xb8;
	[tilespmem:$0x5800] =	vst v63  }
0x46: {  	_ = 	snop  }
0x47: {  	[spmem:s3] =	stream.indirect.scatter.add.f32 [tilespmem:s14], [sflag:$0x5], $0x10, s19, s16, $0xb8;
	[tilespmem:$0x5800] =	vst v63  }
0x48: {  	_ = 	snop  }
0x49: {  	[spmem:s3] =	stream.indirect.scatter.add.f32 [tilespmem:s14], [sflag:$0x6], $0x10, s20, s16, $0xb8;
	[tilespmem:$0x5800] =	vst v63  }
0x4a: {  	_ = 	snop  }
0x4b: {  	[spmem:s3] =	stream.indirect.scatter.add.f32 [tilespmem:s14], [sflag:$0x7], $0x10, s21, s16, $0xb8;
	[tilespmem:$0x5800] =	vst v63  }
0x4c: {  	_ = 	snop  }
0x4d: {  	[spmem:s3] =	stream.indirect.scatter.add.f32 [tilespmem:s14], [sflag:$0x8], $0x10, s22, s16, $0xb8;
	[tilespmem:$0x5800] =	vst v63  }
0x4e: {  	_ =	swait.ge [sflag:s23], $0x800  }
0x4f: {  	[sflag:s23] =	ssyncset.done $0x0  }
0x50: {  	s18 =	simm.s32 $0x400;
	[sflag:s23] =	ssyncadd.s32 $0xFFFFF800  }
0x51: {  	[spmem:s3] =	stream.indirect.scatter.add.f32 [tilespmem:s14], [sflag:$0x1], $0x10, s18, s16, $0xb8;
	[tilespmem:$0x5800] =	vst v63  }
0x52: {  	_ =	swait.ge [sflag:s24], $0x800  }
0x53: {  	[sflag:s24] =	ssyncset.done $0x0  }
0x54: {  	s2 =	simm.s32 $0x480;
	[sflag:s24] =	ssyncadd.s32 $0xFFFFF800  }
0x55: {  	[spmem:s3] =	stream.indirect.scatter.add.f32 [tilespmem:s14], [sflag:$0x2], $0x10, s2, s16, $0xb8;
	[tilespmem:$0x5800] =	vst v63  }
0x56: {  	_ =	swait.ge [sflag:s25], $0x800  }
0x57: {  	[sflag:s25] =	ssyncset.done $0x0  }
0x58: {  	s17 =	simm.s32 $0x500;
	[sflag:s25] =	ssyncadd.s32 $0xFFFFF800  }
0x59: {  	[spmem:s3] =	stream.indirect.scatter.add.f32 [tilespmem:s14], [sflag:$0x3], $0x10, s17, s16, $0xb8;
	[tilespmem:$0x5800] =	vst v63  }
0x5a: {  	_ =	swait.ge [sflag:s26], $0x800  }
0x5b: {  	[sflag:s26] =	ssyncset.done $0x0  }
0x5c: {  	s18 =	simm.s32 $0x580;
	[sflag:s26] =	ssyncadd.s32 $0xFFFFF800  }
0x5d: {  	[spmem:s3] =	stream.indirect.scatter.add.f32 [tilespmem:s14], [sflag:$0x4], $0x10, s18, s16, $0xb8;
	[tilespmem:$0x5800] =	vst v63  }
0x5e: {  	_ =	swait.ge [sflag:s28], $0x800  }
0x5f: {  	[sflag:s28] =	ssyncset.done $0x0  }
0x60: {  	s2 =	simm.s32 $0x600;
	[sflag:s28] =	ssyncadd.s32 $0xFFFFF800  }
0x61: {  	[spmem:s3] =	stream.indirect.scatter.add.f32 [tilespmem:s14], [sflag:$0x5], $0x10, s2, s16, $0xb8;
	[tilespmem:$0x5800] =	vst v63  }
0x62: {  	_ =	swait.ge [sflag:s29], $0x800  }
0x63: {  	[sflag:s29] =	ssyncset.done $0x0  }
0x64: {  	s17 =	simm.s32 $0x680;
	[sflag:s29] =	ssyncadd.s32 $0xFFFFF800  }
0x65: {  	[spmem:s3] =	stream.indirect.scatter.add.f32 [tilespmem:s14], [sflag:$0x6], $0x10, s17, s16, $0xb8;
	[tilespmem:$0x5800] =	vst v63  }
0x66: {  	_ =	swait.ge [sflag:s30], $0x800  }
0x67: {  	[sflag:s30] =	ssyncset.done $0x0  }
0x68: {  	s18 =	simm.s32 $0x700;
	[sflag:s30] =	ssyncadd.s32 $0xFFFFF800  }
0x69: {  	[spmem:s3] =	stream.indirect.scatter.add.f32 [tilespmem:s14], [sflag:$0x7], $0x10, s18, s16, $0xb8;
	[tilespmem:$0x5800] =	vst v63  }
0x6a: {  	_ =	swait.ge [sflag:s31], $0x800  }
0x6b: {  	[sflag:s31] =	ssyncset.done $0x0  }
0x6c: {  	s0 =	simm.s32 $0x780;
	s2 =	simm.s32 $0x1000;
	[sflag:s31] =	ssyncadd.s32 $0xFFFFF800  }
.LBB2_6:
0x6d: {  	[spmem:s3] =	stream.indirect.scatter.add.f32 [tilespmem:s14], [sflag:$0x8], $0x10, s0, s16, $0xb8;
	[tilespmem:$0x5800] =	vst v63  }
0x6e: {  	s0 =	smov.u32 s2  }
0x6f: {  	p1 =	sne.s32 s2, $0x8000;
	s2 =	sadd.s32 $0x1000, s2;
	_ =	swait.ge [sflag:s23], $0x800  }
0x70: {  	s0 =	sshra.s32 s0, $0x2;
	[sflag:s23] =	ssyncset.done $0x0  }
0x71: {  	s17 =	sadd.s32 $0x400, s0;
	[sflag:s23] =	ssyncadd.s32 $0xFFFFF800  }
0x72: {  	[spmem:s3] =	stream.indirect.scatter.add.f32 [tilespmem:s14], [sflag:$0x1], $0x10, s17, s16, $0xb8;
	[tilespmem:$0x5800] =	vst v63  }
0x73: {  	_ =	swait.ge [sflag:s24], $0x800  }
0x74: {  	[sflag:s24] =	ssyncset.done $0x0  }
0x75: {  	s17 =	sadd.s32 $0x480, s0;
	[sflag:s24] =	ssyncadd.s32 $0xFFFFF800  }
0x76: {  	[spmem:s3] =	stream.indirect.scatter.add.f32 [tilespmem:s14], [sflag:$0x2], $0x10, s17, s16, $0xb8;
	[tilespmem:$0x5800] =	vst v63  }
0x77: {  	_ =	swait.ge [sflag:s25], $0x800  }
0x78: {  	[sflag:s25] =	ssyncset.done $0x0  }
0x79: {  	s17 =	sadd.s32 $0x500, s0;
	[sflag:s25] =	ssyncadd.s32 $0xFFFFF800  }
0x7a: {  	[spmem:s3] =	stream.indirect.scatter.add.f32 [tilespmem:s14], [sflag:$0x3], $0x10, s17, s16, $0xb8;
	[tilespmem:$0x5800] =	vst v63  }
0x7b: {  	_ =	swait.ge [sflag:s26], $0x800  }
0x7c: {  	[sflag:s26] =	ssyncset.done $0x0  }
0x7d: {  	s17 =	sadd.s32 $0x580, s0;
	[sflag:s26] =	ssyncadd.s32 $0xFFFFF800  }
0x7e: {  	[spmem:s3] =	stream.indirect.scatter.add.f32 [tilespmem:s14], [sflag:$0x4], $0x10, s17, s16, $0xb8;
	[tilespmem:$0x5800] =	vst v63  }
0x7f: {  	_ =	swait.ge [sflag:s28], $0x800  }
0x80: {  	[sflag:s28] =	ssyncset.done $0x0  }
0x81: {  	s17 =	sadd.s32 $0x600, s0;
	[sflag:s28] =	ssyncadd.s32 $0xFFFFF800  }
0x82: {  	[spmem:s3] =	stream.indirect.scatter.add.f32 [tilespmem:s14], [sflag:$0x5], $0x10, s17, s16, $0xb8;
	[tilespmem:$0x5800] =	vst v63  }
0x83: {  	_ =	swait.ge [sflag:s29], $0x800  }
0x84: {  	[sflag:s29] =	ssyncset.done $0x0  }
0x85: {  	s17 =	sadd.s32 $0x680, s0;
	[sflag:s29] =	ssyncadd.s32 $0xFFFFF800  }
0x86: {  	[spmem:s3] =	stream.indirect.scatter.add.f32 [tilespmem:s14], [sflag:$0x6], $0x10, s17, s16, $0xb8;
	[tilespmem:$0x5800] =	vst v63  }
0x87: {  	_ =	swait.ge [sflag:s30], $0x800  }
0x88: {  	[sflag:s30] =	ssyncset.done $0x0  }
.Ltmp2:
0x89: {  	s17 =	sadd.s32 $0x700, s0;
	[sflag:s30] =	ssyncadd.s32 $0xFFFFF800;
	(pc) =	sbr.rel @p1 .LBB2_6-.Ltmp2, $4  }
0x8a: {  	[spmem:s3] =	stream.indirect.scatter.add.f32 [tilespmem:s14], [sflag:$0x7], $0x10, s17, s16, $0xb8;
	[tilespmem:$0x5800] =	vst v63  }
0x8b: {  	_ =	swait.ge [sflag:s31], $0x800  }
0x8c: {  	[sflag:s31] =	ssyncset.done $0x0  }
0x8d: {  	s0 =	sadd.s32 $0x780, s0;
	[sflag:s31] =	ssyncadd.s32 $0xFFFFF800  }
0x8e: {  	[spmem:s3] =	stream.indirect.scatter.add.f32 [tilespmem:s14], [sflag:$0x8], $0x10, s0, s16, $0xb8;
	[tilespmem:$0x5800] =	vst v63  }
0x8f: {  	_ =	swait.ge [sflag:s23], $0x800  }
0x90: {  	[sflag:s23] =	ssyncset.done $0x0  }
0x91: {  	[sflag:s23] =	ssyncadd.s32 $0xFFFFF800  }
0x92: {  	_ =	swait.ge [sflag:s24], $0x800  }
0x93: {  	[sflag:s24] =	ssyncset.done $0x0  }
0x94: {  	[sflag:s24] =	ssyncadd.s32 $0xFFFFF800  }
0x95: {  	_ =	swait.ge [sflag:s25], $0x800  }
0x96: {  	[sflag:s25] =	ssyncset.done $0x0  }
0x97: {  	[sflag:s25] =	ssyncadd.s32 $0xFFFFF800  }
0x98: {  	_ =	swait.ge [sflag:s26], $0x800  }
0x99: {  	[sflag:s26] =	ssyncset.done $0x0  }
0x9a: {  	[sflag:s26] =	ssyncadd.s32 $0xFFFFF800  }
0x9b: {  	_ =	swait.ge [sflag:s28], $0x800  }
0x9c: {  	[sflag:s28] =	ssyncset.done $0x0  }
0x9d: {  	[sflag:s28] =	ssyncadd.s32 $0xFFFFF800  }
0x9e: {  	_ =	swait.ge [sflag:s29], $0x800  }
0x9f: {  	[sflag:s29] =	ssyncset.done $0x0  }
0xa0: {  	[sflag:s29] =	ssyncadd.s32 $0xFFFFF800  }
0xa1: {  	_ =	swait.ge [sflag:s30], $0x800  }
0xa2: {  	[sflag:s30] =	ssyncset.done $0x0  }
0xa3: {  	[sflag:s30] =	ssyncadd.s32 $0xFFFFF800  }
0xa4: {  	s18 =	stileid.u32;
	_ =	swait.ge [sflag:s31], $0x800  }
0xa5: {  	s2 =	sshrl.u32 s7, $0x3;
	s4 =	sadd.s32 $0x1, s4;
	[sflag:s31] =	ssyncset.done $0x0  }
0xa6: {  	s0 =	sshll.u32 s18, $0x6;
	p1 =	sne.s32 s4, s9;
	[sflag:s31] =	ssyncadd.s32 $0xFFFFF800  }
.Ltmp3:
0xa7: {  	s0 =	sor.u32 $0x1C09, s0;
	[bflag:$0x0] =	sbarrier.arrive $0xFFFF;
	(pc) =	sbr.rel @p1 .LBB2_1-.Ltmp3, $4  }
0xa8: {  	[hbm:s8@s1], [sflag:s0] =	dma.strided [spmem:s2@s24], $0x500, s23, $0x2   }
0xa9: {  	_ =	swait.ge [sflag:s15], $0x500  }
0xaa: {  	[sflag:s15] =	ssyncset.done $0x0  }
0xab: {  	[sflag:s15] =	ssyncadd.s32 $0xFFFFFB00  }
0xac: {  	_ =	sfence.sel $0x180000  }
0xad: {  	[bflag:$0x0] =	sbarrier.arrive $0xFFFF  }
0xae: {  	_ =	strace $0x90000047  }
0xaf: {  	s0 =	stileid.u32;
	[bflag:$0x2] =	sbarrier.arrive $0xFFFF  }
0xb0: {  	p0 =	sne.s32 s0, $0x0;
	s0 =	rddreg [dreg:$0x3]  }
0xb1: {  	s0 =	sadd.s32 @!p0 $0x100000, s0  }
0xb2: {  	[sflag:s0] =	ssyncadd.tile.s32 @!p0 $0x1;
	_ =	shalt  }
.Lfunc_end2:
_tile_overlayer_lowered:
.L_overlay_start_2:
0xb3: {  	(tag) =	ssettag $0x2  }
0xb4: {  	s0 =	rddreg [dreg:$0x0];
	s2 =	stileid.u32  }
0xb5: {  	s1 =	rddreg [dreg:$0x1];
	p0 =	sne.s32 s2, $0x0  }
0xb6: {  	s3 =	rddreg [dreg:$0x2];
	[bflag:$0x3] =	sbarrier.arrive $0xFFFF;
	s2 =	simm.s32 @!p0 $0x1C09  }
0xb7: {  	[timem:s3], [sflag:s2] =	dma.local @!p0 [hbm:s0], s1  }
0xb8: {  	s0 =	simm.s32 @!p0 $0x9  }
0xb9: {  	_ =	swait.ge @!p0 [sflag:s0], s1  }
0xba: {  	s1 =	ssub.s32 @!p0 $0x0, s1;
	[sflag:s0] =	ssyncset.done @!p0 $0x0  }
0xbb: {  	[sflag:s0] =	ssyncadd.s32 @!p0 s1  }
0xbc: {  	[bflag:$0x3] =	sbarrier.arrive $0xFFFF  }
0xbd: {  	_ =	shalt  }

</sc_bundles>
